<compile_context>
chip_gen: v7x
topology: tpu7x:2x2x1
jax: 0.10.2.dev20260603
libtpu: 0.0.44.dev20260713+nightly
codegen_flags: <defaults>
</compile_context>

<pallas_src>
import functools

import jax
import jax.numpy as jnp
from jax import lax
from jax.experimental import pallas as pl
from jax.experimental.pallas import tpu as pltpu
from jax.experimental.pallas import tpu_sc as plsc

_H = 512
_W = 512
_N = _H * _W
_KLO = 26214
_KMAX = 26214
_KHI = _N - _KMAX + 1
_IGNORE = 255

_NW = 32
_CH = 8192
_NCH = _N // _CH
_NSUP = _NCH // 2
_NB1 = 2048
_NB3 = 1024
_INT_MIN = -2147483648
_UNROLL = 8


def _scan_hist2(ref, base, nrows, k_a, k_b, row_of):
    ngroups = nrows // 16
    zero = jnp.int32(0)

    def gbody(g, carry):
        cum, ga, ca, fa, gb, cb, fb = carry

        def rbody(j, gs):
            return gs + ref[base + row_of(g * 16 + j)]

        gsum = lax.fori_loop(0, 16, rbody, jnp.zeros((16,), jnp.int32))
        gt = jnp.sum(gsum)
        nxt = cum + gt
        cross_a = (1 - fa) * jnp.where(nxt >= k_a, 1, 0)
        ga = jnp.where(cross_a == 1, g, ga)
        ca = jnp.where(cross_a == 1, cum, ca)
        cross_b = (1 - fb) * jnp.where(nxt >= k_b, 1, 0)
        gb = jnp.where(cross_b == 1, g, gb)
        cb = jnp.where(cross_b == 1, cum, cb)
        return nxt, ga, ca, fa | cross_a, gb, cb, fb | cross_b

    _, ga, ca, _, gb, cb, _ = lax.fori_loop(
        0, ngroups, gbody, (zero, zero, zero, zero, zero, zero, zero))

    def drill(gstar, cbase, k):
        def jbody(j, carry):
            cum, bsel, cbel, found = carry
            t = jnp.sum(ref[base + row_of(gstar * 16 + j)])
            crossed = (1 - found) * jnp.where(cum + t >= k, 1, 0)
            bsel = jnp.where(crossed == 1, j, bsel)
            cbel = jnp.where(crossed == 1, cum, cbel)
            return cum + t, bsel, cbel, found | crossed

        _, jstar, cbel, _ = lax.fori_loop(0, 16, jbody,
                                          (cbase, zero, cbase, zero))
        return row_of(gstar * 16 + jstar), cbel

    ba, ca2 = drill(ga, ca, k_a)
    bb, cb2 = drill(gb, cb, k_b)
    return ba, ca2, bb, cb2


def _sc_select_body(x_hbm, out_hbm, buf0, buf1, hist_a, hist_b, hist_c, outv,
                    sem0, sem1):
    w = lax.axis_index("s") * 2 + lax.axis_index("c")
    lanes = lax.iota(jnp.int32, 16)
    ones = jnp.full((16,), 1, jnp.int32)

    def zero_rows(ref, nrows):
        def zb(b, c):
            for u in range(_UNROLL):
                ref[b * _UNROLL + u] = jnp.zeros((16,), jnp.int32)
            return c
        lax.fori_loop(0, nrows // _UNROLL, zb, 0)

    def data_pass(process_vregs, unroll=_UNROLL):
        def inner(buf):
            def vbody(i, c2):
                base = i * 16 * unroll
                vs = [buf[pl.ds(base + u * 16, 16)] for u in range(unroll)]
                process_vregs(vs)
                return c2
            lax.fori_loop(0, _CH // (16 * unroll), vbody, 0)

        def wait(buf, sem):
            pltpu.make_async_copy(x_hbm.at[w, pl.ds(0, _CH)], buf, sem).wait()

        pltpu.async_copy(x_hbm.at[w, pl.ds(0, _CH)], buf0, sem0)

        def super_body(sg, carry):
            g0 = sg * 2
            pltpu.async_copy(x_hbm.at[w, pl.ds((g0 + 1) * _CH, _CH)],
                             buf1, sem1)
            wait(buf0, sem0)
            inner(buf0)

            @pl.when(sg < _NSUP - 1)
            def _():
                pltpu.async_copy(x_hbm.at[w, pl.ds((g0 + 2) * _CH, _CH)],
                                 buf0, sem0)

            wait(buf1, sem1)
            inner(buf1)
            return carry

        lax.fori_loop(0, _NSUP, super_body, 0)

    zero_rows(hist_a, _NB1)
    zero_rows(hist_b, _NB1)
    zero_rows(hist_c, _NB1)

    def p1(vs):
        b1s = [lax.shift_right_logical(v, 21) for v in vs]
        for b1 in b1s:
            plsc.addupdate_scatter(hist_a, [b1, lanes], ones)

    data_pass(p1, unroll=16)

    def l1_row(l):
        return jnp.where(l < 1024, 2047 - l, l - 1024)

    b1_lo, c1_lo, b1_hi, c1_hi = _scan_hist2(
        hist_a, 0, _NB1, jnp.int32(_KLO), jnp.int32(_KHI), l1_row)
    r_lo = jnp.int32(_KLO) - c1_lo
    r_hi = jnp.int32(_KHI) - c1_hi
    neg_lo = jnp.where(b1_lo >= 1024, 1, 0)
    neg_hi = jnp.where(b1_hi >= 1024, 1, 0)

    zero_rows(hist_a, _NB1)

    def p2(vs):
        b1s = [lax.shift_right_logical(v, 21) for v in vs]
        b2s = [lax.shift_right_logical(v, 10) & jnp.int32(0x7FF) for v in vs]
        m_los = [b1 == b1_lo for b1 in b1s]
        m_his = [b1 == b1_hi for b1 in b1s]
        for b2, m in zip(b2s, m_los):
            plsc.addupdate_scatter(hist_b, [b2, lanes], ones, mask=m)
        for b2, m in zip(b2s, m_his):
            plsc.addupdate_scatter(hist_c, [b2, lanes], ones, mask=m)

    data_pass(p2)

    def flip_row(neg, nrows):
        def row_of(l):
            return jnp.where(neg == 1, nrows - 1 - l, l)
        return row_of

    b2_lo, c2_lo, _, _ = _scan_hist2(hist_b, 0, _NB1, r_lo, r_lo,
                                     flip_row(neg_lo, _NB1))
    b2_hi, c2_hi, _, _ = _scan_hist2(hist_c, 0, _NB1, r_hi, r_hi,
                                     flip_row(neg_hi, _NB1))
    r2_lo = r_lo - c2_lo
    r2_hi = r_hi - c2_hi

    p22_lo = b1_lo * 2048 + b2_lo
    p22_hi = b1_hi * 2048 + b2_hi

    def p3(vs):
        p22s = [lax.shift_right_logical(v, 10) for v in vs]
        b3s = [v & jnp.int32(0x3FF) for v in vs]
        m_los = [p22 == p22_lo for p22 in p22s]
        m_his = [p22 == p22_hi for p22 in p22s]
        for b3, m in zip(b3s, m_los):
            plsc.addupdate_scatter(hist_a, [b3, lanes], ones, mask=m)
        for b3, m in zip(b3s, m_his):
            plsc.addupdate_scatter(hist_a, [b3 + jnp.int32(_NB3), lanes],
                                   ones, mask=m)

    data_pass(p3)

    b3_lo, _, _, _ = _scan_hist2(hist_a, 0, _NB3, r2_lo, r2_lo,
                                 flip_row(neg_lo, _NB3))
    b3_hi, _, _, _ = _scan_hist2(hist_a, _NB3, _NB3, r2_hi, r2_hi,
                                 flip_row(neg_hi, _NB3))

    raw_lo = (p22_lo << 10) | b3_lo
    raw_hi = (p22_hi << 10) | b3_hi
    key_lo = jnp.where(raw_lo >= 0, raw_lo, raw_lo ^ jnp.int32(0x7FFFFFFF))
    key_hi = jnp.where(raw_hi >= 0, raw_hi, raw_hi ^ jnp.int32(0x7FFFFFFF))

    outv[...] = jnp.where(lanes == 0, key_lo,
                          jnp.where(lanes == 1, key_hi, jnp.int32(0)))
    pltpu.sync_copy(outv, out_hbm.at[w])


def _label_body(thr_ref, x_ref, out_ref):
    i = pl.program_id(0)
    qlo = thr_ref[i, 0]
    qhi = thr_ref[i, 1]
    qlo = jnp.where(qlo == jnp.int32(-1), jnp.int32(0), qlo)
    qhi = jnp.where(qhi == jnp.int32(-1), jnp.int32(0), qhi)

    x = x_ref[0, 0]
    s = lax.bitcast_convert_type(x, jnp.int32)
    key = jnp.where(s >= 0, s, s ^ jnp.int32(0x7FFFFFFF))
    key = jnp.where(s == jnp.int32(_INT_MIN), jnp.int32(0), key)

    m_lo = jnp.sum((key < qlo).astype(jnp.int32))
    m_hi = jnp.sum((key < qhi).astype(jnp.int32))

    eq_lo = (key == qlo)
    eq_hi = (key == qhi)

    r_iota = lax.broadcasted_iota(jnp.int32, (_H, _W), 0)
    c_iota = lax.broadcasted_iota(jnp.int32, (_H, _W), 1)
    upper = (r_iota < c_iota).astype(jnp.bfloat16)
    lower = (c_iota < r_iota).astype(jnp.float32)

    dn = (((1,), (0,)), ((), ()))

    def prefix_of(eq):
        eq_b = eq.astype(jnp.bfloat16)
        within = lax.dot_general(eq_b, upper, dn,
                                 preferred_element_type=jnp.float32)
        rowsum = jnp.sum(eq.astype(jnp.float32), axis=1, keepdims=True)
        row_prefix = lax.dot_general(lower, rowsum, dn,
                                     preferred_element_type=jnp.float32)
        return within + row_prefix

    pref_lo = prefix_of(eq_lo)
    pref_hi = prefix_of(eq_hi)

    t_lo = (_KLO - m_lo).astype(jnp.float32)
    t_hi = (jnp.int32(_N) - m_hi - jnp.int32(_KMAX)).astype(jnp.float32)
    bg = (key < qlo) | (eq_lo & (pref_lo < t_lo))
    fg = (key > qhi) | (eq_hi & (pref_hi >= t_hi))

    out = jnp.where(fg, jnp.int32(1),
                    jnp.where(bg, jnp.int32(0), jnp.int32(_IGNORE)))
    out_ref[0] = out


def _sc_select(xf):
    mesh = plsc.VectorSubcoreMesh(core_axis_name="c", subcore_axis_name="s")
    return pl.kernel(
        _sc_select_body,
        out_type=jax.ShapeDtypeStruct((_NW, 16), jnp.int32),
        mesh=mesh,
        compiler_params=pltpu.CompilerParams(needs_layout_passes=False,
                                             use_tc_tiling_on_sc=False),
        scratch_types=[
            pltpu.VMEM((_CH,), jnp.int32),
            pltpu.VMEM((_CH,), jnp.int32),
            pltpu.VMEM((_NB1, 16), jnp.int32),
            pltpu.VMEM((_NB1, 16), jnp.int32),
            pltpu.VMEM((_NB1, 16), jnp.int32),
            pltpu.VMEM((16,), jnp.int32),
            pltpu.SemaphoreType.DMA,
            pltpu.SemaphoreType.DMA,
        ],
    )(xf)


def _tc_label(thr, x):
    b = x.shape[0]
    grid_spec = pl.GridSpec(
        grid=(b,),
        in_specs=[
            pl.BlockSpec(memory_space=pltpu.SMEM),
            pl.BlockSpec((1, 1, _H, _W), lambda i: (i, 0, 0, 0)),
        ],
        out_specs=pl.BlockSpec((1, _H, _W), lambda i: (i, 0, 0)),
    )
    return pl.pallas_call(
        _label_body,
        grid_spec=grid_spec,
        out_shape=jax.ShapeDtypeStruct((b, _H, _W), jnp.int32),
    )(thr, x)


@jax.jit
def kernel(x):
    b = x.shape[0]
    xf = lax.bitcast_convert_type(x.reshape(b, _N), jnp.int32)
    thr = _sc_select(xf)
    return _tc_label(thr, x)

# --- scband reference (transcript-rebuilt; emitter-appended) ---
"""Pipeline reference for scband-get-pseudo-mask-slfcams-27530740367901 (READ-ONLY COPY).

The authoritative reference and input builder live on the scoring server;
editing this copy changes nothing except your own understanding.
"""

import jax, jax.numpy as jnp
import numpy as np

MIN_ = 26214
MAX_ = 26214
IGNORE_IDX = 255
H = 512
W = 512


def setup_inputs(seed: int = 0) -> dict:
    key = jax.random.key(seed)
    x = jax.random.normal(key, (32, 1, H, W), dtype=jnp.float32)
    return {"x": x}


def _per_image(t_flat):
    # t_flat: [h*w] float32. Ascending sort indices (torch.sort descending=False).
    hw = t_flat.shape[0]
    idx = jnp.argsort(t_flat)
    # foreground seeds: top MAX_ activations (block == 1, max_ == max_ext -> deterministic)
    fg = jnp.zeros((hw,), dtype=jnp.int32).at[idx[-MAX_:]].set(1)
    # ksz == 1 -> dilate is identity
    # background seeds: bottom MIN_ activations (min_ == min_ext -> deterministic)
    bg = jnp.zeros((hw,), dtype=jnp.int32).at[idx[:MIN_]].set(1)
    outer = fg + bg
    fg = jnp.where(outer == 2, 0, fg)
    bg = jnp.where(outer == 2, 0, bg)
    seed = jnp.full((hw,), IGNORE_IDX, dtype=jnp.int32)
    seed = jnp.where(fg == 1, 1, seed)
    seed = jnp.where(bg == 1, 0, seed)
    return seed


def reference(x):
    b, d, h, w = x.shape
    assert d == 1
    flat = x.reshape(b, h * w)
    seeds = jax.vmap(_per_image)(flat)
    out = seeds.reshape(b, h, w).astype(jnp.int32)
    return out

if __name__ == "__main__":
    import jax
    _d = setup_inputs()
    print(jax.jit(kernel)(*tuple(_d.values())))

</pallas_src>

<mosaic_0001>
#map = affine_map<(d0, d1) -> (0, 0)>
module attributes {stable_mosaic.version = 14 : i64} {
  func.func @_sc_select_body(%arg0: i32, %arg1: i32, %arg2: memref<32x262144xi32, #tpu.memory_space<hbm>>, %arg3: memref<32x16xi32, #tpu.memory_space<hbm>>, %arg4: memref<8192xi32, #tpu.memory_space<vmem>>, %arg5: memref<8192xi32, #tpu.memory_space<vmem>>, %arg6: memref<2048x16xi32, #tpu.memory_space<vmem>>, %arg7: memref<2048x16xi32, #tpu.memory_space<vmem>>, %arg8: memref<2048x16xi32, #tpu.memory_space<vmem>>, %arg9: memref<16xi32, #tpu.memory_space<vmem>>, %arg10: memref<!tpu.dma_semaphore, #tpu.memory_space<semaphore_mem>>, %arg11: memref<!tpu.dma_semaphore, #tpu.memory_space<semaphore_mem>>) attributes {dimension_semantics = [#tpu.dimension_semantics<core_parallel>, #tpu.dimension_semantics<subcore_parallel>], iteration_bounds = array<i64: 2, 16>, scalar_prefetch = 0 : i64, scratch_operands = 8 : i64, tpu.core_type = #tpu.core_type<sc_vector_subcore>, window_params = [{transform_indices = #map}, {transform_indices = #map}]} {
    %mul3A = arith.constant 2 : i32
    %mul3A_0 = arith.muli %arg1, %mul3A : i32
    %add3A = arith.addi %mul3A_0, %arg0 : i32
    %iota3A = tpu.iota {dimensions = array<i32: 0>} : vector<16xi32>
    %broadcast_in_dim3A = arith.constant 1 : i32
    %broadcast_in_dim3A_1 = vector.broadcast %broadcast_in_dim3A : i32 to vector<16xi32>
    %scan3A = arith.constant 0 : i32
    %scan3A_2 = arith.constant 0 : i32
    %scan3A_3 = arith.constant 256 : i32
    %scan3A_4 = arith.addi %scan3A_2, %scan3A_3 : i32
    %scan3A_5 = arith.constant 1 : i32
    scf.for %scan3A_335 = %scan3A_2 to %scan3A_4 step %scan3A_5  : i32 {
      %broadcast_in_dim3A_336 = arith.constant 0 : i32
      %broadcast_in_dim3A_337 = vector.broadcast %broadcast_in_dim3A_336 : i32 to vector<16xi32>
      %mul3A_338 = arith.constant 8 : i32
      %mul3A_339 = arith.muli %scan3A_335, %mul3A_338 : i32
      %add3A_340 = arith.constant 0 : i32
      %add3A_341 = arith.addi %mul3A_339, %add3A_340 : i32
      %swap3A_342 = arith.index_cast %add3A_341 : i32 to index
      %swap3A_343 = arith.constant 0 : index
      %swap3A_344 = tpu.vector_load %arg6[%swap3A_342, %swap3A_343] {strides = array<i32>} : memref<2048x16xi32, #tpu.memory_space<vmem>>, vector<16xi32>,
      tpu.vector_store %arg6[%swap3A_342, %swap3A_343], %broadcast_in_dim3A_337 {strides = array<i32>} : memref<2048x16xi32, #tpu.memory_space<vmem>>, vector<16xi32>,
      %broadcast_in_dim3A_345 = arith.constant 0 : i32
      %broadcast_in_dim3A_346 = vector.broadcast %broadcast_in_dim3A_345 : i32 to vector<16xi32>
      %mul3A_347 = arith.constant 8 : i32
      %mul3A_348 = arith.muli %scan3A_335, %mul3A_347 : i32
      %add3A_349 = arith.constant 1 : i32
      %add3A_350 = arith.addi %mul3A_348, %add3A_349 : i32
      %swap3A_351 = arith.index_cast %add3A_350 : i32 to index
      %swap3A_352 = arith.constant 0 : index
      %swap3A_353 = tpu.vector_load %arg6[%swap3A_351, %swap3A_352] {strides = array<i32>} : memref<2048x16xi32, #tpu.memory_space<vmem>>, vector<16xi32>,
      tpu.vector_store %arg6[%swap3A_351, %swap3A_352], %broadcast_in_dim3A_346 {strides = array<i32>} : memref<2048x16xi32, #tpu.memory_space<vmem>>, vector<16xi32>,
      %broadcast_in_dim3A_354 = arith.constant 0 : i32
      %broadcast_in_dim3A_355 = vector.broadcast %broadcast_in_dim3A_354 : i32 to vector<16xi32>
      %mul3A_356 = arith.constant 8 : i32
      %mul3A_357 = arith.muli %scan3A_335, %mul3A_356 : i32
      %add3A_358 = arith.constant 2 : i32
      %add3A_359 = arith.addi %mul3A_357, %add3A_358 : i32
      %swap3A_360 = arith.index_cast %add3A_359 : i32 to index
      %swap3A_361 = arith.constant 0 : index
      %swap3A_362 = tpu.vector_load %arg6[%swap3A_360, %swap3A_361] {strides = array<i32>} : memref<2048x16xi32, #tpu.memory_space<vmem>>, vector<16xi32>,
      tpu.vector_store %arg6[%swap3A_360, %swap3A_361], %broadcast_in_dim3A_355 {strides = array<i32>} : memref<2048x16xi32, #tpu.memory_space<vmem>>, vector<16xi32>,
      %broadcast_in_dim3A_363 = arith.constant 0 : i32
      %broadcast_in_dim3A_364 = vector.broadcast %broadcast_in_dim3A_363 : i32 to vector<16xi32>
      %mul3A_365 = arith.constant 8 : i32
      %mul3A_366 = arith.muli %scan3A_335, %mul3A_365 : i32
      %add3A_367 = arith.constant 3 : i32
      %add3A_368 = arith.addi %mul3A_366, %add3A_367 : i32
      %swap3A_369 = arith.index_cast %add3A_368 : i32 to index
      %swap3A_370 = arith.constant 0 : index
      %swap3A_371 = tpu.vector_load %arg6[%swap3A_369, %swap3A_370] {strides = array<i32>} : memref<2048x16xi32, #tpu.memory_space<vmem>>, vector<16xi32>,
      tpu.vector_store %arg6[%swap3A_369, %swap3A_370], %broadcast_in_dim3A_364 {strides = array<i32>} : memref<2048x16xi32, #tpu.memory_space<vmem>>, vector<16xi32>,
      %broadcast_in_dim3A_372 = arith.constant 0 : i32
      %broadcast_in_dim3A_373 = vector.broadcast %broadcast_in_dim3A_372 : i32 to vector<16xi32>
      %mul3A_374 = arith.constant 8 : i32
      %mul3A_375 = arith.muli %scan3A_335, %mul3A_374 : i32
      %add3A_376 = arith.constant 4 : i32
      %add3A_377 = arith.addi %mul3A_375, %add3A_376 : i32
      %swap3A_378 = arith.index_cast %add3A_377 : i32 to index
      %swap3A_379 = arith.constant 0 : index
      %swap3A_380 = tpu.vector_load %arg6[%swap3A_378, %swap3A_379] {strides = array<i32>} : memref<2048x16xi32, #tpu.memory_space<vmem>>, vector<16xi32>,
      tpu.vector_store %arg6[%swap3A_378, %swap3A_379], %broadcast_in_dim3A_373 {strides = array<i32>} : memref<2048x16xi32, #tpu.memory_space<vmem>>, vector<16xi32>,
      %broadcast_in_dim3A_381 = arith.constant 0 : i32
      %broadcast_in_dim3A_382 = vector.broadcast %broadcast_in_dim3A_381 : i32 to vector<16xi32>
      %mul3A_383 = arith.constant 8 : i32
      %mul3A_384 = arith.muli %scan3A_335, %mul3A_383 : i32
      %add3A_385 = arith.constant 5 : i32
      %add3A_386 = arith.addi %mul3A_384, %add3A_385 : i32
      %swap3A_387 = arith.index_cast %add3A_386 : i32 to index
      %swap3A_388 = arith.constant 0 : index
      %swap3A_389 = tpu.vector_load %arg6[%swap3A_387, %swap3A_388] {strides = array<i32>} : memref<2048x16xi32, #tpu.memory_space<vmem>>, vector<16xi32>,
      tpu.vector_store %arg6[%swap3A_387, %swap3A_388], %broadcast_in_dim3A_382 {strides = array<i32>} : memref<2048x16xi32, #tpu.memory_space<vmem>>, vector<16xi32>,
      %broadcast_in_dim3A_390 = arith.constant 0 : i32
      %broadcast_in_dim3A_391 = vector.broadcast %broadcast_in_dim3A_390 : i32 to vector<16xi32>
      %mul3A_392 = arith.constant 8 : i32
      %mul3A_393 = arith.muli %scan3A_335, %mul3A_392 : i32
      %add3A_394 = arith.constant 6 : i32
      %add3A_395 = arith.addi %mul3A_393, %add3A_394 : i32
      %swap3A_396 = arith.index_cast %add3A_395 : i32 to index
      %swap3A_397 = arith.constant 0 : index
      %swap3A_398 = tpu.vector_load %arg6[%swap3A_396, %swap3A_397] {strides = array<i32>} : memref<2048x16xi32, #tpu.memory_space<vmem>>, vector<16xi32>,
      tpu.vector_store %arg6[%swap3A_396, %swap3A_397], %broadcast_in_dim3A_391 {strides = array<i32>} : memref<2048x16xi32, #tpu.memory_space<vmem>>, vector<16xi32>,
      %broadcast_in_dim3A_399 = arith.constant 0 : i32
      %broadcast_in_dim3A_400 = vector.broadcast %broadcast_in_dim3A_399 : i32 to vector<16xi32>
      %mul3A_401 = arith.constant 8 : i32
      %mul3A_402 = arith.muli %scan3A_335, %mul3A_401 : i32
      %add3A_403 = arith.constant 7 : i32
      %add3A_404 = arith.addi %mul3A_402, %add3A_403 : i32
      %swap3A_405 = arith.index_cast %add3A_404 : i32 to index
      %swap3A_406 = arith.constant 0 : index
      %swap3A_407 = tpu.vector_load %arg6[%swap3A_405, %swap3A_406] {strides = array<i32>} : memref<2048x16xi32, #tpu.memory_space<vmem>>, vector<16xi32>,
      tpu.vector_store %arg6[%swap3A_405, %swap3A_406], %broadcast_in_dim3A_400 {strides = array<i32>} : memref<2048x16xi32, #tpu.memory_space<vmem>>, vector<16xi32>,
    }
    %scan3A_6 = arith.constant 256 : i32
    %scan3A_7 = arith.constant 0 : i32
    %scan3A_8 = arith.constant 0 : i32
    %scan3A_9 = arith.constant 256 : i32
    %scan3A_10 = arith.addi %scan3A_8, %scan3A_9 : i32
    %scan3A_11 = arith.constant 1 : i32
    scf.for %scan3A_335 = %scan3A_8 to %scan3A_10 step %scan3A_11  : i32 {
      %broadcast_in_dim3A_336 = arith.constant 0 : i32
      %broadcast_in_dim3A_337 = vector.broadcast %broadcast_in_dim3A_336 : i32 to vector<16xi32>
      %mul3A_338 = arith.constant 8 : i32
      %mul3A_339 = arith.muli %scan3A_335, %mul3A_338 : i32
      %add3A_340 = arith.constant 0 : i32
      %add3A_341 = arith.addi %mul3A_339, %add3A_340 : i32
      %swap3A_342 = arith.index_cast %add3A_341 : i32 to index
      %swap3A_343 = arith.constant 0 : index
      %swap3A_344 = tpu.vector_load %arg7[%swap3A_342, %swap3A_343] {strides = array<i32>} : memref<2048x16xi32, #tpu.memory_space<vmem>>, vector<16xi32>,
      tpu.vector_store %arg7[%swap3A_342, %swap3A_343], %broadcast_in_dim3A_337 {strides = array<i32>} : memref<2048x16xi32, #tpu.memory_space<vmem>>, vector<16xi32>,
      %broadcast_in_dim3A_345 = arith.constant 0 : i32
      %broadcast_in_dim3A_346 = vector.broadcast %broadcast_in_dim3A_345 : i32 to vector<16xi32>
      %mul3A_347 = arith.constant 8 : i32
      %mul3A_348 = arith.muli %scan3A_335, %mul3A_347 : i32
      %add3A_349 = arith.constant 1 : i32
      %add3A_350 = arith.addi %mul3A_348, %add3A_349 : i32
      %swap3A_351 = arith.index_cast %add3A_350 : i32 to index
      %swap3A_352 = arith.constant 0 : index
      %swap3A_353 = tpu.vector_load %arg7[%swap3A_351, %swap3A_352] {strides = array<i32>} : memref<2048x16xi32, #tpu.memory_space<vmem>>, vector<16xi32>,
      tpu.vector_store %arg7[%swap3A_351, %swap3A_352], %broadcast_in_dim3A_346 {strides = array<i32>} : memref<2048x16xi32, #tpu.memory_space<vmem>>, vector<16xi32>,
      %broadcast_in_dim3A_354 = arith.constant 0 : i32
      %broadcast_in_dim3A_355 = vector.broadcast %broadcast_in_dim3A_354 : i32 to vector<16xi32>
      %mul3A_356 = arith.constant 8 : i32
      %mul3A_357 = arith.muli %scan3A_335, %mul3A_356 : i32
      %add3A_358 = arith.constant 2 : i32
      %add3A_359 = arith.addi %mul3A_357, %add3A_358 : i32
      %swap3A_360 = arith.index_cast %add3A_359 : i32 to index
      %swap3A_361 = arith.constant 0 : index
      %swap3A_362 = tpu.vector_load %arg7[%swap3A_360, %swap3A_361] {strides = array<i32>} : memref<2048x16xi32, #tpu.memory_space<vmem>>, vector<16xi32>,
      tpu.vector_store %arg7[%swap3A_360, %swap3A_361], %broadcast_in_dim3A_355 {strides = array<i32>} : memref<2048x16xi32, #tpu.memory_space<vmem>>, vector<16xi32>,
      %broadcast_in_dim3A_363 = arith.constant 0 : i32
      %broadcast_in_dim3A_364 = vector.broadcast %broadcast_in_dim3A_363 : i32 to vector<16xi32>
      %mul3A_365 = arith.constant 8 : i32
      %mul3A_366 = arith.muli %scan3A_335, %mul3A_365 : i32
      %add3A_367 = arith.constant 3 : i32
      %add3A_368 = arith.addi %mul3A_366, %add3A_367 : i32
      %swap3A_369 = arith.index_cast %add3A_368 : i32 to index
      %swap3A_370 = arith.constant 0 : index
      %swap3A_371 = tpu.vector_load %arg7[%swap3A_369, %swap3A_370] {strides = array<i32>} : memref<2048x16xi32, #tpu.memory_space<vmem>>, vector<16xi32>,
      tpu.vector_store %arg7[%swap3A_369, %swap3A_370], %broadcast_in_dim3A_364 {strides = array<i32>} : memref<2048x16xi32, #tpu.memory_space<vmem>>, vector<16xi32>,
      %broadcast_in_dim3A_372 = arith.constant 0 : i32
      %broadcast_in_dim3A_373 = vector.broadcast %broadcast_in_dim3A_372 : i32 to vector<16xi32>
      %mul3A_374 = arith.constant 8 : i32
      %mul3A_375 = arith.muli %scan3A_335, %mul3A_374 : i32
      %add3A_376 = arith.constant 4 : i32
      %add3A_377 = arith.addi %mul3A_375, %add3A_376 : i32
      %swap3A_378 = arith.index_cast %add3A_377 : i32 to index
      %swap3A_379 = arith.constant 0 : index
      %swap3A_380 = tpu.vector_load %arg7[%swap3A_378, %swap3A_379] {strides = array<i32>} : memref<2048x16xi32, #tpu.memory_space<vmem>>, vector<16xi32>,
      tpu.vector_store %arg7[%swap3A_378, %swap3A_379], %broadcast_in_dim3A_373 {strides = array<i32>} : memref<2048x16xi32, #tpu.memory_space<vmem>>, vector<16xi32>,
      %broadcast_in_dim3A_381 = arith.constant 0 : i32
      %broadcast_in_dim3A_382 = vector.broadcast %broadcast_in_dim3A_381 : i32 to vector<16xi32>
      %mul3A_383 = arith.constant 8 : i32
      %mul3A_384 = arith.muli %scan3A_335, %mul3A_383 : i32
      %add3A_385 = arith.constant 5 : i32
      %add3A_386 = arith.addi %mul3A_384, %add3A_385 : i32
      %swap3A_387 = arith.index_cast %add3A_386 : i32 to index
      %swap3A_388 = arith.constant 0 : index
      %swap3A_389 = tpu.vector_load %arg7[%swap3A_387, %swap3A_388] {strides = array<i32>} : memref<2048x16xi32, #tpu.memory_space<vmem>>, vector<16xi32>,
      tpu.vector_store %arg7[%swap3A_387, %swap3A_388], %broadcast_in_dim3A_382 {strides = array<i32>} : memref<2048x16xi32, #tpu.memory_space<vmem>>, vector<16xi32>,
      %broadcast_in_dim3A_390 = arith.constant 0 : i32
      %broadcast_in_dim3A_391 = vector.broadcast %broadcast_in_dim3A_390 : i32 to vector<16xi32>
      %mul3A_392 = arith.constant 8 : i32
      %mul3A_393 = arith.muli %scan3A_335, %mul3A_392 : i32
      %add3A_394 = arith.constant 6 : i32
      %add3A_395 = arith.addi %mul3A_393, %add3A_394 : i32
      %swap3A_396 = arith.index_cast %add3A_395 : i32 to index
      %swap3A_397 = arith.constant 0 : index
      %swap3A_398 = tpu.vector_load %arg7[%swap3A_396, %swap3A_397] {strides = array<i32>} : memref<2048x16xi32, #tpu.memory_space<vmem>>, vector<16xi32>,
      tpu.vector_store %arg7[%swap3A_396, %swap3A_397], %broadcast_in_dim3A_391 {strides = array<i32>} : memref<2048x16xi32, #tpu.memory_space<vmem>>, vector<16xi32>,
      %broadcast_in_dim3A_399 = arith.constant 0 : i32
      %broadcast_in_dim3A_400 = vector.broadcast %broadcast_in_dim3A_399 : i32 to vector<16xi32>
      %mul3A_401 = arith.constant 8 : i32
      %mul3A_402 = arith.muli %scan3A_335, %mul3A_401 : i32
      %add3A_403 = arith.constant 7 : i32
      %add3A_404 = arith.addi %mul3A_402, %add3A_403 : i32
      %swap3A_405 = arith.index_cast %add3A_404 : i32 to index
      %swap3A_406 = arith.constant 0 : index
      %swap3A_407 = tpu.vector_load %arg7[%swap3A_405, %swap3A_406] {strides = array<i32>} : memref<2048x16xi32, #tpu.memory_space<vmem>>, vector<16xi32>,
      tpu.vector_store %arg7[%swap3A_405, %swap3A_406], %broadcast_in_dim3A_400 {strides = array<i32>} : memref<2048x16xi32, #tpu.memory_space<vmem>>, vector<16xi32>,
    }
    %scan3A_12 = arith.constant 256 : i32
    %scan3A_13 = arith.constant 0 : i32
    %scan3A_14 = arith.constant 0 : i32
    %scan3A_15 = arith.constant 256 : i32
    %scan3A_16 = arith.addi %scan3A_14, %scan3A_15 : i32
    %scan3A_17 = arith.constant 1 : i32
    scf.for %scan3A_335 = %scan3A_14 to %scan3A_16 step %scan3A_17  : i32 {
      %broadcast_in_dim3A_336 = arith.constant 0 : i32
      %broadcast_in_dim3A_337 = vector.broadcast %broadcast_in_dim3A_336 : i32 to vector<16xi32>
      %mul3A_338 = arith.constant 8 : i32
      %mul3A_339 = arith.muli %scan3A_335, %mul3A_338 : i32
      %add3A_340 = arith.constant 0 : i32
      %add3A_341 = arith.addi %mul3A_339, %add3A_340 : i32
      %swap3A_342 = arith.index_cast %add3A_341 : i32 to index
      %swap3A_343 = arith.constant 0 : index
      %swap3A_344 = tpu.vector_load %arg8[%swap3A_342, %swap3A_343] {strides = array<i32>} : memref<2048x16xi32, #tpu.memory_space<vmem>>, vector<16xi32>,
      tpu.vector_store %arg8[%swap3A_342, %swap3A_343], %broadcast_in_dim3A_337 {strides = array<i32>} : memref<2048x16xi32, #tpu.memory_space<vmem>>, vector<16xi32>,
      %broadcast_in_dim3A_345 = arith.constant 0 : i32
      %broadcast_in_dim3A_346 = vector.broadcast %broadcast_in_dim3A_345 : i32 to vector<16xi32>
      %mul3A_347 = arith.constant 8 : i32
      %mul3A_348 = arith.muli %scan3A_335, %mul3A_347 : i32
      %add3A_349 = arith.constant 1 : i32
      %add3A_350 = arith.addi %mul3A_348, %add3A_349 : i32
      %swap3A_351 = arith.index_cast %add3A_350 : i32 to index
      %swap3A_352 = arith.constant 0 : index
      %swap3A_353 = tpu.vector_load %arg8[%swap3A_351, %swap3A_352] {strides = array<i32>} : memref<2048x16xi32, #tpu.memory_space<vmem>>, vector<16xi32>,
      tpu.vector_store %arg8[%swap3A_351, %swap3A_352], %broadcast_in_dim3A_346 {strides = array<i32>} : memref<2048x16xi32, #tpu.memory_space<vmem>>, vector<16xi32>,
      %broadcast_in_dim3A_354 = arith.constant 0 : i32
      %broadcast_in_dim3A_355 = vector.broadcast %broadcast_in_dim3A_354 : i32 to vector<16xi32>
      %mul3A_356 = arith.constant 8 : i32
      %mul3A_357 = arith.muli %scan3A_335, %mul3A_356 : i32
      %add3A_358 = arith.constant 2 : i32
      %add3A_359 = arith.addi %mul3A_357, %add3A_358 : i32
      %swap3A_360 = arith.index_cast %add3A_359 : i32 to index
      %swap3A_361 = arith.constant 0 : index
      %swap3A_362 = tpu.vector_load %arg8[%swap3A_360, %swap3A_361] {strides = array<i32>} : memref<2048x16xi32, #tpu.memory_space<vmem>>, vector<16xi32>,
      tpu.vector_store %arg8[%swap3A_360, %swap3A_361], %broadcast_in_dim3A_355 {strides = array<i32>} : memref<2048x16xi32, #tpu.memory_space<vmem>>, vector<16xi32>,
      %broadcast_in_dim3A_363 = arith.constant 0 : i32
      %broadcast_in_dim3A_364 = vector.broadcast %broadcast_in_dim3A_363 : i32 to vector<16xi32>
      %mul3A_365 = arith.constant 8 : i32
      %mul3A_366 = arith.muli %scan3A_335, %mul3A_365 : i32
      %add3A_367 = arith.constant 3 : i32
      %add3A_368 = arith.addi %mul3A_366, %add3A_367 : i32
      %swap3A_369 = arith.index_cast %add3A_368 : i32 to index
      %swap3A_370 = arith.constant 0 : index
      %swap3A_371 = tpu.vector_load %arg8[%swap3A_369, %swap3A_370] {strides = array<i32>} : memref<2048x16xi32, #tpu.memory_space<vmem>>, vector<16xi32>,
      tpu.vector_store %arg8[%swap3A_369, %swap3A_370], %broadcast_in_dim3A_364 {strides = array<i32>} : memref<2048x16xi32, #tpu.memory_space<vmem>>, vector<16xi32>,
      %broadcast_in_dim3A_372 = arith.constant 0 : i32
      %broadcast_in_dim3A_373 = vector.broadcast %broadcast_in_dim3A_372 : i32 to vector<16xi32>
      %mul3A_374 = arith.constant 8 : i32
      %mul3A_375 = arith.muli %scan3A_335, %mul3A_374 : i32
      %add3A_376 = arith.constant 4 : i32
      %add3A_377 = arith.addi %mul3A_375, %add3A_376 : i32
      %swap3A_378 = arith.index_cast %add3A_377 : i32 to index
      %swap3A_379 = arith.constant 0 : index
      %swap3A_380 = tpu.vector_load %arg8[%swap3A_378, %swap3A_379] {strides = array<i32>} : memref<2048x16xi32, #tpu.memory_space<vmem>>, vector<16xi32>,
      tpu.vector_store %arg8[%swap3A_378, %swap3A_379], %broadcast_in_dim3A_373 {strides = array<i32>} : memref<2048x16xi32, #tpu.memory_space<vmem>>, vector<16xi32>,
      %broadcast_in_dim3A_381 = arith.constant 0 : i32
      %broadcast_in_dim3A_382 = vector.broadcast %broadcast_in_dim3A_381 : i32 to vector<16xi32>
      %mul3A_383 = arith.constant 8 : i32
      %mul3A_384 = arith.muli %scan3A_335, %mul3A_383 : i32
      %add3A_385 = arith.constant 5 : i32
      %add3A_386 = arith.addi %mul3A_384, %add3A_385 : i32
      %swap3A_387 = arith.index_cast %add3A_386 : i32 to index
      %swap3A_388 = arith.constant 0 : index
      %swap3A_389 = tpu.vector_load %arg8[%swap3A_387, %swap3A_388] {strides = array<i32>} : memref<2048x16xi32, #tpu.memory_space<vmem>>, vector<16xi32>,
      tpu.vector_store %arg8[%swap3A_387, %swap3A_388], %broadcast_in_dim3A_382 {strides = array<i32>} : memref<2048x16xi32, #tpu.memory_space<vmem>>, vector<16xi32>,
      %broadcast_in_dim3A_390 = arith.constant 0 : i32
      %broadcast_in_dim3A_391 = vector.broadcast %broadcast_in_dim3A_390 : i32 to vector<16xi32>
      %mul3A_392 = arith.constant 8 : i32
      %mul3A_393 = arith.muli %scan3A_335, %mul3A_392 : i32
      %add3A_394 = arith.constant 6 : i32
      %add3A_395 = arith.addi %mul3A_393, %add3A_394 : i32
      %swap3A_396 = arith.index_cast %add3A_395 : i32 to index
      %swap3A_397 = arith.constant 0 : index
      %swap3A_398 = tpu.vector_load %arg8[%swap3A_396, %swap3A_397] {strides = array<i32>} : memref<2048x16xi32, #tpu.memory_space<vmem>>, vector<16xi32>,
      tpu.vector_store %arg8[%swap3A_396, %swap3A_397], %broadcast_in_dim3A_391 {strides = array<i32>} : memref<2048x16xi32, #tpu.memory_space<vmem>>, vector<16xi32>,
      %broadcast_in_dim3A_399 = arith.constant 0 : i32
      %broadcast_in_dim3A_400 = vector.broadcast %broadcast_in_dim3A_399 : i32 to vector<16xi32>
      %mul3A_401 = arith.constant 8 : i32
      %mul3A_402 = arith.muli %scan3A_335, %mul3A_401 : i32
      %add3A_403 = arith.constant 7 : i32
      %add3A_404 = arith.addi %mul3A_402, %add3A_403 : i32
      %swap3A_405 = arith.index_cast %add3A_404 : i32 to index
      %swap3A_406 = arith.constant 0 : index
      %swap3A_407 = tpu.vector_load %arg8[%swap3A_405, %swap3A_406] {strides = array<i32>} : memref<2048x16xi32, #tpu.memory_space<vmem>>, vector<16xi32>,
      tpu.vector_store %arg8[%swap3A_405, %swap3A_406], %broadcast_in_dim3A_400 {strides = array<i32>} : memref<2048x16xi32, #tpu.memory_space<vmem>>, vector<16xi32>,
    }
    %scan3A_18 = arith.constant 256 : i32
    %dma_start3A = arith.constant 0 : i32
    %dma_start3A_19 = tpu.memref_slice %arg2[%add3A, %dma_start3A] : memref<32x262144xi32, #tpu.memory_space<hbm>> -> memref<1x8192xi32, #tpu.memory_space<hbm>>
    %dma_start3A_20 = tpu.memref_squeeze %dma_start3A_19 : memref<1x8192xi32, #tpu.memory_space<hbm>> -> memref<8192xi32, #tpu.memory_space<hbm>>
    %dma_start3A_21 = arith.constant 0 : i32
    %dma_start3A_22 = tpu.memref_slice %arg2[%add3A, %dma_start3A_21] : memref<32x262144xi32, #tpu.memory_space<hbm>> -> memref<1x8192xi32, #tpu.memory_space<hbm>>
    %dma_start3A_23 = tpu.memref_squeeze %dma_start3A_22 : memref<1x8192xi32, #tpu.memory_space<hbm>> -> memref<8192xi32, #tpu.memory_space<hbm>>
    tpu.enqueue_dma source(%dma_start3A_23 : memref<8192xi32, #tpu.memory_space<hbm>>) target(%arg4 : memref<8192xi32, #tpu.memory_space<vmem>>) target_semaphore(%arg10 : memref<!tpu.dma_semaphore, #tpu.memory_space<semaphore_mem>>)
    %scan3A_24 = arith.constant 0 : i32
    %scan3A_25 = arith.constant 0 : i32
    %scan3A_26 = arith.constant 16 : i32
    %scan3A_27 = arith.addi %scan3A_25, %scan3A_26 : i32
    %scan3A_28 = arith.constant 1 : i32
    scf.for %scan3A_335 = %scan3A_25 to %scan3A_27 step %scan3A_28  : i32 {
      %mul3A_336 = arith.constant 2 : i32
      %mul3A_337 = arith.muli %scan3A_335, %mul3A_336 : i32
      %add3A_338 = arith.constant 1 : i32
      %add3A_339 = arith.addi %mul3A_337, %add3A_338 : i32
      %mul3A_340 = arith.constant 8192 : i32
      %mul3A_341 = arith.muli %add3A_339, %mul3A_340 : i32
      %dma_start3A_342 = tpu.memref_slice %arg2[%add3A, %mul3A_341] : memref<32x262144xi32, #tpu.memory_space<hbm>> -> memref<1x8192xi32, #tpu.memory_space<hbm>>
      %dma_start3A_343 = tpu.memref_squeeze %dma_start3A_342 : memref<1x8192xi32, #tpu.memory_space<hbm>> -> memref<8192xi32, #tpu.memory_space<hbm>>
      %dma_start3A_344 = tpu.memref_slice %arg2[%add3A, %mul3A_341] : memref<32x262144xi32, #tpu.memory_space<hbm>> -> memref<1x8192xi32, #tpu.memory_space<hbm>>
      %dma_start3A_345 = tpu.memref_squeeze %dma_start3A_344 : memref<1x8192xi32, #tpu.memory_space<hbm>> -> memref<8192xi32, #tpu.memory_space<hbm>>
      tpu.enqueue_dma source(%dma_start3A_345 : memref<8192xi32, #tpu.memory_space<hbm>>) target(%arg5 : memref<8192xi32, #tpu.memory_space<vmem>>) target_semaphore(%arg11 : memref<!tpu.dma_semaphore, #tpu.memory_space<semaphore_mem>>)
      %dma_wait3A = arith.constant 0 : i32
      %dma_wait3A_346 = tpu.memref_slice %arg2[%add3A, %dma_wait3A] : memref<32x262144xi32, #tpu.memory_space<hbm>> -> memref<1x8192xi32, #tpu.memory_space<hbm>>
      %dma_wait3A_347 = tpu.memref_squeeze %dma_wait3A_346 : memref<1x8192xi32, #tpu.memory_space<hbm>> -> memref<8192xi32, #tpu.memory_space<hbm>>
      %dma_wait3A_348 = arith.constant 0 : i32
      %dma_wait3A_349 = tpu.memref_slice %arg2[%add3A, %dma_wait3A_348] : memref<32x262144xi32, #tpu.memory_space<hbm>> -> memref<1x8192xi32, #tpu.memory_space<hbm>>
      %dma_wait3A_350 = tpu.memref_squeeze %dma_wait3A_349 : memref<1x8192xi32, #tpu.memory_space<hbm>> -> memref<8192xi32, #tpu.memory_space<hbm>>
      tpu.wait_dma2 semaphore(%arg10 : memref<!tpu.dma_semaphore, #tpu.memory_space<semaphore_mem>>) src(%dma_wait3A_350 : memref<8192xi32, #tpu.memory_space<hbm>>) dst(%arg4 : memref<8192xi32, #tpu.memory_space<vmem>>)
      %scan3A_351 = arith.constant 0 : i32
      %scan3A_352 = arith.constant 0 : i32
      %scan3A_353 = arith.constant 32 : i32
      %scan3A_354 = arith.addi %scan3A_352, %scan3A_353 : i32
      %scan3A_355 = arith.constant 1 : i32
      scf.for %scan3A_372 = %scan3A_352 to %scan3A_354 step %scan3A_355  : i32 {
        %mul3A_373 = arith.constant 16 : i32
        %mul3A_374 = arith.muli %scan3A_372, %mul3A_373 : i32
        %mul3A_375 = arith.constant 16 : i32
        %mul3A_376 = arith.muli %mul3A_374, %mul3A_375 : i32
        %add3A_377 = arith.constant 0 : i32
        %add3A_378 = arith.addi %mul3A_376, %add3A_377 : i32
        %get3A = arith.index_cast %add3A_378 : i32 to index
        %get3A_379 = tpu.vector_load %arg4[%get3A] {strides = array<i32>} : memref<8192xi32, #tpu.memory_space<vmem>>, vector<16xi32>,
        %add3A_380 = arith.constant 16 : i32
        %add3A_381 = arith.addi %mul3A_376, %add3A_380 : i32
        %get3A_382 = arith.index_cast %add3A_381 : i32 to index
        %get3A_383 = tpu.vector_load %arg4[%get3A_382] {strides = array<i32>} : memref<8192xi32, #tpu.memory_space<vmem>>, vector<16xi32>,
        %add3A_384 = arith.constant 32 : i32
        %add3A_385 = arith.addi %mul3A_376, %add3A_384 : i32
        %get3A_386 = arith.index_cast %add3A_385 : i32 to index
        %get3A_387 = tpu.vector_load %arg4[%get3A_386] {strides = array<i32>} : memref<8192xi32, #tpu.memory_space<vmem>>, vector<16xi32>,
        %add3A_388 = arith.constant 48 : i32
        %add3A_389 = arith.addi %mul3A_376, %add3A_388 : i32
        %get3A_390 = arith.index_cast %add3A_389 : i32 to index
        %get3A_391 = tpu.vector_load %arg4[%get3A_390] {strides = array<i32>} : memref<8192xi32, #tpu.memory_space<vmem>>, vector<16xi32>,
        %add3A_392 = arith.constant 64 : i32
        %add3A_393 = arith.addi %mul3A_376, %add3A_392 : i32
        %get3A_394 = arith.index_cast %add3A_393 : i32 to index
        %get3A_395 = tpu.vector_load %arg4[%get3A_394] {strides = array<i32>} : memref<8192xi32, #tpu.memory_space<vmem>>, vector<16xi32>,
        %add3A_396 = arith.constant 80 : i32
        %add3A_397 = arith.addi %mul3A_376, %add3A_396 : i32
        %get3A_398 = arith.index_cast %add3A_397 : i32 to index
        %get3A_399 = tpu.vector_load %arg4[%get3A_398] {strides = array<i32>} : memref<8192xi32, #tpu.memory_space<vmem>>, vector<16xi32>,
        %add3A_400 = arith.constant 96 : i32
        %add3A_401 = arith.addi %mul3A_376, %add3A_400 : i32
        %get3A_402 = arith.index_cast %add3A_401 : i32 to index
        %get3A_403 = tpu.vector_load %arg4[%get3A_402] {strides = array<i32>} : memref<8192xi32, #tpu.memory_space<vmem>>, vector<16xi32>,
        %add3A_404 = arith.constant 112 : i32
        %add3A_405 = arith.addi %mul3A_376, %add3A_404 : i32
        %get3A_406 = arith.index_cast %add3A_405 : i32 to index
        %get3A_407 = tpu.vector_load %arg4[%get3A_406] {strides = array<i32>} : memref<8192xi32, #tpu.memory_space<vmem>>, vector<16xi32>,
        %add3A_408 = arith.constant 128 : i32
        %add3A_409 = arith.addi %mul3A_376, %add3A_408 : i32
        %get3A_410 = arith.index_cast %add3A_409 : i32 to index
        %get3A_411 = tpu.vector_load %arg4[%get3A_410] {strides = array<i32>} : memref<8192xi32, #tpu.memory_space<vmem>>, vector<16xi32>,
        %add3A_412 = arith.constant 144 : i32
        %add3A_413 = arith.addi %mul3A_376, %add3A_412 : i32
        %get3A_414 = arith.index_cast %add3A_413 : i32 to index
        %get3A_415 = tpu.vector_load %arg4[%get3A_414] {strides = array<i32>} : memref<8192xi32, #tpu.memory_space<vmem>>, vector<16xi32>,
        %add3A_416 = arith.constant 160 : i32
        %add3A_417 = arith.addi %mul3A_376, %add3A_416 : i32
        %get3A_418 = arith.index_cast %add3A_417 : i32 to index
        %get3A_419 = tpu.vector_load %arg4[%get3A_418] {strides = array<i32>} : memref<8192xi32, #tpu.memory_space<vmem>>, vector<16xi32>,
        %add3A_420 = arith.constant 176 : i32
        %add3A_421 = arith.addi %mul3A_376, %add3A_420 : i32
        %get3A_422 = arith.index_cast %add3A_421 : i32 to index
        %get3A_423 = tpu.vector_load %arg4[%get3A_422] {strides = array<i32>} : memref<8192xi32, #tpu.memory_space<vmem>>, vector<16xi32>,
        %add3A_424 = arith.constant 192 : i32
        %add3A_425 = arith.addi %mul3A_376, %add3A_424 : i32
        %get3A_426 = arith.index_cast %add3A_425 : i32 to index
        %get3A_427 = tpu.vector_load %arg4[%get3A_426] {strides = array<i32>} : memref<8192xi32, #tpu.memory_space<vmem>>, vector<16xi32>,
        %add3A_428 = arith.constant 208 : i32
        %add3A_429 = arith.addi %mul3A_376, %add3A_428 : i32
        %get3A_430 = arith.index_cast %add3A_429 : i32 to index
        %get3A_431 = tpu.vector_load %arg4[%get3A_430] {strides = array<i32>} : memref<8192xi32, #tpu.memory_space<vmem>>, vector<16xi32>,
        %add3A_432 = arith.constant 224 : i32
        %add3A_433 = arith.addi %mul3A_376, %add3A_432 : i32
        %get3A_434 = arith.index_cast %add3A_433 : i32 to index
        %get3A_435 = tpu.vector_load %arg4[%get3A_434] {strides = array<i32>} : memref<8192xi32, #tpu.memory_space<vmem>>, vector<16xi32>,
        %add3A_436 = arith.constant 240 : i32
        %add3A_437 = arith.addi %mul3A_376, %add3A_436 : i32
        %get3A_438 = arith.index_cast %add3A_437 : i32 to index
        %get3A_439 = tpu.vector_load %arg4[%get3A_438] {strides = array<i32>} : memref<8192xi32, #tpu.memory_space<vmem>>, vector<16xi32>,
        %shift_right_logical3A = arith.constant 21 : i32
        %shift_right_logical3A_440 = vector.broadcast %shift_right_logical3A : i32 to vector<16xi32>
        %shift_right_logical3A_441 = arith.shrui %get3A_379, %shift_right_logical3A_440 : vector<16xi32>
        %shift_right_logical3A_442 = arith.constant 21 : i32
        %shift_right_logical3A_443 = vector.broadcast %shift_right_logical3A_442 : i32 to vector<16xi32>
        %shift_right_logical3A_444 = arith.shrui %get3A_383, %shift_right_logical3A_443 : vector<16xi32>
        %shift_right_logical3A_445 = arith.constant 21 : i32
        %shift_right_logical3A_446 = vector.broadcast %shift_right_logical3A_445 : i32 to vector<16xi32>
        %shift_right_logical3A_447 = arith.shrui %get3A_387, %shift_right_logical3A_446 : vector<16xi32>
        %shift_right_logical3A_448 = arith.constant 21 : i32
        %shift_right_logical3A_449 = vector.broadcast %shift_right_logical3A_448 : i32 to vector<16xi32>
        %shift_right_logical3A_450 = arith.shrui %get3A_391, %shift_right_logical3A_449 : vector<16xi32>
        %shift_right_logical3A_451 = arith.constant 21 : i32
        %shift_right_logical3A_452 = vector.broadcast %shift_right_logical3A_451 : i32 to vector<16xi32>
        %shift_right_logical3A_453 = arith.shrui %get3A_395, %shift_right_logical3A_452 : vector<16xi32>
        %shift_right_logical3A_454 = arith.constant 21 : i32
        %shift_right_logical3A_455 = vector.broadcast %shift_right_logical3A_454 : i32 to vector<16xi32>
        %shift_right_logical3A_456 = arith.shrui %get3A_399, %shift_right_logical3A_455 : vector<16xi32>
        %shift_right_logical3A_457 = arith.constant 21 : i32
        %shift_right_logical3A_458 = vector.broadcast %shift_right_logical3A_457 : i32 to vector<16xi32>
        %shift_right_logical3A_459 = arith.shrui %get3A_403, %shift_right_logical3A_458 : vector<16xi32>
        %shift_right_logical3A_460 = arith.constant 21 : i32
        %shift_right_logical3A_461 = vector.broadcast %shift_right_logical3A_460 : i32 to vector<16xi32>
        %shift_right_logical3A_462 = arith.shrui %get3A_407, %shift_right_logical3A_461 : vector<16xi32>
        %shift_right_logical3A_463 = arith.constant 21 : i32
        %shift_right_logical3A_464 = vector.broadcast %shift_right_logical3A_463 : i32 to vector<16xi32>
        %shift_right_logical3A_465 = arith.shrui %get3A_411, %shift_right_logical3A_464 : vector<16xi32>
        %shift_right_logical3A_466 = arith.constant 21 : i32
        %shift_right_logical3A_467 = vector.broadcast %shift_right_logical3A_466 : i32 to vector<16xi32>
        %shift_right_logical3A_468 = arith.shrui %get3A_415, %shift_right_logical3A_467 : vector<16xi32>
        %shift_right_logical3A_469 = arith.constant 21 : i32
        %shift_right_logical3A_470 = vector.broadcast %shift_right_logical3A_469 : i32 to vector<16xi32>
        %shift_right_logical3A_471 = arith.shrui %get3A_419, %shift_right_logical3A_470 : vector<16xi32>
        %shift_right_logical3A_472 = arith.constant 21 : i32
        %shift_right_logical3A_473 = vector.broadcast %shift_right_logical3A_472 : i32 to vector<16xi32>
        %shift_right_logical3A_474 = arith.shrui %get3A_423, %shift_right_logical3A_473 : vector<16xi32>
        %shift_right_logical3A_475 = arith.constant 21 : i32
        %shift_right_logical3A_476 = vector.broadcast %shift_right_logical3A_475 : i32 to vector<16xi32>
        %shift_right_logical3A_477 = arith.shrui %get3A_427, %shift_right_logical3A_476 : vector<16xi32>
        %shift_right_logical3A_478 = arith.constant 21 : i32
        %shift_right_logical3A_479 = vector.broadcast %shift_right_logical3A_478 : i32 to vector<16xi32>
        %shift_right_logical3A_480 = arith.shrui %get3A_431, %shift_right_logical3A_479 : vector<16xi32>
        %shift_right_logical3A_481 = arith.constant 21 : i32
        %shift_right_logical3A_482 = vector.broadcast %shift_right_logical3A_481 : i32 to vector<16xi32>
        %shift_right_logical3A_483 = arith.shrui %get3A_435, %shift_right_logical3A_482 : vector<16xi32>
        %shift_right_logical3A_484 = arith.constant 21 : i32
        %shift_right_logical3A_485 = vector.broadcast %shift_right_logical3A_484 : i32 to vector<16xi32>
        %shift_right_logical3A_486 = arith.shrui %get3A_439, %shift_right_logical3A_485 : vector<16xi32>
        tpu.vector_store_idx %arg6[%shift_right_logical3A_441, %iota3A], %broadcast_in_dim3A_1 {add = true} : memref<2048x16xi32, #tpu.memory_space<vmem>>[vector<16xi32>, vector<16xi32>], vector<16xi32>,
        tpu.vector_store_idx %arg6[%shift_right_logical3A_444, %iota3A], %broadcast_in_dim3A_1 {add = true} : memref<2048x16xi32, #tpu.memory_space<vmem>>[vector<16xi32>, vector<16xi32>], vector<16xi32>,
        tpu.vector_store_idx %arg6[%shift_right_logical3A_447, %iota3A], %broadcast_in_dim3A_1 {add = true} : memref<2048x16xi32, #tpu.memory_space<vmem>>[vector<16xi32>, vector<16xi32>], vector<16xi32>,
        tpu.vector_store_idx %arg6[%shift_right_logical3A_450, %iota3A], %broadcast_in_dim3A_1 {add = true} : memref<2048x16xi32, #tpu.memory_space<vmem>>[vector<16xi32>, vector<16xi32>], vector<16xi32>,
        tpu.vector_store_idx %arg6[%shift_right_logical3A_453, %iota3A], %broadcast_in_dim3A_1 {add = true} : memref<2048x16xi32, #tpu.memory_space<vmem>>[vector<16xi32>, vector<16xi32>], vector<16xi32>,
        tpu.vector_store_idx %arg6[%shift_right_logical3A_456, %iota3A], %broadcast_in_dim3A_1 {add = true} : memref<2048x16xi32, #tpu.memory_space<vmem>>[vector<16xi32>, vector<16xi32>], vector<16xi32>,
        tpu.vector_store_idx %arg6[%shift_right_logical3A_459, %iota3A], %broadcast_in_dim3A_1 {add = true} : memref<2048x16xi32, #tpu.memory_space<vmem>>[vector<16xi32>, vector<16xi32>], vector<16xi32>,
        tpu.vector_store_idx %arg6[%shift_right_logical3A_462, %iota3A], %broadcast_in_dim3A_1 {add = true} : memref<2048x16xi32, #tpu.memory_space<vmem>>[vector<16xi32>, vector<16xi32>], vector<16xi32>,
        tpu.vector_store_idx %arg6[%shift_right_logical3A_465, %iota3A], %broadcast_in_dim3A_1 {add = true} : memref<2048x16xi32, #tpu.memory_space<vmem>>[vector<16xi32>, vector<16xi32>], vector<16xi32>,
        tpu.vector_store_idx %arg6[%shift_right_logical3A_468, %iota3A], %broadcast_in_dim3A_1 {add = true} : memref<2048x16xi32, #tpu.memory_space<vmem>>[vector<16xi32>, vector<16xi32>], vector<16xi32>,
        tpu.vector_store_idx %arg6[%shift_right_logical3A_471, %iota3A], %broadcast_in_dim3A_1 {add = true} : memref<2048x16xi32, #tpu.memory_space<vmem>>[vector<16xi32>, vector<16xi32>], vector<16xi32>,
        tpu.vector_store_idx %arg6[%shift_right_logical3A_474, %iota3A], %broadcast_in_dim3A_1 {add = true} : memref<2048x16xi32, #tpu.memory_space<vmem>>[vector<16xi32>, vector<16xi32>], vector<16xi32>,
        tpu.vector_store_idx %arg6[%shift_right_logical3A_477, %iota3A], %broadcast_in_dim3A_1 {add = true} : memref<2048x16xi32, #tpu.memory_space<vmem>>[vector<16xi32>, vector<16xi32>], vector<16xi32>,
        tpu.vector_store_idx %arg6[%shift_right_logical3A_480, %iota3A], %broadcast_in_dim3A_1 {add = true} : memref<2048x16xi32, #tpu.memory_space<vmem>>[vector<16xi32>, vector<16xi32>], vector<16xi32>,
        tpu.vector_store_idx %arg6[%shift_right_logical3A_483, %iota3A], %broadcast_in_dim3A_1 {add = true} : memref<2048x16xi32, #tpu.memory_space<vmem>>[vector<16xi32>, vector<16xi32>], vector<16xi32>,
        tpu.vector_store_idx %arg6[%shift_right_logical3A_486, %iota3A], %broadcast_in_dim3A_1 {add = true} : memref<2048x16xi32, #tpu.memory_space<vmem>>[vector<16xi32>, vector<16xi32>], vector<16xi32>,
      }
      %scan3A_356 = arith.constant 32 : i32
      %lt3A_357 = arith.constant 15 : i32
      %lt3A_358 = arith.cmpi slt, %scan3A_335, %lt3A_357 : i32
      %convert_element_type3A = arith.extui %lt3A_358 : i1 to i32
      %cond3A = arith.constant 0 : i32
      %cond3A_359 = arith.cmpi ne, %convert_element_type3A, %cond3A : i32
      scf.if %cond3A_359 {
        %add3A_372 = arith.constant 2 : i32
        %add3A_373 = arith.addi %mul3A_337, %add3A_372 : i32
        %mul3A_374 = arith.constant 8192 : i32
        %mul3A_375 = arith.muli %add3A_373, %mul3A_374 : i32
        %dma_start3A_376 = tpu.memref_slice %arg2[%add3A, %mul3A_375] : memref<32x262144xi32, #tpu.memory_space<hbm>> -> memref<1x8192xi32, #tpu.memory_space<hbm>>
        %dma_start3A_377 = tpu.memref_squeeze %dma_start3A_376 : memref<1x8192xi32, #tpu.memory_space<hbm>> -> memref<8192xi32, #tpu.memory_space<hbm>>
        %dma_start3A_378 = tpu.memref_slice %arg2[%add3A, %mul3A_375] : memref<32x262144xi32, #tpu.memory_space<hbm>> -> memref<1x8192xi32, #tpu.memory_space<hbm>>
        %dma_start3A_379 = tpu.memref_squeeze %dma_start3A_378 : memref<1x8192xi32, #tpu.memory_space<hbm>> -> memref<8192xi32, #tpu.memory_space<hbm>>
        tpu.enqueue_dma source(%dma_start3A_379 : memref<8192xi32, #tpu.memory_space<hbm>>) target(%arg4 : memref<8192xi32, #tpu.memory_space<vmem>>) target_semaphore(%arg10 : memref<!tpu.dma_semaphore, #tpu.memory_space<semaphore_mem>>)
      } else {
      }
      %dma_wait3A_360 = arith.constant 0 : i32
      %dma_wait3A_361 = tpu.memref_slice %arg2[%add3A, %dma_wait3A_360] : memref<32x262144xi32, #tpu.memory_space<hbm>> -> memref<1x8192xi32, #tpu.memory_space<hbm>>
      %dma_wait3A_362 = tpu.memref_squeeze %dma_wait3A_361 : memref<1x8192xi32, #tpu.memory_space<hbm>> -> memref<8192xi32, #tpu.memory_space<hbm>>
      %dma_wait3A_363 = arith.constant 0 : i32
      %dma_wait3A_364 = tpu.memref_slice %arg2[%add3A, %dma_wait3A_363] : memref<32x262144xi32, #tpu.memory_space<hbm>> -> memref<1x8192xi32, #tpu.memory_space<hbm>>
      %dma_wait3A_365 = tpu.memref_squeeze %dma_wait3A_364 : memref<1x8192xi32, #tpu.memory_space<hbm>> -> memref<8192xi32, #tpu.memory_space<hbm>>
      tpu.wait_dma2 semaphore(%arg11 : memref<!tpu.dma_semaphore, #tpu.memory_space<semaphore_mem>>) src(%dma_wait3A_365 : memref<8192xi32, #tpu.memory_space<hbm>>) dst(%arg5 : memref<8192xi32, #tpu.memory_space<vmem>>)
      %scan3A_366 = arith.constant 0 : i32
      %scan3A_367 = arith.constant 0 : i32
      %scan3A_368 = arith.constant 32 : i32
      %scan3A_369 = arith.addi %scan3A_367, %scan3A_368 : i32
      %scan3A_370 = arith.constant 1 : i32
      scf.for %scan3A_372 = %scan3A_367 to %scan3A_369 step %scan3A_370  : i32 {
        %mul3A_373 = arith.constant 16 : i32
        %mul3A_374 = arith.muli %scan3A_372, %mul3A_373 : i32
        %mul3A_375 = arith.constant 16 : i32
        %mul3A_376 = arith.muli %mul3A_374, %mul3A_375 : i32
        %add3A_377 = arith.constant 0 : i32
        %add3A_378 = arith.addi %mul3A_376, %add3A_377 : i32
        %get3A = arith.index_cast %add3A_378 : i32 to index
        %get3A_379 = tpu.vector_load %arg5[%get3A] {strides = array<i32>} : memref<8192xi32, #tpu.memory_space<vmem>>, vector<16xi32>,
        %add3A_380 = arith.constant 16 : i32
        %add3A_381 = arith.addi %mul3A_376, %add3A_380 : i32
        %get3A_382 = arith.index_cast %add3A_381 : i32 to index
        %get3A_383 = tpu.vector_load %arg5[%get3A_382] {strides = array<i32>} : memref<8192xi32, #tpu.memory_space<vmem>>, vector<16xi32>,
        %add3A_384 = arith.constant 32 : i32
        %add3A_385 = arith.addi %mul3A_376, %add3A_384 : i32
        %get3A_386 = arith.index_cast %add3A_385 : i32 to index
        %get3A_387 = tpu.vector_load %arg5[%get3A_386] {strides = array<i32>} : memref<8192xi32, #tpu.memory_space<vmem>>, vector<16xi32>,
        %add3A_388 = arith.constant 48 : i32
        %add3A_389 = arith.addi %mul3A_376, %add3A_388 : i32
        %get3A_390 = arith.index_cast %add3A_389 : i32 to index
        %get3A_391 = tpu.vector_load %arg5[%get3A_390] {strides = array<i32>} : memref<8192xi32, #tpu.memory_space<vmem>>, vector<16xi32>,
        %add3A_392 = arith.constant 64 : i32
        %add3A_393 = arith.addi %mul3A_376, %add3A_392 : i32
        %get3A_394 = arith.index_cast %add3A_393 : i32 to index
        %get3A_395 = tpu.vector_load %arg5[%get3A_394] {strides = array<i32>} : memref<8192xi32, #tpu.memory_space<vmem>>, vector<16xi32>,
        %add3A_396 = arith.constant 80 : i32
        %add3A_397 = arith.addi %mul3A_376, %add3A_396 : i32
        %get3A_398 = arith.index_cast %add3A_397 : i32 to index
        %get3A_399 = tpu.vector_load %arg5[%get3A_398] {strides = array<i32>} : memref<8192xi32, #tpu.memory_space<vmem>>, vector<16xi32>,
        %add3A_400 = arith.constant 96 : i32
        %add3A_401 = arith.addi %mul3A_376, %add3A_400 : i32
        %get3A_402 = arith.index_cast %add3A_401 : i32 to index
        %get3A_403 = tpu.vector_load %arg5[%get3A_402] {strides = array<i32>} : memref<8192xi32, #tpu.memory_space<vmem>>, vector<16xi32>,
        %add3A_404 = arith.constant 112 : i32
        %add3A_405 = arith.addi %mul3A_376, %add3A_404 : i32
        %get3A_406 = arith.index_cast %add3A_405 : i32 to index
        %get3A_407 = tpu.vector_load %arg5[%get3A_406] {strides = array<i32>} : memref<8192xi32, #tpu.memory_space<vmem>>, vector<16xi32>,
        %add3A_408 = arith.constant 128 : i32
        %add3A_409 = arith.addi %mul3A_376, %add3A_408 : i32
        %get3A_410 = arith.index_cast %add3A_409 : i32 to index
        %get3A_411 = tpu.vector_load %arg5[%get3A_410] {strides = array<i32>} : memref<8192xi32, #tpu.memory_space<vmem>>, vector<16xi32>,
        %add3A_412 = arith.constant 144 : i32
        %add3A_413 = arith.addi %mul3A_376, %add3A_412 : i32
        %get3A_414 = arith.index_cast %add3A_413 : i32 to index
        %get3A_415 = tpu.vector_load %arg5[%get3A_414] {strides = array<i32>} : memref<8192xi32, #tpu.memory_space<vmem>>, vector<16xi32>,
        %add3A_416 = arith.constant 160 : i32
        %add3A_417 = arith.addi %mul3A_376, %add3A_416 : i32
        %get3A_418 = arith.index_cast %add3A_417 : i32 to index
        %get3A_419 = tpu.vector_load %arg5[%get3A_418] {strides = array<i32>} : memref<8192xi32, #tpu.memory_space<vmem>>, vector<16xi32>,
        %add3A_420 = arith.constant 176 : i32
        %add3A_421 = arith.addi %mul3A_376, %add3A_420 : i32
        %get3A_422 = arith.index_cast %add3A_421 : i32 to index
        %get3A_423 = tpu.vector_load %arg5[%get3A_422] {strides = array<i32>} : memref<8192xi32, #tpu.memory_space<vmem>>, vector<16xi32>,
        %add3A_424 = arith.constant 192 : i32
        %add3A_425 = arith.addi %mul3A_376, %add3A_424 : i32
        %get3A_426 = arith.index_cast %add3A_425 : i32 to index
        %get3A_427 = tpu.vector_load %arg5[%get3A_426] {strides = array<i32>} : memref<8192xi32, #tpu.memory_space<vmem>>, vector<16xi32>,
        %add3A_428 = arith.constant 208 : i32
        %add3A_429 = arith.addi %mul3A_376, %add3A_428 : i32
        %get3A_430 = arith.index_cast %add3A_429 : i32 to index
        %get3A_431 = tpu.vector_load %arg5[%get3A_430] {strides = array<i32>} : memref<8192xi32, #tpu.memory_space<vmem>>, vector<16xi32>,
        %add3A_432 = arith.constant 224 : i32
        %add3A_433 = arith.addi %mul3A_376, %add3A_432 : i32
        %get3A_434 = arith.index_cast %add3A_433 : i32 to index
        %get3A_435 = tpu.vector_load %arg5[%get3A_434] {strides = array<i32>} : memref<8192xi32, #tpu.memory_space<vmem>>, vector<16xi32>,
        %add3A_436 = arith.constant 240 : i32
        %add3A_437 = arith.addi %mul3A_376, %add3A_436 : i32
        %get3A_438 = arith.index_cast %add3A_437 : i32 to index
        %get3A_439 = tpu.vector_load %arg5[%get3A_438] {strides = array<i32>} : memref<8192xi32, #tpu.memory_space<vmem>>, vector<16xi32>,
        %shift_right_logical3A = arith.constant 21 : i32
        %shift_right_logical3A_440 = vector.broadcast %shift_right_logical3A : i32 to vector<16xi32>
        %shift_right_logical3A_441 = arith.shrui %get3A_379, %shift_right_logical3A_440 : vector<16xi32>
        %shift_right_logical3A_442 = arith.constant 21 : i32
        %shift_right_logical3A_443 = vector.broadcast %shift_right_logical3A_442 : i32 to vector<16xi32>
        %shift_right_logical3A_444 = arith.shrui %get3A_383, %shift_right_logical3A_443 : vector<16xi32>
        %shift_right_logical3A_445 = arith.constant 21 : i32
        %shift_right_logical3A_446 = vector.broadcast %shift_right_logical3A_445 : i32 to vector<16xi32>
        %shift_right_logical3A_447 = arith.shrui %get3A_387, %shift_right_logical3A_446 : vector<16xi32>
        %shift_right_logical3A_448 = arith.constant 21 : i32
        %shift_right_logical3A_449 = vector.broadcast %shift_right_logical3A_448 : i32 to vector<16xi32>
        %shift_right_logical3A_450 = arith.shrui %get3A_391, %shift_right_logical3A_449 : vector<16xi32>
        %shift_right_logical3A_451 = arith.constant 21 : i32
        %shift_right_logical3A_452 = vector.broadcast %shift_right_logical3A_451 : i32 to vector<16xi32>
        %shift_right_logical3A_453 = arith.shrui %get3A_395, %shift_right_logical3A_452 : vector<16xi32>
        %shift_right_logical3A_454 = arith.constant 21 : i32
        %shift_right_logical3A_455 = vector.broadcast %shift_right_logical3A_454 : i32 to vector<16xi32>
        %shift_right_logical3A_456 = arith.shrui %get3A_399, %shift_right_logical3A_455 : vector<16xi32>
        %shift_right_logical3A_457 = arith.constant 21 : i32
        %shift_right_logical3A_458 = vector.broadcast %shift_right_logical3A_457 : i32 to vector<16xi32>
        %shift_right_logical3A_459 = arith.shrui %get3A_403, %shift_right_logical3A_458 : vector<16xi32>
        %shift_right_logical3A_460 = arith.constant 21 : i32
        %shift_right_logical3A_461 = vector.broadcast %shift_right_logical3A_460 : i32 to vector<16xi32>
        %shift_right_logical3A_462 = arith.shrui %get3A_407, %shift_right_logical3A_461 : vector<16xi32>
        %shift_right_logical3A_463 = arith.constant 21 : i32
        %shift_right_logical3A_464 = vector.broadcast %shift_right_logical3A_463 : i32 to vector<16xi32>
        %shift_right_logical3A_465 = arith.shrui %get3A_411, %shift_right_logical3A_464 : vector<16xi32>
        %shift_right_logical3A_466 = arith.constant 21 : i32
        %shift_right_logical3A_467 = vector.broadcast %shift_right_logical3A_466 : i32 to vector<16xi32>
        %shift_right_logical3A_468 = arith.shrui %get3A_415, %shift_right_logical3A_467 : vector<16xi32>
        %shift_right_logical3A_469 = arith.constant 21 : i32
        %shift_right_logical3A_470 = vector.broadcast %shift_right_logical3A_469 : i32 to vector<16xi32>
        %shift_right_logical3A_471 = arith.shrui %get3A_419, %shift_right_logical3A_470 : vector<16xi32>
        %shift_right_logical3A_472 = arith.constant 21 : i32
        %shift_right_logical3A_473 = vector.broadcast %shift_right_logical3A_472 : i32 to vector<16xi32>
        %shift_right_logical3A_474 = arith.shrui %get3A_423, %shift_right_logical3A_473 : vector<16xi32>
        %shift_right_logical3A_475 = arith.constant 21 : i32
        %shift_right_logical3A_476 = vector.broadcast %shift_right_logical3A_475 : i32 to vector<16xi32>
        %shift_right_logical3A_477 = arith.shrui %get3A_427, %shift_right_logical3A_476 : vector<16xi32>
        %shift_right_logical3A_478 = arith.constant 21 : i32
        %shift_right_logical3A_479 = vector.broadcast %shift_right_logical3A_478 : i32 to vector<16xi32>
        %shift_right_logical3A_480 = arith.shrui %get3A_431, %shift_right_logical3A_479 : vector<16xi32>
        %shift_right_logical3A_481 = arith.constant 21 : i32
        %shift_right_logical3A_482 = vector.broadcast %shift_right_logical3A_481 : i32 to vector<16xi32>
        %shift_right_logical3A_483 = arith.shrui %get3A_435, %shift_right_logical3A_482 : vector<16xi32>
        %shift_right_logical3A_484 = arith.constant 21 : i32
        %shift_right_logical3A_485 = vector.broadcast %shift_right_logical3A_484 : i32 to vector<16xi32>
        %shift_right_logical3A_486 = arith.shrui %get3A_439, %shift_right_logical3A_485 : vector<16xi32>
        tpu.vector_store_idx %arg6[%shift_right_logical3A_441, %iota3A], %broadcast_in_dim3A_1 {add = true} : memref<2048x16xi32, #tpu.memory_space<vmem>>[vector<16xi32>, vector<16xi32>], vector<16xi32>,
        tpu.vector_store_idx %arg6[%shift_right_logical3A_444, %iota3A], %broadcast_in_dim3A_1 {add = true} : memref<2048x16xi32, #tpu.memory_space<vmem>>[vector<16xi32>, vector<16xi32>], vector<16xi32>,
        tpu.vector_store_idx %arg6[%shift_right_logical3A_447, %iota3A], %broadcast_in_dim3A_1 {add = true} : memref<2048x16xi32, #tpu.memory_space<vmem>>[vector<16xi32>, vector<16xi32>], vector<16xi32>,
        tpu.vector_store_idx %arg6[%shift_right_logical3A_450, %iota3A], %broadcast_in_dim3A_1 {add = true} : memref<2048x16xi32, #tpu.memory_space<vmem>>[vector<16xi32>, vector<16xi32>], vector<16xi32>,
        tpu.vector_store_idx %arg6[%shift_right_logical3A_453, %iota3A], %broadcast_in_dim3A_1 {add = true} : memref<2048x16xi32, #tpu.memory_space<vmem>>[vector<16xi32>, vector<16xi32>], vector<16xi32>,
        tpu.vector_store_idx %arg6[%shift_right_logical3A_456, %iota3A], %broadcast_in_dim3A_1 {add = true} : memref<2048x16xi32, #tpu.memory_space<vmem>>[vector<16xi32>, vector<16xi32>], vector<16xi32>,
        tpu.vector_store_idx %arg6[%shift_right_logical3A_459, %iota3A], %broadcast_in_dim3A_1 {add = true} : memref<2048x16xi32, #tpu.memory_space<vmem>>[vector<16xi32>, vector<16xi32>], vector<16xi32>,
        tpu.vector_store_idx %arg6[%shift_right_logical3A_462, %iota3A], %broadcast_in_dim3A_1 {add = true} : memref<2048x16xi32, #tpu.memory_space<vmem>>[vector<16xi32>, vector<16xi32>], vector<16xi32>,
        tpu.vector_store_idx %arg6[%shift_right_logical3A_465, %iota3A], %broadcast_in_dim3A_1 {add = true} : memref<2048x16xi32, #tpu.memory_space<vmem>>[vector<16xi32>, vector<16xi32>], vector<16xi32>,
        tpu.vector_store_idx %arg6[%shift_right_logical3A_468, %iota3A], %broadcast_in_dim3A_1 {add = true} : memref<2048x16xi32, #tpu.memory_space<vmem>>[vector<16xi32>, vector<16xi32>], vector<16xi32>,
        tpu.vector_store_idx %arg6[%shift_right_logical3A_471, %iota3A], %broadcast_in_dim3A_1 {add = true} : memref<2048x16xi32, #tpu.memory_space<vmem>>[vector<16xi32>, vector<16xi32>], vector<16xi32>,
        tpu.vector_store_idx %arg6[%shift_right_logical3A_474, %iota3A], %broadcast_in_dim3A_1 {add = true} : memref<2048x16xi32, #tpu.memory_space<vmem>>[vector<16xi32>, vector<16xi32>], vector<16xi32>,
        tpu.vector_store_idx %arg6[%shift_right_logical3A_477, %iota3A], %broadcast_in_dim3A_1 {add = true} : memref<2048x16xi32, #tpu.memory_space<vmem>>[vector<16xi32>, vector<16xi32>], vector<16xi32>,
        tpu.vector_store_idx %arg6[%shift_right_logical3A_480, %iota3A], %broadcast_in_dim3A_1 {add = true} : memref<2048x16xi32, #tpu.memory_space<vmem>>[vector<16xi32>, vector<16xi32>], vector<16xi32>,
        tpu.vector_store_idx %arg6[%shift_right_logical3A_483, %iota3A], %broadcast_in_dim3A_1 {add = true} : memref<2048x16xi32, #tpu.memory_space<vmem>>[vector<16xi32>, vector<16xi32>], vector<16xi32>,
        tpu.vector_store_idx %arg6[%shift_right_logical3A_486, %iota3A], %broadcast_in_dim3A_1 {add = true} : memref<2048x16xi32, #tpu.memory_space<vmem>>[vector<16xi32>, vector<16xi32>], vector<16xi32>,
      }
      %scan3A_371 = arith.constant 32 : i32
    }
    %scan3A_29 = arith.constant 16 : i32
    %scan3A_30 = arith.constant 26214 : i32
    %scan3A_31 = arith.constant 235931 : i32
    %scan3A_32 = arith.constant 0 : i32
    %scan3A_33 = arith.constant 0 : i32
    %scan3A_34 = arith.constant 0 : i32
    %scan3A_35 = arith.constant 0 : i32
    %scan3A_36 = arith.constant 0 : i32
    %scan3A_37 = arith.constant 0 : i32
    %scan3A_38 = arith.constant 0 : i32
    %scan3A_39 = arith.constant 0 : i32
    %scan3A_40 = arith.constant 128 : i32
    %scan3A_41 = arith.addi %scan3A_39, %scan3A_40 : i32
    %scan3A_42 = arith.constant 1 : i32
    %scan3A_43:7 = scf.for %scan3A_335 = %scan3A_39 to %scan3A_41 step %scan3A_42 iter_args(%scan3A_336 = %scan3A_32, %scan3A_337 = %scan3A_33, %scan3A_338 = %scan3A_34, %scan3A_339 = %scan3A_35, %scan3A_340 = %scan3A_36, %scan3A_341 = %scan3A_37, %scan3A_342 = %scan3A_38) -> (i32, i32, i32, i32, i32, i32, i32)  : i32 {
      %broadcast_in_dim3A_343 = arith.constant 0 : i32
      %broadcast_in_dim3A_344 = vector.broadcast %broadcast_in_dim3A_343 : i32 to vector<16xi32>
      %scan3A_345 = arith.constant 0 : i32
      %scan3A_346 = arith.constant 16 : i32
      %scan3A_347 = arith.addi %scan3A_345, %scan3A_346 : i32
      %scan3A_348 = arith.constant 1 : i32
      %scan3A_349 = scf.for %scan3A_383 = %scan3A_345 to %scan3A_347 step %scan3A_348 iter_args(%scan3A_384 = %broadcast_in_dim3A_344) -> (vector<16xi32>)  : i32 {
        %mul3A_385 = arith.constant 16 : i32
        %mul3A_386 = arith.muli %scan3A_335, %mul3A_385 : i32
        %add3A_387 = arith.addi %mul3A_386, %scan3A_383 : i32
        %lt3A_388 = arith.constant 1024 : i32
        %lt3A_389 = arith.cmpi slt, %add3A_387, %lt3A_388 : i32
        %sub3A_390 = arith.constant 2047 : i32
        %sub3A_391 = arith.subi %sub3A_390, %add3A_387 : i32
        %sub3A_392 = arith.constant 1024 : i32
        %sub3A_393 = arith.subi %add3A_387, %sub3A_392 : i32
        %select_n3A_394 = arith.select %lt3A_389, %sub3A_391, %sub3A_393 : i32
        %add3A_395 = arith.constant 0 : i32
        %add3A_396 = arith.addi %add3A_395, %select_n3A_394 : i32
        %get3A = arith.index_cast %add3A_396 : i32 to index
        %get3A_397 = arith.constant 0 : index
        %get3A_398 = tpu.vector_load %arg6[%get3A, %get3A_397] {strides = array<i32>} : memref<2048x16xi32, #tpu.memory_space<vmem>>, vector<16xi32>,
        %add3A_399 = arith.addi %scan3A_384, %get3A_398 : vector<16xi32>
        scf.yield %add3A_399 : vector<16xi32>
      }
      %scan3A_350 = arith.constant 16 : i32
      %reduce_sum3A = arith.constant true
      %reduce_sum3A_351 = vector.broadcast %reduce_sum3A : i1 to vector<16xi1>
      %reduce_sum3A_352 = tpu.scan <sum>, %scan3A_349 masked %reduce_sum3A_351 : vector<16xi32>, vector<16xi1> -> vector<16xi32>
      %reduce_sum3A_353 = vector.extract %reduce_sum3A_352[15] : i32 from vector<16xi32>
      %add3A_354 = arith.addi %scan3A_336, %reduce_sum3A_353 : i32
      %sub3A_355 = arith.constant 1 : i32
      %sub3A_356 = arith.subi %sub3A_355, %scan3A_339 : i32
      %ge3A_357 = arith.cmpi sge, %add3A_354, %scan3A_30 : i32
      %jit3A_358 = arith.constant 1 : i32
      %jit3A_359 = arith.constant 0 : i32
      %select_n3A_360 = arith.select %ge3A_357, %jit3A_358, %jit3A_359 : i32
      %mul3A_361 = arith.muli %sub3A_356, %select_n3A_360 : i32
      %eq3A_362 = arith.constant 1 : i32
      %eq3A_363 = arith.cmpi eq, %mul3A_361, %eq3A_362 : i32
      %select_n3A_364 = arith.select %eq3A_363, %scan3A_335, %scan3A_337 : i32
      %eq3A_365 = arith.constant 1 : i32
      %eq3A_366 = arith.cmpi eq, %mul3A_361, %eq3A_365 : i32
      %select_n3A_367 = arith.select %eq3A_366, %scan3A_336, %scan3A_338 : i32
      %sub3A_368 = arith.constant 1 : i32
      %sub3A_369 = arith.subi %sub3A_368, %scan3A_342 : i32
      %ge3A_370 = arith.cmpi sge, %add3A_354, %scan3A_31 : i32
      %jit3A_371 = arith.constant 1 : i32
      %jit3A_372 = arith.constant 0 : i32
      %select_n3A_373 = arith.select %ge3A_370, %jit3A_371, %jit3A_372 : i32
      %mul3A_374 = arith.muli %sub3A_369, %select_n3A_373 : i32
      %eq3A_375 = arith.constant 1 : i32
      %eq3A_376 = arith.cmpi eq, %mul3A_374, %eq3A_375 : i32
      %select_n3A_377 = arith.select %eq3A_376, %scan3A_335, %scan3A_340 : i32
      %eq3A_378 = arith.constant 1 : i32
      %eq3A_379 = arith.cmpi eq, %mul3A_374, %eq3A_378 : i32
      %select_n3A_380 = arith.select %eq3A_379, %scan3A_336, %scan3A_341 : i32
      %or3A_381 = arith.ori %scan3A_339, %mul3A_361 : i32
      %or3A_382 = arith.ori %scan3A_342, %mul3A_374 : i32
      scf.yield %add3A_354, %select_n3A_364, %select_n3A_367, %or3A_381, %select_n3A_377, %select_n3A_380, %or3A_382 : i32, i32, i32, i32, i32, i32, i32
    }
    %scan3A_44 = arith.constant 128 : i32
    %scan3A_45 = arith.constant 26214 : i32
    %scan3A_46 = arith.constant 0 : i32
    %scan3A_47 = arith.constant 0 : i32
    %scan3A_48 = arith.constant 0 : i32
    %scan3A_49 = arith.constant 16 : i32
    %scan3A_50 = arith.addi %scan3A_48, %scan3A_49 : i32
    %scan3A_51 = arith.constant 1 : i32
    %scan3A_52:4 = scf.for %scan3A_335 = %scan3A_48 to %scan3A_50 step %scan3A_51 iter_args(%scan3A_336 = %scan3A_43#2, %scan3A_337 = %scan3A_46, %scan3A_338 = %scan3A_43#2, %scan3A_339 = %scan3A_47) -> (i32, i32, i32, i32)  : i32 {
      %mul3A_340 = arith.constant 16 : i32
      %mul3A_341 = arith.muli %scan3A_43#1, %mul3A_340 : i32
      %add3A_342 = arith.addi %mul3A_341, %scan3A_335 : i32
      %lt3A_343 = arith.constant 1024 : i32
      %lt3A_344 = arith.cmpi slt, %add3A_342, %lt3A_343 : i32
      %sub3A_345 = arith.constant 2047 : i32
      %sub3A_346 = arith.subi %sub3A_345, %add3A_342 : i32
      %sub3A_347 = arith.constant 1024 : i32
      %sub3A_348 = arith.subi %add3A_342, %sub3A_347 : i32
      %select_n3A_349 = arith.select %lt3A_344, %sub3A_346, %sub3A_348 : i32
      %add3A_350 = arith.constant 0 : i32
      %add3A_351 = arith.addi %add3A_350, %select_n3A_349 : i32
      %get3A = arith.index_cast %add3A_351 : i32 to index
      %get3A_352 = arith.constant 0 : index
      %get3A_353 = tpu.vector_load %arg6[%get3A, %get3A_352] {strides = array<i32>} : memref<2048x16xi32, #tpu.memory_space<vmem>>, vector<16xi32>,
      %reduce_sum3A = arith.constant true
      %reduce_sum3A_354 = vector.broadcast %reduce_sum3A : i1 to vector<16xi1>
      %reduce_sum3A_355 = tpu.scan <sum>, %get3A_353 masked %reduce_sum3A_354 : vector<16xi32>, vector<16xi1> -> vector<16xi32>
      %reduce_sum3A_356 = vector.extract %reduce_sum3A_355[15] : i32 from vector<16xi32>
      %sub3A_357 = arith.constant 1 : i32
      %sub3A_358 = arith.subi %sub3A_357, %scan3A_339 : i32
      %add3A_359 = arith.addi %scan3A_336, %reduce_sum3A_356 : i32
      %ge3A_360 = arith.cmpi sge, %add3A_359, %scan3A_45 : i32
      %jit3A_361 = arith.constant 1 : i32
      %jit3A_362 = arith.constant 0 : i32
      %select_n3A_363 = arith.select %ge3A_360, %jit3A_361, %jit3A_362 : i32
      %mul3A_364 = arith.muli %sub3A_358, %select_n3A_363 : i32
      %eq3A_365 = arith.constant 1 : i32
      %eq3A_366 = arith.cmpi eq, %mul3A_364, %eq3A_365 : i32
      %select_n3A_367 = arith.select %eq3A_366, %scan3A_335, %scan3A_337 : i32
      %eq3A_368 = arith.constant 1 : i32
      %eq3A_369 = arith.cmpi eq, %mul3A_364, %eq3A_368 : i32
      %select_n3A_370 = arith.select %eq3A_369, %scan3A_336, %scan3A_338 : i32
      %add3A_371 = arith.addi %scan3A_336, %reduce_sum3A_356 : i32
      %or3A_372 = arith.ori %scan3A_339, %mul3A_364 : i32
      scf.yield %add3A_371, %select_n3A_367, %select_n3A_370, %or3A_372 : i32, i32, i32, i32
    }
    %scan3A_53 = arith.constant 16 : i32
    %mul3A_54 = arith.constant 16 : i32
    %mul3A_55 = arith.muli %scan3A_43#1, %mul3A_54 : i32
    %add3A_56 = arith.addi %mul3A_55, %scan3A_52#1 : i32
    %lt3A = arith.constant 1024 : i32
    %lt3A_57 = arith.cmpi slt, %add3A_56, %lt3A : i32
    %sub3A = arith.constant 2047 : i32
    %sub3A_58 = arith.subi %sub3A, %add3A_56 : i32
    %sub3A_59 = arith.constant 1024 : i32
    %sub3A_60 = arith.subi %add3A_56, %sub3A_59 : i32
    %select_n3A = arith.select %lt3A_57, %sub3A_58, %sub3A_60 : i32
    %scan3A_61 = arith.constant 235931 : i32
    %scan3A_62 = arith.constant 0 : i32
    %scan3A_63 = arith.constant 0 : i32
    %scan3A_64 = arith.constant 0 : i32
    %scan3A_65 = arith.constant 16 : i32
    %scan3A_66 = arith.addi %scan3A_64, %scan3A_65 : i32
    %scan3A_67 = arith.constant 1 : i32
    %scan3A_68:4 = scf.for %scan3A_335 = %scan3A_64 to %scan3A_66 step %scan3A_67 iter_args(%scan3A_336 = %scan3A_43#5, %scan3A_337 = %scan3A_62, %scan3A_338 = %scan3A_43#5, %scan3A_339 = %scan3A_63) -> (i32, i32, i32, i32)  : i32 {
      %mul3A_340 = arith.constant 16 : i32
      %mul3A_341 = arith.muli %scan3A_43#4, %mul3A_340 : i32
      %add3A_342 = arith.addi %mul3A_341, %scan3A_335 : i32
      %lt3A_343 = arith.constant 1024 : i32
      %lt3A_344 = arith.cmpi slt, %add3A_342, %lt3A_343 : i32
      %sub3A_345 = arith.constant 2047 : i32
      %sub3A_346 = arith.subi %sub3A_345, %add3A_342 : i32
      %sub3A_347 = arith.constant 1024 : i32
      %sub3A_348 = arith.subi %add3A_342, %sub3A_347 : i32
      %select_n3A_349 = arith.select %lt3A_344, %sub3A_346, %sub3A_348 : i32
      %add3A_350 = arith.constant 0 : i32
      %add3A_351 = arith.addi %add3A_350, %select_n3A_349 : i32
      %get3A = arith.index_cast %add3A_351 : i32 to index
      %get3A_352 = arith.constant 0 : index
      %get3A_353 = tpu.vector_load %arg6[%get3A, %get3A_352] {strides = array<i32>} : memref<2048x16xi32, #tpu.memory_space<vmem>>, vector<16xi32>,
      %reduce_sum3A = arith.constant true
      %reduce_sum3A_354 = vector.broadcast %reduce_sum3A : i1 to vector<16xi1>
      %reduce_sum3A_355 = tpu.scan <sum>, %get3A_353 masked %reduce_sum3A_354 : vector<16xi32>, vector<16xi1> -> vector<16xi32>
      %reduce_sum3A_356 = vector.extract %reduce_sum3A_355[15] : i32 from vector<16xi32>
      %sub3A_357 = arith.constant 1 : i32
      %sub3A_358 = arith.subi %sub3A_357, %scan3A_339 : i32
      %add3A_359 = arith.addi %scan3A_336, %reduce_sum3A_356 : i32
      %ge3A_360 = arith.cmpi sge, %add3A_359, %scan3A_61 : i32
      %jit3A_361 = arith.constant 1 : i32
      %jit3A_362 = arith.constant 0 : i32
      %select_n3A_363 = arith.select %ge3A_360, %jit3A_361, %jit3A_362 : i32
      %mul3A_364 = arith.muli %sub3A_358, %select_n3A_363 : i32
      %eq3A_365 = arith.constant 1 : i32
      %eq3A_366 = arith.cmpi eq, %mul3A_364, %eq3A_365 : i32
      %select_n3A_367 = arith.select %eq3A_366, %scan3A_335, %scan3A_337 : i32
      %eq3A_368 = arith.constant 1 : i32
      %eq3A_369 = arith.cmpi eq, %mul3A_364, %eq3A_368 : i32
      %select_n3A_370 = arith.select %eq3A_369, %scan3A_336, %scan3A_338 : i32
      %add3A_371 = arith.addi %scan3A_336, %reduce_sum3A_356 : i32
      %or3A_372 = arith.ori %scan3A_339, %mul3A_364 : i32
      scf.yield %add3A_371, %select_n3A_367, %select_n3A_370, %or3A_372 : i32, i32, i32, i32
    }
    %scan3A_69 = arith.constant 16 : i32
    %mul3A_70 = arith.constant 16 : i32
    %mul3A_71 = arith.muli %scan3A_43#4, %mul3A_70 : i32
    %add3A_72 = arith.addi %mul3A_71, %scan3A_68#1 : i32
    %lt3A_73 = arith.constant 1024 : i32
    %lt3A_74 = arith.cmpi slt, %add3A_72, %lt3A_73 : i32
    %sub3A_75 = arith.constant 2047 : i32
    %sub3A_76 = arith.subi %sub3A_75, %add3A_72 : i32
    %sub3A_77 = arith.constant 1024 : i32
    %sub3A_78 = arith.subi %add3A_72, %sub3A_77 : i32
    %select_n3A_79 = arith.select %lt3A_74, %sub3A_76, %sub3A_78 : i32
    %sub3A_80 = arith.constant 26214 : i32
    %sub3A_81 = arith.subi %sub3A_80, %scan3A_52#2 : i32
    %sub3A_82 = arith.constant 235931 : i32
    %sub3A_83 = arith.subi %sub3A_82, %scan3A_68#2 : i32
    %ge3A = arith.constant 1024 : i32
    %ge3A_84 = arith.cmpi sge, %select_n3A, %ge3A : i32
    %jit3A = arith.constant 1 : i32
    %jit3A_85 = arith.constant 0 : i32
    %select_n3A_86 = arith.select %ge3A_84, %jit3A, %jit3A_85 : i32
    %ge3A_87 = arith.constant 1024 : i32
    %ge3A_88 = arith.cmpi sge, %select_n3A_79, %ge3A_87 : i32
    %jit3A_89 = arith.constant 1 : i32
    %jit3A_90 = arith.constant 0 : i32
    %select_n3A_91 = arith.select %ge3A_88, %jit3A_89, %jit3A_90 : i32
    %scan3A_92 = arith.constant 0 : i32
    %scan3A_93 = arith.constant 0 : i32
    %scan3A_94 = arith.constant 256 : i32
    %scan3A_95 = arith.addi %scan3A_93, %scan3A_94 : i32
    %scan3A_96 = arith.constant 1 : i32
    scf.for %scan3A_335 = %scan3A_93 to %scan3A_95 step %scan3A_96  : i32 {
      %broadcast_in_dim3A_336 = arith.constant 0 : i32
      %broadcast_in_dim3A_337 = vector.broadcast %broadcast_in_dim3A_336 : i32 to vector<16xi32>
      %mul3A_338 = arith.constant 8 : i32
      %mul3A_339 = arith.muli %scan3A_335, %mul3A_338 : i32
      %add3A_340 = arith.constant 0 : i32
      %add3A_341 = arith.addi %mul3A_339, %add3A_340 : i32
      %swap3A_342 = arith.index_cast %add3A_341 : i32 to index
      %swap3A_343 = arith.constant 0 : index
      %swap3A_344 = tpu.vector_load %arg6[%swap3A_342, %swap3A_343] {strides = array<i32>} : memref<2048x16xi32, #tpu.memory_space<vmem>>, vector<16xi32>,
      tpu.vector_store %arg6[%swap3A_342, %swap3A_343], %broadcast_in_dim3A_337 {strides = array<i32>} : memref<2048x16xi32, #tpu.memory_space<vmem>>, vector<16xi32>,
      %broadcast_in_dim3A_345 = arith.constant 0 : i32
      %broadcast_in_dim3A_346 = vector.broadcast %broadcast_in_dim3A_345 : i32 to vector<16xi32>
      %mul3A_347 = arith.constant 8 : i32
      %mul3A_348 = arith.muli %scan3A_335, %mul3A_347 : i32
      %add3A_349 = arith.constant 1 : i32
      %add3A_350 = arith.addi %mul3A_348, %add3A_349 : i32
      %swap3A_351 = arith.index_cast %add3A_350 : i32 to index
      %swap3A_352 = arith.constant 0 : index
      %swap3A_353 = tpu.vector_load %arg6[%swap3A_351, %swap3A_352] {strides = array<i32>} : memref<2048x16xi32, #tpu.memory_space<vmem>>, vector<16xi32>,
      tpu.vector_store %arg6[%swap3A_351, %swap3A_352], %broadcast_in_dim3A_346 {strides = array<i32>} : memref<2048x16xi32, #tpu.memory_space<vmem>>, vector<16xi32>,
      %broadcast_in_dim3A_354 = arith.constant 0 : i32
      %broadcast_in_dim3A_355 = vector.broadcast %broadcast_in_dim3A_354 : i32 to vector<16xi32>
      %mul3A_356 = arith.constant 8 : i32
      %mul3A_357 = arith.muli %scan3A_335, %mul3A_356 : i32
      %add3A_358 = arith.constant 2 : i32
      %add3A_359 = arith.addi %mul3A_357, %add3A_358 : i32
      %swap3A_360 = arith.index_cast %add3A_359 : i32 to index
      %swap3A_361 = arith.constant 0 : index
      %swap3A_362 = tpu.vector_load %arg6[%swap3A_360, %swap3A_361] {strides = array<i32>} : memref<2048x16xi32, #tpu.memory_space<vmem>>, vector<16xi32>,
      tpu.vector_store %arg6[%swap3A_360, %swap3A_361], %broadcast_in_dim3A_355 {strides = array<i32>} : memref<2048x16xi32, #tpu.memory_space<vmem>>, vector<16xi32>,
      %broadcast_in_dim3A_363 = arith.constant 0 : i32
      %broadcast_in_dim3A_364 = vector.broadcast %broadcast_in_dim3A_363 : i32 to vector<16xi32>
      %mul3A_365 = arith.constant 8 : i32
      %mul3A_366 = arith.muli %scan3A_335, %mul3A_365 : i32
      %add3A_367 = arith.constant 3 : i32
      %add3A_368 = arith.addi %mul3A_366, %add3A_367 : i32
      %swap3A_369 = arith.index_cast %add3A_368 : i32 to index
      %swap3A_370 = arith.constant 0 : index
      %swap3A_371 = tpu.vector_load %arg6[%swap3A_369, %swap3A_370] {strides = array<i32>} : memref<2048x16xi32, #tpu.memory_space<vmem>>, vector<16xi32>,
      tpu.vector_store %arg6[%swap3A_369, %swap3A_370], %broadcast_in_dim3A_364 {strides = array<i32>} : memref<2048x16xi32, #tpu.memory_space<vmem>>, vector<16xi32>,
      %broadcast_in_dim3A_372 = arith.constant 0 : i32
      %broadcast_in_dim3A_373 = vector.broadcast %broadcast_in_dim3A_372 : i32 to vector<16xi32>
      %mul3A_374 = arith.constant 8 : i32
      %mul3A_375 = arith.muli %scan3A_335, %mul3A_374 : i32
      %add3A_376 = arith.constant 4 : i32
      %add3A_377 = arith.addi %mul3A_375, %add3A_376 : i32
      %swap3A_378 = arith.index_cast %add3A_377 : i32 to index
      %swap3A_379 = arith.constant 0 : index
      %swap3A_380 = tpu.vector_load %arg6[%swap3A_378, %swap3A_379] {strides = array<i32>} : memref<2048x16xi32, #tpu.memory_space<vmem>>, vector<16xi32>,
      tpu.vector_store %arg6[%swap3A_378, %swap3A_379], %broadcast_in_dim3A_373 {strides = array<i32>} : memref<2048x16xi32, #tpu.memory_space<vmem>>, vector<16xi32>,
      %broadcast_in_dim3A_381 = arith.constant 0 : i32
      %broadcast_in_dim3A_382 = vector.broadcast %broadcast_in_dim3A_381 : i32 to vector<16xi32>
      %mul3A_383 = arith.constant 8 : i32
      %mul3A_384 = arith.muli %scan3A_335, %mul3A_383 : i32
      %add3A_385 = arith.constant 5 : i32
      %add3A_386 = arith.addi %mul3A_384, %add3A_385 : i32
      %swap3A_387 = arith.index_cast %add3A_386 : i32 to index
      %swap3A_388 = arith.constant 0 : index
      %swap3A_389 = tpu.vector_load %arg6[%swap3A_387, %swap3A_388] {strides = array<i32>} : memref<2048x16xi32, #tpu.memory_space<vmem>>, vector<16xi32>,
      tpu.vector_store %arg6[%swap3A_387, %swap3A_388], %broadcast_in_dim3A_382 {strides = array<i32>} : memref<2048x16xi32, #tpu.memory_space<vmem>>, vector<16xi32>,
      %broadcast_in_dim3A_390 = arith.constant 0 : i32
      %broadcast_in_dim3A_391 = vector.broadcast %broadcast_in_dim3A_390 : i32 to vector<16xi32>
      %mul3A_392 = arith.constant 8 : i32
      %mul3A_393 = arith.muli %scan3A_335, %mul3A_392 : i32
      %add3A_394 = arith.constant 6 : i32
      %add3A_395 = arith.addi %mul3A_393, %add3A_394 : i32
      %swap3A_396 = arith.index_cast %add3A_395 : i32 to index
      %swap3A_397 = arith.constant 0 : index
      %swap3A_398 = tpu.vector_load %arg6[%swap3A_396, %swap3A_397] {strides = array<i32>} : memref<2048x16xi32, #tpu.memory_space<vmem>>, vector<16xi32>,
      tpu.vector_store %arg6[%swap3A_396, %swap3A_397], %broadcast_in_dim3A_391 {strides = array<i32>} : memref<2048x16xi32, #tpu.memory_space<vmem>>, vector<16xi32>,
      %broadcast_in_dim3A_399 = arith.constant 0 : i32
      %broadcast_in_dim3A_400 = vector.broadcast %broadcast_in_dim3A_399 : i32 to vector<16xi32>
      %mul3A_401 = arith.constant 8 : i32
      %mul3A_402 = arith.muli %scan3A_335, %mul3A_401 : i32
      %add3A_403 = arith.constant 7 : i32
      %add3A_404 = arith.addi %mul3A_402, %add3A_403 : i32
      %swap3A_405 = arith.index_cast %add3A_404 : i32 to index
      %swap3A_406 = arith.constant 0 : index
      %swap3A_407 = tpu.vector_load %arg6[%swap3A_405, %swap3A_406] {strides = array<i32>} : memref<2048x16xi32, #tpu.memory_space<vmem>>, vector<16xi32>,
      tpu.vector_store %arg6[%swap3A_405, %swap3A_406], %broadcast_in_dim3A_400 {strides = array<i32>} : memref<2048x16xi32, #tpu.memory_space<vmem>>, vector<16xi32>,
    }
    %scan3A_97 = arith.constant 256 : i32
    %dma_start3A_98 = arith.constant 0 : i32
    %dma_start3A_99 = tpu.memref_slice %arg2[%add3A, %dma_start3A_98] : memref<32x262144xi32, #tpu.memory_space<hbm>> -> memref<1x8192xi32, #tpu.memory_space<hbm>>
    %dma_start3A_100 = tpu.memref_squeeze %dma_start3A_99 : memref<1x8192xi32, #tpu.memory_space<hbm>> -> memref<8192xi32, #tpu.memory_space<hbm>>
    %dma_start3A_101 = arith.constant 0 : i32
    %dma_start3A_102 = tpu.memref_slice %arg2[%add3A, %dma_start3A_101] : memref<32x262144xi32, #tpu.memory_space<hbm>> -> memref<1x8192xi32, #tpu.memory_space<hbm>>
    %dma_start3A_103 = tpu.memref_squeeze %dma_start3A_102 : memref<1x8192xi32, #tpu.memory_space<hbm>> -> memref<8192xi32, #tpu.memory_space<hbm>>
    tpu.enqueue_dma source(%dma_start3A_103 : memref<8192xi32, #tpu.memory_space<hbm>>) target(%arg4 : memref<8192xi32, #tpu.memory_space<vmem>>) target_semaphore(%arg10 : memref<!tpu.dma_semaphore, #tpu.memory_space<semaphore_mem>>)
    %scan3A_104 = arith.constant 0 : i32
    %scan3A_105 = arith.constant 0 : i32
    %scan3A_106 = arith.constant 16 : i32
    %scan3A_107 = arith.addi %scan3A_105, %scan3A_106 : i32
    %scan3A_108 = arith.constant 1 : i32
    scf.for %scan3A_335 = %scan3A_105 to %scan3A_107 step %scan3A_108  : i32 {
      %mul3A_336 = arith.constant 2 : i32
      %mul3A_337 = arith.muli %scan3A_335, %mul3A_336 : i32
      %add3A_338 = arith.constant 1 : i32
      %add3A_339 = arith.addi %mul3A_337, %add3A_338 : i32
      %mul3A_340 = arith.constant 8192 : i32
      %mul3A_341 = arith.muli %add3A_339, %mul3A_340 : i32
      %dma_start3A_342 = tpu.memref_slice %arg2[%add3A, %mul3A_341] : memref<32x262144xi32, #tpu.memory_space<hbm>> -> memref<1x8192xi32, #tpu.memory_space<hbm>>
      %dma_start3A_343 = tpu.memref_squeeze %dma_start3A_342 : memref<1x8192xi32, #tpu.memory_space<hbm>> -> memref<8192xi32, #tpu.memory_space<hbm>>
      %dma_start3A_344 = tpu.memref_slice %arg2[%add3A, %mul3A_341] : memref<32x262144xi32, #tpu.memory_space<hbm>> -> memref<1x8192xi32, #tpu.memory_space<hbm>>
      %dma_start3A_345 = tpu.memref_squeeze %dma_start3A_344 : memref<1x8192xi32, #tpu.memory_space<hbm>> -> memref<8192xi32, #tpu.memory_space<hbm>>
      tpu.enqueue_dma source(%dma_start3A_345 : memref<8192xi32, #tpu.memory_space<hbm>>) target(%arg5 : memref<8192xi32, #tpu.memory_space<vmem>>) target_semaphore(%arg11 : memref<!tpu.dma_semaphore, #tpu.memory_space<semaphore_mem>>)
      %dma_wait3A = arith.constant 0 : i32
      %dma_wait3A_346 = tpu.memref_slice %arg2[%add3A, %dma_wait3A] : memref<32x262144xi32, #tpu.memory_space<hbm>> -> memref<1x8192xi32, #tpu.memory_space<hbm>>
      %dma_wait3A_347 = tpu.memref_squeeze %dma_wait3A_346 : memref<1x8192xi32, #tpu.memory_space<hbm>> -> memref<8192xi32, #tpu.memory_space<hbm>>
      %dma_wait3A_348 = arith.constant 0 : i32
      %dma_wait3A_349 = tpu.memref_slice %arg2[%add3A, %dma_wait3A_348] : memref<32x262144xi32, #tpu.memory_space<hbm>> -> memref<1x8192xi32, #tpu.memory_space<hbm>>
      %dma_wait3A_350 = tpu.memref_squeeze %dma_wait3A_349 : memref<1x8192xi32, #tpu.memory_space<hbm>> -> memref<8192xi32, #tpu.memory_space<hbm>>
      tpu.wait_dma2 semaphore(%arg10 : memref<!tpu.dma_semaphore, #tpu.memory_space<semaphore_mem>>) src(%dma_wait3A_350 : memref<8192xi32, #tpu.memory_space<hbm>>) dst(%arg4 : memref<8192xi32, #tpu.memory_space<vmem>>)
      %scan3A_351 = arith.constant 0 : i32
      %scan3A_352 = arith.constant 0 : i32
      %scan3A_353 = arith.constant 64 : i32
      %scan3A_354 = arith.addi %scan3A_352, %scan3A_353 : i32
      %scan3A_355 = arith.constant 1 : i32
      scf.for %scan3A_372 = %scan3A_352 to %scan3A_354 step %scan3A_355  : i32 {
        %mul3A_373 = arith.constant 16 : i32
        %mul3A_374 = arith.muli %scan3A_372, %mul3A_373 : i32
        %mul3A_375 = arith.constant 8 : i32
        %mul3A_376 = arith.muli %mul3A_374, %mul3A_375 : i32
        %add3A_377 = arith.constant 0 : i32
        %add3A_378 = arith.addi %mul3A_376, %add3A_377 : i32
        %get3A = arith.index_cast %add3A_378 : i32 to index
        %get3A_379 = tpu.vector_load %arg4[%get3A] {strides = array<i32>} : memref<8192xi32, #tpu.memory_space<vmem>>, vector<16xi32>,
        %add3A_380 = arith.constant 16 : i32
        %add3A_381 = arith.addi %mul3A_376, %add3A_380 : i32
        %get3A_382 = arith.index_cast %add3A_381 : i32 to index
        %get3A_383 = tpu.vector_load %arg4[%get3A_382] {strides = array<i32>} : memref<8192xi32, #tpu.memory_space<vmem>>, vector<16xi32>,
        %add3A_384 = arith.constant 32 : i32
        %add3A_385 = arith.addi %mul3A_376, %add3A_384 : i32
        %get3A_386 = arith.index_cast %add3A_385 : i32 to index
        %get3A_387 = tpu.vector_load %arg4[%get3A_386] {strides = array<i32>} : memref<8192xi32, #tpu.memory_space<vmem>>, vector<16xi32>,
        %add3A_388 = arith.constant 48 : i32
        %add3A_389 = arith.addi %mul3A_376, %add3A_388 : i32
        %get3A_390 = arith.index_cast %add3A_389 : i32 to index
        %get3A_391 = tpu.vector_load %arg4[%get3A_390] {strides = array<i32>} : memref<8192xi32, #tpu.memory_space<vmem>>, vector<16xi32>,
        %add3A_392 = arith.constant 64 : i32
        %add3A_393 = arith.addi %mul3A_376, %add3A_392 : i32
        %get3A_394 = arith.index_cast %add3A_393 : i32 to index
        %get3A_395 = tpu.vector_load %arg4[%get3A_394] {strides = array<i32>} : memref<8192xi32, #tpu.memory_space<vmem>>, vector<16xi32>,
        %add3A_396 = arith.constant 80 : i32
        %add3A_397 = arith.addi %mul3A_376, %add3A_396 : i32
        %get3A_398 = arith.index_cast %add3A_397 : i32 to index
        %get3A_399 = tpu.vector_load %arg4[%get3A_398] {strides = array<i32>} : memref<8192xi32, #tpu.memory_space<vmem>>, vector<16xi32>,
        %add3A_400 = arith.constant 96 : i32
        %add3A_401 = arith.addi %mul3A_376, %add3A_400 : i32
        %get3A_402 = arith.index_cast %add3A_401 : i32 to index
        %get3A_403 = tpu.vector_load %arg4[%get3A_402] {strides = array<i32>} : memref<8192xi32, #tpu.memory_space<vmem>>, vector<16xi32>,
        %add3A_404 = arith.constant 112 : i32
        %add3A_405 = arith.addi %mul3A_376, %add3A_404 : i32
        %get3A_406 = arith.index_cast %add3A_405 : i32 to index
        %get3A_407 = tpu.vector_load %arg4[%get3A_406] {strides = array<i32>} : memref<8192xi32, #tpu.memory_space<vmem>>, vector<16xi32>,
        %shift_right_logical3A = arith.constant 21 : i32
        %shift_right_logical3A_408 = vector.broadcast %shift_right_logical3A : i32 to vector<16xi32>
        %shift_right_logical3A_409 = arith.shrui %get3A_379, %shift_right_logical3A_408 : vector<16xi32>
        %shift_right_logical3A_410 = arith.constant 21 : i32
        %shift_right_logical3A_411 = vector.broadcast %shift_right_logical3A_410 : i32 to vector<16xi32>
        %shift_right_logical3A_412 = arith.shrui %get3A_383, %shift_right_logical3A_411 : vector<16xi32>
        %shift_right_logical3A_413 = arith.constant 21 : i32
        %shift_right_logical3A_414 = vector.broadcast %shift_right_logical3A_413 : i32 to vector<16xi32>
        %shift_right_logical3A_415 = arith.shrui %get3A_387, %shift_right_logical3A_414 : vector<16xi32>
        %shift_right_logical3A_416 = arith.constant 21 : i32
        %shift_right_logical3A_417 = vector.broadcast %shift_right_logical3A_416 : i32 to vector<16xi32>
        %shift_right_logical3A_418 = arith.shrui %get3A_391, %shift_right_logical3A_417 : vector<16xi32>
        %shift_right_logical3A_419 = arith.constant 21 : i32
        %shift_right_logical3A_420 = vector.broadcast %shift_right_logical3A_419 : i32 to vector<16xi32>
        %shift_right_logical3A_421 = arith.shrui %get3A_395, %shift_right_logical3A_420 : vector<16xi32>
        %shift_right_logical3A_422 = arith.constant 21 : i32
        %shift_right_logical3A_423 = vector.broadcast %shift_right_logical3A_422 : i32 to vector<16xi32>
        %shift_right_logical3A_424 = arith.shrui %get3A_399, %shift_right_logical3A_423 : vector<16xi32>
        %shift_right_logical3A_425 = arith.constant 21 : i32
        %shift_right_logical3A_426 = vector.broadcast %shift_right_logical3A_425 : i32 to vector<16xi32>
        %shift_right_logical3A_427 = arith.shrui %get3A_403, %shift_right_logical3A_426 : vector<16xi32>
        %shift_right_logical3A_428 = arith.constant 21 : i32
        %shift_right_logical3A_429 = vector.broadcast %shift_right_logical3A_428 : i32 to vector<16xi32>
        %shift_right_logical3A_430 = arith.shrui %get3A_407, %shift_right_logical3A_429 : vector<16xi32>
        %shift_right_logical3A_431 = arith.constant 10 : i32
        %shift_right_logical3A_432 = vector.broadcast %shift_right_logical3A_431 : i32 to vector<16xi32>
        %shift_right_logical3A_433 = arith.shrui %get3A_379, %shift_right_logical3A_432 : vector<16xi32>
        %and3A = arith.constant 2047 : i32
        %and3A_434 = vector.broadcast %and3A : i32 to vector<16xi32>
        %and3A_435 = arith.andi %shift_right_logical3A_433, %and3A_434 : vector<16xi32>
        %shift_right_logical3A_436 = arith.constant 10 : i32
        %shift_right_logical3A_437 = vector.broadcast %shift_right_logical3A_436 : i32 to vector<16xi32>
        %shift_right_logical3A_438 = arith.shrui %get3A_383, %shift_right_logical3A_437 : vector<16xi32>
        %and3A_439 = arith.constant 2047 : i32
        %and3A_440 = vector.broadcast %and3A_439 : i32 to vector<16xi32>
        %and3A_441 = arith.andi %shift_right_logical3A_438, %and3A_440 : vector<16xi32>
        %shift_right_logical3A_442 = arith.constant 10 : i32
        %shift_right_logical3A_443 = vector.broadcast %shift_right_logical3A_442 : i32 to vector<16xi32>
        %shift_right_logical3A_444 = arith.shrui %get3A_387, %shift_right_logical3A_443 : vector<16xi32>
        %and3A_445 = arith.constant 2047 : i32
        %and3A_446 = vector.broadcast %and3A_445 : i32 to vector<16xi32>
        %and3A_447 = arith.andi %shift_right_logical3A_444, %and3A_446 : vector<16xi32>
        %shift_right_logical3A_448 = arith.constant 10 : i32
        %shift_right_logical3A_449 = vector.broadcast %shift_right_logical3A_448 : i32 to vector<16xi32>
        %shift_right_logical3A_450 = arith.shrui %get3A_391, %shift_right_logical3A_449 : vector<16xi32>
        %and3A_451 = arith.constant 2047 : i32
        %and3A_452 = vector.broadcast %and3A_451 : i32 to vector<16xi32>
        %and3A_453 = arith.andi %shift_right_logical3A_450, %and3A_452 : vector<16xi32>
        %shift_right_logical3A_454 = arith.constant 10 : i32
        %shift_right_logical3A_455 = vector.broadcast %shift_right_logical3A_454 : i32 to vector<16xi32>
        %shift_right_logical3A_456 = arith.shrui %get3A_395, %shift_right_logical3A_455 : vector<16xi32>
        %and3A_457 = arith.constant 2047 : i32
        %and3A_458 = vector.broadcast %and3A_457 : i32 to vector<16xi32>
        %and3A_459 = arith.andi %shift_right_logical3A_456, %and3A_458 : vector<16xi32>
        %shift_right_logical3A_460 = arith.constant 10 : i32
        %shift_right_logical3A_461 = vector.broadcast %shift_right_logical3A_460 : i32 to vector<16xi32>
        %shift_right_logical3A_462 = arith.shrui %get3A_399, %shift_right_logical3A_461 : vector<16xi32>
        %and3A_463 = arith.constant 2047 : i32
        %and3A_464 = vector.broadcast %and3A_463 : i32 to vector<16xi32>
        %and3A_465 = arith.andi %shift_right_logical3A_462, %and3A_464 : vector<16xi32>
        %shift_right_logical3A_466 = arith.constant 10 : i32
        %shift_right_logical3A_467 = vector.broadcast %shift_right_logical3A_466 : i32 to vector<16xi32>
        %shift_right_logical3A_468 = arith.shrui %get3A_403, %shift_right_logical3A_467 : vector<16xi32>
        %and3A_469 = arith.constant 2047 : i32
        %and3A_470 = vector.broadcast %and3A_469 : i32 to vector<16xi32>
        %and3A_471 = arith.andi %shift_right_logical3A_468, %and3A_470 : vector<16xi32>
        %shift_right_logical3A_472 = arith.constant 10 : i32
        %shift_right_logical3A_473 = vector.broadcast %shift_right_logical3A_472 : i32 to vector<16xi32>
        %shift_right_logical3A_474 = arith.shrui %get3A_407, %shift_right_logical3A_473 : vector<16xi32>
        %and3A_475 = arith.constant 2047 : i32
        %and3A_476 = vector.broadcast %and3A_475 : i32 to vector<16xi32>
        %and3A_477 = arith.andi %shift_right_logical3A_474, %and3A_476 : vector<16xi32>
        %eq3A_478 = vector.broadcast %select_n3A : i32 to vector<16xi32>
        %eq3A_479 = arith.cmpi eq, %shift_right_logical3A_409, %eq3A_478 : vector<16xi32>
        %eq3A_480 = vector.broadcast %select_n3A : i32 to vector<16xi32>
        %eq3A_481 = arith.cmpi eq, %shift_right_logical3A_412, %eq3A_480 : vector<16xi32>
        %eq3A_482 = vector.broadcast %select_n3A : i32 to vector<16xi32>
        %eq3A_483 = arith.cmpi eq, %shift_right_logical3A_415, %eq3A_482 : vector<16xi32>
        %eq3A_484 = vector.broadcast %select_n3A : i32 to vector<16xi32>
        %eq3A_485 = arith.cmpi eq, %shift_right_logical3A_418, %eq3A_484 : vector<16xi32>
        %eq3A_486 = vector.broadcast %select_n3A : i32 to vector<16xi32>
        %eq3A_487 = arith.cmpi eq, %shift_right_logical3A_421, %eq3A_486 : vector<16xi32>
        %eq3A_488 = vector.broadcast %select_n3A : i32 to vector<16xi32>
        %eq3A_489 = arith.cmpi eq, %shift_right_logical3A_424, %eq3A_488 : vector<16xi32>
        %eq3A_490 = vector.broadcast %select_n3A : i32 to vector<16xi32>
        %eq3A_491 = arith.cmpi eq, %shift_right_logical3A_427, %eq3A_490 : vector<16xi32>
        %eq3A_492 = vector.broadcast %select_n3A : i32 to vector<16xi32>
        %eq3A_493 = arith.cmpi eq, %shift_right_logical3A_430, %eq3A_492 : vector<16xi32>
        %eq3A_494 = vector.broadcast %select_n3A_79 : i32 to vector<16xi32>
        %eq3A_495 = arith.cmpi eq, %shift_right_logical3A_409, %eq3A_494 : vector<16xi32>
        %eq3A_496 = vector.broadcast %select_n3A_79 : i32 to vector<16xi32>
        %eq3A_497 = arith.cmpi eq, %shift_right_logical3A_412, %eq3A_496 : vector<16xi32>
        %eq3A_498 = vector.broadcast %select_n3A_79 : i32 to vector<16xi32>
        %eq3A_499 = arith.cmpi eq, %shift_right_logical3A_415, %eq3A_498 : vector<16xi32>
        %eq3A_500 = vector.broadcast %select_n3A_79 : i32 to vector<16xi32>
        %eq3A_501 = arith.cmpi eq, %shift_right_logical3A_418, %eq3A_500 : vector<16xi32>
        %eq3A_502 = vector.broadcast %select_n3A_79 : i32 to vector<16xi32>
        %eq3A_503 = arith.cmpi eq, %shift_right_logical3A_421, %eq3A_502 : vector<16xi32>
        %eq3A_504 = vector.broadcast %select_n3A_79 : i32 to vector<16xi32>
        %eq3A_505 = arith.cmpi eq, %shift_right_logical3A_424, %eq3A_504 : vector<16xi32>
        %eq3A_506 = vector.broadcast %select_n3A_79 : i32 to vector<16xi32>
        %eq3A_507 = arith.cmpi eq, %shift_right_logical3A_427, %eq3A_506 : vector<16xi32>
        %eq3A_508 = vector.broadcast %select_n3A_79 : i32 to vector<16xi32>
        %eq3A_509 = arith.cmpi eq, %shift_right_logical3A_430, %eq3A_508 : vector<16xi32>
        tpu.vector_store_idx %arg7[%and3A_435, %iota3A], %broadcast_in_dim3A_1 masked %eq3A_479 {add = true} : memref<2048x16xi32, #tpu.memory_space<vmem>>[vector<16xi32>, vector<16xi32>], vector<16xi32>, vector<16xi1>
        tpu.vector_store_idx %arg7[%and3A_441, %iota3A], %broadcast_in_dim3A_1 masked %eq3A_481 {add = true} : memref<2048x16xi32, #tpu.memory_space<vmem>>[vector<16xi32>, vector<16xi32>], vector<16xi32>, vector<16xi1>
        tpu.vector_store_idx %arg7[%and3A_447, %iota3A], %broadcast_in_dim3A_1 masked %eq3A_483 {add = true} : memref<2048x16xi32, #tpu.memory_space<vmem>>[vector<16xi32>, vector<16xi32>], vector<16xi32>, vector<16xi1>
        tpu.vector_store_idx %arg7[%and3A_453, %iota3A], %broadcast_in_dim3A_1 masked %eq3A_485 {add = true} : memref<2048x16xi32, #tpu.memory_space<vmem>>[vector<16xi32>, vector<16xi32>], vector<16xi32>, vector<16xi1>
        tpu.vector_store_idx %arg7[%and3A_459, %iota3A], %broadcast_in_dim3A_1 masked %eq3A_487 {add = true} : memref<2048x16xi32, #tpu.memory_space<vmem>>[vector<16xi32>, vector<16xi32>], vector<16xi32>, vector<16xi1>
        tpu.vector_store_idx %arg7[%and3A_465, %iota3A], %broadcast_in_dim3A_1 masked %eq3A_489 {add = true} : memref<2048x16xi32, #tpu.memory_space<vmem>>[vector<16xi32>, vector<16xi32>], vector<16xi32>, vector<16xi1>
        tpu.vector_store_idx %arg7[%and3A_471, %iota3A], %broadcast_in_dim3A_1 masked %eq3A_491 {add = true} : memref<2048x16xi32, #tpu.memory_space<vmem>>[vector<16xi32>, vector<16xi32>], vector<16xi32>, vector<16xi1>
        tpu.vector_store_idx %arg7[%and3A_477, %iota3A], %broadcast_in_dim3A_1 masked %eq3A_493 {add = true} : memref<2048x16xi32, #tpu.memory_space<vmem>>[vector<16xi32>, vector<16xi32>], vector<16xi32>, vector<16xi1>
        tpu.vector_store_idx %arg8[%and3A_435, %iota3A], %broadcast_in_dim3A_1 masked %eq3A_495 {add = true} : memref<2048x16xi32, #tpu.memory_space<vmem>>[vector<16xi32>, vector<16xi32>], vector<16xi32>, vector<16xi1>
        tpu.vector_store_idx %arg8[%and3A_441, %iota3A], %broadcast_in_dim3A_1 masked %eq3A_497 {add = true} : memref<2048x16xi32, #tpu.memory_space<vmem>>[vector<16xi32>, vector<16xi32>], vector<16xi32>, vector<16xi1>
        tpu.vector_store_idx %arg8[%and3A_447, %iota3A], %broadcast_in_dim3A_1 masked %eq3A_499 {add = true} : memref<2048x16xi32, #tpu.memory_space<vmem>>[vector<16xi32>, vector<16xi32>], vector<16xi32>, vector<16xi1>
        tpu.vector_store_idx %arg8[%and3A_453, %iota3A], %broadcast_in_dim3A_1 masked %eq3A_501 {add = true} : memref<2048x16xi32, #tpu.memory_space<vmem>>[vector<16xi32>, vector<16xi32>], vector<16xi32>, vector<16xi1>
        tpu.vector_store_idx %arg8[%and3A_459, %iota3A], %broadcast_in_dim3A_1 masked %eq3A_503 {add = true} : memref<2048x16xi32, #tpu.memory_space<vmem>>[vector<16xi32>, vector<16xi32>], vector<16xi32>, vector<16xi1>
        tpu.vector_store_idx %arg8[%and3A_465, %iota3A], %broadcast_in_dim3A_1 masked %eq3A_505 {add = true} : memref<2048x16xi32, #tpu.memory_space<vmem>>[vector<16xi32>, vector<16xi32>], vector<16xi32>, vector<16xi1>
        tpu.vector_store_idx %arg8[%and3A_471, %iota3A], %broadcast_in_dim3A_1 masked %eq3A_507 {add = true} : memref<2048x16xi32, #tpu.memory_space<vmem>>[vector<16xi32>, vector<16xi32>], vector<16xi32>, vector<16xi1>
        tpu.vector_store_idx %arg8[%and3A_477, %iota3A], %broadcast_in_dim3A_1 masked %eq3A_509 {add = true} : memref<2048x16xi32, #tpu.memory_space<vmem>>[vector<16xi32>, vector<16xi32>], vector<16xi32>, vector<16xi1>
      }
      %scan3A_356 = arith.constant 64 : i32
      %lt3A_357 = arith.constant 15 : i32
      %lt3A_358 = arith.cmpi slt, %scan3A_335, %lt3A_357 : i32
      %convert_element_type3A = arith.extui %lt3A_358 : i1 to i32
      %cond3A = arith.constant 0 : i32
      %cond3A_359 = arith.cmpi ne, %convert_element_type3A, %cond3A : i32
      scf.if %cond3A_359 {
        %add3A_372 = arith.constant 2 : i32
        %add3A_373 = arith.addi %mul3A_337, %add3A_372 : i32
        %mul3A_374 = arith.constant 8192 : i32
        %mul3A_375 = arith.muli %add3A_373, %mul3A_374 : i32
        %dma_start3A_376 = tpu.memref_slice %arg2[%add3A, %mul3A_375] : memref<32x262144xi32, #tpu.memory_space<hbm>> -> memref<1x8192xi32, #tpu.memory_space<hbm>>
        %dma_start3A_377 = tpu.memref_squeeze %dma_start3A_376 : memref<1x8192xi32, #tpu.memory_space<hbm>> -> memref<8192xi32, #tpu.memory_space<hbm>>
        %dma_start3A_378 = tpu.memref_slice %arg2[%add3A, %mul3A_375] : memref<32x262144xi32, #tpu.memory_space<hbm>> -> memref<1x8192xi32, #tpu.memory_space<hbm>>
        %dma_start3A_379 = tpu.memref_squeeze %dma_start3A_378 : memref<1x8192xi32, #tpu.memory_space<hbm>> -> memref<8192xi32, #tpu.memory_space<hbm>>
        tpu.enqueue_dma source(%dma_start3A_379 : memref<8192xi32, #tpu.memory_space<hbm>>) target(%arg4 : memref<8192xi32, #tpu.memory_space<vmem>>) target_semaphore(%arg10 : memref<!tpu.dma_semaphore, #tpu.memory_space<semaphore_mem>>)
      } else {
      }
      %dma_wait3A_360 = arith.constant 0 : i32
      %dma_wait3A_361 = tpu.memref_slice %arg2[%add3A, %dma_wait3A_360] : memref<32x262144xi32, #tpu.memory_space<hbm>> -> memref<1x8192xi32, #tpu.memory_space<hbm>>
      %dma_wait3A_362 = tpu.memref_squeeze %dma_wait3A_361 : memref<1x8192xi32, #tpu.memory_space<hbm>> -> memref<8192xi32, #tpu.memory_space<hbm>>
      %dma_wait3A_363 = arith.constant 0 : i32
      %dma_wait3A_364 = tpu.memref_slice %arg2[%add3A, %dma_wait3A_363] : memref<32x262144xi32, #tpu.memory_space<hbm>> -> memref<1x8192xi32, #tpu.memory_space<hbm>>
      %dma_wait3A_365 = tpu.memref_squeeze %dma_wait3A_364 : memref<1x8192xi32, #tpu.memory_space<hbm>> -> memref<8192xi32, #tpu.memory_space<hbm>>
      tpu.wait_dma2 semaphore(%arg11 : memref<!tpu.dma_semaphore, #tpu.memory_space<semaphore_mem>>) src(%dma_wait3A_365 : memref<8192xi32, #tpu.memory_space<hbm>>) dst(%arg5 : memref<8192xi32, #tpu.memory_space<vmem>>)
      %scan3A_366 = arith.constant 0 : i32
      %scan3A_367 = arith.constant 0 : i32
      %scan3A_368 = arith.constant 64 : i32
      %scan3A_369 = arith.addi %scan3A_367, %scan3A_368 : i32
      %scan3A_370 = arith.constant 1 : i32
      scf.for %scan3A_372 = %scan3A_367 to %scan3A_369 step %scan3A_370  : i32 {
        %mul3A_373 = arith.constant 16 : i32
        %mul3A_374 = arith.muli %scan3A_372, %mul3A_373 : i32
        %mul3A_375 = arith.constant 8 : i32
        %mul3A_376 = arith.muli %mul3A_374, %mul3A_375 : i32
        %add3A_377 = arith.constant 0 : i32
        %add3A_378 = arith.addi %mul3A_376, %add3A_377 : i32
        %get3A = arith.index_cast %add3A_378 : i32 to index
        %get3A_379 = tpu.vector_load %arg5[%get3A] {strides = array<i32>} : memref<8192xi32, #tpu.memory_space<vmem>>, vector<16xi32>,
        %add3A_380 = arith.constant 16 : i32
        %add3A_381 = arith.addi %mul3A_376, %add3A_380 : i32
        %get3A_382 = arith.index_cast %add3A_381 : i32 to index
        %get3A_383 = tpu.vector_load %arg5[%get3A_382] {strides = array<i32>} : memref<8192xi32, #tpu.memory_space<vmem>>, vector<16xi32>,
        %add3A_384 = arith.constant 32 : i32
        %add3A_385 = arith.addi %mul3A_376, %add3A_384 : i32
        %get3A_386 = arith.index_cast %add3A_385 : i32 to index
        %get3A_387 = tpu.vector_load %arg5[%get3A_386] {strides = array<i32>} : memref<8192xi32, #tpu.memory_space<vmem>>, vector<16xi32>,
        %add3A_388 = arith.constant 48 : i32
        %add3A_389 = arith.addi %mul3A_376, %add3A_388 : i32
        %get3A_390 = arith.index_cast %add3A_389 : i32 to index
        %get3A_391 = tpu.vector_load %arg5[%get3A_390] {strides = array<i32>} : memref<8192xi32, #tpu.memory_space<vmem>>, vector<16xi32>,
        %add3A_392 = arith.constant 64 : i32
        %add3A_393 = arith.addi %mul3A_376, %add3A_392 : i32
        %get3A_394 = arith.index_cast %add3A_393 : i32 to index
        %get3A_395 = tpu.vector_load %arg5[%get3A_394] {strides = array<i32>} : memref<8192xi32, #tpu.memory_space<vmem>>, vector<16xi32>,
        %add3A_396 = arith.constant 80 : i32
        %add3A_397 = arith.addi %mul3A_376, %add3A_396 : i32
        %get3A_398 = arith.index_cast %add3A_397 : i32 to index
        %get3A_399 = tpu.vector_load %arg5[%get3A_398] {strides = array<i32>} : memref<8192xi32, #tpu.memory_space<vmem>>, vector<16xi32>,
        %add3A_400 = arith.constant 96 : i32
        %add3A_401 = arith.addi %mul3A_376, %add3A_400 : i32
        %get3A_402 = arith.index_cast %add3A_401 : i32 to index
        %get3A_403 = tpu.vector_load %arg5[%get3A_402] {strides = array<i32>} : memref<8192xi32, #tpu.memory_space<vmem>>, vector<16xi32>,
        %add3A_404 = arith.constant 112 : i32
        %add3A_405 = arith.addi %mul3A_376, %add3A_404 : i32
        %get3A_406 = arith.index_cast %add3A_405 : i32 to index
        %get3A_407 = tpu.vector_load %arg5[%get3A_406] {strides = array<i32>} : memref<8192xi32, #tpu.memory_space<vmem>>, vector<16xi32>,
        %shift_right_logical3A = arith.constant 21 : i32
        %shift_right_logical3A_408 = vector.broadcast %shift_right_logical3A : i32 to vector<16xi32>
        %shift_right_logical3A_409 = arith.shrui %get3A_379, %shift_right_logical3A_408 : vector<16xi32>
        %shift_right_logical3A_410 = arith.constant 21 : i32
        %shift_right_logical3A_411 = vector.broadcast %shift_right_logical3A_410 : i32 to vector<16xi32>
        %shift_right_logical3A_412 = arith.shrui %get3A_383, %shift_right_logical3A_411 : vector<16xi32>
        %shift_right_logical3A_413 = arith.constant 21 : i32
        %shift_right_logical3A_414 = vector.broadcast %shift_right_logical3A_413 : i32 to vector<16xi32>
        %shift_right_logical3A_415 = arith.shrui %get3A_387, %shift_right_logical3A_414 : vector<16xi32>
        %shift_right_logical3A_416 = arith.constant 21 : i32
        %shift_right_logical3A_417 = vector.broadcast %shift_right_logical3A_416 : i32 to vector<16xi32>
        %shift_right_logical3A_418 = arith.shrui %get3A_391, %shift_right_logical3A_417 : vector<16xi32>
        %shift_right_logical3A_419 = arith.constant 21 : i32
        %shift_right_logical3A_420 = vector.broadcast %shift_right_logical3A_419 : i32 to vector<16xi32>
        %shift_right_logical3A_421 = arith.shrui %get3A_395, %shift_right_logical3A_420 : vector<16xi32>
        %shift_right_logical3A_422 = arith.constant 21 : i32
        %shift_right_logical3A_423 = vector.broadcast %shift_right_logical3A_422 : i32 to vector<16xi32>
        %shift_right_logical3A_424 = arith.shrui %get3A_399, %shift_right_logical3A_423 : vector<16xi32>
        %shift_right_logical3A_425 = arith.constant 21 : i32
        %shift_right_logical3A_426 = vector.broadcast %shift_right_logical3A_425 : i32 to vector<16xi32>
        %shift_right_logical3A_427 = arith.shrui %get3A_403, %shift_right_logical3A_426 : vector<16xi32>
        %shift_right_logical3A_428 = arith.constant 21 : i32
        %shift_right_logical3A_429 = vector.broadcast %shift_right_logical3A_428 : i32 to vector<16xi32>
        %shift_right_logical3A_430 = arith.shrui %get3A_407, %shift_right_logical3A_429 : vector<16xi32>
        %shift_right_logical3A_431 = arith.constant 10 : i32
        %shift_right_logical3A_432 = vector.broadcast %shift_right_logical3A_431 : i32 to vector<16xi32>
        %shift_right_logical3A_433 = arith.shrui %get3A_379, %shift_right_logical3A_432 : vector<16xi32>
        %and3A = arith.constant 2047 : i32
        %and3A_434 = vector.broadcast %and3A : i32 to vector<16xi32>
        %and3A_435 = arith.andi %shift_right_logical3A_433, %and3A_434 : vector<16xi32>
        %shift_right_logical3A_436 = arith.constant 10 : i32
        %shift_right_logical3A_437 = vector.broadcast %shift_right_logical3A_436 : i32 to vector<16xi32>
        %shift_right_logical3A_438 = arith.shrui %get3A_383, %shift_right_logical3A_437 : vector<16xi32>
        %and3A_439 = arith.constant 2047 : i32
        %and3A_440 = vector.broadcast %and3A_439 : i32 to vector<16xi32>
        %and3A_441 = arith.andi %shift_right_logical3A_438, %and3A_440 : vector<16xi32>
        %shift_right_logical3A_442 = arith.constant 10 : i32
        %shift_right_logical3A_443 = vector.broadcast %shift_right_logical3A_442 : i32 to vector<16xi32>
        %shift_right_logical3A_444 = arith.shrui %get3A_387, %shift_right_logical3A_443 : vector<16xi32>
        %and3A_445 = arith.constant 2047 : i32
        %and3A_446 = vector.broadcast %and3A_445 : i32 to vector<16xi32>
        %and3A_447 = arith.andi %shift_right_logical3A_444, %and3A_446 : vector<16xi32>
        %shift_right_logical3A_448 = arith.constant 10 : i32
        %shift_right_logical3A_449 = vector.broadcast %shift_right_logical3A_448 : i32 to vector<16xi32>
        %shift_right_logical3A_450 = arith.shrui %get3A_391, %shift_right_logical3A_449 : vector<16xi32>
        %and3A_451 = arith.constant 2047 : i32
        %and3A_452 = vector.broadcast %and3A_451 : i32 to vector<16xi32>
        %and3A_453 = arith.andi %shift_right_logical3A_450, %and3A_452 : vector<16xi32>
        %shift_right_logical3A_454 = arith.constant 10 : i32
        %shift_right_logical3A_455 = vector.broadcast %shift_right_logical3A_454 : i32 to vector<16xi32>
        %shift_right_logical3A_456 = arith.shrui %get3A_395, %shift_right_logical3A_455 : vector<16xi32>
        %and3A_457 = arith.constant 2047 : i32
        %and3A_458 = vector.broadcast %and3A_457 : i32 to vector<16xi32>
        %and3A_459 = arith.andi %shift_right_logical3A_456, %and3A_458 : vector<16xi32>
        %shift_right_logical3A_460 = arith.constant 10 : i32
        %shift_right_logical3A_461 = vector.broadcast %shift_right_logical3A_460 : i32 to vector<16xi32>
        %shift_right_logical3A_462 = arith.shrui %get3A_399, %shift_right_logical3A_461 : vector<16xi32>
        %and3A_463 = arith.constant 2047 : i32
        %and3A_464 = vector.broadcast %and3A_463 : i32 to vector<16xi32>
        %and3A_465 = arith.andi %shift_right_logical3A_462, %and3A_464 : vector<16xi32>
        %shift_right_logical3A_466 = arith.constant 10 : i32
        %shift_right_logical3A_467 = vector.broadcast %shift_right_logical3A_466 : i32 to vector<16xi32>
        %shift_right_logical3A_468 = arith.shrui %get3A_403, %shift_right_logical3A_467 : vector<16xi32>
        %and3A_469 = arith.constant 2047 : i32
        %and3A_470 = vector.broadcast %and3A_469 : i32 to vector<16xi32>
        %and3A_471 = arith.andi %shift_right_logical3A_468, %and3A_470 : vector<16xi32>
        %shift_right_logical3A_472 = arith.constant 10 : i32
        %shift_right_logical3A_473 = vector.broadcast %shift_right_logical3A_472 : i32 to vector<16xi32>
        %shift_right_logical3A_474 = arith.shrui %get3A_407, %shift_right_logical3A_473 : vector<16xi32>
        %and3A_475 = arith.constant 2047 : i32
        %and3A_476 = vector.broadcast %and3A_475 : i32 to vector<16xi32>
        %and3A_477 = arith.andi %shift_right_logical3A_474, %and3A_476 : vector<16xi32>
        %eq3A_478 = vector.broadcast %select_n3A : i32 to vector<16xi32>
        %eq3A_479 = arith.cmpi eq, %shift_right_logical3A_409, %eq3A_478 : vector<16xi32>
        %eq3A_480 = vector.broadcast %select_n3A : i32 to vector<16xi32>
        %eq3A_481 = arith.cmpi eq, %shift_right_logical3A_412, %eq3A_480 : vector<16xi32>
        %eq3A_482 = vector.broadcast %select_n3A : i32 to vector<16xi32>
        %eq3A_483 = arith.cmpi eq, %shift_right_logical3A_415, %eq3A_482 : vector<16xi32>
        %eq3A_484 = vector.broadcast %select_n3A : i32 to vector<16xi32>
        %eq3A_485 = arith.cmpi eq, %shift_right_logical3A_418, %eq3A_484 : vector<16xi32>
        %eq3A_486 = vector.broadcast %select_n3A : i32 to vector<16xi32>
        %eq3A_487 = arith.cmpi eq, %shift_right_logical3A_421, %eq3A_486 : vector<16xi32>
        %eq3A_488 = vector.broadcast %select_n3A : i32 to vector<16xi32>
        %eq3A_489 = arith.cmpi eq, %shift_right_logical3A_424, %eq3A_488 : vector<16xi32>
        %eq3A_490 = vector.broadcast %select_n3A : i32 to vector<16xi32>
        %eq3A_491 = arith.cmpi eq, %shift_right_logical3A_427, %eq3A_490 : vector<16xi32>
        %eq3A_492 = vector.broadcast %select_n3A : i32 to vector<16xi32>
        %eq3A_493 = arith.cmpi eq, %shift_right_logical3A_430, %eq3A_492 : vector<16xi32>
        %eq3A_494 = vector.broadcast %select_n3A_79 : i32 to vector<16xi32>
        %eq3A_495 = arith.cmpi eq, %shift_right_logical3A_409, %eq3A_494 : vector<16xi32>
        %eq3A_496 = vector.broadcast %select_n3A_79 : i32 to vector<16xi32>
        %eq3A_497 = arith.cmpi eq, %shift_right_logical3A_412, %eq3A_496 : vector<16xi32>
        %eq3A_498 = vector.broadcast %select_n3A_79 : i32 to vector<16xi32>
        %eq3A_499 = arith.cmpi eq, %shift_right_logical3A_415, %eq3A_498 : vector<16xi32>
        %eq3A_500 = vector.broadcast %select_n3A_79 : i32 to vector<16xi32>
        %eq3A_501 = arith.cmpi eq, %shift_right_logical3A_418, %eq3A_500 : vector<16xi32>
        %eq3A_502 = vector.broadcast %select_n3A_79 : i32 to vector<16xi32>
        %eq3A_503 = arith.cmpi eq, %shift_right_logical3A_421, %eq3A_502 : vector<16xi32>
        %eq3A_504 = vector.broadcast %select_n3A_79 : i32 to vector<16xi32>
        %eq3A_505 = arith.cmpi eq, %shift_right_logical3A_424, %eq3A_504 : vector<16xi32>
        %eq3A_506 = vector.broadcast %select_n3A_79 : i32 to vector<16xi32>
        %eq3A_507 = arith.cmpi eq, %shift_right_logical3A_427, %eq3A_506 : vector<16xi32>
        %eq3A_508 = vector.broadcast %select_n3A_79 : i32 to vector<16xi32>
        %eq3A_509 = arith.cmpi eq, %shift_right_logical3A_430, %eq3A_508 : vector<16xi32>
        tpu.vector_store_idx %arg7[%and3A_435, %iota3A], %broadcast_in_dim3A_1 masked %eq3A_479 {add = true} : memref<2048x16xi32, #tpu.memory_space<vmem>>[vector<16xi32>, vector<16xi32>], vector<16xi32>, vector<16xi1>
        tpu.vector_store_idx %arg7[%and3A_441, %iota3A], %broadcast_in_dim3A_1 masked %eq3A_481 {add = true} : memref<2048x16xi32, #tpu.memory_space<vmem>>[vector<16xi32>, vector<16xi32>], vector<16xi32>, vector<16xi1>
        tpu.vector_store_idx %arg7[%and3A_447, %iota3A], %broadcast_in_dim3A_1 masked %eq3A_483 {add = true} : memref<2048x16xi32, #tpu.memory_space<vmem>>[vector<16xi32>, vector<16xi32>], vector<16xi32>, vector<16xi1>
        tpu.vector_store_idx %arg7[%and3A_453, %iota3A], %broadcast_in_dim3A_1 masked %eq3A_485 {add = true} : memref<2048x16xi32, #tpu.memory_space<vmem>>[vector<16xi32>, vector<16xi32>], vector<16xi32>, vector<16xi1>
        tpu.vector_store_idx %arg7[%and3A_459, %iota3A], %broadcast_in_dim3A_1 masked %eq3A_487 {add = true} : memref<2048x16xi32, #tpu.memory_space<vmem>>[vector<16xi32>, vector<16xi32>], vector<16xi32>, vector<16xi1>
        tpu.vector_store_idx %arg7[%and3A_465, %iota3A], %broadcast_in_dim3A_1 masked %eq3A_489 {add = true} : memref<2048x16xi32, #tpu.memory_space<vmem>>[vector<16xi32>, vector<16xi32>], vector<16xi32>, vector<16xi1>
        tpu.vector_store_idx %arg7[%and3A_471, %iota3A], %broadcast_in_dim3A_1 masked %eq3A_491 {add = true} : memref<2048x16xi32, #tpu.memory_space<vmem>>[vector<16xi32>, vector<16xi32>], vector<16xi32>, vector<16xi1>
        tpu.vector_store_idx %arg7[%and3A_477, %iota3A], %broadcast_in_dim3A_1 masked %eq3A_493 {add = true} : memref<2048x16xi32, #tpu.memory_space<vmem>>[vector<16xi32>, vector<16xi32>], vector<16xi32>, vector<16xi1>
        tpu.vector_store_idx %arg8[%and3A_435, %iota3A], %broadcast_in_dim3A_1 masked %eq3A_495 {add = true} : memref<2048x16xi32, #tpu.memory_space<vmem>>[vector<16xi32>, vector<16xi32>], vector<16xi32>, vector<16xi1>
        tpu.vector_store_idx %arg8[%and3A_441, %iota3A], %broadcast_in_dim3A_1 masked %eq3A_497 {add = true} : memref<2048x16xi32, #tpu.memory_space<vmem>>[vector<16xi32>, vector<16xi32>], vector<16xi32>, vector<16xi1>
        tpu.vector_store_idx %arg8[%and3A_447, %iota3A], %broadcast_in_dim3A_1 masked %eq3A_499 {add = true} : memref<2048x16xi32, #tpu.memory_space<vmem>>[vector<16xi32>, vector<16xi32>], vector<16xi32>, vector<16xi1>
        tpu.vector_store_idx %arg8[%and3A_453, %iota3A], %broadcast_in_dim3A_1 masked %eq3A_501 {add = true} : memref<2048x16xi32, #tpu.memory_space<vmem>>[vector<16xi32>, vector<16xi32>], vector<16xi32>, vector<16xi1>
        tpu.vector_store_idx %arg8[%and3A_459, %iota3A], %broadcast_in_dim3A_1 masked %eq3A_503 {add = true} : memref<2048x16xi32, #tpu.memory_space<vmem>>[vector<16xi32>, vector<16xi32>], vector<16xi32>, vector<16xi1>
        tpu.vector_store_idx %arg8[%and3A_465, %iota3A], %broadcast_in_dim3A_1 masked %eq3A_505 {add = true} : memref<2048x16xi32, #tpu.memory_space<vmem>>[vector<16xi32>, vector<16xi32>], vector<16xi32>, vector<16xi1>
        tpu.vector_store_idx %arg8[%and3A_471, %iota3A], %broadcast_in_dim3A_1 masked %eq3A_507 {add = true} : memref<2048x16xi32, #tpu.memory_space<vmem>>[vector<16xi32>, vector<16xi32>], vector<16xi32>, vector<16xi1>
        tpu.vector_store_idx %arg8[%and3A_477, %iota3A], %broadcast_in_dim3A_1 masked %eq3A_509 {add = true} : memref<2048x16xi32, #tpu.memory_space<vmem>>[vector<16xi32>, vector<16xi32>], vector<16xi32>, vector<16xi1>
      }
      %scan3A_371 = arith.constant 64 : i32
    }
    %scan3A_109 = arith.constant 16 : i32
    %scan3A_110 = arith.constant 0 : i32
    %scan3A_111 = arith.constant 0 : i32
    %scan3A_112 = arith.constant 0 : i32
    %scan3A_113 = arith.constant 0 : i32
    %scan3A_114 = arith.constant 0 : i32
    %scan3A_115 = arith.constant 0 : i32
    %scan3A_116 = arith.constant 0 : i32
    %scan3A_117 = arith.constant 0 : i32
    %scan3A_118 = arith.constant 128 : i32
    %scan3A_119 = arith.addi %scan3A_117, %scan3A_118 : i32
    %scan3A_120 = arith.constant 1 : i32
    %scan3A_121:7 = scf.for %scan3A_335 = %scan3A_117 to %scan3A_119 step %scan3A_120 iter_args(%scan3A_336 = %scan3A_110, %scan3A_337 = %scan3A_111, %scan3A_338 = %scan3A_112, %scan3A_339 = %scan3A_113, %scan3A_340 = %scan3A_114, %scan3A_341 = %scan3A_115, %scan3A_342 = %scan3A_116) -> (i32, i32, i32, i32, i32, i32, i32)  : i32 {
      %broadcast_in_dim3A_343 = arith.constant 0 : i32
      %broadcast_in_dim3A_344 = vector.broadcast %broadcast_in_dim3A_343 : i32 to vector<16xi32>
      %scan3A_345 = arith.constant 0 : i32
      %scan3A_346 = arith.constant 16 : i32
      %scan3A_347 = arith.addi %scan3A_345, %scan3A_346 : i32
      %scan3A_348 = arith.constant 1 : i32
      %scan3A_349 = scf.for %scan3A_383 = %scan3A_345 to %scan3A_347 step %scan3A_348 iter_args(%scan3A_384 = %broadcast_in_dim3A_344) -> (vector<16xi32>)  : i32 {
        %mul3A_385 = arith.constant 16 : i32
        %mul3A_386 = arith.muli %scan3A_335, %mul3A_385 : i32
        %add3A_387 = arith.addi %mul3A_386, %scan3A_383 : i32
        %eq3A_388 = arith.constant 1 : i32
        %eq3A_389 = arith.cmpi eq, %select_n3A_86, %eq3A_388 : i32
        %sub3A_390 = arith.constant 2047 : i32
        %sub3A_391 = arith.subi %sub3A_390, %add3A_387 : i32
        %select_n3A_392 = arith.select %eq3A_389, %sub3A_391, %add3A_387 : i32
        %add3A_393 = arith.constant 0 : i32
        %add3A_394 = arith.addi %add3A_393, %select_n3A_392 : i32
        %get3A = arith.index_cast %add3A_394 : i32 to index
        %get3A_395 = arith.constant 0 : index
        %get3A_396 = tpu.vector_load %arg7[%get3A, %get3A_395] {strides = array<i32>} : memref<2048x16xi32, #tpu.memory_space<vmem>>, vector<16xi32>,
        %add3A_397 = arith.addi %scan3A_384, %get3A_396 : vector<16xi32>
        scf.yield %add3A_397 : vector<16xi32>
      }
      %scan3A_350 = arith.constant 16 : i32
      %reduce_sum3A = arith.constant true
      %reduce_sum3A_351 = vector.broadcast %reduce_sum3A : i1 to vector<16xi1>
      %reduce_sum3A_352 = tpu.scan <sum>, %scan3A_349 masked %reduce_sum3A_351 : vector<16xi32>, vector<16xi1> -> vector<16xi32>
      %reduce_sum3A_353 = vector.extract %reduce_sum3A_352[15] : i32 from vector<16xi32>
      %add3A_354 = arith.addi %scan3A_336, %reduce_sum3A_353 : i32
      %sub3A_355 = arith.constant 1 : i32
      %sub3A_356 = arith.subi %sub3A_355, %scan3A_339 : i32
      %ge3A_357 = arith.cmpi sge, %add3A_354, %sub3A_81 : i32
      %jit3A_358 = arith.constant 1 : i32
      %jit3A_359 = arith.constant 0 : i32
      %select_n3A_360 = arith.select %ge3A_357, %jit3A_358, %jit3A_359 : i32
      %mul3A_361 = arith.muli %sub3A_356, %select_n3A_360 : i32
      %eq3A_362 = arith.constant 1 : i32
      %eq3A_363 = arith.cmpi eq, %mul3A_361, %eq3A_362 : i32
      %select_n3A_364 = arith.select %eq3A_363, %scan3A_335, %scan3A_337 : i32
      %eq3A_365 = arith.constant 1 : i32
      %eq3A_366 = arith.cmpi eq, %mul3A_361, %eq3A_365 : i32
      %select_n3A_367 = arith.select %eq3A_366, %scan3A_336, %scan3A_338 : i32
      %sub3A_368 = arith.constant 1 : i32
      %sub3A_369 = arith.subi %sub3A_368, %scan3A_342 : i32
      %ge3A_370 = arith.cmpi sge, %add3A_354, %sub3A_81 : i32
      %jit3A_371 = arith.constant 1 : i32
      %jit3A_372 = arith.constant 0 : i32
      %select_n3A_373 = arith.select %ge3A_370, %jit3A_371, %jit3A_372 : i32
      %mul3A_374 = arith.muli %sub3A_369, %select_n3A_373 : i32
      %eq3A_375 = arith.constant 1 : i32
      %eq3A_376 = arith.cmpi eq, %mul3A_374, %eq3A_375 : i32
      %select_n3A_377 = arith.select %eq3A_376, %scan3A_335, %scan3A_340 : i32
      %eq3A_378 = arith.constant 1 : i32
      %eq3A_379 = arith.cmpi eq, %mul3A_374, %eq3A_378 : i32
      %select_n3A_380 = arith.select %eq3A_379, %scan3A_336, %scan3A_341 : i32
      %or3A_381 = arith.ori %scan3A_339, %mul3A_361 : i32
      %or3A_382 = arith.ori %scan3A_342, %mul3A_374 : i32
      scf.yield %add3A_354, %select_n3A_364, %select_n3A_367, %or3A_381, %select_n3A_377, %select_n3A_380, %or3A_382 : i32, i32, i32, i32, i32, i32, i32
    }
    %scan3A_122 = arith.constant 128 : i32
    %scan3A_123 = arith.constant 0 : i32
    %scan3A_124 = arith.constant 0 : i32
    %scan3A_125 = arith.constant 0 : i32
    %scan3A_126 = arith.constant 16 : i32
    %scan3A_127 = arith.addi %scan3A_125, %scan3A_126 : i32
    %scan3A_128 = arith.constant 1 : i32
    %scan3A_129:4 = scf.for %scan3A_335 = %scan3A_125 to %scan3A_127 step %scan3A_128 iter_args(%scan3A_336 = %scan3A_121#2, %scan3A_337 = %scan3A_123, %scan3A_338 = %scan3A_121#2, %scan3A_339 = %scan3A_124) -> (i32, i32, i32, i32)  : i32 {
      %mul3A_340 = arith.constant 16 : i32
      %mul3A_341 = arith.muli %scan3A_121#1, %mul3A_340 : i32
      %add3A_342 = arith.addi %mul3A_341, %scan3A_335 : i32
      %eq3A_343 = arith.constant 1 : i32
      %eq3A_344 = arith.cmpi eq, %select_n3A_86, %eq3A_343 : i32
      %sub3A_345 = arith.constant 2047 : i32
      %sub3A_346 = arith.subi %sub3A_345, %add3A_342 : i32
      %select_n3A_347 = arith.select %eq3A_344, %sub3A_346, %add3A_342 : i32
      %add3A_348 = arith.constant 0 : i32
      %add3A_349 = arith.addi %add3A_348, %select_n3A_347 : i32
      %get3A = arith.index_cast %add3A_349 : i32 to index
      %get3A_350 = arith.constant 0 : index
      %get3A_351 = tpu.vector_load %arg7[%get3A, %get3A_350] {strides = array<i32>} : memref<2048x16xi32, #tpu.memory_space<vmem>>, vector<16xi32>,
      %reduce_sum3A = arith.constant true
      %reduce_sum3A_352 = vector.broadcast %reduce_sum3A : i1 to vector<16xi1>
      %reduce_sum3A_353 = tpu.scan <sum>, %get3A_351 masked %reduce_sum3A_352 : vector<16xi32>, vector<16xi1> -> vector<16xi32>
      %reduce_sum3A_354 = vector.extract %reduce_sum3A_353[15] : i32 from vector<16xi32>
      %sub3A_355 = arith.constant 1 : i32
      %sub3A_356 = arith.subi %sub3A_355, %scan3A_339 : i32
      %add3A_357 = arith.addi %scan3A_336, %reduce_sum3A_354 : i32
      %ge3A_358 = arith.cmpi sge, %add3A_357, %sub3A_81 : i32
      %jit3A_359 = arith.constant 1 : i32
      %jit3A_360 = arith.constant 0 : i32
      %select_n3A_361 = arith.select %ge3A_358, %jit3A_359, %jit3A_360 : i32
      %mul3A_362 = arith.muli %sub3A_356, %select_n3A_361 : i32
      %eq3A_363 = arith.constant 1 : i32
      %eq3A_364 = arith.cmpi eq, %mul3A_362, %eq3A_363 : i32
      %select_n3A_365 = arith.select %eq3A_364, %scan3A_335, %scan3A_337 : i32
      %eq3A_366 = arith.constant 1 : i32
      %eq3A_367 = arith.cmpi eq, %mul3A_362, %eq3A_366 : i32
      %select_n3A_368 = arith.select %eq3A_367, %scan3A_336, %scan3A_338 : i32
      %add3A_369 = arith.addi %scan3A_336, %reduce_sum3A_354 : i32
      %or3A_370 = arith.ori %scan3A_339, %mul3A_362 : i32
      scf.yield %add3A_369, %select_n3A_365, %select_n3A_368, %or3A_370 : i32, i32, i32, i32
    }
    %scan3A_130 = arith.constant 16 : i32
    %mul3A_131 = arith.constant 16 : i32
    %mul3A_132 = arith.muli %scan3A_121#1, %mul3A_131 : i32
    %add3A_133 = arith.addi %mul3A_132, %scan3A_129#1 : i32
    %eq3A = arith.constant 1 : i32
    %eq3A_134 = arith.cmpi eq, %select_n3A_86, %eq3A : i32
    %sub3A_135 = arith.constant 2047 : i32
    %sub3A_136 = arith.subi %sub3A_135, %add3A_133 : i32
    %select_n3A_137 = arith.select %eq3A_134, %sub3A_136, %add3A_133 : i32
    %scan3A_138 = arith.constant 0 : i32
    %scan3A_139 = arith.constant 0 : i32
    %scan3A_140 = arith.constant 0 : i32
    %scan3A_141 = arith.constant 16 : i32
    %scan3A_142 = arith.addi %scan3A_140, %scan3A_141 : i32
    %scan3A_143 = arith.constant 1 : i32
    %scan3A_144:4 = scf.for %scan3A_335 = %scan3A_140 to %scan3A_142 step %scan3A_143 iter_args(%scan3A_336 = %scan3A_121#5, %scan3A_337 = %scan3A_138, %scan3A_338 = %scan3A_121#5, %scan3A_339 = %scan3A_139) -> (i32, i32, i32, i32)  : i32 {
      %mul3A_340 = arith.constant 16 : i32
      %mul3A_341 = arith.muli %scan3A_121#4, %mul3A_340 : i32
      %add3A_342 = arith.addi %mul3A_341, %scan3A_335 : i32
      %eq3A_343 = arith.constant 1 : i32
      %eq3A_344 = arith.cmpi eq, %select_n3A_86, %eq3A_343 : i32
      %sub3A_345 = arith.constant 2047 : i32
      %sub3A_346 = arith.subi %sub3A_345, %add3A_342 : i32
      %select_n3A_347 = arith.select %eq3A_344, %sub3A_346, %add3A_342 : i32
      %add3A_348 = arith.constant 0 : i32
      %add3A_349 = arith.addi %add3A_348, %select_n3A_347 : i32
      %get3A = arith.index_cast %add3A_349 : i32 to index
      %get3A_350 = arith.constant 0 : index
      %get3A_351 = tpu.vector_load %arg7[%get3A, %get3A_350] {strides = array<i32>} : memref<2048x16xi32, #tpu.memory_space<vmem>>, vector<16xi32>,
      %reduce_sum3A = arith.constant true
      %reduce_sum3A_352 = vector.broadcast %reduce_sum3A : i1 to vector<16xi1>
      %reduce_sum3A_353 = tpu.scan <sum>, %get3A_351 masked %reduce_sum3A_352 : vector<16xi32>, vector<16xi1> -> vector<16xi32>
      %reduce_sum3A_354 = vector.extract %reduce_sum3A_353[15] : i32 from vector<16xi32>
      %sub3A_355 = arith.constant 1 : i32
      %sub3A_356 = arith.subi %sub3A_355, %scan3A_339 : i32
      %add3A_357 = arith.addi %scan3A_336, %reduce_sum3A_354 : i32
      %ge3A_358 = arith.cmpi sge, %add3A_357, %sub3A_81 : i32
      %jit3A_359 = arith.constant 1 : i32
      %jit3A_360 = arith.constant 0 : i32
      %select_n3A_361 = arith.select %ge3A_358, %jit3A_359, %jit3A_360 : i32
      %mul3A_362 = arith.muli %sub3A_356, %select_n3A_361 : i32
      %eq3A_363 = arith.constant 1 : i32
      %eq3A_364 = arith.cmpi eq, %mul3A_362, %eq3A_363 : i32
      %select_n3A_365 = arith.select %eq3A_364, %scan3A_335, %scan3A_337 : i32
      %eq3A_366 = arith.constant 1 : i32
      %eq3A_367 = arith.cmpi eq, %mul3A_362, %eq3A_366 : i32
      %select_n3A_368 = arith.select %eq3A_367, %scan3A_336, %scan3A_338 : i32
      %add3A_369 = arith.addi %scan3A_336, %reduce_sum3A_354 : i32
      %or3A_370 = arith.ori %scan3A_339, %mul3A_362 : i32
      scf.yield %add3A_369, %select_n3A_365, %select_n3A_368, %or3A_370 : i32, i32, i32, i32
    }
    %scan3A_145 = arith.constant 16 : i32
    %mul3A_146 = arith.constant 16 : i32
    %mul3A_147 = arith.muli %scan3A_121#4, %mul3A_146 : i32
    %add3A_148 = arith.addi %mul3A_147, %scan3A_144#1 : i32
    %eq3A_149 = arith.constant 1 : i32
    %eq3A_150 = arith.cmpi eq, %select_n3A_86, %eq3A_149 : i32
    %sub3A_151 = arith.constant 2047 : i32
    %sub3A_152 = arith.subi %sub3A_151, %add3A_148 : i32
    %select_n3A_153 = arith.select %eq3A_150, %sub3A_152, %add3A_148 : i32
    %scan3A_154 = arith.constant 0 : i32
    %scan3A_155 = arith.constant 0 : i32
    %scan3A_156 = arith.constant 0 : i32
    %scan3A_157 = arith.constant 0 : i32
    %scan3A_158 = arith.constant 0 : i32
    %scan3A_159 = arith.constant 0 : i32
    %scan3A_160 = arith.constant 0 : i32
    %scan3A_161 = arith.constant 0 : i32
    %scan3A_162 = arith.constant 128 : i32
    %scan3A_163 = arith.addi %scan3A_161, %scan3A_162 : i32
    %scan3A_164 = arith.constant 1 : i32
    %scan3A_165:7 = scf.for %scan3A_335 = %scan3A_161 to %scan3A_163 step %scan3A_164 iter_args(%scan3A_336 = %scan3A_154, %scan3A_337 = %scan3A_155, %scan3A_338 = %scan3A_156, %scan3A_339 = %scan3A_157, %scan3A_340 = %scan3A_158, %scan3A_341 = %scan3A_159, %scan3A_342 = %scan3A_160) -> (i32, i32, i32, i32, i32, i32, i32)  : i32 {
      %broadcast_in_dim3A_343 = arith.constant 0 : i32
      %broadcast_in_dim3A_344 = vector.broadcast %broadcast_in_dim3A_343 : i32 to vector<16xi32>
      %scan3A_345 = arith.constant 0 : i32
      %scan3A_346 = arith.constant 16 : i32
      %scan3A_347 = arith.addi %scan3A_345, %scan3A_346 : i32
      %scan3A_348 = arith.constant 1 : i32
      %scan3A_349 = scf.for %scan3A_383 = %scan3A_345 to %scan3A_347 step %scan3A_348 iter_args(%scan3A_384 = %broadcast_in_dim3A_344) -> (vector<16xi32>)  : i32 {
        %mul3A_385 = arith.constant 16 : i32
        %mul3A_386 = arith.muli %scan3A_335, %mul3A_385 : i32
        %add3A_387 = arith.addi %mul3A_386, %scan3A_383 : i32
        %eq3A_388 = arith.constant 1 : i32
        %eq3A_389 = arith.cmpi eq, %select_n3A_91, %eq3A_388 : i32
        %sub3A_390 = arith.constant 2047 : i32
        %sub3A_391 = arith.subi %sub3A_390, %add3A_387 : i32
        %select_n3A_392 = arith.select %eq3A_389, %sub3A_391, %add3A_387 : i32
        %add3A_393 = arith.constant 0 : i32
        %add3A_394 = arith.addi %add3A_393, %select_n3A_392 : i32
        %get3A = arith.index_cast %add3A_394 : i32 to index
        %get3A_395 = arith.constant 0 : index
        %get3A_396 = tpu.vector_load %arg8[%get3A, %get3A_395] {strides = array<i32>} : memref<2048x16xi32, #tpu.memory_space<vmem>>, vector<16xi32>,
        %add3A_397 = arith.addi %scan3A_384, %get3A_396 : vector<16xi32>
        scf.yield %add3A_397 : vector<16xi32>
      }
      %scan3A_350 = arith.constant 16 : i32
      %reduce_sum3A = arith.constant true
      %reduce_sum3A_351 = vector.broadcast %reduce_sum3A : i1 to vector<16xi1>
      %reduce_sum3A_352 = tpu.scan <sum>, %scan3A_349 masked %reduce_sum3A_351 : vector<16xi32>, vector<16xi1> -> vector<16xi32>
      %reduce_sum3A_353 = vector.extract %reduce_sum3A_352[15] : i32 from vector<16xi32>
      %add3A_354 = arith.addi %scan3A_336, %reduce_sum3A_353 : i32
      %sub3A_355 = arith.constant 1 : i32
      %sub3A_356 = arith.subi %sub3A_355, %scan3A_339 : i32
      %ge3A_357 = arith.cmpi sge, %add3A_354, %sub3A_83 : i32
      %jit3A_358 = arith.constant 1 : i32
      %jit3A_359 = arith.constant 0 : i32
      %select_n3A_360 = arith.select %ge3A_357, %jit3A_358, %jit3A_359 : i32
      %mul3A_361 = arith.muli %sub3A_356, %select_n3A_360 : i32
      %eq3A_362 = arith.constant 1 : i32
      %eq3A_363 = arith.cmpi eq, %mul3A_361, %eq3A_362 : i32
      %select_n3A_364 = arith.select %eq3A_363, %scan3A_335, %scan3A_337 : i32
      %eq3A_365 = arith.constant 1 : i32
      %eq3A_366 = arith.cmpi eq, %mul3A_361, %eq3A_365 : i32
      %select_n3A_367 = arith.select %eq3A_366, %scan3A_336, %scan3A_338 : i32
      %sub3A_368 = arith.constant 1 : i32
      %sub3A_369 = arith.subi %sub3A_368, %scan3A_342 : i32
      %ge3A_370 = arith.cmpi sge, %add3A_354, %sub3A_83 : i32
      %jit3A_371 = arith.constant 1 : i32
      %jit3A_372 = arith.constant 0 : i32
      %select_n3A_373 = arith.select %ge3A_370, %jit3A_371, %jit3A_372 : i32
      %mul3A_374 = arith.muli %sub3A_369, %select_n3A_373 : i32
      %eq3A_375 = arith.constant 1 : i32
      %eq3A_376 = arith.cmpi eq, %mul3A_374, %eq3A_375 : i32
      %select_n3A_377 = arith.select %eq3A_376, %scan3A_335, %scan3A_340 : i32
      %eq3A_378 = arith.constant 1 : i32
      %eq3A_379 = arith.cmpi eq, %mul3A_374, %eq3A_378 : i32
      %select_n3A_380 = arith.select %eq3A_379, %scan3A_336, %scan3A_341 : i32
      %or3A_381 = arith.ori %scan3A_339, %mul3A_361 : i32
      %or3A_382 = arith.ori %scan3A_342, %mul3A_374 : i32
      scf.yield %add3A_354, %select_n3A_364, %select_n3A_367, %or3A_381, %select_n3A_377, %select_n3A_380, %or3A_382 : i32, i32, i32, i32, i32, i32, i32
    }
    %scan3A_166 = arith.constant 128 : i32
    %scan3A_167 = arith.constant 0 : i32
    %scan3A_168 = arith.constant 0 : i32
    %scan3A_169 = arith.constant 0 : i32
    %scan3A_170 = arith.constant 16 : i32
    %scan3A_171 = arith.addi %scan3A_169, %scan3A_170 : i32
    %scan3A_172 = arith.constant 1 : i32
    %scan3A_173:4 = scf.for %scan3A_335 = %scan3A_169 to %scan3A_171 step %scan3A_172 iter_args(%scan3A_336 = %scan3A_165#2, %scan3A_337 = %scan3A_167, %scan3A_338 = %scan3A_165#2, %scan3A_339 = %scan3A_168) -> (i32, i32, i32, i32)  : i32 {
      %mul3A_340 = arith.constant 16 : i32
      %mul3A_341 = arith.muli %scan3A_165#1, %mul3A_340 : i32
      %add3A_342 = arith.addi %mul3A_341, %scan3A_335 : i32
      %eq3A_343 = arith.constant 1 : i32
      %eq3A_344 = arith.cmpi eq, %select_n3A_91, %eq3A_343 : i32
      %sub3A_345 = arith.constant 2047 : i32
      %sub3A_346 = arith.subi %sub3A_345, %add3A_342 : i32
      %select_n3A_347 = arith.select %eq3A_344, %sub3A_346, %add3A_342 : i32
      %add3A_348 = arith.constant 0 : i32
      %add3A_349 = arith.addi %add3A_348, %select_n3A_347 : i32
      %get3A = arith.index_cast %add3A_349 : i32 to index
      %get3A_350 = arith.constant 0 : index
      %get3A_351 = tpu.vector_load %arg8[%get3A, %get3A_350] {strides = array<i32>} : memref<2048x16xi32, #tpu.memory_space<vmem>>, vector<16xi32>,
      %reduce_sum3A = arith.constant true
      %reduce_sum3A_352 = vector.broadcast %reduce_sum3A : i1 to vector<16xi1>
      %reduce_sum3A_353 = tpu.scan <sum>, %get3A_351 masked %reduce_sum3A_352 : vector<16xi32>, vector<16xi1> -> vector<16xi32>
      %reduce_sum3A_354 = vector.extract %reduce_sum3A_353[15] : i32 from vector<16xi32>
      %sub3A_355 = arith.constant 1 : i32
      %sub3A_356 = arith.subi %sub3A_355, %scan3A_339 : i32
      %add3A_357 = arith.addi %scan3A_336, %reduce_sum3A_354 : i32
      %ge3A_358 = arith.cmpi sge, %add3A_357, %sub3A_83 : i32
      %jit3A_359 = arith.constant 1 : i32
      %jit3A_360 = arith.constant 0 : i32
      %select_n3A_361 = arith.select %ge3A_358, %jit3A_359, %jit3A_360 : i32
      %mul3A_362 = arith.muli %sub3A_356, %select_n3A_361 : i32
      %eq3A_363 = arith.constant 1 : i32
      %eq3A_364 = arith.cmpi eq, %mul3A_362, %eq3A_363 : i32
      %select_n3A_365 = arith.select %eq3A_364, %scan3A_335, %scan3A_337 : i32
      %eq3A_366 = arith.constant 1 : i32
      %eq3A_367 = arith.cmpi eq, %mul3A_362, %eq3A_366 : i32
      %select_n3A_368 = arith.select %eq3A_367, %scan3A_336, %scan3A_338 : i32
      %add3A_369 = arith.addi %scan3A_336, %reduce_sum3A_354 : i32
      %or3A_370 = arith.ori %scan3A_339, %mul3A_362 : i32
      scf.yield %add3A_369, %select_n3A_365, %select_n3A_368, %or3A_370 : i32, i32, i32, i32
    }
    %scan3A_174 = arith.constant 16 : i32
    %mul3A_175 = arith.constant 16 : i32
    %mul3A_176 = arith.muli %scan3A_165#1, %mul3A_175 : i32
    %add3A_177 = arith.addi %mul3A_176, %scan3A_173#1 : i32
    %eq3A_178 = arith.constant 1 : i32
    %eq3A_179 = arith.cmpi eq, %select_n3A_91, %eq3A_178 : i32
    %sub3A_180 = arith.constant 2047 : i32
    %sub3A_181 = arith.subi %sub3A_180, %add3A_177 : i32
    %select_n3A_182 = arith.select %eq3A_179, %sub3A_181, %add3A_177 : i32
    %scan3A_183 = arith.constant 0 : i32
    %scan3A_184 = arith.constant 0 : i32
    %scan3A_185 = arith.constant 0 : i32
    %scan3A_186 = arith.constant 16 : i32
    %scan3A_187 = arith.addi %scan3A_185, %scan3A_186 : i32
    %scan3A_188 = arith.constant 1 : i32
    %scan3A_189:4 = scf.for %scan3A_335 = %scan3A_185 to %scan3A_187 step %scan3A_188 iter_args(%scan3A_336 = %scan3A_165#5, %scan3A_337 = %scan3A_183, %scan3A_338 = %scan3A_165#5, %scan3A_339 = %scan3A_184) -> (i32, i32, i32, i32)  : i32 {
      %mul3A_340 = arith.constant 16 : i32
      %mul3A_341 = arith.muli %scan3A_165#4, %mul3A_340 : i32
      %add3A_342 = arith.addi %mul3A_341, %scan3A_335 : i32
      %eq3A_343 = arith.constant 1 : i32
      %eq3A_344 = arith.cmpi eq, %select_n3A_91, %eq3A_343 : i32
      %sub3A_345 = arith.constant 2047 : i32
      %sub3A_346 = arith.subi %sub3A_345, %add3A_342 : i32
      %select_n3A_347 = arith.select %eq3A_344, %sub3A_346, %add3A_342 : i32
      %add3A_348 = arith.constant 0 : i32
      %add3A_349 = arith.addi %add3A_348, %select_n3A_347 : i32
      %get3A = arith.index_cast %add3A_349 : i32 to index
      %get3A_350 = arith.constant 0 : index
      %get3A_351 = tpu.vector_load %arg8[%get3A, %get3A_350] {strides = array<i32>} : memref<2048x16xi32, #tpu.memory_space<vmem>>, vector<16xi32>,
      %reduce_sum3A = arith.constant true
      %reduce_sum3A_352 = vector.broadcast %reduce_sum3A : i1 to vector<16xi1>
      %reduce_sum3A_353 = tpu.scan <sum>, %get3A_351 masked %reduce_sum3A_352 : vector<16xi32>, vector<16xi1> -> vector<16xi32>
      %reduce_sum3A_354 = vector.extract %reduce_sum3A_353[15] : i32 from vector<16xi32>
      %sub3A_355 = arith.constant 1 : i32
      %sub3A_356 = arith.subi %sub3A_355, %scan3A_339 : i32
      %add3A_357 = arith.addi %scan3A_336, %reduce_sum3A_354 : i32
      %ge3A_358 = arith.cmpi sge, %add3A_357, %sub3A_83 : i32
      %jit3A_359 = arith.constant 1 : i32
      %jit3A_360 = arith.constant 0 : i32
      %select_n3A_361 = arith.select %ge3A_358, %jit3A_359, %jit3A_360 : i32
      %mul3A_362 = arith.muli %sub3A_356, %select_n3A_361 : i32
      %eq3A_363 = arith.constant 1 : i32
      %eq3A_364 = arith.cmpi eq, %mul3A_362, %eq3A_363 : i32
      %select_n3A_365 = arith.select %eq3A_364, %scan3A_335, %scan3A_337 : i32
      %eq3A_366 = arith.constant 1 : i32
      %eq3A_367 = arith.cmpi eq, %mul3A_362, %eq3A_366 : i32
      %select_n3A_368 = arith.select %eq3A_367, %scan3A_336, %scan3A_338 : i32
      %add3A_369 = arith.addi %scan3A_336, %reduce_sum3A_354 : i32
      %or3A_370 = arith.ori %scan3A_339, %mul3A_362 : i32
      scf.yield %add3A_369, %select_n3A_365, %select_n3A_368, %or3A_370 : i32, i32, i32, i32
    }
    %scan3A_190 = arith.constant 16 : i32
    %mul3A_191 = arith.constant 16 : i32
    %mul3A_192 = arith.muli %scan3A_165#4, %mul3A_191 : i32
    %add3A_193 = arith.addi %mul3A_192, %scan3A_189#1 : i32
    %eq3A_194 = arith.constant 1 : i32
    %eq3A_195 = arith.cmpi eq, %select_n3A_91, %eq3A_194 : i32
    %sub3A_196 = arith.constant 2047 : i32
    %sub3A_197 = arith.subi %sub3A_196, %add3A_193 : i32
    %select_n3A_198 = arith.select %eq3A_195, %sub3A_197, %add3A_193 : i32
    %sub3A_199 = arith.subi %sub3A_81, %scan3A_129#2 : i32
    %sub3A_200 = arith.subi %sub3A_83, %scan3A_173#2 : i32
    %mul3A_201 = arith.constant 2048 : i32
    %mul3A_202 = arith.muli %select_n3A, %mul3A_201 : i32
    %add3A_203 = arith.addi %mul3A_202, %select_n3A_137 : i32
    %mul3A_204 = arith.constant 2048 : i32
    %mul3A_205 = arith.muli %select_n3A_79, %mul3A_204 : i32
    %add3A_206 = arith.addi %mul3A_205, %select_n3A_182 : i32
    %dma_start3A_207 = arith.constant 0 : i32
    %dma_start3A_208 = tpu.memref_slice %arg2[%add3A, %dma_start3A_207] : memref<32x262144xi32, #tpu.memory_space<hbm>> -> memref<1x8192xi32, #tpu.memory_space<hbm>>
    %dma_start3A_209 = tpu.memref_squeeze %dma_start3A_208 : memref<1x8192xi32, #tpu.memory_space<hbm>> -> memref<8192xi32, #tpu.memory_space<hbm>>
    %dma_start3A_210 = arith.constant 0 : i32
    %dma_start3A_211 = tpu.memref_slice %arg2[%add3A, %dma_start3A_210] : memref<32x262144xi32, #tpu.memory_space<hbm>> -> memref<1x8192xi32, #tpu.memory_space<hbm>>
    %dma_start3A_212 = tpu.memref_squeeze %dma_start3A_211 : memref<1x8192xi32, #tpu.memory_space<hbm>> -> memref<8192xi32, #tpu.memory_space<hbm>>
    tpu.enqueue_dma source(%dma_start3A_212 : memref<8192xi32, #tpu.memory_space<hbm>>) target(%arg4 : memref<8192xi32, #tpu.memory_space<vmem>>) target_semaphore(%arg10 : memref<!tpu.dma_semaphore, #tpu.memory_space<semaphore_mem>>)
    %scan3A_213 = arith.constant 0 : i32
    %scan3A_214 = arith.constant 0 : i32
    %scan3A_215 = arith.constant 16 : i32
    %scan3A_216 = arith.addi %scan3A_214, %scan3A_215 : i32
    %scan3A_217 = arith.constant 1 : i32
    scf.for %scan3A_335 = %scan3A_214 to %scan3A_216 step %scan3A_217  : i32 {
      %mul3A_336 = arith.constant 2 : i32
      %mul3A_337 = arith.muli %scan3A_335, %mul3A_336 : i32
      %add3A_338 = arith.constant 1 : i32
      %add3A_339 = arith.addi %mul3A_337, %add3A_338 : i32
      %mul3A_340 = arith.constant 8192 : i32
      %mul3A_341 = arith.muli %add3A_339, %mul3A_340 : i32
      %dma_start3A_342 = tpu.memref_slice %arg2[%add3A, %mul3A_341] : memref<32x262144xi32, #tpu.memory_space<hbm>> -> memref<1x8192xi32, #tpu.memory_space<hbm>>
      %dma_start3A_343 = tpu.memref_squeeze %dma_start3A_342 : memref<1x8192xi32, #tpu.memory_space<hbm>> -> memref<8192xi32, #tpu.memory_space<hbm>>
      %dma_start3A_344 = tpu.memref_slice %arg2[%add3A, %mul3A_341] : memref<32x262144xi32, #tpu.memory_space<hbm>> -> memref<1x8192xi32, #tpu.memory_space<hbm>>
      %dma_start3A_345 = tpu.memref_squeeze %dma_start3A_344 : memref<1x8192xi32, #tpu.memory_space<hbm>> -> memref<8192xi32, #tpu.memory_space<hbm>>
      tpu.enqueue_dma source(%dma_start3A_345 : memref<8192xi32, #tpu.memory_space<hbm>>) target(%arg5 : memref<8192xi32, #tpu.memory_space<vmem>>) target_semaphore(%arg11 : memref<!tpu.dma_semaphore, #tpu.memory_space<semaphore_mem>>)
      %dma_wait3A = arith.constant 0 : i32
      %dma_wait3A_346 = tpu.memref_slice %arg2[%add3A, %dma_wait3A] : memref<32x262144xi32, #tpu.memory_space<hbm>> -> memref<1x8192xi32, #tpu.memory_space<hbm>>
      %dma_wait3A_347 = tpu.memref_squeeze %dma_wait3A_346 : memref<1x8192xi32, #tpu.memory_space<hbm>> -> memref<8192xi32, #tpu.memory_space<hbm>>
      %dma_wait3A_348 = arith.constant 0 : i32
      %dma_wait3A_349 = tpu.memref_slice %arg2[%add3A, %dma_wait3A_348] : memref<32x262144xi32, #tpu.memory_space<hbm>> -> memref<1x8192xi32, #tpu.memory_space<hbm>>
      %dma_wait3A_350 = tpu.memref_squeeze %dma_wait3A_349 : memref<1x8192xi32, #tpu.memory_space<hbm>> -> memref<8192xi32, #tpu.memory_space<hbm>>
      tpu.wait_dma2 semaphore(%arg10 : memref<!tpu.dma_semaphore, #tpu.memory_space<semaphore_mem>>) src(%dma_wait3A_350 : memref<8192xi32, #tpu.memory_space<hbm>>) dst(%arg4 : memref<8192xi32, #tpu.memory_space<vmem>>)
      %scan3A_351 = arith.constant 0 : i32
      %scan3A_352 = arith.constant 0 : i32
      %scan3A_353 = arith.constant 64 : i32
      %scan3A_354 = arith.addi %scan3A_352, %scan3A_353 : i32
      %scan3A_355 = arith.constant 1 : i32
      scf.for %scan3A_372 = %scan3A_352 to %scan3A_354 step %scan3A_355  : i32 {
        %mul3A_373 = arith.constant 16 : i32
        %mul3A_374 = arith.muli %scan3A_372, %mul3A_373 : i32
        %mul3A_375 = arith.constant 8 : i32
        %mul3A_376 = arith.muli %mul3A_374, %mul3A_375 : i32
        %add3A_377 = arith.constant 0 : i32
        %add3A_378 = arith.addi %mul3A_376, %add3A_377 : i32
        %get3A = arith.index_cast %add3A_378 : i32 to index
        %get3A_379 = tpu.vector_load %arg4[%get3A] {strides = array<i32>} : memref<8192xi32, #tpu.memory_space<vmem>>, vector<16xi32>,
        %add3A_380 = arith.constant 16 : i32
        %add3A_381 = arith.addi %mul3A_376, %add3A_380 : i32
        %get3A_382 = arith.index_cast %add3A_381 : i32 to index
        %get3A_383 = tpu.vector_load %arg4[%get3A_382] {strides = array<i32>} : memref<8192xi32, #tpu.memory_space<vmem>>, vector<16xi32>,
        %add3A_384 = arith.constant 32 : i32
        %add3A_385 = arith.addi %mul3A_376, %add3A_384 : i32
        %get3A_386 = arith.index_cast %add3A_385 : i32 to index
        %get3A_387 = tpu.vector_load %arg4[%get3A_386] {strides = array<i32>} : memref<8192xi32, #tpu.memory_space<vmem>>, vector<16xi32>,
        %add3A_388 = arith.constant 48 : i32
        %add3A_389 = arith.addi %mul3A_376, %add3A_388 : i32
        %get3A_390 = arith.index_cast %add3A_389 : i32 to index
        %get3A_391 = tpu.vector_load %arg4[%get3A_390] {strides = array<i32>} : memref<8192xi32, #tpu.memory_space<vmem>>, vector<16xi32>,
        %add3A_392 = arith.constant 64 : i32
        %add3A_393 = arith.addi %mul3A_376, %add3A_392 : i32
        %get3A_394 = arith.index_cast %add3A_393 : i32 to index
        %get3A_395 = tpu.vector_load %arg4[%get3A_394] {strides = array<i32>} : memref<8192xi32, #tpu.memory_space<vmem>>, vector<16xi32>,
        %add3A_396 = arith.constant 80 : i32
        %add3A_397 = arith.addi %mul3A_376, %add3A_396 : i32
        %get3A_398 = arith.index_cast %add3A_397 : i32 to index
        %get3A_399 = tpu.vector_load %arg4[%get3A_398] {strides = array<i32>} : memref<8192xi32, #tpu.memory_space<vmem>>, vector<16xi32>,
        %add3A_400 = arith.constant 96 : i32
        %add3A_401 = arith.addi %mul3A_376, %add3A_400 : i32
        %get3A_402 = arith.index_cast %add3A_401 : i32 to index
        %get3A_403 = tpu.vector_load %arg4[%get3A_402] {strides = array<i32>} : memref<8192xi32, #tpu.memory_space<vmem>>, vector<16xi32>,
        %add3A_404 = arith.constant 112 : i32
        %add3A_405 = arith.addi %mul3A_376, %add3A_404 : i32
        %get3A_406 = arith.index_cast %add3A_405 : i32 to index
        %get3A_407 = tpu.vector_load %arg4[%get3A_406] {strides = array<i32>} : memref<8192xi32, #tpu.memory_space<vmem>>, vector<16xi32>,
        %shift_right_logical3A = arith.constant 10 : i32
        %shift_right_logical3A_408 = vector.broadcast %shift_right_logical3A : i32 to vector<16xi32>
        %shift_right_logical3A_409 = arith.shrui %get3A_379, %shift_right_logical3A_408 : vector<16xi32>
        %shift_right_logical3A_410 = arith.constant 10 : i32
        %shift_right_logical3A_411 = vector.broadcast %shift_right_logical3A_410 : i32 to vector<16xi32>
        %shift_right_logical3A_412 = arith.shrui %get3A_383, %shift_right_logical3A_411 : vector<16xi32>
        %shift_right_logical3A_413 = arith.constant 10 : i32
        %shift_right_logical3A_414 = vector.broadcast %shift_right_logical3A_413 : i32 to vector<16xi32>
        %shift_right_logical3A_415 = arith.shrui %get3A_387, %shift_right_logical3A_414 : vector<16xi32>
        %shift_right_logical3A_416 = arith.constant 10 : i32
        %shift_right_logical3A_417 = vector.broadcast %shift_right_logical3A_416 : i32 to vector<16xi32>
        %shift_right_logical3A_418 = arith.shrui %get3A_391, %shift_right_logical3A_417 : vector<16xi32>
        %shift_right_logical3A_419 = arith.constant 10 : i32
        %shift_right_logical3A_420 = vector.broadcast %shift_right_logical3A_419 : i32 to vector<16xi32>
        %shift_right_logical3A_421 = arith.shrui %get3A_395, %shift_right_logical3A_420 : vector<16xi32>
        %shift_right_logical3A_422 = arith.constant 10 : i32
        %shift_right_logical3A_423 = vector.broadcast %shift_right_logical3A_422 : i32 to vector<16xi32>
        %shift_right_logical3A_424 = arith.shrui %get3A_399, %shift_right_logical3A_423 : vector<16xi32>
        %shift_right_logical3A_425 = arith.constant 10 : i32
        %shift_right_logical3A_426 = vector.broadcast %shift_right_logical3A_425 : i32 to vector<16xi32>
        %shift_right_logical3A_427 = arith.shrui %get3A_403, %shift_right_logical3A_426 : vector<16xi32>
        %shift_right_logical3A_428 = arith.constant 10 : i32
        %shift_right_logical3A_429 = vector.broadcast %shift_right_logical3A_428 : i32 to vector<16xi32>
        %shift_right_logical3A_430 = arith.shrui %get3A_407, %shift_right_logical3A_429 : vector<16xi32>
        %and3A = arith.constant 1023 : i32
        %and3A_431 = vector.broadcast %and3A : i32 to vector<16xi32>
        %and3A_432 = arith.andi %get3A_379, %and3A_431 : vector<16xi32>
        %and3A_433 = arith.constant 1023 : i32
        %and3A_434 = vector.broadcast %and3A_433 : i32 to vector<16xi32>
        %and3A_435 = arith.andi %get3A_383, %and3A_434 : vector<16xi32>
        %and3A_436 = arith.constant 1023 : i32
        %and3A_437 = vector.broadcast %and3A_436 : i32 to vector<16xi32>
        %and3A_438 = arith.andi %get3A_387, %and3A_437 : vector<16xi32>
        %and3A_439 = arith.constant 1023 : i32
        %and3A_440 = vector.broadcast %and3A_439 : i32 to vector<16xi32>
        %and3A_441 = arith.andi %get3A_391, %and3A_440 : vector<16xi32>
        %and3A_442 = arith.constant 1023 : i32
        %and3A_443 = vector.broadcast %and3A_442 : i32 to vector<16xi32>
        %and3A_444 = arith.andi %get3A_395, %and3A_443 : vector<16xi32>
        %and3A_445 = arith.constant 1023 : i32
        %and3A_446 = vector.broadcast %and3A_445 : i32 to vector<16xi32>
        %and3A_447 = arith.andi %get3A_399, %and3A_446 : vector<16xi32>
        %and3A_448 = arith.constant 1023 : i32
        %and3A_449 = vector.broadcast %and3A_448 : i32 to vector<16xi32>
        %and3A_450 = arith.andi %get3A_403, %and3A_449 : vector<16xi32>
        %and3A_451 = arith.constant 1023 : i32
        %and3A_452 = vector.broadcast %and3A_451 : i32 to vector<16xi32>
        %and3A_453 = arith.andi %get3A_407, %and3A_452 : vector<16xi32>
        %eq3A_454 = vector.broadcast %add3A_203 : i32 to vector<16xi32>
        %eq3A_455 = arith.cmpi eq, %shift_right_logical3A_409, %eq3A_454 : vector<16xi32>
        %eq3A_456 = vector.broadcast %add3A_203 : i32 to vector<16xi32>
        %eq3A_457 = arith.cmpi eq, %shift_right_logical3A_412, %eq3A_456 : vector<16xi32>
        %eq3A_458 = vector.broadcast %add3A_203 : i32 to vector<16xi32>
        %eq3A_459 = arith.cmpi eq, %shift_right_logical3A_415, %eq3A_458 : vector<16xi32>
        %eq3A_460 = vector.broadcast %add3A_203 : i32 to vector<16xi32>
        %eq3A_461 = arith.cmpi eq, %shift_right_logical3A_418, %eq3A_460 : vector<16xi32>
        %eq3A_462 = vector.broadcast %add3A_203 : i32 to vector<16xi32>
        %eq3A_463 = arith.cmpi eq, %shift_right_logical3A_421, %eq3A_462 : vector<16xi32>
        %eq3A_464 = vector.broadcast %add3A_203 : i32 to vector<16xi32>
        %eq3A_465 = arith.cmpi eq, %shift_right_logical3A_424, %eq3A_464 : vector<16xi32>
        %eq3A_466 = vector.broadcast %add3A_203 : i32 to vector<16xi32>
        %eq3A_467 = arith.cmpi eq, %shift_right_logical3A_427, %eq3A_466 : vector<16xi32>
        %eq3A_468 = vector.broadcast %add3A_203 : i32 to vector<16xi32>
        %eq3A_469 = arith.cmpi eq, %shift_right_logical3A_430, %eq3A_468 : vector<16xi32>
        %eq3A_470 = vector.broadcast %add3A_206 : i32 to vector<16xi32>
        %eq3A_471 = arith.cmpi eq, %shift_right_logical3A_409, %eq3A_470 : vector<16xi32>
        %eq3A_472 = vector.broadcast %add3A_206 : i32 to vector<16xi32>
        %eq3A_473 = arith.cmpi eq, %shift_right_logical3A_412, %eq3A_472 : vector<16xi32>
        %eq3A_474 = vector.broadcast %add3A_206 : i32 to vector<16xi32>
        %eq3A_475 = arith.cmpi eq, %shift_right_logical3A_415, %eq3A_474 : vector<16xi32>
        %eq3A_476 = vector.broadcast %add3A_206 : i32 to vector<16xi32>
        %eq3A_477 = arith.cmpi eq, %shift_right_logical3A_418, %eq3A_476 : vector<16xi32>
        %eq3A_478 = vector.broadcast %add3A_206 : i32 to vector<16xi32>
        %eq3A_479 = arith.cmpi eq, %shift_right_logical3A_421, %eq3A_478 : vector<16xi32>
        %eq3A_480 = vector.broadcast %add3A_206 : i32 to vector<16xi32>
        %eq3A_481 = arith.cmpi eq, %shift_right_logical3A_424, %eq3A_480 : vector<16xi32>
        %eq3A_482 = vector.broadcast %add3A_206 : i32 to vector<16xi32>
        %eq3A_483 = arith.cmpi eq, %shift_right_logical3A_427, %eq3A_482 : vector<16xi32>
        %eq3A_484 = vector.broadcast %add3A_206 : i32 to vector<16xi32>
        %eq3A_485 = arith.cmpi eq, %shift_right_logical3A_430, %eq3A_484 : vector<16xi32>
        tpu.vector_store_idx %arg6[%and3A_432, %iota3A], %broadcast_in_dim3A_1 masked %eq3A_455 {add = true} : memref<2048x16xi32, #tpu.memory_space<vmem>>[vector<16xi32>, vector<16xi32>], vector<16xi32>, vector<16xi1>
        tpu.vector_store_idx %arg6[%and3A_435, %iota3A], %broadcast_in_dim3A_1 masked %eq3A_457 {add = true} : memref<2048x16xi32, #tpu.memory_space<vmem>>[vector<16xi32>, vector<16xi32>], vector<16xi32>, vector<16xi1>
        tpu.vector_store_idx %arg6[%and3A_438, %iota3A], %broadcast_in_dim3A_1 masked %eq3A_459 {add = true} : memref<2048x16xi32, #tpu.memory_space<vmem>>[vector<16xi32>, vector<16xi32>], vector<16xi32>, vector<16xi1>
        tpu.vector_store_idx %arg6[%and3A_441, %iota3A], %broadcast_in_dim3A_1 masked %eq3A_461 {add = true} : memref<2048x16xi32, #tpu.memory_space<vmem>>[vector<16xi32>, vector<16xi32>], vector<16xi32>, vector<16xi1>
        tpu.vector_store_idx %arg6[%and3A_444, %iota3A], %broadcast_in_dim3A_1 masked %eq3A_463 {add = true} : memref<2048x16xi32, #tpu.memory_space<vmem>>[vector<16xi32>, vector<16xi32>], vector<16xi32>, vector<16xi1>
        tpu.vector_store_idx %arg6[%and3A_447, %iota3A], %broadcast_in_dim3A_1 masked %eq3A_465 {add = true} : memref<2048x16xi32, #tpu.memory_space<vmem>>[vector<16xi32>, vector<16xi32>], vector<16xi32>, vector<16xi1>
        tpu.vector_store_idx %arg6[%and3A_450, %iota3A], %broadcast_in_dim3A_1 masked %eq3A_467 {add = true} : memref<2048x16xi32, #tpu.memory_space<vmem>>[vector<16xi32>, vector<16xi32>], vector<16xi32>, vector<16xi1>
        tpu.vector_store_idx %arg6[%and3A_453, %iota3A], %broadcast_in_dim3A_1 masked %eq3A_469 {add = true} : memref<2048x16xi32, #tpu.memory_space<vmem>>[vector<16xi32>, vector<16xi32>], vector<16xi32>, vector<16xi1>
        %add3A_486 = arith.constant 1024 : i32
        %add3A_487 = vector.broadcast %add3A_486 : i32 to vector<16xi32>
        %add3A_488 = arith.addi %and3A_432, %add3A_487 : vector<16xi32>
        tpu.vector_store_idx %arg6[%add3A_488, %iota3A], %broadcast_in_dim3A_1 masked %eq3A_471 {add = true} : memref<2048x16xi32, #tpu.memory_space<vmem>>[vector<16xi32>, vector<16xi32>], vector<16xi32>, vector<16xi1>
        %add3A_489 = arith.constant 1024 : i32
        %add3A_490 = vector.broadcast %add3A_489 : i32 to vector<16xi32>
        %add3A_491 = arith.addi %and3A_435, %add3A_490 : vector<16xi32>
        tpu.vector_store_idx %arg6[%add3A_491, %iota3A], %broadcast_in_dim3A_1 masked %eq3A_473 {add = true} : memref<2048x16xi32, #tpu.memory_space<vmem>>[vector<16xi32>, vector<16xi32>], vector<16xi32>, vector<16xi1>
        %add3A_492 = arith.constant 1024 : i32
        %add3A_493 = vector.broadcast %add3A_492 : i32 to vector<16xi32>
        %add3A_494 = arith.addi %and3A_438, %add3A_493 : vector<16xi32>
        tpu.vector_store_idx %arg6[%add3A_494, %iota3A], %broadcast_in_dim3A_1 masked %eq3A_475 {add = true} : memref<2048x16xi32, #tpu.memory_space<vmem>>[vector<16xi32>, vector<16xi32>], vector<16xi32>, vector<16xi1>
        %add3A_495 = arith.constant 1024 : i32
        %add3A_496 = vector.broadcast %add3A_495 : i32 to vector<16xi32>
        %add3A_497 = arith.addi %and3A_441, %add3A_496 : vector<16xi32>
        tpu.vector_store_idx %arg6[%add3A_497, %iota3A], %broadcast_in_dim3A_1 masked %eq3A_477 {add = true} : memref<2048x16xi32, #tpu.memory_space<vmem>>[vector<16xi32>, vector<16xi32>], vector<16xi32>, vector<16xi1>
        %add3A_498 = arith.constant 1024 : i32
        %add3A_499 = vector.broadcast %add3A_498 : i32 to vector<16xi32>
        %add3A_500 = arith.addi %and3A_444, %add3A_499 : vector<16xi32>
        tpu.vector_store_idx %arg6[%add3A_500, %iota3A], %broadcast_in_dim3A_1 masked %eq3A_479 {add = true} : memref<2048x16xi32, #tpu.memory_space<vmem>>[vector<16xi32>, vector<16xi32>], vector<16xi32>, vector<16xi1>
        %add3A_501 = arith.constant 1024 : i32
        %add3A_502 = vector.broadcast %add3A_501 : i32 to vector<16xi32>
        %add3A_503 = arith.addi %and3A_447, %add3A_502 : vector<16xi32>
        tpu.vector_store_idx %arg6[%add3A_503, %iota3A], %broadcast_in_dim3A_1 masked %eq3A_481 {add = true} : memref<2048x16xi32, #tpu.memory_space<vmem>>[vector<16xi32>, vector<16xi32>], vector<16xi32>, vector<16xi1>
        %add3A_504 = arith.constant 1024 : i32
        %add3A_505 = vector.broadcast %add3A_504 : i32 to vector<16xi32>
        %add3A_506 = arith.addi %and3A_450, %add3A_505 : vector<16xi32>
        tpu.vector_store_idx %arg6[%add3A_506, %iota3A], %broadcast_in_dim3A_1 masked %eq3A_483 {add = true} : memref<2048x16xi32, #tpu.memory_space<vmem>>[vector<16xi32>, vector<16xi32>], vector<16xi32>, vector<16xi1>
        %add3A_507 = arith.constant 1024 : i32
        %add3A_508 = vector.broadcast %add3A_507 : i32 to vector<16xi32>
        %add3A_509 = arith.addi %and3A_453, %add3A_508 : vector<16xi32>
        tpu.vector_store_idx %arg6[%add3A_509, %iota3A], %broadcast_in_dim3A_1 masked %eq3A_485 {add = true} : memref<2048x16xi32, #tpu.memory_space<vmem>>[vector<16xi32>, vector<16xi32>], vector<16xi32>, vector<16xi1>
      }
      %scan3A_356 = arith.constant 64 : i32
      %lt3A_357 = arith.constant 15 : i32
      %lt3A_358 = arith.cmpi slt, %scan3A_335, %lt3A_357 : i32
      %convert_element_type3A = arith.extui %lt3A_358 : i1 to i32
      %cond3A = arith.constant 0 : i32
      %cond3A_359 = arith.cmpi ne, %convert_element_type3A, %cond3A : i32
      scf.if %cond3A_359 {
        %add3A_372 = arith.constant 2 : i32
        %add3A_373 = arith.addi %mul3A_337, %add3A_372 : i32
        %mul3A_374 = arith.constant 8192 : i32
        %mul3A_375 = arith.muli %add3A_373, %mul3A_374 : i32
        %dma_start3A_376 = tpu.memref_slice %arg2[%add3A, %mul3A_375] : memref<32x262144xi32, #tpu.memory_space<hbm>> -> memref<1x8192xi32, #tpu.memory_space<hbm>>
        %dma_start3A_377 = tpu.memref_squeeze %dma_start3A_376 : memref<1x8192xi32, #tpu.memory_space<hbm>> -> memref<8192xi32, #tpu.memory_space<hbm>>
        %dma_start3A_378 = tpu.memref_slice %arg2[%add3A, %mul3A_375] : memref<32x262144xi32, #tpu.memory_space<hbm>> -> memref<1x8192xi32, #tpu.memory_space<hbm>>
        %dma_start3A_379 = tpu.memref_squeeze %dma_start3A_378 : memref<1x8192xi32, #tpu.memory_space<hbm>> -> memref<8192xi32, #tpu.memory_space<hbm>>
        tpu.enqueue_dma source(%dma_start3A_379 : memref<8192xi32, #tpu.memory_space<hbm>>) target(%arg4 : memref<8192xi32, #tpu.memory_space<vmem>>) target_semaphore(%arg10 : memref<!tpu.dma_semaphore, #tpu.memory_space<semaphore_mem>>)
      } else {
      }
      %dma_wait3A_360 = arith.constant 0 : i32
      %dma_wait3A_361 = tpu.memref_slice %arg2[%add3A, %dma_wait3A_360] : memref<32x262144xi32, #tpu.memory_space<hbm>> -> memref<1x8192xi32, #tpu.memory_space<hbm>>
      %dma_wait3A_362 = tpu.memref_squeeze %dma_wait3A_361 : memref<1x8192xi32, #tpu.memory_space<hbm>> -> memref<8192xi32, #tpu.memory_space<hbm>>
      %dma_wait3A_363 = arith.constant 0 : i32
      %dma_wait3A_364 = tpu.memref_slice %arg2[%add3A, %dma_wait3A_363] : memref<32x262144xi32, #tpu.memory_space<hbm>> -> memref<1x8192xi32, #tpu.memory_space<hbm>>
      %dma_wait3A_365 = tpu.memref_squeeze %dma_wait3A_364 : memref<1x8192xi32, #tpu.memory_space<hbm>> -> memref<8192xi32, #tpu.memory_space<hbm>>
      tpu.wait_dma2 semaphore(%arg11 : memref<!tpu.dma_semaphore, #tpu.memory_space<semaphore_mem>>) src(%dma_wait3A_365 : memref<8192xi32, #tpu.memory_space<hbm>>) dst(%arg5 : memref<8192xi32, #tpu.memory_space<vmem>>)
      %scan3A_366 = arith.constant 0 : i32
      %scan3A_367 = arith.constant 0 : i32
      %scan3A_368 = arith.constant 64 : i32
      %scan3A_369 = arith.addi %scan3A_367, %scan3A_368 : i32
      %scan3A_370 = arith.constant 1 : i32
      scf.for %scan3A_372 = %scan3A_367 to %scan3A_369 step %scan3A_370  : i32 {
        %mul3A_373 = arith.constant 16 : i32
        %mul3A_374 = arith.muli %scan3A_372, %mul3A_373 : i32
        %mul3A_375 = arith.constant 8 : i32
        %mul3A_376 = arith.muli %mul3A_374, %mul3A_375 : i32
        %add3A_377 = arith.constant 0 : i32
        %add3A_378 = arith.addi %mul3A_376, %add3A_377 : i32
        %get3A = arith.index_cast %add3A_378 : i32 to index
        %get3A_379 = tpu.vector_load %arg5[%get3A] {strides = array<i32>} : memref<8192xi32, #tpu.memory_space<vmem>>, vector<16xi32>,
        %add3A_380 = arith.constant 16 : i32
        %add3A_381 = arith.addi %mul3A_376, %add3A_380 : i32
        %get3A_382 = arith.index_cast %add3A_381 : i32 to index
        %get3A_383 = tpu.vector_load %arg5[%get3A_382] {strides = array<i32>} : memref<8192xi32, #tpu.memory_space<vmem>>, vector<16xi32>,
        %add3A_384 = arith.constant 32 : i32
        %add3A_385 = arith.addi %mul3A_376, %add3A_384 : i32
        %get3A_386 = arith.index_cast %add3A_385 : i32 to index
        %get3A_387 = tpu.vector_load %arg5[%get3A_386] {strides = array<i32>} : memref<8192xi32, #tpu.memory_space<vmem>>, vector<16xi32>,
        %add3A_388 = arith.constant 48 : i32
        %add3A_389 = arith.addi %mul3A_376, %add3A_388 : i32
        %get3A_390 = arith.index_cast %add3A_389 : i32 to index
        %get3A_391 = tpu.vector_load %arg5[%get3A_390] {strides = array<i32>} : memref<8192xi32, #tpu.memory_space<vmem>>, vector<16xi32>,
        %add3A_392 = arith.constant 64 : i32
        %add3A_393 = arith.addi %mul3A_376, %add3A_392 : i32
        %get3A_394 = arith.index_cast %add3A_393 : i32 to index
        %get3A_395 = tpu.vector_load %arg5[%get3A_394] {strides = array<i32>} : memref<8192xi32, #tpu.memory_space<vmem>>, vector<16xi32>,
        %add3A_396 = arith.constant 80 : i32
        %add3A_397 = arith.addi %mul3A_376, %add3A_396 : i32
        %get3A_398 = arith.index_cast %add3A_397 : i32 to index
        %get3A_399 = tpu.vector_load %arg5[%get3A_398] {strides = array<i32>} : memref<8192xi32, #tpu.memory_space<vmem>>, vector<16xi32>,
        %add3A_400 = arith.constant 96 : i32
        %add3A_401 = arith.addi %mul3A_376, %add3A_400 : i32
        %get3A_402 = arith.index_cast %add3A_401 : i32 to index
        %get3A_403 = tpu.vector_load %arg5[%get3A_402] {strides = array<i32>} : memref<8192xi32, #tpu.memory_space<vmem>>, vector<16xi32>,
        %add3A_404 = arith.constant 112 : i32
        %add3A_405 = arith.addi %mul3A_376, %add3A_404 : i32
        %get3A_406 = arith.index_cast %add3A_405 : i32 to index
        %get3A_407 = tpu.vector_load %arg5[%get3A_406] {strides = array<i32>} : memref<8192xi32, #tpu.memory_space<vmem>>, vector<16xi32>,
        %shift_right_logical3A = arith.constant 10 : i32
        %shift_right_logical3A_408 = vector.broadcast %shift_right_logical3A : i32 to vector<16xi32>
        %shift_right_logical3A_409 = arith.shrui %get3A_379, %shift_right_logical3A_408 : vector<16xi32>
        %shift_right_logical3A_410 = arith.constant 10 : i32
        %shift_right_logical3A_411 = vector.broadcast %shift_right_logical3A_410 : i32 to vector<16xi32>
        %shift_right_logical3A_412 = arith.shrui %get3A_383, %shift_right_logical3A_411 : vector<16xi32>
        %shift_right_logical3A_413 = arith.constant 10 : i32
        %shift_right_logical3A_414 = vector.broadcast %shift_right_logical3A_413 : i32 to vector<16xi32>
        %shift_right_logical3A_415 = arith.shrui %get3A_387, %shift_right_logical3A_414 : vector<16xi32>
        %shift_right_logical3A_416 = arith.constant 10 : i32
        %shift_right_logical3A_417 = vector.broadcast %shift_right_logical3A_416 : i32 to vector<16xi32>
        %shift_right_logical3A_418 = arith.shrui %get3A_391, %shift_right_logical3A_417 : vector<16xi32>
        %shift_right_logical3A_419 = arith.constant 10 : i32
        %shift_right_logical3A_420 = vector.broadcast %shift_right_logical3A_419 : i32 to vector<16xi32>
        %shift_right_logical3A_421 = arith.shrui %get3A_395, %shift_right_logical3A_420 : vector<16xi32>
        %shift_right_logical3A_422 = arith.constant 10 : i32
        %shift_right_logical3A_423 = vector.broadcast %shift_right_logical3A_422 : i32 to vector<16xi32>
        %shift_right_logical3A_424 = arith.shrui %get3A_399, %shift_right_logical3A_423 : vector<16xi32>
        %shift_right_logical3A_425 = arith.constant 10 : i32
        %shift_right_logical3A_426 = vector.broadcast %shift_right_logical3A_425 : i32 to vector<16xi32>
        %shift_right_logical3A_427 = arith.shrui %get3A_403, %shift_right_logical3A_426 : vector<16xi32>
        %shift_right_logical3A_428 = arith.constant 10 : i32
        %shift_right_logical3A_429 = vector.broadcast %shift_right_logical3A_428 : i32 to vector<16xi32>
        %shift_right_logical3A_430 = arith.shrui %get3A_407, %shift_right_logical3A_429 : vector<16xi32>
        %and3A = arith.constant 1023 : i32
        %and3A_431 = vector.broadcast %and3A : i32 to vector<16xi32>
        %and3A_432 = arith.andi %get3A_379, %and3A_431 : vector<16xi32>
        %and3A_433 = arith.constant 1023 : i32
        %and3A_434 = vector.broadcast %and3A_433 : i32 to vector<16xi32>
        %and3A_435 = arith.andi %get3A_383, %and3A_434 : vector<16xi32>
        %and3A_436 = arith.constant 1023 : i32
        %and3A_437 = vector.broadcast %and3A_436 : i32 to vector<16xi32>
        %and3A_438 = arith.andi %get3A_387, %and3A_437 : vector<16xi32>
        %and3A_439 = arith.constant 1023 : i32
        %and3A_440 = vector.broadcast %and3A_439 : i32 to vector<16xi32>
        %and3A_441 = arith.andi %get3A_391, %and3A_440 : vector<16xi32>
        %and3A_442 = arith.constant 1023 : i32
        %and3A_443 = vector.broadcast %and3A_442 : i32 to vector<16xi32>
        %and3A_444 = arith.andi %get3A_395, %and3A_443 : vector<16xi32>
        %and3A_445 = arith.constant 1023 : i32
        %and3A_446 = vector.broadcast %and3A_445 : i32 to vector<16xi32>
        %and3A_447 = arith.andi %get3A_399, %and3A_446 : vector<16xi32>
        %and3A_448 = arith.constant 1023 : i32
        %and3A_449 = vector.broadcast %and3A_448 : i32 to vector<16xi32>
        %and3A_450 = arith.andi %get3A_403, %and3A_449 : vector<16xi32>
        %and3A_451 = arith.constant 1023 : i32
        %and3A_452 = vector.broadcast %and3A_451 : i32 to vector<16xi32>
        %and3A_453 = arith.andi %get3A_407, %and3A_452 : vector<16xi32>
        %eq3A_454 = vector.broadcast %add3A_203 : i32 to vector<16xi32>
        %eq3A_455 = arith.cmpi eq, %shift_right_logical3A_409, %eq3A_454 : vector<16xi32>
        %eq3A_456 = vector.broadcast %add3A_203 : i32 to vector<16xi32>
        %eq3A_457 = arith.cmpi eq, %shift_right_logical3A_412, %eq3A_456 : vector<16xi32>
        %eq3A_458 = vector.broadcast %add3A_203 : i32 to vector<16xi32>
        %eq3A_459 = arith.cmpi eq, %shift_right_logical3A_415, %eq3A_458 : vector<16xi32>
        %eq3A_460 = vector.broadcast %add3A_203 : i32 to vector<16xi32>
        %eq3A_461 = arith.cmpi eq, %shift_right_logical3A_418, %eq3A_460 : vector<16xi32>
        %eq3A_462 = vector.broadcast %add3A_203 : i32 to vector<16xi32>
        %eq3A_463 = arith.cmpi eq, %shift_right_logical3A_421, %eq3A_462 : vector<16xi32>
        %eq3A_464 = vector.broadcast %add3A_203 : i32 to vector<16xi32>
        %eq3A_465 = arith.cmpi eq, %shift_right_logical3A_424, %eq3A_464 : vector<16xi32>
        %eq3A_466 = vector.broadcast %add3A_203 : i32 to vector<16xi32>
        %eq3A_467 = arith.cmpi eq, %shift_right_logical3A_427, %eq3A_466 : vector<16xi32>
        %eq3A_468 = vector.broadcast %add3A_203 : i32 to vector<16xi32>
        %eq3A_469 = arith.cmpi eq, %shift_right_logical3A_430, %eq3A_468 : vector<16xi32>
        %eq3A_470 = vector.broadcast %add3A_206 : i32 to vector<16xi32>
        %eq3A_471 = arith.cmpi eq, %shift_right_logical3A_409, %eq3A_470 : vector<16xi32>
        %eq3A_472 = vector.broadcast %add3A_206 : i32 to vector<16xi32>
        %eq3A_473 = arith.cmpi eq, %shift_right_logical3A_412, %eq3A_472 : vector<16xi32>
        %eq3A_474 = vector.broadcast %add3A_206 : i32 to vector<16xi32>
        %eq3A_475 = arith.cmpi eq, %shift_right_logical3A_415, %eq3A_474 : vector<16xi32>
        %eq3A_476 = vector.broadcast %add3A_206 : i32 to vector<16xi32>
        %eq3A_477 = arith.cmpi eq, %shift_right_logical3A_418, %eq3A_476 : vector<16xi32>
        %eq3A_478 = vector.broadcast %add3A_206 : i32 to vector<16xi32>
        %eq3A_479 = arith.cmpi eq, %shift_right_logical3A_421, %eq3A_478 : vector<16xi32>
        %eq3A_480 = vector.broadcast %add3A_206 : i32 to vector<16xi32>
        %eq3A_481 = arith.cmpi eq, %shift_right_logical3A_424, %eq3A_480 : vector<16xi32>
        %eq3A_482 = vector.broadcast %add3A_206 : i32 to vector<16xi32>
        %eq3A_483 = arith.cmpi eq, %shift_right_logical3A_427, %eq3A_482 : vector<16xi32>
        %eq3A_484 = vector.broadcast %add3A_206 : i32 to vector<16xi32>
        %eq3A_485 = arith.cmpi eq, %shift_right_logical3A_430, %eq3A_484 : vector<16xi32>
        tpu.vector_store_idx %arg6[%and3A_432, %iota3A], %broadcast_in_dim3A_1 masked %eq3A_455 {add = true} : memref<2048x16xi32, #tpu.memory_space<vmem>>[vector<16xi32>, vector<16xi32>], vector<16xi32>, vector<16xi1>
        tpu.vector_store_idx %arg6[%and3A_435, %iota3A], %broadcast_in_dim3A_1 masked %eq3A_457 {add = true} : memref<2048x16xi32, #tpu.memory_space<vmem>>[vector<16xi32>, vector<16xi32>], vector<16xi32>, vector<16xi1>
        tpu.vector_store_idx %arg6[%and3A_438, %iota3A], %broadcast_in_dim3A_1 masked %eq3A_459 {add = true} : memref<2048x16xi32, #tpu.memory_space<vmem>>[vector<16xi32>, vector<16xi32>], vector<16xi32>, vector<16xi1>
        tpu.vector_store_idx %arg6[%and3A_441, %iota3A], %broadcast_in_dim3A_1 masked %eq3A_461 {add = true} : memref<2048x16xi32, #tpu.memory_space<vmem>>[vector<16xi32>, vector<16xi32>], vector<16xi32>, vector<16xi1>
        tpu.vector_store_idx %arg6[%and3A_444, %iota3A], %broadcast_in_dim3A_1 masked %eq3A_463 {add = true} : memref<2048x16xi32, #tpu.memory_space<vmem>>[vector<16xi32>, vector<16xi32>], vector<16xi32>, vector<16xi1>
        tpu.vector_store_idx %arg6[%and3A_447, %iota3A], %broadcast_in_dim3A_1 masked %eq3A_465 {add = true} : memref<2048x16xi32, #tpu.memory_space<vmem>>[vector<16xi32>, vector<16xi32>], vector<16xi32>, vector<16xi1>
        tpu.vector_store_idx %arg6[%and3A_450, %iota3A], %broadcast_in_dim3A_1 masked %eq3A_467 {add = true} : memref<2048x16xi32, #tpu.memory_space<vmem>>[vector<16xi32>, vector<16xi32>], vector<16xi32>, vector<16xi1>
        tpu.vector_store_idx %arg6[%and3A_453, %iota3A], %broadcast_in_dim3A_1 masked %eq3A_469 {add = true} : memref<2048x16xi32, #tpu.memory_space<vmem>>[vector<16xi32>, vector<16xi32>], vector<16xi32>, vector<16xi1>
        %add3A_486 = arith.constant 1024 : i32
        %add3A_487 = vector.broadcast %add3A_486 : i32 to vector<16xi32>
        %add3A_488 = arith.addi %and3A_432, %add3A_487 : vector<16xi32>
        tpu.vector_store_idx %arg6[%add3A_488, %iota3A], %broadcast_in_dim3A_1 masked %eq3A_471 {add = true} : memref<2048x16xi32, #tpu.memory_space<vmem>>[vector<16xi32>, vector<16xi32>], vector<16xi32>, vector<16xi1>
        %add3A_489 = arith.constant 1024 : i32
        %add3A_490 = vector.broadcast %add3A_489 : i32 to vector<16xi32>
        %add3A_491 = arith.addi %and3A_435, %add3A_490 : vector<16xi32>
        tpu.vector_store_idx %arg6[%add3A_491, %iota3A], %broadcast_in_dim3A_1 masked %eq3A_473 {add = true} : memref<2048x16xi32, #tpu.memory_space<vmem>>[vector<16xi32>, vector<16xi32>], vector<16xi32>, vector<16xi1>
        %add3A_492 = arith.constant 1024 : i32
        %add3A_493 = vector.broadcast %add3A_492 : i32 to vector<16xi32>
        %add3A_494 = arith.addi %and3A_438, %add3A_493 : vector<16xi32>
        tpu.vector_store_idx %arg6[%add3A_494, %iota3A], %broadcast_in_dim3A_1 masked %eq3A_475 {add = true} : memref<2048x16xi32, #tpu.memory_space<vmem>>[vector<16xi32>, vector<16xi32>], vector<16xi32>, vector<16xi1>
        %add3A_495 = arith.constant 1024 : i32
        %add3A_496 = vector.broadcast %add3A_495 : i32 to vector<16xi32>
        %add3A_497 = arith.addi %and3A_441, %add3A_496 : vector<16xi32>
        tpu.vector_store_idx %arg6[%add3A_497, %iota3A], %broadcast_in_dim3A_1 masked %eq3A_477 {add = true} : memref<2048x16xi32, #tpu.memory_space<vmem>>[vector<16xi32>, vector<16xi32>], vector<16xi32>, vector<16xi1>
        %add3A_498 = arith.constant 1024 : i32
        %add3A_499 = vector.broadcast %add3A_498 : i32 to vector<16xi32>
        %add3A_500 = arith.addi %and3A_444, %add3A_499 : vector<16xi32>
        tpu.vector_store_idx %arg6[%add3A_500, %iota3A], %broadcast_in_dim3A_1 masked %eq3A_479 {add = true} : memref<2048x16xi32, #tpu.memory_space<vmem>>[vector<16xi32>, vector<16xi32>], vector<16xi32>, vector<16xi1>
        %add3A_501 = arith.constant 1024 : i32
        %add3A_502 = vector.broadcast %add3A_501 : i32 to vector<16xi32>
        %add3A_503 = arith.addi %and3A_447, %add3A_502 : vector<16xi32>
        tpu.vector_store_idx %arg6[%add3A_503, %iota3A], %broadcast_in_dim3A_1 masked %eq3A_481 {add = true} : memref<2048x16xi32, #tpu.memory_space<vmem>>[vector<16xi32>, vector<16xi32>], vector<16xi32>, vector<16xi1>
        %add3A_504 = arith.constant 1024 : i32
        %add3A_505 = vector.broadcast %add3A_504 : i32 to vector<16xi32>
        %add3A_506 = arith.addi %and3A_450, %add3A_505 : vector<16xi32>
        tpu.vector_store_idx %arg6[%add3A_506, %iota3A], %broadcast_in_dim3A_1 masked %eq3A_483 {add = true} : memref<2048x16xi32, #tpu.memory_space<vmem>>[vector<16xi32>, vector<16xi32>], vector<16xi32>, vector<16xi1>
        %add3A_507 = arith.constant 1024 : i32
        %add3A_508 = vector.broadcast %add3A_507 : i32 to vector<16xi32>
        %add3A_509 = arith.addi %and3A_453, %add3A_508 : vector<16xi32>
        tpu.vector_store_idx %arg6[%add3A_509, %iota3A], %broadcast_in_dim3A_1 masked %eq3A_485 {add = true} : memref<2048x16xi32, #tpu.memory_space<vmem>>[vector<16xi32>, vector<16xi32>], vector<16xi32>, vector<16xi1>
      }
      %scan3A_371 = arith.constant 64 : i32
    }
    %scan3A_218 = arith.constant 16 : i32
    %scan3A_219 = arith.constant 0 : i32
    %scan3A_220 = arith.constant 0 : i32
    %scan3A_221 = arith.constant 0 : i32
    %scan3A_222 = arith.constant 0 : i32
    %scan3A_223 = arith.constant 0 : i32
    %scan3A_224 = arith.constant 0 : i32
    %scan3A_225 = arith.constant 0 : i32
    %scan3A_226 = arith.constant 0 : i32
    %scan3A_227 = arith.constant 64 : i32
    %scan3A_228 = arith.addi %scan3A_226, %scan3A_227 : i32
    %scan3A_229 = arith.constant 1 : i32
    %scan3A_230:7 = scf.for %scan3A_335 = %scan3A_226 to %scan3A_228 step %scan3A_229 iter_args(%scan3A_336 = %scan3A_219, %scan3A_337 = %scan3A_220, %scan3A_338 = %scan3A_221, %scan3A_339 = %scan3A_222, %scan3A_340 = %scan3A_223, %scan3A_341 = %scan3A_224, %scan3A_342 = %scan3A_225) -> (i32, i32, i32, i32, i32, i32, i32)  : i32 {
      %broadcast_in_dim3A_343 = arith.constant 0 : i32
      %broadcast_in_dim3A_344 = vector.broadcast %broadcast_in_dim3A_343 : i32 to vector<16xi32>
      %scan3A_345 = arith.constant 0 : i32
      %scan3A_346 = arith.constant 16 : i32
      %scan3A_347 = arith.addi %scan3A_345, %scan3A_346 : i32
      %scan3A_348 = arith.constant 1 : i32
      %scan3A_349 = scf.for %scan3A_383 = %scan3A_345 to %scan3A_347 step %scan3A_348 iter_args(%scan3A_384 = %broadcast_in_dim3A_344) -> (vector<16xi32>)  : i32 {
        %mul3A_385 = arith.constant 16 : i32
        %mul3A_386 = arith.muli %scan3A_335, %mul3A_385 : i32
        %add3A_387 = arith.addi %mul3A_386, %scan3A_383 : i32
        %eq3A_388 = arith.constant 1 : i32
        %eq3A_389 = arith.cmpi eq, %select_n3A_86, %eq3A_388 : i32
        %sub3A_390 = arith.constant 1023 : i32
        %sub3A_391 = arith.subi %sub3A_390, %add3A_387 : i32
        %select_n3A_392 = arith.select %eq3A_389, %sub3A_391, %add3A_387 : i32
        %add3A_393 = arith.constant 0 : i32
        %add3A_394 = arith.addi %add3A_393, %select_n3A_392 : i32
        %get3A = arith.index_cast %add3A_394 : i32 to index
        %get3A_395 = arith.constant 0 : index
        %get3A_396 = tpu.vector_load %arg6[%get3A, %get3A_395] {strides = array<i32>} : memref<2048x16xi32, #tpu.memory_space<vmem>>, vector<16xi32>,
        %add3A_397 = arith.addi %scan3A_384, %get3A_396 : vector<16xi32>
        scf.yield %add3A_397 : vector<16xi32>
      }
      %scan3A_350 = arith.constant 16 : i32
      %reduce_sum3A = arith.constant true
      %reduce_sum3A_351 = vector.broadcast %reduce_sum3A : i1 to vector<16xi1>
      %reduce_sum3A_352 = tpu.scan <sum>, %scan3A_349 masked %reduce_sum3A_351 : vector<16xi32>, vector<16xi1> -> vector<16xi32>
      %reduce_sum3A_353 = vector.extract %reduce_sum3A_352[15] : i32 from vector<16xi32>
      %add3A_354 = arith.addi %scan3A_336, %reduce_sum3A_353 : i32
      %sub3A_355 = arith.constant 1 : i32
      %sub3A_356 = arith.subi %sub3A_355, %scan3A_339 : i32
      %ge3A_357 = arith.cmpi sge, %add3A_354, %sub3A_199 : i32
      %jit3A_358 = arith.constant 1 : i32
      %jit3A_359 = arith.constant 0 : i32
      %select_n3A_360 = arith.select %ge3A_357, %jit3A_358, %jit3A_359 : i32
      %mul3A_361 = arith.muli %sub3A_356, %select_n3A_360 : i32
      %eq3A_362 = arith.constant 1 : i32
      %eq3A_363 = arith.cmpi eq, %mul3A_361, %eq3A_362 : i32
      %select_n3A_364 = arith.select %eq3A_363, %scan3A_335, %scan3A_337 : i32
      %eq3A_365 = arith.constant 1 : i32
      %eq3A_366 = arith.cmpi eq, %mul3A_361, %eq3A_365 : i32
      %select_n3A_367 = arith.select %eq3A_366, %scan3A_336, %scan3A_338 : i32
      %sub3A_368 = arith.constant 1 : i32
      %sub3A_369 = arith.subi %sub3A_368, %scan3A_342 : i32
      %ge3A_370 = arith.cmpi sge, %add3A_354, %sub3A_199 : i32
      %jit3A_371 = arith.constant 1 : i32
      %jit3A_372 = arith.constant 0 : i32
      %select_n3A_373 = arith.select %ge3A_370, %jit3A_371, %jit3A_372 : i32
      %mul3A_374 = arith.muli %sub3A_369, %select_n3A_373 : i32
      %eq3A_375 = arith.constant 1 : i32
      %eq3A_376 = arith.cmpi eq, %mul3A_374, %eq3A_375 : i32
      %select_n3A_377 = arith.select %eq3A_376, %scan3A_335, %scan3A_340 : i32
      %eq3A_378 = arith.constant 1 : i32
      %eq3A_379 = arith.cmpi eq, %mul3A_374, %eq3A_378 : i32
      %select_n3A_380 = arith.select %eq3A_379, %scan3A_336, %scan3A_341 : i32
      %or3A_381 = arith.ori %scan3A_339, %mul3A_361 : i32
      %or3A_382 = arith.ori %scan3A_342, %mul3A_374 : i32
      scf.yield %add3A_354, %select_n3A_364, %select_n3A_367, %or3A_381, %select_n3A_377, %select_n3A_380, %or3A_382 : i32, i32, i32, i32, i32, i32, i32
    }
    %scan3A_231 = arith.constant 64 : i32
    %scan3A_232 = arith.constant 0 : i32
    %scan3A_233 = arith.constant 0 : i32
    %scan3A_234 = arith.constant 0 : i32
    %scan3A_235 = arith.constant 16 : i32
    %scan3A_236 = arith.addi %scan3A_234, %scan3A_235 : i32
    %scan3A_237 = arith.constant 1 : i32
    %scan3A_238:4 = scf.for %scan3A_335 = %scan3A_234 to %scan3A_236 step %scan3A_237 iter_args(%scan3A_336 = %scan3A_230#2, %scan3A_337 = %scan3A_232, %scan3A_338 = %scan3A_230#2, %scan3A_339 = %scan3A_233) -> (i32, i32, i32, i32)  : i32 {
      %mul3A_340 = arith.constant 16 : i32
      %mul3A_341 = arith.muli %scan3A_230#1, %mul3A_340 : i32
      %add3A_342 = arith.addi %mul3A_341, %scan3A_335 : i32
      %eq3A_343 = arith.constant 1 : i32
      %eq3A_344 = arith.cmpi eq, %select_n3A_86, %eq3A_343 : i32
      %sub3A_345 = arith.constant 1023 : i32
      %sub3A_346 = arith.subi %sub3A_345, %add3A_342 : i32
      %select_n3A_347 = arith.select %eq3A_344, %sub3A_346, %add3A_342 : i32
      %add3A_348 = arith.constant 0 : i32
      %add3A_349 = arith.addi %add3A_348, %select_n3A_347 : i32
      %get3A = arith.index_cast %add3A_349 : i32 to index
      %get3A_350 = arith.constant 0 : index
      %get3A_351 = tpu.vector_load %arg6[%get3A, %get3A_350] {strides = array<i32>} : memref<2048x16xi32, #tpu.memory_space<vmem>>, vector<16xi32>,
      %reduce_sum3A = arith.constant true
      %reduce_sum3A_352 = vector.broadcast %reduce_sum3A : i1 to vector<16xi1>
      %reduce_sum3A_353 = tpu.scan <sum>, %get3A_351 masked %reduce_sum3A_352 : vector<16xi32>, vector<16xi1> -> vector<16xi32>
      %reduce_sum3A_354 = vector.extract %reduce_sum3A_353[15] : i32 from vector<16xi32>
      %sub3A_355 = arith.constant 1 : i32
      %sub3A_356 = arith.subi %sub3A_355, %scan3A_339 : i32
      %add3A_357 = arith.addi %scan3A_336, %reduce_sum3A_354 : i32
      %ge3A_358 = arith.cmpi sge, %add3A_357, %sub3A_199 : i32
      %jit3A_359 = arith.constant 1 : i32
      %jit3A_360 = arith.constant 0 : i32
      %select_n3A_361 = arith.select %ge3A_358, %jit3A_359, %jit3A_360 : i32
      %mul3A_362 = arith.muli %sub3A_356, %select_n3A_361 : i32
      %eq3A_363 = arith.constant 1 : i32
      %eq3A_364 = arith.cmpi eq, %mul3A_362, %eq3A_363 : i32
      %select_n3A_365 = arith.select %eq3A_364, %scan3A_335, %scan3A_337 : i32
      %eq3A_366 = arith.constant 1 : i32
      %eq3A_367 = arith.cmpi eq, %mul3A_362, %eq3A_366 : i32
      %select_n3A_368 = arith.select %eq3A_367, %scan3A_336, %scan3A_338 : i32
      %add3A_369 = arith.addi %scan3A_336, %reduce_sum3A_354 : i32
      %or3A_370 = arith.ori %scan3A_339, %mul3A_362 : i32
      scf.yield %add3A_369, %select_n3A_365, %select_n3A_368, %or3A_370 : i32, i32, i32, i32
    }
    %scan3A_239 = arith.constant 16 : i32
    %mul3A_240 = arith.constant 16 : i32
    %mul3A_241 = arith.muli %scan3A_230#1, %mul3A_240 : i32
    %add3A_242 = arith.addi %mul3A_241, %scan3A_238#1 : i32
    %eq3A_243 = arith.constant 1 : i32
    %eq3A_244 = arith.cmpi eq, %select_n3A_86, %eq3A_243 : i32
    %sub3A_245 = arith.constant 1023 : i32
    %sub3A_246 = arith.subi %sub3A_245, %add3A_242 : i32
    %select_n3A_247 = arith.select %eq3A_244, %sub3A_246, %add3A_242 : i32
    %scan3A_248 = arith.constant 0 : i32
    %scan3A_249 = arith.constant 0 : i32
    %scan3A_250 = arith.constant 0 : i32
    %scan3A_251 = arith.constant 16 : i32
    %scan3A_252 = arith.addi %scan3A_250, %scan3A_251 : i32
    %scan3A_253 = arith.constant 1 : i32
    %scan3A_254:4 = scf.for %scan3A_335 = %scan3A_250 to %scan3A_252 step %scan3A_253 iter_args(%scan3A_336 = %scan3A_230#5, %scan3A_337 = %scan3A_248, %scan3A_338 = %scan3A_230#5, %scan3A_339 = %scan3A_249) -> (i32, i32, i32, i32)  : i32 {
      %mul3A_340 = arith.constant 16 : i32
      %mul3A_341 = arith.muli %scan3A_230#4, %mul3A_340 : i32
      %add3A_342 = arith.addi %mul3A_341, %scan3A_335 : i32
      %eq3A_343 = arith.constant 1 : i32
      %eq3A_344 = arith.cmpi eq, %select_n3A_86, %eq3A_343 : i32
      %sub3A_345 = arith.constant 1023 : i32
      %sub3A_346 = arith.subi %sub3A_345, %add3A_342 : i32
      %select_n3A_347 = arith.select %eq3A_344, %sub3A_346, %add3A_342 : i32
      %add3A_348 = arith.constant 0 : i32
      %add3A_349 = arith.addi %add3A_348, %select_n3A_347 : i32
      %get3A = arith.index_cast %add3A_349 : i32 to index
      %get3A_350 = arith.constant 0 : index
      %get3A_351 = tpu.vector_load %arg6[%get3A, %get3A_350] {strides = array<i32>} : memref<2048x16xi32, #tpu.memory_space<vmem>>, vector<16xi32>,
      %reduce_sum3A = arith.constant true
      %reduce_sum3A_352 = vector.broadcast %reduce_sum3A : i1 to vector<16xi1>
      %reduce_sum3A_353 = tpu.scan <sum>, %get3A_351 masked %reduce_sum3A_352 : vector<16xi32>, vector<16xi1> -> vector<16xi32>
      %reduce_sum3A_354 = vector.extract %reduce_sum3A_353[15] : i32 from vector<16xi32>
      %sub3A_355 = arith.constant 1 : i32
      %sub3A_356 = arith.subi %sub3A_355, %scan3A_339 : i32
      %add3A_357 = arith.addi %scan3A_336, %reduce_sum3A_354 : i32
      %ge3A_358 = arith.cmpi sge, %add3A_357, %sub3A_199 : i32
      %jit3A_359 = arith.constant 1 : i32
      %jit3A_360 = arith.constant 0 : i32
      %select_n3A_361 = arith.select %ge3A_358, %jit3A_359, %jit3A_360 : i32
      %mul3A_362 = arith.muli %sub3A_356, %select_n3A_361 : i32
      %eq3A_363 = arith.constant 1 : i32
      %eq3A_364 = arith.cmpi eq, %mul3A_362, %eq3A_363 : i32
      %select_n3A_365 = arith.select %eq3A_364, %scan3A_335, %scan3A_337 : i32
      %eq3A_366 = arith.constant 1 : i32
      %eq3A_367 = arith.cmpi eq, %mul3A_362, %eq3A_366 : i32
      %select_n3A_368 = arith.select %eq3A_367, %scan3A_336, %scan3A_338 : i32
      %add3A_369 = arith.addi %scan3A_336, %reduce_sum3A_354 : i32
      %or3A_370 = arith.ori %scan3A_339, %mul3A_362 : i32
      scf.yield %add3A_369, %select_n3A_365, %select_n3A_368, %or3A_370 : i32, i32, i32, i32
    }
    %scan3A_255 = arith.constant 16 : i32
    %mul3A_256 = arith.constant 16 : i32
    %mul3A_257 = arith.muli %scan3A_230#4, %mul3A_256 : i32
    %add3A_258 = arith.addi %mul3A_257, %scan3A_254#1 : i32
    %eq3A_259 = arith.constant 1 : i32
    %eq3A_260 = arith.cmpi eq, %select_n3A_86, %eq3A_259 : i32
    %sub3A_261 = arith.constant 1023 : i32
    %sub3A_262 = arith.subi %sub3A_261, %add3A_258 : i32
    %select_n3A_263 = arith.select %eq3A_260, %sub3A_262, %add3A_258 : i32
    %scan3A_264 = arith.constant 0 : i32
    %scan3A_265 = arith.constant 0 : i32
    %scan3A_266 = arith.constant 0 : i32
    %scan3A_267 = arith.constant 0 : i32
    %scan3A_268 = arith.constant 0 : i32
    %scan3A_269 = arith.constant 0 : i32
    %scan3A_270 = arith.constant 0 : i32
    %scan3A_271 = arith.constant 0 : i32
    %scan3A_272 = arith.constant 64 : i32
    %scan3A_273 = arith.addi %scan3A_271, %scan3A_272 : i32
    %scan3A_274 = arith.constant 1 : i32
    %scan3A_275:7 = scf.for %scan3A_335 = %scan3A_271 to %scan3A_273 step %scan3A_274 iter_args(%scan3A_336 = %scan3A_264, %scan3A_337 = %scan3A_265, %scan3A_338 = %scan3A_266, %scan3A_339 = %scan3A_267, %scan3A_340 = %scan3A_268, %scan3A_341 = %scan3A_269, %scan3A_342 = %scan3A_270) -> (i32, i32, i32, i32, i32, i32, i32)  : i32 {
      %broadcast_in_dim3A_343 = arith.constant 0 : i32
      %broadcast_in_dim3A_344 = vector.broadcast %broadcast_in_dim3A_343 : i32 to vector<16xi32>
      %scan3A_345 = arith.constant 0 : i32
      %scan3A_346 = arith.constant 16 : i32
      %scan3A_347 = arith.addi %scan3A_345, %scan3A_346 : i32
      %scan3A_348 = arith.constant 1 : i32
      %scan3A_349 = scf.for %scan3A_383 = %scan3A_345 to %scan3A_347 step %scan3A_348 iter_args(%scan3A_384 = %broadcast_in_dim3A_344) -> (vector<16xi32>)  : i32 {
        %mul3A_385 = arith.constant 16 : i32
        %mul3A_386 = arith.muli %scan3A_335, %mul3A_385 : i32
        %add3A_387 = arith.addi %mul3A_386, %scan3A_383 : i32
        %eq3A_388 = arith.constant 1 : i32
        %eq3A_389 = arith.cmpi eq, %select_n3A_91, %eq3A_388 : i32
        %sub3A_390 = arith.constant 1023 : i32
        %sub3A_391 = arith.subi %sub3A_390, %add3A_387 : i32
        %select_n3A_392 = arith.select %eq3A_389, %sub3A_391, %add3A_387 : i32
        %add3A_393 = arith.constant 1024 : i32
        %add3A_394 = arith.addi %add3A_393, %select_n3A_392 : i32
        %get3A = arith.index_cast %add3A_394 : i32 to index
        %get3A_395 = arith.constant 0 : index
        %get3A_396 = tpu.vector_load %arg6[%get3A, %get3A_395] {strides = array<i32>} : memref<2048x16xi32, #tpu.memory_space<vmem>>, vector<16xi32>,
        %add3A_397 = arith.addi %scan3A_384, %get3A_396 : vector<16xi32>
        scf.yield %add3A_397 : vector<16xi32>
      }
      %scan3A_350 = arith.constant 16 : i32
      %reduce_sum3A = arith.constant true
      %reduce_sum3A_351 = vector.broadcast %reduce_sum3A : i1 to vector<16xi1>
      %reduce_sum3A_352 = tpu.scan <sum>, %scan3A_349 masked %reduce_sum3A_351 : vector<16xi32>, vector<16xi1> -> vector<16xi32>
      %reduce_sum3A_353 = vector.extract %reduce_sum3A_352[15] : i32 from vector<16xi32>
      %add3A_354 = arith.addi %scan3A_336, %reduce_sum3A_353 : i32
      %sub3A_355 = arith.constant 1 : i32
      %sub3A_356 = arith.subi %sub3A_355, %scan3A_339 : i32
      %ge3A_357 = arith.cmpi sge, %add3A_354, %sub3A_200 : i32
      %jit3A_358 = arith.constant 1 : i32
      %jit3A_359 = arith.constant 0 : i32
      %select_n3A_360 = arith.select %ge3A_357, %jit3A_358, %jit3A_359 : i32
      %mul3A_361 = arith.muli %sub3A_356, %select_n3A_360 : i32
      %eq3A_362 = arith.constant 1 : i32
      %eq3A_363 = arith.cmpi eq, %mul3A_361, %eq3A_362 : i32
      %select_n3A_364 = arith.select %eq3A_363, %scan3A_335, %scan3A_337 : i32
      %eq3A_365 = arith.constant 1 : i32
      %eq3A_366 = arith.cmpi eq, %mul3A_361, %eq3A_365 : i32
      %select_n3A_367 = arith.select %eq3A_366, %scan3A_336, %scan3A_338 : i32
      %sub3A_368 = arith.constant 1 : i32
      %sub3A_369 = arith.subi %sub3A_368, %scan3A_342 : i32
      %ge3A_370 = arith.cmpi sge, %add3A_354, %sub3A_200 : i32
      %jit3A_371 = arith.constant 1 : i32
      %jit3A_372 = arith.constant 0 : i32
      %select_n3A_373 = arith.select %ge3A_370, %jit3A_371, %jit3A_372 : i32
      %mul3A_374 = arith.muli %sub3A_369, %select_n3A_373 : i32
      %eq3A_375 = arith.constant 1 : i32
      %eq3A_376 = arith.cmpi eq, %mul3A_374, %eq3A_375 : i32
      %select_n3A_377 = arith.select %eq3A_376, %scan3A_335, %scan3A_340 : i32
      %eq3A_378 = arith.constant 1 : i32
      %eq3A_379 = arith.cmpi eq, %mul3A_374, %eq3A_378 : i32
      %select_n3A_380 = arith.select %eq3A_379, %scan3A_336, %scan3A_341 : i32
      %or3A_381 = arith.ori %scan3A_339, %mul3A_361 : i32
      %or3A_382 = arith.ori %scan3A_342, %mul3A_374 : i32
      scf.yield %add3A_354, %select_n3A_364, %select_n3A_367, %or3A_381, %select_n3A_377, %select_n3A_380, %or3A_382 : i32, i32, i32, i32, i32, i32, i32
    }
    %scan3A_276 = arith.constant 64 : i32
    %scan3A_277 = arith.constant 0 : i32
    %scan3A_278 = arith.constant 0 : i32
    %scan3A_279 = arith.constant 0 : i32
    %scan3A_280 = arith.constant 16 : i32
    %scan3A_281 = arith.addi %scan3A_279, %scan3A_280 : i32
    %scan3A_282 = arith.constant 1 : i32
    %scan3A_283:4 = scf.for %scan3A_335 = %scan3A_279 to %scan3A_281 step %scan3A_282 iter_args(%scan3A_336 = %scan3A_275#2, %scan3A_337 = %scan3A_277, %scan3A_338 = %scan3A_275#2, %scan3A_339 = %scan3A_278) -> (i32, i32, i32, i32)  : i32 {
      %mul3A_340 = arith.constant 16 : i32
      %mul3A_341 = arith.muli %scan3A_275#1, %mul3A_340 : i32
      %add3A_342 = arith.addi %mul3A_341, %scan3A_335 : i32
      %eq3A_343 = arith.constant 1 : i32
      %eq3A_344 = arith.cmpi eq, %select_n3A_91, %eq3A_343 : i32
      %sub3A_345 = arith.constant 1023 : i32
      %sub3A_346 = arith.subi %sub3A_345, %add3A_342 : i32
      %select_n3A_347 = arith.select %eq3A_344, %sub3A_346, %add3A_342 : i32
      %add3A_348 = arith.constant 1024 : i32
      %add3A_349 = arith.addi %add3A_348, %select_n3A_347 : i32
      %get3A = arith.index_cast %add3A_349 : i32 to index
      %get3A_350 = arith.constant 0 : index
      %get3A_351 = tpu.vector_load %arg6[%get3A, %get3A_350] {strides = array<i32>} : memref<2048x16xi32, #tpu.memory_space<vmem>>, vector<16xi32>,
      %reduce_sum3A = arith.constant true
      %reduce_sum3A_352 = vector.broadcast %reduce_sum3A : i1 to vector<16xi1>
      %reduce_sum3A_353 = tpu.scan <sum>, %get3A_351 masked %reduce_sum3A_352 : vector<16xi32>, vector<16xi1> -> vector<16xi32>
      %reduce_sum3A_354 = vector.extract %reduce_sum3A_353[15] : i32 from vector<16xi32>
      %sub3A_355 = arith.constant 1 : i32
      %sub3A_356 = arith.subi %sub3A_355, %scan3A_339 : i32
      %add3A_357 = arith.addi %scan3A_336, %reduce_sum3A_354 : i32
      %ge3A_358 = arith.cmpi sge, %add3A_357, %sub3A_200 : i32
      %jit3A_359 = arith.constant 1 : i32
      %jit3A_360 = arith.constant 0 : i32
      %select_n3A_361 = arith.select %ge3A_358, %jit3A_359, %jit3A_360 : i32
      %mul3A_362 = arith.muli %sub3A_356, %select_n3A_361 : i32
      %eq3A_363 = arith.constant 1 : i32
      %eq3A_364 = arith.cmpi eq, %mul3A_362, %eq3A_363 : i32
      %select_n3A_365 = arith.select %eq3A_364, %scan3A_335, %scan3A_337 : i32
      %eq3A_366 = arith.constant 1 : i32
      %eq3A_367 = arith.cmpi eq, %mul3A_362, %eq3A_366 : i32
      %select_n3A_368 = arith.select %eq3A_367, %scan3A_336, %scan3A_338 : i32
      %add3A_369 = arith.addi %scan3A_336, %reduce_sum3A_354 : i32
      %or3A_370 = arith.ori %scan3A_339, %mul3A_362 : i32
      scf.yield %add3A_369, %select_n3A_365, %select_n3A_368, %or3A_370 : i32, i32, i32, i32
    }
    %scan3A_284 = arith.constant 16 : i32
    %mul3A_285 = arith.constant 16 : i32
    %mul3A_286 = arith.muli %scan3A_275#1, %mul3A_285 : i32
    %add3A_287 = arith.addi %mul3A_286, %scan3A_283#1 : i32
    %eq3A_288 = arith.constant 1 : i32
    %eq3A_289 = arith.cmpi eq, %select_n3A_91, %eq3A_288 : i32
    %sub3A_290 = arith.constant 1023 : i32
    %sub3A_291 = arith.subi %sub3A_290, %add3A_287 : i32
    %select_n3A_292 = arith.select %eq3A_289, %sub3A_291, %add3A_287 : i32
    %scan3A_293 = arith.constant 0 : i32
    %scan3A_294 = arith.constant 0 : i32
    %scan3A_295 = arith.constant 0 : i32
    %scan3A_296 = arith.constant 16 : i32
    %scan3A_297 = arith.addi %scan3A_295, %scan3A_296 : i32
    %scan3A_298 = arith.constant 1 : i32
    %scan3A_299:4 = scf.for %scan3A_335 = %scan3A_295 to %scan3A_297 step %scan3A_298 iter_args(%scan3A_336 = %scan3A_275#5, %scan3A_337 = %scan3A_293, %scan3A_338 = %scan3A_275#5, %scan3A_339 = %scan3A_294) -> (i32, i32, i32, i32)  : i32 {
      %mul3A_340 = arith.constant 16 : i32
      %mul3A_341 = arith.muli %scan3A_275#4, %mul3A_340 : i32
      %add3A_342 = arith.addi %mul3A_341, %scan3A_335 : i32
      %eq3A_343 = arith.constant 1 : i32
      %eq3A_344 = arith.cmpi eq, %select_n3A_91, %eq3A_343 : i32
      %sub3A_345 = arith.constant 1023 : i32
      %sub3A_346 = arith.subi %sub3A_345, %add3A_342 : i32
      %select_n3A_347 = arith.select %eq3A_344, %sub3A_346, %add3A_342 : i32
      %add3A_348 = arith.constant 1024 : i32
      %add3A_349 = arith.addi %add3A_348, %select_n3A_347 : i32
      %get3A = arith.index_cast %add3A_349 : i32 to index
      %get3A_350 = arith.constant 0 : index
      %get3A_351 = tpu.vector_load %arg6[%get3A, %get3A_350] {strides = array<i32>} : memref<2048x16xi32, #tpu.memory_space<vmem>>, vector<16xi32>,
      %reduce_sum3A = arith.constant true
      %reduce_sum3A_352 = vector.broadcast %reduce_sum3A : i1 to vector<16xi1>
      %reduce_sum3A_353 = tpu.scan <sum>, %get3A_351 masked %reduce_sum3A_352 : vector<16xi32>, vector<16xi1> -> vector<16xi32>
      %reduce_sum3A_354 = vector.extract %reduce_sum3A_353[15] : i32 from vector<16xi32>
      %sub3A_355 = arith.constant 1 : i32
      %sub3A_356 = arith.subi %sub3A_355, %scan3A_339 : i32
      %add3A_357 = arith.addi %scan3A_336, %reduce_sum3A_354 : i32
      %ge3A_358 = arith.cmpi sge, %add3A_357, %sub3A_200 : i32
      %jit3A_359 = arith.constant 1 : i32
      %jit3A_360 = arith.constant 0 : i32
      %select_n3A_361 = arith.select %ge3A_358, %jit3A_359, %jit3A_360 : i32
      %mul3A_362 = arith.muli %sub3A_356, %select_n3A_361 : i32
      %eq3A_363 = arith.constant 1 : i32
      %eq3A_364 = arith.cmpi eq, %mul3A_362, %eq3A_363 : i32
      %select_n3A_365 = arith.select %eq3A_364, %scan3A_335, %scan3A_337 : i32
      %eq3A_366 = arith.constant 1 : i32
      %eq3A_367 = arith.cmpi eq, %mul3A_362, %eq3A_366 : i32
      %select_n3A_368 = arith.select %eq3A_367, %scan3A_336, %scan3A_338 : i32
      %add3A_369 = arith.addi %scan3A_336, %reduce_sum3A_354 : i32
      %or3A_370 = arith.ori %scan3A_339, %mul3A_362 : i32
      scf.yield %add3A_369, %select_n3A_365, %select_n3A_368, %or3A_370 : i32, i32, i32, i32
    }
    %scan3A_300 = arith.constant 16 : i32
    %mul3A_301 = arith.constant 16 : i32
    %mul3A_302 = arith.muli %scan3A_275#4, %mul3A_301 : i32
    %add3A_303 = arith.addi %mul3A_302, %scan3A_299#1 : i32
    %eq3A_304 = arith.constant 1 : i32
    %eq3A_305 = arith.cmpi eq, %select_n3A_91, %eq3A_304 : i32
    %sub3A_306 = arith.constant 1023 : i32
    %sub3A_307 = arith.subi %sub3A_306, %add3A_303 : i32
    %select_n3A_308 = arith.select %eq3A_305, %sub3A_307, %add3A_303 : i32
    %shift_left3A = arith.constant 10 : i32
    %shift_left3A_309 = arith.shli %add3A_203, %shift_left3A : i32
    %or3A = arith.ori %shift_left3A_309, %select_n3A_247 : i32
    %shift_left3A_310 = arith.constant 10 : i32
    %shift_left3A_311 = arith.shli %add3A_206, %shift_left3A_310 : i32
    %or3A_312 = arith.ori %shift_left3A_311, %select_n3A_292 : i32
    %ge3A_313 = arith.constant 0 : i32
    %ge3A_314 = arith.cmpi sge, %or3A, %ge3A_313 : i32
    %xor3A = arith.constant 2147483647 : i32
    %xor3A_315 = arith.xori %or3A, %xor3A : i32
    %select_n3A_316 = arith.select %ge3A_314, %or3A, %xor3A_315 : i32
    %ge3A_317 = arith.constant 0 : i32
    %ge3A_318 = arith.cmpi sge, %or3A_312, %ge3A_317 : i32
    %xor3A_319 = arith.constant 2147483647 : i32
    %xor3A_320 = arith.xori %or3A_312, %xor3A_319 : i32
    %select_n3A_321 = arith.select %ge3A_318, %or3A_312, %xor3A_320 : i32
    %eq3A_322 = arith.constant 0 : i32
    %eq3A_323 = vector.broadcast %eq3A_322 : i32 to vector<16xi32>
    %eq3A_324 = arith.cmpi eq, %iota3A, %eq3A_323 : vector<16xi32>
    %eq3A_325 = arith.constant 1 : i32
    %eq3A_326 = vector.broadcast %eq3A_325 : i32 to vector<16xi32>
    %eq3A_327 = arith.cmpi eq, %iota3A, %eq3A_326 : vector<16xi32>
    %jit3A_328 = arith.constant 0 : i32
    %broadcast_in_dim3A_329 = vector.broadcast %select_n3A_321 : i32 to vector<16xi32>
    %broadcast_in_dim3A_330 = vector.broadcast %jit3A_328 : i32 to vector<16xi32>
    %select_n3A_331 = arith.select %eq3A_327, %broadcast_in_dim3A_329, %broadcast_in_dim3A_330 : vector<16xi1>, vector<16xi32>
    %broadcast_in_dim3A_332 = vector.broadcast %select_n3A_316 : i32 to vector<16xi32>
    %select_n3A_333 = arith.select %eq3A_324, %broadcast_in_dim3A_332, %select_n3A_331 : vector<16xi1>, vector<16xi32>
    %swap3A = arith.constant 0 : index
    %swap3A_334 = tpu.vector_load %arg9[%swap3A] {strides = array<i32>} : memref<16xi32, #tpu.memory_space<vmem>>, vector<16xi32>,
    tpu.vector_store %arg9[%swap3A], %select_n3A_333 {strides = array<i32>} : memref<16xi32, #tpu.memory_space<vmem>>, vector<16xi32>,
    "tpu.region"() ({
      %run_scoped3A = tpu.sem_alloc : memref<!tpu.dma_semaphore, #tpu.memory_space<semaphore_mem>>
      %dma_start3A_335 = arith.constant 0 : i32
      %dma_start3A_336 = tpu.memref_slice %arg3[%add3A, %dma_start3A_335] : memref<32x16xi32, #tpu.memory_space<hbm>> -> memref<1x16xi32, #tpu.memory_space<hbm>>
      %dma_start3A_337 = tpu.memref_squeeze %dma_start3A_336 : memref<1x16xi32, #tpu.memory_space<hbm>> -> memref<16xi32, #tpu.memory_space<hbm>>
      %dma_start3A_338 = arith.constant 0 : i32
      %dma_start3A_339 = tpu.memref_slice %arg3[%add3A, %dma_start3A_338] : memref<32x16xi32, #tpu.memory_space<hbm>> -> memref<1x16xi32, #tpu.memory_space<hbm>>
      %dma_start3A_340 = tpu.memref_squeeze %dma_start3A_339 : memref<1x16xi32, #tpu.memory_space<hbm>> -> memref<16xi32, #tpu.memory_space<hbm>>
      tpu.enqueue_dma source(%arg9 : memref<16xi32, #tpu.memory_space<vmem>>) target(%dma_start3A_340 : memref<16xi32, #tpu.memory_space<hbm>>) target_semaphore(%run_scoped3A : memref<!tpu.dma_semaphore, #tpu.memory_space<semaphore_mem>>)
      %dma_wait3A = arith.constant 0 : i32
      %dma_wait3A_341 = tpu.memref_slice %arg3[%add3A, %dma_wait3A] : memref<32x16xi32, #tpu.memory_space<hbm>> -> memref<1x16xi32, #tpu.memory_space<hbm>>
      %dma_wait3A_342 = tpu.memref_squeeze %dma_wait3A_341 : memref<1x16xi32, #tpu.memory_space<hbm>> -> memref<16xi32, #tpu.memory_space<hbm>>
      %dma_wait3A_343 = arith.constant 0 : i32
      %dma_wait3A_344 = tpu.memref_slice %arg3[%add3A, %dma_wait3A_343] : memref<32x16xi32, #tpu.memory_space<hbm>> -> memref<1x16xi32, #tpu.memory_space<hbm>>
      %dma_wait3A_345 = tpu.memref_squeeze %dma_wait3A_344 : memref<1x16xi32, #tpu.memory_space<hbm>> -> memref<16xi32, #tpu.memory_space<hbm>>
      tpu.wait_dma2 semaphore(%run_scoped3A : memref<!tpu.dma_semaphore, #tpu.memory_space<semaphore_mem>>) src(%arg9 : memref<16xi32, #tpu.memory_space<vmem>>) dst(%dma_wait3A_345 : memref<16xi32, #tpu.memory_space<hbm>>)
      tpu.yield
    }) : () -> ()
    return
  }
}

module attributes {stable_mosaic.version = 14 : i64} {
  func.func @_label_body(%arg0: i32, %arg1: memref<32x16xi32, #tpu.memory_space<smem>>, %arg2: memref<1x1x512x512xf32, #tpu.memory_space<vmem>>, %arg3: memref<1x512x512xi32, #tpu.memory_space<vmem>>) attributes {dimension_semantics = [#tpu.dimension_semantics<arbitrary>], iteration_bounds = array<i64: 32>, scalar_prefetch = 0 : i64, scratch_operands = 0 : i64, tpu.core_type = #tpu.core_type<tc>, window_params = [{transform_indices = @transform_0, window_bounds = array<i64: 32, 16>}, {transform_indices = @transform_1, window_bounds = array<i64: 1, 1, 512, 512>}, {transform_indices = @transform_2, window_bounds = array<i64: 1, 512, 512>}]} {
    %get3A = arith.index_cast %arg0 : i32 to index
    %get3A_0 = arith.constant 0 : index
    %get3A_1 = memref.load %arg1[%get3A, %get3A_0] : memref<32x16xi32, #tpu.memory_space<smem>>
    %get3A_2 = arith.index_cast %arg0 : i32 to index
    %get3A_3 = arith.constant 1 : index
    %get3A_4 = memref.load %arg1[%get3A_2, %get3A_3] : memref<32x16xi32, #tpu.memory_space<smem>>
    %eq3A = arith.constant -1 : i32
    %eq3A_5 = arith.cmpi eq, %get3A_1, %eq3A : i32
    %jit3A = arith.constant 0 : i32
    %select_n3A = arith.select %eq3A_5, %jit3A, %get3A_1 : i32
    %eq3A_6 = arith.constant -1 : i32
    %eq3A_7 = arith.cmpi eq, %get3A_4, %eq3A_6 : i32
    %jit3A_8 = arith.constant 0 : i32
    %select_n3A_9 = arith.select %eq3A_7, %jit3A_8, %get3A_4 : i32
    %get3A_10 = arith.constant 0 : index
    %get3A_11 = arith.constant 0 : index
    %get3A_12 = arith.constant 0 : index
    %get3A_13 = arith.constant 0 : index
    %get3A_14 = vector.load %arg2[%get3A_10, %get3A_11, %get3A_12, %get3A_13] : memref<1x1x512x512xf32, #tpu.memory_space<vmem>>, vector<1x1x512x512xf32>
    %get3A_15 = vector.shape_cast %get3A_14 : vector<1x1x512x512xf32> to vector<512x512xf32>
    %bitcast_convert_type3A = tpu.bitcast %get3A_15 : vector<512x512xf32> -> vector<512x512xi32>
    %ge3A = arith.constant 0 : i32
    %ge3A_16 = vector.broadcast %ge3A : i32 to vector<512x512xi32>
    %ge3A_17 = arith.cmpi sge, %bitcast_convert_type3A, %ge3A_16 : vector<512x512xi32>
    %xor3A = arith.constant 2147483647 : i32
    %xor3A_18 = vector.broadcast %xor3A : i32 to vector<512x512xi32>
    %xor3A_19 = arith.xori %bitcast_convert_type3A, %xor3A_18 : vector<512x512xi32>
    %select_n3A_20 = arith.select %ge3A_17, %bitcast_convert_type3A, %xor3A_19 : vector<512x512xi1>, vector<512x512xi32>
    %eq3A_21 = arith.constant -2147483648 : i32
    %eq3A_22 = vector.broadcast %eq3A_21 : i32 to vector<512x512xi32>
    %eq3A_23 = arith.cmpi eq, %bitcast_convert_type3A, %eq3A_22 : vector<512x512xi32>
    %jit3A_24 = arith.constant 0 : i32
    %broadcast_in_dim3A = vector.broadcast %jit3A_24 : i32 to vector<512x512xi32>
    %select_n3A_25 = arith.select %eq3A_23, %broadcast_in_dim3A, %select_n3A_20 : vector<512x512xi1>, vector<512x512xi32>
    %lt3A = vector.broadcast %select_n3A : i32 to vector<512x512xi32>
    %lt3A_26 = arith.cmpi slt, %select_n3A_25, %lt3A : vector<512x512xi32>
    %convert_element_type3A = arith.extui %lt3A_26 : vector<512x512xi1> to vector<512x512xi32>
    %reduce_sum3A = vector.shape_cast %convert_element_type3A : vector<512x512xi32> to vector<1x512x512xi32>
    %reduce_sum3A_27 = arith.constant dense<0> : vector<1xi32>
    %reduce_sum3A_28 = vector.multi_reduction <add>, %reduce_sum3A, %reduce_sum3A_27 [1, 2] : vector<1x512x512xi32> to vector<1xi32>
    %reduce_sum3A_29 = vector.shape_cast %reduce_sum3A_28 : vector<1xi32> to vector<1x1x1xi32>
    %reduce_sum3A_30 = vector.extract %reduce_sum3A_29[0, 0, 0] : i32 from vector<1x1x1xi32>
    %lt3A_31 = vector.broadcast %select_n3A_9 : i32 to vector<512x512xi32>
    %lt3A_32 = arith.cmpi slt, %select_n3A_25, %lt3A_31 : vector<512x512xi32>
    %convert_element_type3A_33 = arith.extui %lt3A_32 : vector<512x512xi1> to vector<512x512xi32>
    %reduce_sum3A_34 = vector.shape_cast %convert_element_type3A_33 : vector<512x512xi32> to vector<1x512x512xi32>
    %reduce_sum3A_35 = arith.constant dense<0> : vector<1xi32>
    %reduce_sum3A_36 = vector.multi_reduction <add>, %reduce_sum3A_34, %reduce_sum3A_35 [1, 2] : vector<1x512x512xi32> to vector<1xi32>
    %reduce_sum3A_37 = vector.shape_cast %reduce_sum3A_36 : vector<1xi32> to vector<1x1x1xi32>
    %reduce_sum3A_38 = vector.extract %reduce_sum3A_37[0, 0, 0] : i32 from vector<1x1x1xi32>
    %eq3A_39 = vector.broadcast %select_n3A : i32 to vector<512x512xi32>
    %eq3A_40 = arith.cmpi eq, %select_n3A_25, %eq3A_39 : vector<512x512xi32>
    %eq3A_41 = vector.broadcast %select_n3A_9 : i32 to vector<512x512xi32>
    %eq3A_42 = arith.cmpi eq, %select_n3A_25, %eq3A_41 : vector<512x512xi32>
    %iota3A = tpu.iota {dimensions = array<i32: 0>} : vector<512x512xi32>
    %iota3A_43 = tpu.iota {dimensions = array<i32: 1>} : vector<512x512xi32>
    %lt3A_44 = arith.cmpi slt, %iota3A, %iota3A_43 : vector<512x512xi32>
    %convert_element_type3A_45 = arith.extui %lt3A_44 : vector<512x512xi1> to vector<512x512xi32>
    %convert_element_type3A_46 = arith.sitofp %convert_element_type3A_45 : vector<512x512xi32> to vector<512x512xf32>
    %convert_element_type3A_47 = arith.truncf %convert_element_type3A_46 : vector<512x512xf32> to vector<512x512xbf16>
    %lt3A_48 = arith.cmpi slt, %iota3A_43, %iota3A : vector<512x512xi32>
    %convert_element_type3A_49 = arith.extui %lt3A_48 : vector<512x512xi1> to vector<512x512xi32>
    %convert_element_type3A_50 = arith.sitofp %convert_element_type3A_49 : vector<512x512xi32> to vector<512x512xf32>
    %convert_element_type3A_51 = arith.extui %eq3A_40 : vector<512x512xi1> to vector<512x512xi32>
    %convert_element_type3A_52 = arith.sitofp %convert_element_type3A_51 : vector<512x512xi32> to vector<512x512xf32>
    %convert_element_type3A_53 = arith.truncf %convert_element_type3A_52 : vector<512x512xf32> to vector<512x512xbf16>
    %dot_general3A = arith.constant dense<0.000000e+00> : vector<512x512xf32>
    %dot_general3A_54 = tpu.matmul %convert_element_type3A_53, %convert_element_type3A_47, %dot_general3A {dimension_numbers = #tpu.dot_dimension_numbers<[1], [0], [0], [1], [0, 0, 1, 1], [], []>, transpose_lhs_hint = false} : vector<512x512xbf16>, vector<512x512xbf16>, vector<512x512xf32> -> vector<512x512xf32>
    %convert_element_type3A_55 = arith.extui %eq3A_40 : vector<512x512xi1> to vector<512x512xi32>
    %convert_element_type3A_56 = arith.sitofp %convert_element_type3A_55 : vector<512x512xi32> to vector<512x512xf32>
    %reduce_sum3A_57 = arith.constant dense<0.000000e+00> : vector<512xf32>
    %reduce_sum3A_58 = vector.multi_reduction <add>, %convert_element_type3A_56, %reduce_sum3A_57 [1] : vector<512x512xf32> to vector<512xf32>
    %broadcast_in_dim3A_59 = vector.shape_cast %reduce_sum3A_58 : vector<512xf32> to vector<512x1xf32>
    %dot_general3A_60 = arith.constant dense<0.000000e+00> : vector<512x1xf32>
    %dot_general3A_61 = tpu.matmul %convert_element_type3A_50, %broadcast_in_dim3A_59, %dot_general3A_60 {dimension_numbers = #tpu.dot_dimension_numbers<[1], [0], [0], [1], [0, 0, 1, 1], [], []>, transpose_lhs_hint = false} : vector<512x512xf32>, vector<512x1xf32>, vector<512x1xf32> -> vector<512x1xf32>
    %add3A = vector.broadcast %dot_general3A_61 : vector<512x1xf32> to vector<512x512xf32>
    %add3A_62 = arith.addf %dot_general3A_54, %add3A : vector<512x512xf32>
    %convert_element_type3A_63 = arith.extui %eq3A_42 : vector<512x512xi1> to vector<512x512xi32>
    %convert_element_type3A_64 = arith.sitofp %convert_element_type3A_63 : vector<512x512xi32> to vector<512x512xf32>
    %convert_element_type3A_65 = arith.truncf %convert_element_type3A_64 : vector<512x512xf32> to vector<512x512xbf16>
    %dot_general3A_66 = arith.constant dense<0.000000e+00> : vector<512x512xf32>
    %dot_general3A_67 = tpu.matmul %convert_element_type3A_65, %convert_element_type3A_47, %dot_general3A_66 {dimension_numbers = #tpu.dot_dimension_numbers<[1], [0], [0], [1], [0, 0, 1, 1], [], []>, transpose_lhs_hint = false} : vector<512x512xbf16>, vector<512x512xbf16>, vector<512x512xf32> -> vector<512x512xf32>
    %convert_element_type3A_68 = arith.extui %eq3A_42 : vector<512x512xi1> to vector<512x512xi32>
    %convert_element_type3A_69 = arith.sitofp %convert_element_type3A_68 : vector<512x512xi32> to vector<512x512xf32>
    %reduce_sum3A_70 = arith.constant dense<0.000000e+00> : vector<512xf32>
    %reduce_sum3A_71 = vector.multi_reduction <add>, %convert_element_type3A_69, %reduce_sum3A_70 [1] : vector<512x512xf32> to vector<512xf32>
    %broadcast_in_dim3A_72 = vector.shape_cast %reduce_sum3A_71 : vector<512xf32> to vector<512x1xf32>
    %dot_general3A_73 = arith.constant dense<0.000000e+00> : vector<512x1xf32>
    %dot_general3A_74 = tpu.matmul %convert_element_type3A_50, %broadcast_in_dim3A_72, %dot_general3A_73 {dimension_numbers = #tpu.dot_dimension_numbers<[1], [0], [0], [1], [0, 0, 1, 1], [], []>, transpose_lhs_hint = false} : vector<512x512xf32>, vector<512x1xf32>, vector<512x1xf32> -> vector<512x1xf32>
    %add3A_75 = vector.broadcast %dot_general3A_74 : vector<512x1xf32> to vector<512x512xf32>
    %add3A_76 = arith.addf %dot_general3A_67, %add3A_75 : vector<512x512xf32>
    %sub3A = arith.constant 26214 : i32
    %sub3A_77 = arith.subi %sub3A, %reduce_sum3A_30 : i32
    %convert_element_type3A_78 = arith.sitofp %sub3A_77 : i32 to f32
    %sub3A_79 = arith.constant 262144 : i32
    %sub3A_80 = arith.subi %sub3A_79, %reduce_sum3A_38 : i32
    %sub3A_81 = arith.constant 26214 : i32
    %sub3A_82 = arith.subi %sub3A_80, %sub3A_81 : i32
    %convert_element_type3A_83 = arith.sitofp %sub3A_82 : i32 to f32
    %lt3A_84 = vector.broadcast %select_n3A : i32 to vector<512x512xi32>
    %lt3A_85 = arith.cmpi slt, %select_n3A_25, %lt3A_84 : vector<512x512xi32>
    %lt3A_86 = vector.broadcast %convert_element_type3A_78 : f32 to vector<512x512xf32>
    %lt3A_87 = arith.cmpf olt, %add3A_62, %lt3A_86 : vector<512x512xf32>
    %and3A = arith.andi %eq3A_40, %lt3A_87 : vector<512x512xi1>
    %or3A = arith.ori %lt3A_85, %and3A : vector<512x512xi1>
    %gt3A = vector.broadcast %select_n3A_9 : i32 to vector<512x512xi32>
    %gt3A_88 = arith.cmpi sgt, %select_n3A_25, %gt3A : vector<512x512xi32>
    %ge3A_89 = vector.broadcast %convert_element_type3A_83 : f32 to vector<512x512xf32>
    %ge3A_90 = arith.cmpf oge, %add3A_76, %ge3A_89 : vector<512x512xf32>
    %and3A_91 = arith.andi %eq3A_42, %ge3A_90 : vector<512x512xi1>
    %or3A_92 = arith.ori %gt3A_88, %and3A_91 : vector<512x512xi1>
    %jit3A_93 = arith.constant 0 : i32
    %jit3A_94 = arith.constant 255 : i32
    %broadcast_in_dim3A_95 = vector.broadcast %jit3A_93 : i32 to vector<512x512xi32>
    %broadcast_in_dim3A_96 = vector.broadcast %jit3A_94 : i32 to vector<512x512xi32>
    %select_n3A_97 = arith.select %or3A, %broadcast_in_dim3A_95, %broadcast_in_dim3A_96 : vector<512x512xi1>, vector<512x512xi32>
    %jit3A_98 = arith.constant 1 : i32
    %broadcast_in_dim3A_99 = vector.broadcast %jit3A_98 : i32 to vector<512x512xi32>
    %select_n3A_100 = arith.select %or3A_92, %broadcast_in_dim3A_99, %select_n3A_97 : vector<512x512xi1>, vector<512x512xi32>
    %swap3A = arith.constant 0 : index
    %swap3A_101 = arith.constant 0 : index
    %swap3A_102 = arith.constant 0 : index
    %swap3A_103 = vector.load %arg3[%swap3A, %swap3A_101, %swap3A_102] : memref<1x512x512xi32, #tpu.memory_space<vmem>>, vector<1x512x512xi32>
    %swap3A_104 = vector.shape_cast %swap3A_103 : vector<1x512x512xi32> to vector<512x512xi32>
    %swap3A_105 = vector.shape_cast %select_n3A_100 : vector<512x512xi32> to vector<1x512x512xi32>
    tpu.vector_store %arg3[%swap3A, %swap3A_101, %swap3A_102], %swap3A_105 {strides = array<i32>} : memref<1x512x512xi32, #tpu.memory_space<vmem>>, vector<1x512x512xi32>,
    return
  }
  func.func @transform_0(%arg0: i32) -> (i32, i32) {
    %c0_i32 = arith.constant 0 : i32
    %c0_i32_0 = arith.constant 0 : i32
    %c0_i32_1 = arith.constant 0 : i32
    return %c0_i32, %c0_i32_0 : i32, i32
  }
  func.func @transform_1(%arg0: i32) -> (i32, i32, i32, i32) {
    %c0_i32 = arith.constant 0 : i32
    %c0_i32_0 = arith.constant 0 : i32
    %c0_i32_1 = arith.constant 0 : i32
    %c0_i32_2 = arith.constant 0 : i32
    return %arg0, %c0_i32, %c0_i32_0, %c0_i32_1 : i32, i32, i32, i32
  }
  func.func @transform_2(%arg0: i32) -> (i32, i32, i32) {
    %c0_i32 = arith.constant 0 : i32
    %c0_i32_0 = arith.constant 0 : i32
    %c0_i32_1 = arith.constant 0 : i32
    return %arg0, %c0_i32, %c0_i32_0 : i32, i32, i32
  }
}

</mosaic_0001>

<sc_bundles>
// kernel: kernel.4.cloned.1.call-start
scs
__scs_entry_jumppad:
0x0: {  	(pc) =	sbr.rel $0x88, $3  }
0x1: {  	(tag) =	ssettag $0x0;
	lr =	simm.s32 $0x1  }
0x2: {  	[smem:$0x3FA0] =	sst lr;
	_ =	strace $0xD0000000  }
0x3: {  	_ = 	snop  }
0x4: {  	_ = 	snop  }
0x5: {  	_ = 	snop  }
0x6: {  	_ = 	snop  }
0x7: {  	_ = 	snop  }
__scs_overlays_trampoline_lowered:
0x8: {  	[smem:$0x3FAF] =	sst s0  }
0x9: {  	[smem:$0x3FB0] =	sst s1  }
0xa: {  	[smem:$0x3FB1] =	sst s2  }
0xb: {  	[smem:$0x3FB2] =	sst s3  }
0xc: {  	[smem:$0x3FB3] =	sst s4  }
0xd: {  	[smem:$0x3FB4] =	sst s5  }
0xe: {  	[smem:$0x3FB5] =	sst s6  }
0xf: {  	[smem:$0x3FB6] =	sst s7  }
0x10: {  	[smem:$0x3FB7] =	sst s8  }
0x11: {  	[smem:$0x3FB8] =	sst s9;
	s0 =	simm.s32 @!p0 $0x0  }
0x12: {  	s1 =	sld [smem:$0x3F9E];
	s0 =	simm.s32 @p0 $0x1  }
0x13: {  	[smem:$0x3FB9] =	sst s0;
	s0 =	simm.s32 @!p1 $0x0  }
0x14: {  	s2 =	sld [smem:$0x3F9D];
	s0 =	simm.s32 @p1 $0x1  }
0x15: {  	[smem:$0x3FBA] =	sst s0;
	s0 =	simm.s32 @!p2 $0x0  }
0x16: {  	s3 =	sld [smem:$0x3FDB];
	s0 =	simm.s32 @p2 $0x1  }
0x17: {  	s4 =	simm.s32 $0x1BF5;
	[smem:$0x3FBC] =	sst s0  }
0x18: {  	s0 =	sld [smem:$0x3F9F];
	_ =	swait.ge [sflag:s4], $0x0  }
0x19: {  	s7 =	sld [smem:$0x3FA0]  }
0x1a: {  	s8 =	sadd.s32 $0xFFFFE003, lr  }
0x1b: {  	s9 =	sadd.s32 $0xFFFFFEF7, lr;
	s5 =	simm.s32 $0xFFFFFFFF;
	p2 =	slt.u32 s8, $0xFFFFF086  }
0x1c: {  	p1 =	slt.u32 s9, $0xF7A;
	s5 =	simm.s32 @!p2 $0x0  }
0x1d: {  	s5 =	simm.s32 @p1 $0x1;
	p0 =	seq.s32 s7, s2  }
0x1e: {  	s7 =	smul.u32 @!p0 $0xF7A, s2;
	p2 =	seq.s32 @!p0 s5, $0x0  }
0x1f: {  	s9 =	smul.u32 $0xF7A, s1;
	s8 =	simm.s32 @!p0 $0x1BF5;
	p2 =	por !p2, p0  }
0x20: {  	[sflag:s8] =	ssyncset.s32 @!p0 $0xFFFFF086;
	s6 =	sadd.s32 @!p0 s3, s7;
	s7 =	simm.s32 @!p0 $0x108  }
0x21: {  	s3 =	sadd.s32 s3, s9;
	s6 =	sadd.s32 @!p0 $0x88, s6;
	s7 =	simm.s32 @p2 $0x1082  }
0x22: {  	[simem:s7], [sflag:s8] =	dma.local @!p0 [hbm:s6], $0xF7A  }
0x23: {  	s9 =	sor.u32 $0xD0000000, s2;
	s6 =	simm.s32 $0x108;
	_ =	swait.ge @!p0 [sflag:s8], $0x0  }
0x24: {  	s3 =	sadd.s32 $0x88, s3;
	s6 =	simm.s32 @!p1 $0x1082;
	[sflag:s4] =	ssyncset.s32 $0xFFFFF086  }
0x25: {  	[simem:s6], [sflag:s4] =	dma.local [hbm:s3], $0xF7A  }
0x26: {  	[smem:$0x3FA0] =	sst s1;
	(tag) =	ssettag s2;
	_ =	strace s9  }
0x27: {  	s1 =	sld [smem:$0x3FB0]  }
0x28: {  	s2 =	sld [smem:$0x3FB1]  }
0x29: {  	s4 =	sld [smem:$0x3FB3]  }
0x2a: {  	p0 =	seq.s32 s5, $0x0;
	s5 =	sld [smem:$0x3FB4]  }
0x2b: {  	s6 =	sld [smem:$0x3FB5]  }
0x2c: {  	s7 =	sld [smem:$0x3FB6]  }
0x2d: {  	s3 =	simm.s32 $0x108;
	s8 =	sld [smem:$0x3FB7]  }
0x2e: {  	s3 =	simm.s32 @!p0 $0x1082;
	s9 =	sld [smem:$0x3FB8]  }
0x2f: {  	lr =	sadd.s32 s0, s3;
	s0 =	sld [smem:$0x3FAF]  }
0x30: {  	s3 =	sld [smem:$0x3FB2]  }
0x31: {  	[smem:$0x3FBB] =	sst s10  }
0x32: {  	s10 =	sld [smem:$0x3FB9];
	_ =	sdelay $0x3  }
0x33: {  	p0 =	seq.s32 s10, $0x1;
	s10 =	sld [smem:$0x3FBB];
	_ =	sdelay $0x3  }
0x34: {  	[smem:$0x3FBB] =	sst s10  }
0x35: {  	s10 =	sld [smem:$0x3FBA];
	_ =	sdelay $0x3  }
0x36: {  	p1 =	seq.s32 s10, $0x1;
	s10 =	sld [smem:$0x3FBB];
	_ =	sdelay $0x3  }
0x37: {  	[smem:$0x3FBB] =	sst s10  }
0x38: {  	s10 =	sld [smem:$0x3FBC]  }
0x39: {  	_ = 	snop;
	(pc) =	sbr.ind lr, $3  }
0x3a: {  	_ = 	snop  }
0x3b: {  	_ = 	snop  }
0x3c: {  	p2 =	seq.s32 s10, $0x1;
	s10 =	sld [smem:$0x3FBB]  }
0x3d: {  	_ =	shalt  }
0x3e: {  	_ =	shalt  }
0x3f: {  	_ =	shalt  }
0x40: {  	_ =	shalt  }
0x41: {  	_ =	shalt  }
0x42: {  	_ =	shalt  }
0x43: {  	_ =	shalt  }
0x44: {  	_ =	shalt  }
0x45: {  	_ =	shalt  }
0x46: {  	_ =	shalt  }
0x47: {  	_ =	shalt  }
0x48: {  	_ =	shalt  }
0x49: {  	_ =	shalt  }
0x4a: {  	_ =	shalt  }
0x4b: {  	_ =	shalt  }
0x4c: {  	_ =	shalt  }
0x4d: {  	_ =	shalt  }
0x4e: {  	_ =	shalt  }
0x4f: {  	_ =	shalt  }
0x50: {  	_ =	shalt  }
0x51: {  	_ =	shalt  }
0x52: {  	_ =	shalt  }
0x53: {  	_ =	shalt  }
0x54: {  	_ =	shalt  }
0x55: {  	_ =	shalt  }
0x56: {  	_ =	shalt  }
0x57: {  	_ =	shalt  }
0x58: {  	_ =	shalt  }
0x59: {  	_ =	shalt  }
0x5a: {  	_ =	shalt  }
0x5b: {  	_ =	shalt  }
0x5c: {  	_ =	shalt  }
0x5d: {  	_ =	shalt  }
0x5e: {  	_ =	shalt  }
0x5f: {  	_ =	shalt  }
0x60: {  	_ =	shalt  }
0x61: {  	_ =	shalt  }
0x62: {  	_ =	shalt  }
0x63: {  	_ =	shalt  }
0x64: {  	_ =	shalt  }
0x65: {  	_ =	shalt  }
0x66: {  	_ =	shalt  }
0x67: {  	_ =	shalt  }
0x68: {  	_ =	shalt  }
0x69: {  	_ =	shalt  }
0x6a: {  	_ =	shalt  }
0x6b: {  	_ =	shalt  }
0x6c: {  	_ =	shalt  }
0x6d: {  	_ =	shalt  }
0x6e: {  	_ =	shalt  }
0x6f: {  	_ =	shalt  }
0x70: {  	_ =	shalt  }
0x71: {  	_ =	shalt  }
0x72: {  	_ =	shalt  }
0x73: {  	_ =	shalt  }
0x74: {  	_ =	shalt  }
0x75: {  	_ =	shalt  }
0x76: {  	_ =	shalt  }
0x77: {  	_ =	shalt  }
0x78: {  	_ =	shalt  }
0x79: {  	_ =	shalt  }
0x7a: {  	_ =	shalt  }
0x7b: {  	_ =	shalt  }
0x7c: {  	_ =	shalt  }
0x7d: {  	_ =	shalt  }
0x7e: {  	_ =	shalt  }
0x7f: {  	_ =	shalt  }
0x80: {  	_ =	shalt  }
0x81: {  	_ =	shalt  }
0x82: {  	_ =	shalt  }
0x83: {  	_ =	shalt  }
0x84: {  	_ =	shalt  }
0x85: {  	_ =	shalt  }
0x86: {  	_ =	shalt  }
0x87: {  	_ =	shalt  }
.Lfunc_end0:
.L_simem_size_0:
called_computation.1_lowered:
.L_overlay_start_0:
0x88: {  	s2 =	sld [smem:$0x3FD9]  }
0x89: {  	s3 =	sld [smem:$0x3FFE];
	_ =	sdelay $0x1  }
0x8a: {  	s1 =	srdreg.scid  }
0x8b: {  	s0 =	sand.u32 $0x1, s1  }
0x8c: {  	s17 =	sshll.u32 s0, $0xA;
	s2 =	sadd.s32 s3, s2  }
0x8d: {  	s2 =	sadd.s32 s2, s17  }
0x8e: {  	[smem:$0x3FC7] =	sst s2  }
0x8f: {  	_ = 	snop  }
0x90: {  	s2 =	sld [smem:$0x3FD0];
	(tm) =	ssettm $0x1  }
0x91: {  	s18 =	sld [smem:$0x3FFB];
	_ =	sdelay $0x3  }
0x92: {  	_ =	strace s18  }
0x93: {  	s3 =	sld [smem:$0x3FFC];
	_ =	sdelay $0x3  }
0x94: {  	_ =	strace s3  }
0x95: {  	s3 =	sld [smem:$0x3FFD];
	_ =	sdelay $0x3  }
0x96: {  	_ =	strace s3  }
0x97: {  	_ =	strace $0x8FFFFFFF  }
0x98: {  	s19 =	sld [smem:$0x3FDB];
	_ =	sdelay $0x1  }
0x99: {  	s4 =	simm.s32 $_scs_section_size  }
0x9a: {  	s5 =	simm.s32 $_size__tile_overlayer_lowered;
	s6 =	simm.s32 $_tile_overlayer_lowered  }
0x9b: {  	s22 =	simm.s32 $0x1BFF;
	s21 =	sshll.u32 s6, $0x1;
	s3 =	sadd.s32 s4, s19  }
0x9c: {  	s7 =	simm.s32 $0x0;
	s20 =	sshll.u32 s5, $0x1;
	s5 =	sadd.s32 s21, s3  }
0x9d: {  	[timem:s7], [sflag:s22] =	dma.local [hbm:s5], s20  }
0x9e: {  	_ =	swait.ge [sflag:s22], s20  }
0x9f: {  	s4 =	ssub.s32 $0x0, s20;
	[sflag:s22] =	ssyncset.done $0x0  }
0xa0: {  	[sflag:s22] =	ssyncadd.s32 s4;
	_ =	sdelay $0x1  }
0xa1: {  	s23 =	simm.s32 $0x1B8B  }
0xa2: {  	_ =	swait.ge [sflag:s23], $0x1  }
0xa3: {  	[sflag:s23] =	ssyncset.done $0x0  }
0xa4: {  	s25 =	simm.s32 $0x1B8E;
	s24 =	sld [smem:$0x3FFE];
	[sflag:s23] =	ssyncadd.s32 $0xFFFFFFFF  }
0xa5: {  	s26 =	simm.s32 $execute0_lowered;
	[smem:$0x3FD2] =	sst s25  }
0xa6: {  	s5 =	sshll.u32 s26, $0x1;
	_ =	strace $0x80000049;
	[dreg:$0x1] =	wrdreg $0xFFFFFFFF  }
0xa7: {  	s28 =	simm.s32 $_size_execute0_lowered;
	s3 =	sadd.s32 s3, s5;
	[dreg:$0x0] =	wrdreg $0x0  }
0xa8: {  	s5 =	sshll.u32 s28, $0x1;
	[dreg:$0x2] =	wrdreg s3  }
0xa9: {  	[dreg:$0x3] =	wrdreg s5  }
0xaa: {  	[dreg:$0x4] =	wrdreg $0xC0  }
0xab: {  	_ =	task [dreg:s7], $0x5FFFF  }
0xac: {  	[dreg:$0x1] =	wrdreg $0xFFFFFFFF  }
0xad: {  	[dreg:$0x0] =	wrdreg $0x60  }
0xae: {  	[dreg:$0x2] =	wrdreg s24  }
0xaf: {  	[dreg:$0x3] =	wrdreg s2  }
0xb0: {  	[dreg:$0x4] =	wrdreg $0x9  }
0xb1: {  	_ =	task.clear_ibuf [dreg:s7], $0x5FFFF;
	_ =	strace $0x90000049  }
0xb2: {  	s29 =	simm.s32 $0x9;
	_ =	strace $0x8000004B  }
0xb3: {  	_ =	swait.ge [sflag:s29], $0x1  }
0xb4: {  	[sflag:s29] =	ssyncadd.s32 $0xFFFFFFFF  }
0xb5: {  	_ =	strace $0x9000004B  }
0xb6: {  	_ =	sfence  }
0xb7: {  	s30 =	sld [smem:$0x0];
	_ =	sdelay $0x2  }
0xb8: {  	s31 =	sshll.u32 s1, $0xD;
	s1 =	sshrl.u32 s1, $0x2  }
0xb9: {  	s3 =	sand.u32 $0x4000, s31;
	s1 =	sadd.s32 s1, s30  }
0xba: {  	s0 =	sor.u32 s3, s0;
	s1 =	sshll.u32 s1, $0x11  }
0xbb: {  	s0 =	sor.u32 s1, s0  }
0xbc: {  	s0 =	sadd.s32 $0x8F2B, s0  }
0xbd: {  	[sflag:s0] =	ssyncadd.remote.s32 $0x1  }
0xbe: {  	_ =	sfence.sel $0xFFFF  }
0xbf: {  	[dreg:$0x0] =	wrdreg $0xFFFFFFFF;
	(pc) =	sbr.abs _section_cstart, $3  }
0xc0: {  	[dreg:$0x1] =	wrdreg $0xFFFFFFFF  }
0xc1: {  	_ =	task.clear_ibuf [dreg:s7], $0x2FFFF;
	_ =	strace $0x9FFFFFFF  }
0xc2: {  	(tm) =	ssettm $0x7FFFFFFF  }
0xc3: {  	_ =	shalt  }
tec
execute0_lowered:
.L_overlay_start_1:
0x0: {  	(tag) =	ssettag $0x1  }
0x1: {  	s0 =	rddreg [dreg:$0x0]  }
0x2: {  	s1 =	rddreg [dreg:$0x1];
	s2 =	srdreg.scid;
	s3 =	simm.s32 $0x0  }
0x3: {  	s4 =	stileid.u32;
	s6 =	simm.s32 $0x2000;
	s7 =	simm.s32 $0x1  }
0x4: {  	s2 =	sand.u32 $0x1, s2;
	[smem:$0x7FF] =	sst s3;
	s4 =	sshll.u32 s4, $0x1  }
0x5: {  	s29 =	ssub.s32 $0x2, s2;
	_ =	strace $0x8000004A;
	s2 =	sor.u32 s2, s4  }
0x6: {  	s4 =	sadd.s32 $0x800, s0;
	s5 =	sshrl.u32 s29, $0x1;
	s31 =	sshll.u32 s2, $0xF  }
0x7: {  	[smem:$0x7FB] =	sst s4;
	s30 =	ssub.s32 s29, s5;
	s3 =	sadd.s32 s4, s31  }
0x8: {  	s5 =	sshll.u32 s2, $0x12;
	s2 =	sshll.u32 s2, $0x1;
	[smem:$0x7F8] =	sst s3  }
0x9: {  	s11 =	simm.s32 $0x4000;
	s1 =	sadd.s32 s1, s2;
	[smem:$0x7FC] =	sst s5  }
0xa: {  	s8 =	simm.s32 $0x2;
	s0 =	smax.u32 s30, $0x1;
	[smem:$0x7F9] =	sst s1  }
0xb: {  	v0 =	vimm.s32 $0x0;
	v1 =	vlaneseq.u32;
	v2 =	vimm.s32 $0x1;
	s13 =	simm.s32 $0xC000;
	s3 =	sor.u32 $0x4000, s5;
	[smem:$0x7FA] =	sst s0  }
0xc: {  	s14 =	simm.s32 $0x14000;
	vm0 =	vcmask $0x300;
	vm1 =	vcmask $0x704;
	v3 =	vor.u32 $0x4000, v1;
	s2 =	simm.s32 $0x0;
	[smem:$0x7FD] =	sst s3  }
.LBB2_1:
0xd: {  	s0 =	simm.s32 $0x0;
	s1 =	simm.s32 $0x200  }
.LBB2_2:
0xe: {  	p0 =	sne.s32 s1, $0x1FE00;
	[tilespmem:s0+$0x4070] =	vst v0  }
0xf: {  	[tilespmem:s0+$0x4000] =	vst v0  }
0x10: {  	[tilespmem:s0+$0x4010] =	vst v0  }
.Ltmp0:
0x11: {  	[tilespmem:s0+$0x4020] =	vst v0;
	(pc) =	sbr.rel @p0 .LBB2_2-.Ltmp0, $4  }
0x12: {  	[tilespmem:s0+$0x4030] =	vst v0  }
0x13: {  	[tilespmem:s0+$0x4040] =	vst v0  }
0x14: {  	[tilespmem:s0+$0x4050] =	vst v0  }
0x15: {  	[tilespmem:s0+$0x4060] =	vst v0;
	s0 =	sshra.s32 s1, $0x2;
	s1 =	sadd.s32 $0x200, s1  }
0x16: {  	[tilespmem:s0+$0x4070] =	vst v0  }
0x17: {  	[tilespmem:s0+$0x4000] =	vst v0  }
0x18: {  	[tilespmem:s0+$0x4010] =	vst v0  }
0x19: {  	[tilespmem:s0+$0x4020] =	vst v0  }
0x1a: {  	[tilespmem:s0+$0x4030] =	vst v0  }
0x1b: {  	[tilespmem:s0+$0x4040] =	vst v0  }
0x1c: {  	[tilespmem:s0+$0x4050] =	vst v0  }
0x1d: {  	[tilespmem:s0+$0x4060] =	vst v0;
	s0 =	simm.s32 $0x0;
	s1 =	simm.s32 $0x200  }
.LBB2_4:
0x1e: {  	p0 =	sne.s32 s1, $0x1FE00;
	[tilespmem:s0+$0xC070] =	vst v0  }
0x1f: {  	[tilespmem:s0+$0xC000] =	vst v0  }
0x20: {  	[tilespmem:s0+$0xC010] =	vst v0  }
.Ltmp1:
0x21: {  	[tilespmem:s0+$0xC020] =	vst v0;
	(pc) =	sbr.rel @p0 .LBB2_4-.Ltmp1, $4  }
0x22: {  	[tilespmem:s0+$0xC030] =	vst v0  }
0x23: {  	[tilespmem:s0+$0xC040] =	vst v0  }
0x24: {  	[tilespmem:s0+$0xC050] =	vst v0  }
0x25: {  	[tilespmem:s0+$0xC060] =	vst v0;
	s0 =	sshra.s32 s1, $0x2;
	s1 =	sadd.s32 $0x200, s1  }
0x26: {  	[tilespmem:s0+$0xC070] =	vst v0  }
0x27: {  	[tilespmem:s0+$0xC000] =	vst v0  }
0x28: {  	[tilespmem:s0+$0xC010] =	vst v0  }
0x29: {  	[tilespmem:s0+$0xC020] =	vst v0  }
0x2a: {  	[tilespmem:s0+$0xC030] =	vst v0  }
0x2b: {  	[tilespmem:s0+$0xC040] =	vst v0  }
0x2c: {  	[tilespmem:s0+$0xC050] =	vst v0  }
0x2d: {  	[smem:$0x7F7] =	sst s2;
	[tilespmem:s0+$0xC060] =	vst v0;
	s0 =	simm.s32 $0x0;
	s1 =	simm.s32 $0x200  }
.LBB2_6:
0x2e: {  	p0 =	sne.s32 s1, $0x1FE00;
	[tilespmem:s0+$0x14070] =	vst v0  }
0x2f: {  	[tilespmem:s0+$0x14000] =	vst v0  }
0x30: {  	[tilespmem:s0+$0x14010] =	vst v0  }
.Ltmp2:
0x31: {  	[tilespmem:s0+$0x14020] =	vst v0;
	(pc) =	sbr.rel @p0 .LBB2_6-.Ltmp2, $4  }
0x32: {  	[tilespmem:s0+$0x14030] =	vst v0  }
0x33: {  	[tilespmem:s0+$0x14040] =	vst v0  }
0x34: {  	[tilespmem:s0+$0x14050] =	vst v0  }
0x35: {  	[tilespmem:s0+$0x14060] =	vst v0;
	s0 =	sshra.s32 s1, $0x2;
	s1 =	sadd.s32 $0x200, s1  }
0x36: {  	[tilespmem:s0+$0x14070] =	vst v0  }
0x37: {  	[tilespmem:s0+$0x14000] =	vst v0  }
0x38: {  	[tilespmem:s0+$0x14010] =	vst v0  }
0x39: {  	[tilespmem:s0+$0x14020] =	vst v0  }
0x3a: {  	[tilespmem:s0+$0x14030] =	vst v0  }
0x3b: {  	[tilespmem:s0+$0x14040] =	vst v0;
	s31 =	sld [smem:$0x7F8]  }
0x3c: {  	[tilespmem:s0+$0x14050] =	vst v0  }
0x3d: {  	[tilespmem:s0+$0x14060] =	vst v0;
	s18 =	simm.s32 $0x0;
	s19 =	simm.s32 $0x0  }
0x3e: {  	[tilespmem:s18], [sflag:$0x1] =	stream.linear.gather [hbm4b:s31+s18], $0x2000, $0x38;
	[tilespmem:$0x1C010] =	vst v63  }
.LBB2_8:
0x3f: {  	s0 =	sshll.u32 s19, $0xE  }
0x40: {  	s1 =	sor.u32 s0, s5  }
0x41: {  	s1 =	sshrl.u32 s1, $0x3  }
0x42: {  	s1 =	sadd.s32 s1, s4  }
0x43: {  	s1 =	sadd.s32 $0x400, s1  }
0x44: {  	[tilespmem:s6], [sflag:$0x2] =	stream.linear.gather [hbm4b:s1+s18], $0x2000, $0x38;
	[tilespmem:$0x1C010] =	vst v63  }
0x45: {  	_ =	swait.ge [sflag:s7], $0x2000  }
0x46: {  	[sflag:s7] =	ssyncset.done $0x0  }
0x47: {  	s31 =	simm.s32 $0x0;
	[sflag:s7] =	ssyncadd.s32 $0xFFFFE000  }
0x48: {  	v4 =	vld [tilespmem:s31+$0x40]  }
0x49: {  	v5 =	vld [tilespmem:s31+$0x30]  }
0x4a: {  	v6 =	vld [tilespmem:s31+$0x20]  }
0x4b: {  	v7 =	vld [tilespmem:s31+$0x10]  }
0x4c: {  	v8 =	vld [tilespmem:s31+$0x0]  }
0x4d: {  	v9 =	vld [tilespmem:s31+$0x50]  }
0x4e: {  	v10 =	vld [tilespmem:s31+$0xC0]  }
0x4f: {  	v11 =	vld [tilespmem:s31+$0x60]  }
0x50: {  	v12 =	vld [tilespmem:s31+$0x70]  }
0x51: {  	v13 =	vld [tilespmem:s31+$0x80];
	v8 =	vshrl.u32 v8, $0x11  }
0x52: {  	v14 =	vld [tilespmem:s31+$0x90];
	v7 =	vshrl.u32 v7, $0x11;
	v8 =	vand.u32 $0x7FF0, v8  }
0x53: {  	v15 =	vld [tilespmem:s31+$0xA0];
	v6 =	vshrl.u32 v6, $0x11;
	v7 =	vand.u32 $0x7FF0, v7;
	v8 =	vor.u32 v1, v8  }
0x54: {  	v16 =	vld [tilespmem:s31+$0xB0];
	v5 =	vshrl.u32 v5, $0x11;
	v6 =	vand.u32 $0x7FF0, v6;
	v7 =	vor.u32 v1, v7  }
0x55: {  	v17 =	vld [tilespmem:s31+$0xD0];
	v4 =	vshrl.u32 v4, $0x11;
	v5 =	vand.u32 $0x7FF0, v5;
	v6 =	vor.u32 v1, v6  }
0x56: {  	v18 =	vld [tilespmem:s31+$0xF0];
	v9 =	vshrl.u32 v9, $0x11;
	v4 =	vand.u32 $0x7FF0, v4;
	v5 =	vor.u32 v1, v5  }
0x57: {  	v19 =	vld [tilespmem:s31+$0xE0];
	v11 =	vshrl.u32 v11, $0x11;
	v9 =	vand.u32 $0x7FF0, v9;
	v4 =	vor.u32 v1, v4  }
0x58: {  	v12 =	vshrl.u32 v12, $0x11;
	v11 =	vand.u32 $0x7FF0, v11;
	v48 =	vor.u32 v1, v9;
	[tilespmem:v8+s11+$0x0] =	vst.idx.add.s32.msk $0xffff, v2  }
0x59: {  	v50 =	vshrl.u32 v13, $0x11;
	v49 =	vand.u32 $0x7FF0, v12;
	[tilespmem:v7+s11+$0x0] =	vst.idx.add.s32.msk $0xffff, v2;
	v7 =	vor.u32 v1, v11  }
0x5a: {  	v52 =	vshrl.u32 v14, $0x11;
	v51 =	vand.u32 $0x7FF0, v50;
	[tilespmem:v6+s11+$0x0] =	vst.idx.add.s32.msk $0xffff, v2;
	v6 =	vor.u32 v1, v49  }
0x5b: {  	v53 =	vand.u32 $0x7FF0, v52;
	[tilespmem:v5+s11+$0x0] =	vst.idx.add.s32.msk $0xffff, v2;
	v5 =	vor.u32 v1, v51  }
0x5c: {  	v54 =	vshrl.u32 v15, $0x11;
	[tilespmem:v4+s11+$0x0] =	vst.idx.add.s32.msk $0xffff, v2;
	v4 =	vor.u32 v1, v53  }
0x5d: {  	v56 =	vshrl.u32 v16, $0x11;
	v55 =	vand.u32 $0x7FF0, v54;
	[tilespmem:v48+s11+$0x0] =	vst.idx.add.s32.msk $0xffff, v2  }
0x5e: {  	v57 =	vshrl.u32 v10, $0x11;
	v58 =	vand.u32 $0x7FF0, v56;
	v59 =	vor.u32 v1, v55;
	[tilespmem:v7+s11+$0x0] =	vst.idx.add.s32.msk $0xffff, v2  }
0x5f: {  	v60 =	vshrl.u32 v17, $0x11;
	v9 =	vand.u32 $0x7FF0, v57;
	v7 =	vor.u32 v1, v58;
	[tilespmem:v6+s11+$0x0] =	vst.idx.add.s32.msk $0xffff, v2  }
0x60: {  	v62 =	vshrl.u32 v19, $0x11;
	v61 =	vand.u32 $0x7FF0, v60;
	v6 =	vor.u32 v1, v9;
	[tilespmem:v5+s11+$0x0] =	vst.idx.add.s32.msk $0xffff, v2  }
0x61: {  	v63 =	vand.u32 $0x7FF0, v62;
	v5 =	vor.u32 v1, v61;
	[tilespmem:v4+s11+$0x0] =	vst.idx.add.s32.msk $0xffff, v2;
	v4 =	vshrl.u32 v18, $0x11  }
0x62: {  	v9 =	vor.u32 v1, v63;
	v4 =	vand.u32 $0x7FF0, v4  }
0x63: {  	[tilespmem:v59+s11+$0x0] =	vst.idx.add.s32.msk $0xffff, v2;
	v4 =	vor.u32 v1, v4  }
0x64: {  	[tilespmem:v7+s11+$0x0] =	vst.idx.add.s32.msk $0xffff, v2  }
0x65: {  	[tilespmem:v6+s11+$0x0] =	vst.idx.add.s32.msk $0xffff, v2  }
0x66: {  	[tilespmem:v5+s11+$0x0] =	vst.idx.add.s32.msk $0xffff, v2  }
0x67: {  	s1 =	simm.s32 $0x400;
	[tilespmem:v9+s11+$0x0] =	vst.idx.add.s32.msk $0xffff, v2  }
.LBB2_9:
0x68: {  	s2 =	sshra.s32 s1, $0x2;
	p0 =	sne.s32 s1, $0x7C00;
	s1 =	sadd.s32 $0x400, s1;
	[tilespmem:v4+s11+$0x0] =	vst.idx.add.s32.msk $0xffff, v2  }
0x69: {  	v4 =	vld [tilespmem:s2+$0x40]  }
0x6a: {  	v5 =	vld [tilespmem:s2+$0x30]  }
0x6b: {  	v6 =	vld [tilespmem:s2+$0x20]  }
0x6c: {  	v7 =	vld [tilespmem:s2+$0x10]  }
0x6d: {  	v8 =	vld [tilespmem:s2+$0x0]  }
0x6e: {  	v9 =	vld [tilespmem:s2+$0x50];
	v4 =	vshrl.u32 v4, $0x11  }
0x6f: {  	v10 =	vld [tilespmem:s2+$0xC0];
	v5 =	vshrl.u32 v5, $0x11;
	v4 =	vand.u32 $0x7FF0, v4  }
0x70: {  	v11 =	vld [tilespmem:s2+$0x60];
	v6 =	vshrl.u32 v6, $0x11;
	v5 =	vand.u32 $0x7FF0, v5  }
0x71: {  	v12 =	vld [tilespmem:s2+$0x70];
	v7 =	vshrl.u32 v7, $0x11;
	v6 =	vand.u32 $0x7FF0, v6  }
0x72: {  	v13 =	vld [tilespmem:s2+$0x80];
	v8 =	vshrl.u32 v8, $0x11;
	v7 =	vand.u32 $0x7FF0, v7  }
0x73: {  	v14 =	vld [tilespmem:s2+$0x90];
	v8 =	vand.u32 $0x7FF0, v8;
	v9 =	vshrl.u32 v9, $0x11  }
0x74: {  	v15 =	vld [tilespmem:s2+$0xA0];
	v8 =	vor.u32 v1, v8;
	v9 =	vand.u32 $0x7FF0, v9;
	v10 =	vshrl.u32 v10, $0x11  }
0x75: {  	v7 =	vor.u32 v1, v7;
	v16 =	vld [tilespmem:s2+$0xB0];
	v11 =	vshrl.u32 v11, $0x11;
	v10 =	vand.u32 $0x7FF0, v10  }
0x76: {  	v6 =	vor.u32 v1, v6;
	v17 =	vld [tilespmem:s2+$0xD0];
	v11 =	vand.u32 $0x7FF0, v11;
	v12 =	vshrl.u32 v12, $0x11  }
0x77: {  	v5 =	vor.u32 v1, v5;
	v18 =	vld [tilespmem:s2+$0xF0];
	v12 =	vand.u32 $0x7FF0, v12;
	v13 =	vshrl.u32 v13, $0x11  }
0x78: {  	v4 =	vor.u32 v1, v4;
	v19 =	vld [tilespmem:s2+$0xE0];
	v13 =	vand.u32 $0x7FF0, v13;
	v14 =	vshrl.u32 v14, $0x11  }
0x79: {  	[tilespmem:v8+s11+$0x0] =	vst.idx.add.s32.msk $0xffff, v2;
	v8 =	vor.u32 v1, v9;
	v9 =	vand.u32 $0x7FF0, v14;
	v14 =	vshrl.u32 v15, $0x11  }
0x7a: {  	[tilespmem:v7+s11+$0x0] =	vst.idx.add.s32.msk $0xffff, v2;
	v7 =	vor.u32 v1, v11;
	v11 =	vand.u32 $0x7FF0, v14;
	v14 =	vshrl.u32 v16, $0x11  }
0x7b: {  	[tilespmem:v6+s11+$0x0] =	vst.idx.add.s32.msk $0xffff, v2;
	v6 =	vor.u32 v1, v12;
	v12 =	vand.u32 $0x7FF0, v14;
	v14 =	vshrl.u32 v17, $0x11  }
0x7c: {  	[tilespmem:v5+s11+$0x0] =	vst.idx.add.s32.msk $0xffff, v2;
	v5 =	vor.u32 v1, v13;
	v13 =	vand.u32 $0x7FF0, v14;
	v14 =	vshrl.u32 v18, $0x11  }
0x7d: {  	[tilespmem:v4+s11+$0x0] =	vst.idx.add.s32.msk $0xffff, v2;
	v4 =	vor.u32 v1, v9;
	v9 =	vshrl.u32 v19, $0x11;
	v14 =	vand.u32 $0x7FF0, v14  }
0x7e: {  	[tilespmem:v8+s11+$0x0] =	vst.idx.add.s32.msk $0xffff, v2;
	v8 =	vor.u32 v1, v11;
	v9 =	vand.u32 $0x7FF0, v9  }
0x7f: {  	[tilespmem:v7+s11+$0x0] =	vst.idx.add.s32.msk $0xffff, v2;
	v7 =	vor.u32 v1, v12  }
0x80: {  	[tilespmem:v6+s11+$0x0] =	vst.idx.add.s32.msk $0xffff, v2;
	v6 =	vor.u32 v1, v10  }
0x81: {  	[tilespmem:v5+s11+$0x0] =	vst.idx.add.s32.msk $0xffff, v2;
	v5 =	vor.u32 v1, v13  }
0x82: {  	v9 =	vor.u32 v1, v9;
	[tilespmem:v4+s11+$0x0] =	vst.idx.add.s32.msk $0xffff, v2  }
.Ltmp3:
0x83: {  	v4 =	vor.u32 v1, v14;
	[tilespmem:v8+s11+$0x0] =	vst.idx.add.s32.msk $0xffff, v2;
	(pc) =	sbr.rel @p0 .LBB2_9-.Ltmp3, $4  }
0x84: {  	[tilespmem:v7+s11+$0x0] =	vst.idx.add.s32.msk $0xffff, v2  }
0x85: {  	[tilespmem:v6+s11+$0x0] =	vst.idx.add.s32.msk $0xffff, v2  }
0x86: {  	[tilespmem:v5+s11+$0x0] =	vst.idx.add.s32.msk $0xffff, v2  }
0x87: {  	[tilespmem:v9+s11+$0x0] =	vst.idx.add.s32.msk $0xffff, v2  }
0x88: {  	_ = 	snop  }
0x89: {  	p0 =	seq.s32 s19, $0xF  }
0x8a: {  	s0 =	sadd.s32 @!p0 s0, s3  }
0x8b: {  	s0 =	sshrl.u32 @!p0 s0, $0x3  }
0x8c: {  	[tilespmem:v4+s11+$0x0] =	vst.idx.add.s32.msk $0xffff, v2;
	s1 =	simm.s32 @!p0 $0x0;
	s0 =	sadd.s32 @!p0 s4, s0  }
0x8d: {  	[tilespmem:s1], [sflag:$0x1] =	stream.linear.gather @!p0 [hbm4b:s0+s1], $0x2000, $0x38;
	[tilespmem:$0x1C010] =	vst v63  }
0x8e: {  	_ =	swait.ge [sflag:s8], $0x2000  }
0x8f: {  	[sflag:s8] =	ssyncset.done $0x0  }
0x90: {  	s31 =	simm.s32 $0x0;
	[sflag:s8] =	ssyncadd.s32 $0xFFFFE000  }
0x91: {  	v4 =	vld [tilespmem:s31+$0x2040]  }
0x92: {  	v5 =	vld [tilespmem:s31+$0x2030]  }
0x93: {  	v6 =	vld [tilespmem:s31+$0x2020]  }
0x94: {  	v7 =	vld [tilespmem:s31+$0x2010]  }
0x95: {  	v8 =	vld [tilespmem:s31+$0x2000]  }
0x96: {  	v9 =	vld [tilespmem:s31+$0x2050]  }
0x97: {  	v10 =	vld [tilespmem:s31+$0x20C0]  }
0x98: {  	v11 =	vld [tilespmem:s31+$0x2060]  }
0x99: {  	v12 =	vld [tilespmem:s31+$0x2070]  }
0x9a: {  	v13 =	vld [tilespmem:s31+$0x2080];
	v8 =	vshrl.u32 v8, $0x11  }
0x9b: {  	v14 =	vld [tilespmem:s31+$0x2090];
	v7 =	vshrl.u32 v7, $0x11;
	v8 =	vand.u32 $0x7FF0, v8  }
0x9c: {  	v15 =	vld [tilespmem:s31+$0x20A0];
	v6 =	vshrl.u32 v6, $0x11;
	v7 =	vand.u32 $0x7FF0, v7;
	v8 =	vor.u32 v1, v8  }
0x9d: {  	v16 =	vld [tilespmem:s31+$0x20B0];
	v5 =	vshrl.u32 v5, $0x11;
	v6 =	vand.u32 $0x7FF0, v6;
	v7 =	vor.u32 v1, v7  }
0x9e: {  	v17 =	vld [tilespmem:s31+$0x20D0];
	v4 =	vshrl.u32 v4, $0x11;
	v5 =	vand.u32 $0x7FF0, v5;
	v6 =	vor.u32 v1, v6  }
0x9f: {  	v18 =	vld [tilespmem:s31+$0x20F0];
	v9 =	vshrl.u32 v9, $0x11;
	v4 =	vand.u32 $0x7FF0, v4;
	v5 =	vor.u32 v1, v5  }
0xa0: {  	v19 =	vld [tilespmem:s31+$0x20E0];
	v11 =	vshrl.u32 v11, $0x11;
	v9 =	vand.u32 $0x7FF0, v9;
	v4 =	vor.u32 v1, v4  }
0xa1: {  	v12 =	vshrl.u32 v12, $0x11;
	v11 =	vand.u32 $0x7FF0, v11;
	v48 =	vor.u32 v1, v9;
	[tilespmem:v8+s11+$0x0] =	vst.idx.add.s32.msk $0xffff, v2  }
0xa2: {  	v50 =	vshrl.u32 v13, $0x11;
	v49 =	vand.u32 $0x7FF0, v12;
	[tilespmem:v7+s11+$0x0] =	vst.idx.add.s32.msk $0xffff, v2;
	v7 =	vor.u32 v1, v11  }
0xa3: {  	v52 =	vshrl.u32 v14, $0x11;
	v51 =	vand.u32 $0x7FF0, v50;
	[tilespmem:v6+s11+$0x0] =	vst.idx.add.s32.msk $0xffff, v2;
	v6 =	vor.u32 v1, v49  }
0xa4: {  	v53 =	vand.u32 $0x7FF0, v52;
	[tilespmem:v5+s11+$0x0] =	vst.idx.add.s32.msk $0xffff, v2;
	v5 =	vor.u32 v1, v51  }
0xa5: {  	v54 =	vshrl.u32 v15, $0x11;
	[tilespmem:v4+s11+$0x0] =	vst.idx.add.s32.msk $0xffff, v2;
	v4 =	vor.u32 v1, v53  }
0xa6: {  	v56 =	vshrl.u32 v16, $0x11;
	v55 =	vand.u32 $0x7FF0, v54;
	[tilespmem:v48+s11+$0x0] =	vst.idx.add.s32.msk $0xffff, v2  }
0xa7: {  	v57 =	vshrl.u32 v10, $0x11;
	v58 =	vand.u32 $0x7FF0, v56;
	v59 =	vor.u32 v1, v55;
	[tilespmem:v7+s11+$0x0] =	vst.idx.add.s32.msk $0xffff, v2  }
0xa8: {  	v60 =	vshrl.u32 v17, $0x11;
	v9 =	vand.u32 $0x7FF0, v57;
	v7 =	vor.u32 v1, v58;
	[tilespmem:v6+s11+$0x0] =	vst.idx.add.s32.msk $0xffff, v2  }
0xa9: {  	v62 =	vshrl.u32 v19, $0x11;
	v61 =	vand.u32 $0x7FF0, v60;
	v6 =	vor.u32 v1, v9;
	[tilespmem:v5+s11+$0x0] =	vst.idx.add.s32.msk $0xffff, v2  }
0xaa: {  	v63 =	vand.u32 $0x7FF0, v62;
	v5 =	vor.u32 v1, v61;
	[tilespmem:v4+s11+$0x0] =	vst.idx.add.s32.msk $0xffff, v2;
	v4 =	vshrl.u32 v18, $0x11  }
0xab: {  	v9 =	vor.u32 v1, v63;
	v4 =	vand.u32 $0x7FF0, v4  }
0xac: {  	[tilespmem:v59+s11+$0x0] =	vst.idx.add.s32.msk $0xffff, v2;
	v4 =	vor.u32 v1, v4  }
0xad: {  	[tilespmem:v7+s11+$0x0] =	vst.idx.add.s32.msk $0xffff, v2  }
0xae: {  	[tilespmem:v6+s11+$0x0] =	vst.idx.add.s32.msk $0xffff, v2  }
0xaf: {  	[tilespmem:v5+s11+$0x0] =	vst.idx.add.s32.msk $0xffff, v2  }
0xb0: {  	s0 =	simm.s32 $0x400;
	[tilespmem:v9+s11+$0x0] =	vst.idx.add.s32.msk $0xffff, v2  }
.LBB2_11:
0xb1: {  	s1 =	sshra.s32 s0, $0x2;
	p0 =	sne.s32 s0, $0x7C00;
	s0 =	sadd.s32 $0x400, s0;
	[tilespmem:v4+s11+$0x0] =	vst.idx.add.s32.msk $0xffff, v2  }
0xb2: {  	v4 =	vld [tilespmem:s1+$0x2040]  }
0xb3: {  	v5 =	vld [tilespmem:s1+$0x2030]  }
0xb4: {  	v6 =	vld [tilespmem:s1+$0x2020]  }
0xb5: {  	v7 =	vld [tilespmem:s1+$0x2010]  }
0xb6: {  	v8 =	vld [tilespmem:s1+$0x2000]  }
0xb7: {  	v9 =	vld [tilespmem:s1+$0x2050];
	v4 =	vshrl.u32 v4, $0x11  }
0xb8: {  	v10 =	vld [tilespmem:s1+$0x20C0];
	v5 =	vshrl.u32 v5, $0x11;
	v4 =	vand.u32 $0x7FF0, v4  }
0xb9: {  	v11 =	vld [tilespmem:s1+$0x2060];
	v6 =	vshrl.u32 v6, $0x11;
	v5 =	vand.u32 $0x7FF0, v5  }
0xba: {  	v12 =	vld [tilespmem:s1+$0x2070];
	v7 =	vshrl.u32 v7, $0x11;
	v6 =	vand.u32 $0x7FF0, v6  }
0xbb: {  	v13 =	vld [tilespmem:s1+$0x2080];
	v8 =	vshrl.u32 v8, $0x11;
	v7 =	vand.u32 $0x7FF0, v7  }
0xbc: {  	v14 =	vld [tilespmem:s1+$0x2090];
	v8 =	vand.u32 $0x7FF0, v8;
	v9 =	vshrl.u32 v9, $0x11  }
0xbd: {  	v15 =	vld [tilespmem:s1+$0x20A0];
	v8 =	vor.u32 v1, v8;
	v9 =	vand.u32 $0x7FF0, v9;
	v10 =	vshrl.u32 v10, $0x11  }
0xbe: {  	v7 =	vor.u32 v1, v7;
	v16 =	vld [tilespmem:s1+$0x20B0];
	v11 =	vshrl.u32 v11, $0x11;
	v10 =	vand.u32 $0x7FF0, v10  }
0xbf: {  	v6 =	vor.u32 v1, v6;
	v17 =	vld [tilespmem:s1+$0x20D0];
	v11 =	vand.u32 $0x7FF0, v11;
	v12 =	vshrl.u32 v12, $0x11  }
0xc0: {  	v5 =	vor.u32 v1, v5;
	v18 =	vld [tilespmem:s1+$0x20F0];
	v12 =	vand.u32 $0x7FF0, v12;
	v13 =	vshrl.u32 v13, $0x11  }
0xc1: {  	v4 =	vor.u32 v1, v4;
	v19 =	vld [tilespmem:s1+$0x20E0];
	v13 =	vand.u32 $0x7FF0, v13;
	v14 =	vshrl.u32 v14, $0x11  }
0xc2: {  	[tilespmem:v8+s11+$0x0] =	vst.idx.add.s32.msk $0xffff, v2;
	v8 =	vor.u32 v1, v9;
	v9 =	vand.u32 $0x7FF0, v14;
	v14 =	vshrl.u32 v15, $0x11  }
0xc3: {  	[tilespmem:v7+s11+$0x0] =	vst.idx.add.s32.msk $0xffff, v2;
	v7 =	vor.u32 v1, v11;
	v11 =	vand.u32 $0x7FF0, v14;
	v14 =	vshrl.u32 v16, $0x11  }
0xc4: {  	[tilespmem:v6+s11+$0x0] =	vst.idx.add.s32.msk $0xffff, v2;
	v6 =	vor.u32 v1, v12;
	v12 =	vand.u32 $0x7FF0, v14;
	v14 =	vshrl.u32 v17, $0x11  }
0xc5: {  	[tilespmem:v5+s11+$0x0] =	vst.idx.add.s32.msk $0xffff, v2;
	v5 =	vor.u32 v1, v13;
	v13 =	vand.u32 $0x7FF0, v14;
	v14 =	vshrl.u32 v18, $0x11  }
0xc6: {  	[tilespmem:v4+s11+$0x0] =	vst.idx.add.s32.msk $0xffff, v2;
	v4 =	vor.u32 v1, v9;
	v9 =	vshrl.u32 v19, $0x11;
	v14 =	vand.u32 $0x7FF0, v14  }
0xc7: {  	[tilespmem:v8+s11+$0x0] =	vst.idx.add.s32.msk $0xffff, v2;
	v8 =	vor.u32 v1, v11;
	v9 =	vand.u32 $0x7FF0, v9  }
0xc8: {  	[tilespmem:v7+s11+$0x0] =	vst.idx.add.s32.msk $0xffff, v2;
	v7 =	vor.u32 v1, v12  }
0xc9: {  	[tilespmem:v6+s11+$0x0] =	vst.idx.add.s32.msk $0xffff, v2;
	v6 =	vor.u32 v1, v10  }
0xca: {  	[tilespmem:v5+s11+$0x0] =	vst.idx.add.s32.msk $0xffff, v2;
	v5 =	vor.u32 v1, v13  }
0xcb: {  	v9 =	vor.u32 v1, v9;
	[tilespmem:v4+s11+$0x0] =	vst.idx.add.s32.msk $0xffff, v2  }
.Ltmp4:
0xcc: {  	v4 =	vor.u32 v1, v14;
	[tilespmem:v8+s11+$0x0] =	vst.idx.add.s32.msk $0xffff, v2;
	(pc) =	sbr.rel @p0 .LBB2_11-.Ltmp4, $4  }
0xcd: {  	[tilespmem:v7+s11+$0x0] =	vst.idx.add.s32.msk $0xffff, v2  }
0xce: {  	[tilespmem:v6+s11+$0x0] =	vst.idx.add.s32.msk $0xffff, v2  }
0xcf: {  	[tilespmem:v5+s11+$0x0] =	vst.idx.add.s32.msk $0xffff, v2  }
0xd0: {  	[tilespmem:v9+s11+$0x0] =	vst.idx.add.s32.msk $0xffff, v2  }
0xd1: {  	s19 =	sadd.s32 $0x1, s19  }
0xd2: {  	p0 =	seq.s32 s19, $0x10  }
.Ltmp5:
0xd3: {  	_ = 	snop;
	(pc) =	sbr.rel @!p0 .LBB2_8-.Ltmp5, $2  }
0xd4: {  	_ =	sdelay $0x2  }
0xd5: {  	[tilespmem:v4+s11+$0x0] =	vst.idx.add.s32.msk $0xffff, v2  }
0xd6: {  	s2 =	simm.s32 $0x3FFFC0F;
	s8 =	simm.s32 $0x7F0  }
0xd7: {  	s0 =	simm.s32 $0x3FFFC0D;
	s1 =	simm.s32 $0x3FFFC0E  }
0xd8: {  	s5 =	simm.s32 $0x3FFFC0A;
	s4 =	simm.s32 $0x3FFFC0B  }
0xd9: {  	s3 =	simm.s32 $0x3FFFC0C;
	s9 =	simm.s32 $0x3FFFC07  }
0xda: {  	s7 =	simm.s32 $0x3FFFC08;
	s6 =	simm.s32 $0x3FFFC09  }
0xdb: {  	s10 =	simm.s32 $0x3FFFC04;
	s12 =	simm.s32 $0x3FFFC05  }
0xdc: {  	s15 =	simm.s32 $0x3FFFC06;
	s16 =	simm.s32 $0x3FFFC00  }
0xdd: {  	s17 =	simm.s32 $0x3FFFC02;
	s18 =	simm.s32 $0x3FFFC03  }
0xde: {  	s19 =	simm.s32 $0x3FFFC01;
	s20 =	simm.s32 $0x7F2;
	s21 =	simm.s32 $0x7F1  }
0xdf: {  	s22 =	simm.s32 $0x7F5;
	s23 =	simm.s32 $0x7F4;
	s24 =	simm.s32 $0x7F3  }
0xe0: {  	s25 =	simm.s32 $0x7F8;
	s28 =	simm.s32 $0x7F7;
	s29 =	simm.s32 $0x7F6  }
0xe1: {  	s30 =	simm.s32 $0x7FB;
	p0 =	por $0x1, $0x1;
	s31 =	simm.s32 $0x3FFFC1B  }
0xe2: {  	p1 =	por $0x1, $0x1;
	s1 =	smov.u32 @p0 s21;
	s21 =	simm.s32 $0x7FA  }
0xe3: {  	s2 =	smov.u32 @p0 s8;
	s8 =	simm.s32 $0x7F9;
	s3 =	smov.u32 @p0 s24  }
0xe4: {  	s24 =	simm.s32 $0x7FF;
	s0 =	smov.u32 @p0 s20;
	s20 =	simm.s32 $0x7FD  }
0xe5: {  	s4 =	smov.u32 @p0 s23;
	s23 =	simm.s32 $0x7FE;
	s10 =	smov.u32 @p0 s30  }
0xe6: {  	s9 =	smov.u32 @p0 s25;
	s7 =	smov.u32 @p0 s28;
	s6 =	smov.u32 @p0 s29  }
0xe7: {  	s5 =	smov.u32 @p0 s22;
	s22 =	simm.s32 $0x3FFFC1D;
	s16 =	smov.u32 @p0 s24  }
0xe8: {  	s24 =	simm.s32 $0x7FC;
	s19 =	smov.u32 @p0 s23;
	s16 =	sshll.u32 s16, $0x6  }
0xe9: {  	s17 =	smov.u32 @p0 s20;
	s19 =	sshll.u32 s19, $0x6;
	s16 =	sshra.s32 s16, $0x2  }
0xea: {  	s17 =	sshll.u32 s17, $0x6;
	s18 =	smov.u32 @p0 s24;
	s26 =	sshra.s32 s19, $0x2;
	v4 =	vld [tilespmem:s16+$0x4000]  }
0xeb: {  	s29 =	simm.s32 $0x7E0;
	s17 =	sshra.s32 s17, $0x2;
	s19 =	sshll.u32 s18, $0x6;
	v5 =	vld [tilespmem:s26+$0x4000]  }
0xec: {  	s10 =	sshll.u32 s10, $0x6;
	s12 =	smov.u32 @p0 s21;
	v6 =	vld [tilespmem:s17+$0x4000];
	s20 =	sshra.s32 s19, $0x2  }
0xed: {  	s15 =	smov.u32 @p0 s8;
	s10 =	sshra.s32 s10, $0x2;
	s12 =	sshll.u32 s12, $0x6;
	v7 =	vld [tilespmem:s20+$0x4000]  }
0xee: {  	s30 =	simm.s32 $0x0;
	s24 =	sshll.u32 s15, $0x6;
	v8 =	vld [tilespmem:s10+$0x4000];
	s21 =	sshra.s32 s12, $0x2  }
0xef: {  	s28 =	simm.s32 $0x0;
	s9 =	sshll.u32 s9, $0x6;
	s25 =	sshra.s32 s24, $0x2;
	v9 =	vld [tilespmem:s21+$0x4000]  }
0xf0: {  	s23 =	simm.s32 $0x3FFFC1F;
	s7 =	sshll.u32 s7, $0x6;
	s26 =	sshra.s32 s9, $0x2;
	v4 =	vadd.s32 v4, v5;
	v5 =	vld [tilespmem:s25+$0x4000]  }
0xf1: {  	s6 =	sshll.u32 s6, $0x6;
	s5 =	sshll.u32 s5, $0x6;
	s7 =	sshra.s32 s7, $0x2;
	v56 =	vld [tilespmem:s26+$0x4000];
	v4 =	vadd.s32 v4, v6  }
0xf2: {  	s2 =	sshll.u32 s2, $0x6;
	s4 =	sshll.u32 s4, $0x6;
	s6 =	sshra.s32 s6, $0x2;
	v57 =	vld [tilespmem:s7+$0x4000];
	v4 =	vadd.s32 v4, v7  }
0xf3: {  	s3 =	sshll.u32 s3, $0x6;
	s1 =	sshll.u32 s1, $0x6;
	s5 =	sshra.s32 s5, $0x2;
	v58 =	vld [tilespmem:s6+$0x4000];
	v4 =	vadd.s32 v4, v8  }
0xf4: {  	s0 =	sshll.u32 s0, $0x6;
	s8 =	simm.s32 $0x7E4;
	s4 =	sshra.s32 s4, $0x2;
	v59 =	vld [tilespmem:s5+$0x4000];
	v4 =	vadd.s32 v4, v9  }
0xf5: {  	s3 =	sshra.s32 s3, $0x2;
	s1 =	sshra.s32 s1, $0x2;
	s15 =	simm.s32 $0x7E5;
	v4 =	vadd.s32 v4, v5;
	v5 =	vld [tilespmem:s4+$0x4000]  }
0xf6: {  	s31 =	smov.u32 @p1 s8;
	s12 =	simm.s32 $0x3FFFC1E;
	v60 =	vld [tilespmem:s3+$0x4000];
	s9 =	sshra.s32 s0, $0x2;
	v4 =	vadd.s32 v4, v56  }
0xf7: {  	s23 =	smov.u32 @p1 s29;
	s18 =	simm.s32 $0x3FFFC1C;
	s5 =	simm.s32 $0x3FFFC17;
	v61 =	vld [tilespmem:s9+$0x4000];
	v4 =	vadd.s32 v4, v57  }
0xf8: {  	v62 =	vld [tilespmem:s1+$0x4000];
	s10 =	sshra.s32 s2, $0x2;
	s7 =	simm.s32 $0x3FFFC18;
	s1 =	simm.s32 $0x3FFFC19;
	v4 =	vadd.s32 v4, v58  }
0xf9: {  	s8 =	simm.s32 $0x0;
	s3 =	simm.s32 $0x3FFFC13;
	s2 =	simm.s32 $0x7E2;
	v63 =	vld [tilespmem:s10+$0x4000];
	v4 =	vadd.s32 v4, v59  }
0xfa: {  	s6 =	simm.s32 $0x7E1;
	[smem:$0x7F0] =	sst s15;
	s24 =	simm.s32 $0x7E7;
	v4 =	vadd.s32 v4, v5  }
0xfb: {  	[dreg:$0x13] =	wrdreg s23;
	s23 =	simm.s32 $0x0;
	s0 =	simm.s32 $0x3FFFC1A;
	v4 =	vadd.s32 v4, v60  }
0xfc: {  	s15 =	simm.s32 $0x0;
	s17 =	simm.s32 $0x3FFFC16;
	s16 =	simm.s32 $0x3FFFC10;
	v4 =	vadd.s32 v4, v61  }
0xfd: {  	s19 =	simm.s32 $0x3FFFC11;
	s10 =	simm.s32 $0x7E3;
	s21 =	simm.s32 $0x7E8;
	v4 =	vadd.s32 v4, v62  }
0xfe: {  	[smem:$0x7F2] =	sst s24;
	s12 =	smov.u32 @p1 s6;
	s24 =	simm.s32 $0x7EA;
	v4 =	vadd.s32 v4, v63  }
0xff: {  	s22 =	smov.u32 @p1 s2;
	s2 =	simm.s32 $0x7EF;
	s9 =	simm.s32 $0x3FFFC15;
	(xrf0) =	vadd.scan.msk.s32 $0xffff, v4  }
0x100: {  	s6 =	simm.s32 $0x7EC;
	s20 =	simm.s32 $0x3FFFC12;
	[smem:$0x7F1] =	sst s21  }
0x101: {  	s26 =	simm.s32 $0x1;
	[dreg:$0x14] =	wrdreg s12;
	s21 =	simm.s32 $0x7EB  }
0x102: {  	s18 =	smov.u32 @p1 s10;
	[smem:$0x7F5] =	sst s24;
	s16 =	smov.u32 @p1 s2  }
0x103: {  	s10 =	simm.s32 $0x7ED;
	s12 =	simm.s32 $0x7EE;
	s2 =	simm.s32 $0x3FFFC2F  }
0x104: {  	s24 =	simm.s32 $0x0;
	[smem:$0x7F4] =	sst s21;
	s25 =	simm.s32 $0x7E6  }
0x105: {  	s21 =	simm.s32 $0x0;
	[smem:$0x7F3] =	sst s25;
	s25 =	simm.s32 $0x7E9;
	v4, _, _ =	vpop (xrf0)  }
0x106: {  	[smem:$0x7F6] =	sst s25;
	s25 =	simm.s32 $0x0;
	s4 =	simm.s32 $0x3FFFC14;
	(v2sf) =	vpush v4, $0xF  }
.LBB2_14:
0x107: {  	[smem:$0x7E9] =	sst s15  }
0x108: {  	s15 =	smov.u32 s8;
	p0 =	seq.s32 s2, $0x40003FF;
	s8 =	sshll.u32 s16, $0x6  }
0x109: {  	s19 =	smov.u32 @p1 s12;
	s16 =	smov.u32 s21;
	s20 =	smov.u32 @p1 s10  }
0x10a: {  	s3 =	smov.u32 @p1 s6;
	s6 =	sld [smem:$0x7F5];
	s29 =	sadd.s32 $0xFFFFFFF0, s29  }
0x10b: {  	s8 =	sshra.s32 s8, $0x2;
	s3 =	sshll.u32 s3, $0x6;
	[smem:$0x7EA] =	sst s28  }
0x10c: {  	s28 =	smov.u32 s25;
	s25 =	smov.u32 s26;
	v4 =	vld [tilespmem:s8+$0x4000];
	s8 =	sld [smem:$0x7F4]  }
0x10d: {  	s10 =	sshll.u32 s20, $0x6;
	s3 =	sshra.s32 s3, $0x2;
	[smem:$0x7EC] =	sst s25  }
0x10e: {  	s25 =	sshll.u32 s19, $0x6;
	s9 =	smov.u32 @p1 s6;
	s6 =	sld [smem:$0x7F6]  }
0x10f: {  	s26 =	sadd.s32 $0x1, s26;
	s19 =	sshra.s32 s25, $0x2;
	s9 =	sshll.u32 s9, $0x6  }
0x110: {  	s25 =	sshra.s32 s10, $0x2;
	s4 =	smov.u32 @p1 s8;
	s10 =	sshra.s32 s9, $0x2  }
0x111: {  	v5 =	vld [tilespmem:s19+$0x4000];
	s4 =	sshll.u32 s4, $0x6;
	s17 =	smov.u32 @p1 s6;
	s6 =	sld [smem:$0x7F1]  }
0x112: {  	v9 =	vld [tilespmem:s10+$0x4000];
	s10 =	sshll.u32 s18, $0x6;
	s8 =	sshra.s32 s4, $0x2;
	s4 =	sld [smem:$0x7F0]  }
0x113: {  	s18 =	sshll.u32 s22, $0x6;
	s12 =	sshll.u32 s17, $0x6;
	v8 =	vld [tilespmem:s8+$0x4000];
	s8 =	rddreg [dreg:$0x14]  }
0x114: {  	s17 =	sshra.s32 s12, $0x2;
	s5 =	smov.u32 @p1 s6;
	s6 =	rddreg [dreg:$0x13]  }
0x115: {  	v7 =	vld [tilespmem:s3+$0x4000];
	s19 =	sshll.u32 s5, $0x6;
	s5 =	sld [smem:$0x7F2];
	s0 =	smov.u32 @p1 s4  }
0x116: {  	v4 =	vadd.s32 v4, v5;
	v5 =	vld [tilespmem:s17+$0x4000];
	s3 =	sshll.u32 s6, $0x6;
	s4 =	sshll.u32 s8, $0x6;
	s17 =	sshra.s32 s10, $0x2  }
0x117: {  	s8 =	smov.u32 s28;
	s10 =	sadd.s32 $0x5, s29;
	s6 =	sadd.s32 $0xC, s29  }
0x118: {  	v6 =	vld [tilespmem:s25+$0x4000];
	s20 =	sshra.s32 s19, $0x2;
	s0 =	sshll.u32 s0, $0x6;
	s19 =	sshra.s32 s18, $0x2  }
0x119: {  	v60 =	vld [tilespmem:s17+$0x4000];
	s22 =	sshra.s32 s3, $0x2;
	s3 =	sld [smem:$0x7E9];
	s18 =	sadd.s32 $0xFFFFFFFD, s2  }
0x11a: {  	s17 =	sadd.s32 $0xFFFFFFF7, s2;
	[smem:$0x7F0] =	sst s10;
	s10 =	sadd.s32 $0x8, s29;
	v56 =	vld [tilespmem:s20+$0x4000]  }
0x11b: {  	s0 =	sshra.s32 s0, $0x2;
	s20 =	sshra.s32 s4, $0x2;
	v61 =	vld [tilespmem:s19+$0x4000];
	s4 =	sxor.u32 $0x1, s24  }
0x11c: {  	v63 =	vld [tilespmem:s22+$0x4000];
	s22 =	sadd.s32 $0xFFFFFFFE, s2;
	s19 =	sadd.s32 $0xFFFFFFF2, s2;
	[smem:$0x7F1] =	sst s10  }
0x11d: {  	s10 =	sadd.s32 $0x7, s29;
	s7 =	smov.u32 @p1 s5;
	s5 =	sld [smem:$0x7F3];
	v59 =	vld [tilespmem:s0+$0x4000]  }
0x11e: {  	s0 =	sxor.u32 $0x1, s23;
	v62 =	vld [tilespmem:s20+$0x4000];
	s20 =	sadd.s32 $0xFFFFFFF3, s2;
	[smem:$0x7F2] =	sst s10  }
0x11f: {  	s10 =	sadd.s32 $0x6, s29;
	s25 =	sshll.u32 s7, $0x6;
	s7 =	sshll.u32 s31, $0x6  }
0x120: {  	s12 =	spop (v2sf);
	s31 =	sadd.s32 $0xFFFFFFFC, s2;
	[smem:$0x7F3] =	sst s10  }
0x121: {  	v4 =	vadd.s32 v4, v6;
	s10 =	sadd.s32 $0xB, s29;
	s9 =	sshra.s32 s7, $0x2;
	s1 =	smov.u32 @p1 s5  }
0x122: {  	v4 =	vadd.s32 v4, v7;
	s21 =	sadd.s32 s21, s12;
	s5 =	sshra.s32 s25, $0x2;
	s1 =	sshll.u32 s1, $0x6  }
0x123: {  	v4 =	vadd.s32 v4, v8;
	s7 =	sadd.s32 $0xFFFFFFF9, s2;
	s12 =	sadd.s32 $0x1, s29;
	v57 =	vld [tilespmem:s5+$0x4000];
	s1 =	sshra.s32 s1, $0x2  }
0x124: {  	v4 =	vadd.s32 v4, v9;
	[smem:$0x7F4] =	sst s10;
	s10 =	sadd.s32 $0xA, s29;
	p1 =	sgt.s32 s21, $0x6665;
	v58 =	vld [tilespmem:s1+$0x4000]  }
0x125: {  	v4 =	vadd.s32 v4, v5;
	v5 =	vld [tilespmem:s9+$0x4000];
	p2 =	sgt.s32 s21, $0x3999A;
	s9 =	sadd.s32 $0xFFFFFFF6, s2;
	[smem:$0x7F5] =	sst s10  }
0x126: {  	s10 =	sadd.s32 $0x9, s29;
	s0 =	simm.s32 @!p1 $0x0;
	s4 =	simm.s32 @!p2 $0x0  }
0x127: {  	v4 =	vadd.s32 v4, v56;
	s5 =	sadd.s32 $0xFFFFFFF8, s2;
	[smem:$0x7F6] =	sst s10;
	s10 =	sadd.s32 $0xD, s29  }
0x128: {  	p1 =	seq.s32 s0, $0x0;
	s25 =	sor.u32 s23, s0;
	s23 =	sor.u32 s24, s4;
	v4 =	vadd.s32 v4, v57  }
0x129: {  	s0 =	sadd.s32 $0xFFFFFFFB, s2;
	s24 =	sadd.s32 $0x2, s29;
	s1 =	sld [smem:$0x7EA];
	v4 =	vadd.s32 v4, v58  }
0x12a: {  	s8 =	smov.u32 @p1 s15;
	s15 =	smov.u32 s16;
	[smem:$0x7EB] =	sst s24;
	v4 =	vadd.s32 v4, v59  }
0x12b: {  	s24 =	sadd.s32 $0x4, s29;
	s15 =	smov.u32 @p1 s3;
	p1 =	seq.s32 s4, $0x0;
	v4 =	vadd.s32 v4, v5  }
0x12c: {  	[smem:$0x7EE] =	sst s24;
	s24 =	smov.u32 s21;
	s28 =	smov.u32 @p1 s30;
	v4 =	vadd.s32 v4, v60  }
0x12d: {  	s21 =	sadd.s32 $0x3, s29;
	s30 =	sadd.s32 $0xFFFFFFFF, s2;
	[smem:$0x7EF] =	sst s28;
	v4 =	vadd.s32 v4, v61  }
0x12e: {  	s16 =	smov.u32 @p1 s1;
	p1 =	slt.u32 s26, $0x40;
	s28 =	smov.u32 s26;
	v4 =	vadd.s32 v4, v62  }
0x12f: {  	s26 =	sadd.s32 $0xF, s29;
	[smem:$0x7ED] =	sst s16;
	s16 =	sadd.s32 $0xFFFFFFF1, s2;
	v4 =	vadd.s32 v4, v63  }
0x130: {  	s30 =	smov.u32 @p1 s12;
	s18 =	smov.u32 @p1 s21;
	s21 =	smov.u32 s24;
	(xrf0) =	vadd.scan.msk.s32 $0xffff, v4  }
0x131: {  	s24 =	smov.u32 s23;
	s23 =	smov.u32 s25;
	s25 =	sld [smem:$0x7EB]  }
0x132: {  	s12 =	smov.u32 s2;
	[dreg:$0x14] =	wrdreg s30;
	s16 =	smov.u32 @p1 s26  }
.Ltmp6:
0x133: {  	s26 =	smov.u32 s28;
	s28 =	sld [smem:$0x7ED];
	(pc) =	sbr.rel @!p0 .LBB2_14-.Ltmp6, $4  }
0x134: {  	s4 =	sadd.s32 $0xFFFFFFF5, s2;
	s12 =	smov.u32 @p1 s29;
	s30 =	sld [smem:$0x7EE]  }
0x135: {  	s3 =	sadd.s32 $0xFFFFFFF4, s2;
	s1 =	sadd.s32 $0xFFFFFFFA, s2;
	[dreg:$0x13] =	wrdreg s12  }
0x136: {  	s2 =	sadd.s32 $0x10, s2;
	s22 =	smov.u32 @p1 s25;
	s25 =	sld [smem:$0x7EC];
	v4, _, _ =	vpop (xrf0)  }
0x137: {  	s12 =	sadd.s32 $0xE, s29;
	s31 =	smov.u32 @p1 s30;
	s30 =	sld [smem:$0x7EF];
	(v2sf) =	vpush v4, $0xF  }
0x138: {  	s2 =	sshll.u32 s16, $0x6  }
0x139: {  	s2 =	sshra.s32 s2, $0x2  }
0x13a: {  	v4 =	vld [tilespmem:s2+$0x4000];
	s2 =	sld [smem:$0x7F4];
	_ =	sdelay $0x2  }
0x13b: {  	s4 =	smov.u32 @p1 s2;
	s2 =	sld [smem:$0x7F5];
	_ =	sdelay $0x2  }
0x13c: {  	s9 =	smov.u32 @p1 s2;
	s2 =	sld [smem:$0x7F6];
	_ =	sdelay $0x2  }
0x13d: {  	s17 =	smov.u32 @p1 s2;
	s2 =	sld [smem:$0x7F1];
	_ =	sdelay $0x2  }
0x13e: {  	s19 =	smov.u32 @p1 s12;
	s5 =	smov.u32 @p1 s2;
	s2 =	sld [smem:$0x7F2]  }
0x13f: {  	s20 =	smov.u32 @p1 s10;
	s3 =	smov.u32 @p1 s6;
	s16 =	sshll.u32 s19, $0x6  }
0x140: {  	s20 =	sshll.u32 s20, $0x6;
	s3 =	sshll.u32 s3, $0x6;
	s19 =	sshra.s32 s16, $0x2  }
0x141: {  	s29 =	sshra.s32 s20, $0x2;
	v5 =	vld [tilespmem:s19+$0x4000];
	s7 =	smov.u32 @p1 s2;
	s2 =	sld [smem:$0x7F3]  }
0x142: {  	s3 =	sshra.s32 s3, $0x2;
	v6 =	vld [tilespmem:s29+$0x4000];
	s4 =	sshll.u32 s4, $0x6;
	s10 =	sshll.u32 s9, $0x6  }
0x143: {  	v7 =	vld [tilespmem:s3+$0x4000];
	s6 =	sshra.s32 s4, $0x2;
	s12 =	sshra.s32 s10, $0x2  }
0x144: {  	v8 =	vld [tilespmem:s6+$0x4000];
	s16 =	sshll.u32 s17, $0x6;
	s1 =	smov.u32 @p1 s2;
	s2 =	sld [smem:$0x7F0]  }
0x145: {  	v9 =	vld [tilespmem:s12+$0x4000];
	s17 =	sshra.s32 s16, $0x2;
	s19 =	sshll.u32 s5, $0x6  }
0x146: {  	v4 =	vadd.s32 v4, v5;
	v10 =	vld [tilespmem:s17+$0x4000];
	s20 =	sshra.s32 s19, $0x2;
	s29 =	sshll.u32 s7, $0x6  }
0x147: {  	v4 =	vadd.s32 v4, v6;
	v5 =	vld [tilespmem:s20+$0x4000];
	s4 =	sshra.s32 s29, $0x2;
	s1 =	sshll.u32 s1, $0x6;
	s0 =	smov.u32 @p1 s2  }
0x148: {  	v4 =	vadd.s32 v4, v7;
	v6 =	vld [tilespmem:s4+$0x4000];
	s1 =	sshra.s32 s1, $0x2;
	s0 =	sshll.u32 s0, $0x6  }
0x149: {  	v4 =	vadd.s32 v4, v8;
	s5 =	sshll.u32 s31, $0x6;
	v7 =	vld [tilespmem:s1+$0x4000];
	s0 =	sshra.s32 s0, $0x2  }
0x14a: {  	v4 =	vadd.s32 v4, v9;
	s6 =	sshra.s32 s5, $0x2;
	s7 =	sshll.u32 s18, $0x6;
	v61 =	vld [tilespmem:s0+$0x4000]  }
0x14b: {  	s10 =	sshll.u32 s22, $0x6;
	s12 =	rddreg [dreg:$0x14];
	v62 =	vld [tilespmem:s6+$0x4000];
	v4 =	vadd.s32 v4, v10;
	s9 =	sshra.s32 s7, $0x2  }
0x14c: {  	s16 =	sshra.s32 s10, $0x2;
	s17 =	rddreg [dreg:$0x13];
	v4 =	vadd.s32 v4, v5;
	v5 =	vld [tilespmem:s9+$0x4000];
	s2 =	sshll.u32 s12, $0x6  }
0x14d: {  	s1 =	sshll.u32 s17, $0x6;
	s2 =	sshra.s32 s2, $0x2;
	v4 =	vadd.s32 v4, v6;
	v6 =	vld [tilespmem:s16+$0x4000]  }
0x14e: {  	s18 =	sshra.s32 s1, $0x2;
	v4 =	vadd.s32 v4, v7;
	v7 =	vld [tilespmem:s2+$0x4000]  }
0x14f: {  	v63 =	vld [tilespmem:s18+$0x4000];
	v4 =	vadd.s32 v4, v61  }
0x150: {  	v4 =	vadd.s32 v4, v62  }
0x151: {  	v4 =	vadd.s32 v4, v5  }
0x152: {  	v4 =	vadd.s32 v4, v6  }
0x153: {  	v4 =	vadd.s32 v4, v7  }
0x154: {  	v4 =	vadd.s32 v4, v63  }
0x155: {  	(xrf0) =	vadd.scan.msk.s32 $0xffff, v4;
	_ =	sdelay $0x5  }
0x156: {  	v4, _, _ =	vpop (xrf0)  }
0x157: {  	(v2sf) =	vpush v4, $0xF;
	_ =	sdelay $0x8  }
0x158: {  	s19 =	spop (v2sf)  }
0x159: {  	s22 =	sadd.s32 s21, s19  }
0x15a: {  	p0 =	sgt.s32 s22, $0x6665;
	s0 =	sxor.u32 $0x1, s23  }
0x15b: {  	s3 =	smov.u32 s21;
	s0 =	simm.s32 @!p0 $0x0  }
0x15c: {  	s1 =	sxor.u32 $0x1, s24;
	p0 =	sgt.s32 s22, $0x3999A;
	p1 =	seq.s32 s0, $0x0  }
0x15d: {  	s2 =	smov.u32 s25;
	s1 =	simm.s32 @!p0 $0x0;
	s0 =	sor.u32 s23, s0  }
0x15e: {  	s2 =	smov.u32 @p1 s8;
	s3 =	smov.u32 @p1 s15;
	s20 =	spop (v2sf)  }
0x15f: {  	s23 =	sor.u32 s24, s1;
	p0 =	seq.s32 s1, $0x0;
	s24 =	sadd.s32 s22, s20  }
0x160: {  	s0 =	sxor.u32 $0x1, s0;
	s1 =	smov.u32 s26;
	p1 =	sgt.s32 s24, $0x6665  }
0x161: {  	s25 =	smov.u32 @p0 s30;
	s4 =	sxor.u32 $0x1, s23;
	s0 =	simm.s32 @!p1 $0x0  }
0x162: {  	s21 =	smov.u32 @p0 s28;
	p2 =	sgt.s32 s24, $0x3999A;
	p0 =	seq.s32 s0, $0x0  }
0x163: {  	s4 =	simm.s32 @!p2 $0x0;
	s0 =	smov.u32 s22;
	s1 =	smov.u32 @p0 s2  }
0x164: {  	s0 =	smov.u32 @p0 s3;
	p0 =	seq.s32 s4, $0x0;
	s20 =	sshll.u32 s1, $0x4  }
0x165: {  	s26 =	smov.u32 @p0 s25;
	s22 =	smov.u32 @p0 s21;
	s25 =	sadd.s32 $0x0, s20  }
0x166: {  	s1 =	ssub.s32 $0x7FF, s20;
	p0 =	slt.u32 s25, $0x400;
	s2 =	sadd.s32 $0x3FFFC00, s25  }
0x167: {  	s2 =	smov.u32 @p0 s1  }
0x168: {  	s2 =	sshll.u32 s2, $0x6  }
0x169: {  	s2 =	sshra.s32 s2, $0x2  }
0x16a: {  	v4 =	vld [tilespmem:s2+$0x4000]  }
0x16b: {  	s28 =	sadd.s32 $0x1, s20  }
0x16c: {  	s4 =	sadd.s32 $0x3FFFC00, s28;
	s1 =	sadd.s32 $0xFFFFFFFF, s1;
	p0 =	slt.u32 s28, $0x400  }
0x16d: {  	s4 =	smov.u32 @p0 s1  }
0x16e: {  	s4 =	sshll.u32 s4, $0x6  }
0x16f: {  	s29 =	sshra.s32 s4, $0x2;
	(xrf0) =	vadd.scan.msk.s32 $0xffff, v4  }
0x170: {  	v5 =	vld [tilespmem:s29+$0x4000];
	_ =	sdelay $0x4  }
0x171: {  	s30 =	sadd.s32 $0x2, s20;
	(xrf0) =	vadd.scan.msk.s32 $0xffff, v5;
	v5, _, _ =	vpop (xrf0)  }
0x172: {  	s1 =	sadd.s32 $0xFFFFFFFF, s1;
	p0 =	slt.u32 s30, $0x400;
	s2 =	sadd.s32 $0x3FFFC00, s30;
	(v2sf) =	vpush v5, $0xF  }
0x173: {  	s2 =	smov.u32 @p0 s1  }
0x174: {  	s2 =	sshll.u32 s2, $0x6  }
0x175: {  	s2 =	sshra.s32 s2, $0x2  }
0x176: {  	v4 =	vld [tilespmem:s2+$0x4000];
	_ =	sdelay $0x2  }
0x177: {  	s10 =	simm.s32 $0x5;
	s7 =	simm.s32 $0x0;
	s31 =	sadd.s32 $0x3, s20  }
0x178: {  	s6 =	sadd.s32 $0x3FFFC00, s31;
	s5 =	sadd.s32 $0xFFFFFFFF, s1;
	p0 =	slt.u32 s31, $0x400;
	v5, _, _ =	vpop (xrf0)  }
0x179: {  	s3 =	simm.s32 $0x0;
	s21 =	simm.s32 $0x4;
	s6 =	smov.u32 @p0 s5;
	(xrf0) =	vadd.scan.msk.s32 $0xffff, v4;
	(v2sf) =	vpush v5, $0xF  }
0x17a: {  	s8 =	smov.u32 s0;
	s4 =	simm.s32 $0x1;
	s6 =	sshll.u32 s6, $0x6  }
0x17b: {  	s9 =	sadd.s32 $0xFFFFFFFF, s5;
	s1 =	simm.s32 $0x3;
	s6 =	sshra.s32 s6, $0x2  }
0x17c: {  	s5 =	smov.u32 s0;
	s2 =	simm.s32 $0x2;
	v4 =	vld [tilespmem:s6+$0x4000];
	s6 =	simm.s32 $0x0  }
.LBB2_16:
0x17d: {  	s12 =	smov.u32 s0  }
0x17e: {  	s0 =	smov.u32 s3;
	p0 =	sne.s32 s10, $0xF;
	s3 =	sadd.s32 s21, s20  }
0x17f: {  	s16 =	smov.u32 s21;
	s21 =	smov.u32 s10;
	v5, _, _ =	vpop (xrf0);
	s15 =	spop (v2sf)  }
0x180: {  	p1 =	slt.u32 s3, $0x400;
	s3 =	sadd.s32 $0x3FFFC00, s3;
	(v2sf) =	vpush v5, $0xF;
	s8 =	sadd.s32 s8, s15  }
0x181: {  	s3 =	smov.u32 @p1 s9;
	s15 =	sxor.u32 $0x1, s7;
	(xrf0) =	vadd.scan.msk.s32 $0xffff, v4;
	p1 =	sgt.s32 s8, $0x6665  }
0x182: {  	s3 =	sshll.u32 s3, $0x6;
	s15 =	simm.s32 @!p1 $0x0  }
0x183: {  	s3 =	sshra.s32 s3, $0x2;
	p1 =	seq.s32 s15, $0x0;
	s7 =	sor.u32 s7, s15  }
.Ltmp7:
0x184: {  	v4 =	vld [tilespmem:s3+$0x4000];
	s3 =	smov.u32 s6;
	(pc) =	sbr.rel @p0 .LBB2_16-.Ltmp7, $4  }
0x185: {  	s3 =	smov.u32 @p1 s0;
	s0 =	smov.u32 s5  }
0x186: {  	s5 =	smov.u32 s8;
	s0 =	smov.u32 @p1 s12  }
0x187: {  	s6 =	smov.u32 s4;
	s4 =	smov.u32 s2;
	s2 =	smov.u32 s1  }
0x188: {  	s10 =	sadd.s32 $0x1, s10;
	s9 =	sadd.s32 $0xFFFFFFFF, s9;
	s1 =	smov.u32 s16  }
0x189: {  	v5, _, _ =	vpop (xrf0)  }
0x18a: {  	(v2sf) =	vpush v5, $0xF;
	_ =	sdelay $0x3  }
0x18b: {  	s10 =	sadd.s32 s21, s20  }
0x18c: {  	p0 =	slt.u32 s10, $0x400;
	s10 =	sadd.s32 $0x3FFFC00, s10  }
0x18d: {  	s10 =	smov.u32 @p0 s9  }
0x18e: {  	s15 =	spop (v2sf);
	s9 =	sshll.u32 s10, $0x6  }
0x18f: {  	s8 =	sadd.s32 s8, s15;
	s9 =	sshra.s32 s9, $0x2  }
0x190: {  	(xrf0) =	vadd.scan.msk.s32 $0xffff, v4;
	p0 =	sgt.s32 s8, $0x6665;
	v5 =	vld [tilespmem:s9+$0x4000];
	s9 =	sxor.u32 $0x1, s7  }
0x191: {  	s9 =	simm.s32 @!p0 $0x0  }
0x192: {  	s16 =	spop (v2sf);
	s17 =	sor.u32 s7, s9  }
0x193: {  	s10 =	sadd.s32 s8, s16;
	p0 =	seq.s32 s9, $0x0;
	s9 =	sxor.u32 $0x1, s17  }
0x194: {  	p1 =	sgt.s32 s10, $0x6665;
	s5 =	smov.u32 @p0 s0;
	s0 =	sshll.u32 s26, $0x4  }
0x195: {  	s6 =	smov.u32 @p0 s3;
	s9 =	simm.s32 @!p1 $0x0;
	s19 =	sadd.s32 $0x0, s0;
	(xrf0) =	vadd.scan.msk.s32 $0xffff, v5  }
0x196: {  	v4, _, _ =	vpop (xrf0);
	s18 =	sor.u32 s17, s9;
	p0 =	seq.s32 s9, $0x0;
	s12 =	spop (v2sf)  }
0x197: {  	(v2sf) =	vpush v4, $0xF;
	s9 =	sxor.u32 $0x1, s18;
	s4 =	smov.u32 @p0 s6;
	s7 =	sadd.s32 s10, s12  }
0x198: {  	s8 =	smov.u32 @p0 s5;
	s6 =	ssub.s32 $0x7FF, s0;
	p1 =	sgt.s32 s7, $0x6665  }
0x199: {  	s5 =	sadd.s32 $0x3FFFC00, s19;
	s9 =	simm.s32 @!p1 $0x0;
	p1 =	slt.u32 s19, $0x400  }
0x19a: {  	s5 =	smov.u32 @p1 s6  }
0x19b: {  	v4, _, _ =	vpop (xrf0);
	s5 =	sshll.u32 s5, $0x6  }
0x19c: {  	(v2sf) =	vpush v4, $0xF;
	s5 =	sshra.s32 s5, $0x2  }
0x19d: {  	v4 =	vld [tilespmem:s5+$0x4000]  }
0x19e: {  	s23 =	sadd.s32 $0x1, s0;
	p0 =	seq.s32 s9, $0x0;
	s3 =	sor.u32 s18, s9  }
0x19f: {  	s6 =	sadd.s32 $0xFFFFFFFF, s6;
	p1 =	slt.u32 s23, $0x400;
	s9 =	sadd.s32 $0x3FFFC00, s23  }
0x1a0: {  	s9 =	smov.u32 @p1 s6  }
0x1a1: {  	s9 =	sshll.u32 s9, $0x6  }
0x1a2: {  	s25 =	sshra.s32 s9, $0x2;
	(xrf0) =	vadd.scan.msk.s32 $0xffff, v4  }
0x1a3: {  	v5 =	vld [tilespmem:s25+$0x4000];
	_ =	sdelay $0x2  }
0x1a4: {  	s24 =	spop (v2sf)  }
0x1a5: {  	s28 =	sadd.s32 $0x2, s0;
	s12 =	sxor.u32 $0x1, s3;
	s18 =	sadd.s32 s7, s24  }
0x1a6: {  	s2 =	smov.u32 @p0 s4;
	s6 =	sadd.s32 $0xFFFFFFFF, s6;
	p1 =	sgt.s32 s18, $0x6665;
	(xrf0) =	vadd.scan.msk.s32 $0xffff, v5;
	v5, _, _ =	vpop (xrf0)  }
0x1a7: {  	s5 =	sadd.s32 $0x3FFFC00, s28;
	s12 =	simm.s32 @!p1 $0x0;
	p1 =	slt.u32 s28, $0x400;
	(v2sf) =	vpush v5, $0xF  }
0x1a8: {  	s10 =	smov.u32 @p0 s8;
	p0 =	seq.s32 s12, $0x0;
	s5 =	smov.u32 @p1 s6  }
0x1a9: {  	s3 =	sor.u32 s3, s12;
	s29 =	sshll.u32 s5, $0x6;
	s26 =	spop (v2sf)  }
0x1aa: {  	s1 =	smov.u32 @p0 s2;
	s2 =	sshra.s32 s29, $0x2;
	s4 =	sadd.s32 s18, s26  }
0x1ab: {  	s3 =	sxor.u32 $0x1, s3;
	v4 =	vld [tilespmem:s2+$0x4000];
	p1 =	sgt.s32 s4, $0x6665  }
0x1ac: {  	s30 =	sadd.s32 $0x3, s0;
	s3 =	simm.s32 @!p1 $0x0  }
0x1ad: {  	s8 =	smov.u32 s22;
	s7 =	smov.u32 @p0 s10;
	p0 =	seq.s32 s3, $0x0  }
0x1ae: {  	s9 =	simm.s32 $0x0;
	s5 =	sadd.s32 $0xFFFFFFFF, s6;
	v5, _, _ =	vpop (xrf0);
	s21 =	smov.u32 @p0 s1  }
0x1af: {  	(v2sf) =	vpush v5, $0xF;
	s18 =	smov.u32 @p0 s7;
	p0 =	slt.u32 s30, $0x400;
	s1 =	sadd.s32 $0x3FFFC00, s30  }
0x1b0: {  	s12 =	simm.s32 $0x5;
	s10 =	sadd.s32 $0xFFFFFFFF, s5;
	(xrf0) =	vadd.scan.msk.s32 $0xffff, v4;
	s1 =	smov.u32 @p0 s5  }
0x1b1: {  	s2 =	simm.s32 $0x2;
	s4 =	simm.s32 $0x3;
	s31 =	sshll.u32 s1, $0x6  }
0x1b2: {  	s3 =	simm.s32 $0x1;
	s7 =	simm.s32 $0x0;
	s6 =	sshra.s32 s31, $0x2  }
0x1b3: {  	s5 =	smov.u32 s22;
	s1 =	simm.s32 $0x4;
	v4 =	vld [tilespmem:s6+$0x4000];
	s6 =	simm.s32 $0x0  }
.LBB2_18:
0x1b4: {  	s15 =	smov.u32 s22;
	s16 =	smov.u32 s9;
	p0 =	sne.s32 s12, $0xF  }
0x1b5: {  	s9 =	sadd.s32 s1, s0;
	s19 =	smov.u32 s1;
	s1 =	smov.u32 s12  }
0x1b6: {  	v5, _, _ =	vpop (xrf0);
	s17 =	spop (v2sf);
	p1 =	slt.u32 s9, $0x400;
	s9 =	sadd.s32 $0x3FFFC00, s9  }
0x1b7: {  	(v2sf) =	vpush v5, $0xF;
	s8 =	sadd.s32 s8, s17;
	s9 =	smov.u32 @p1 s10  }
0x1b8: {  	s17 =	sxor.u32 $0x1, s7;
	(xrf0) =	vadd.scan.msk.s32 $0xffff, v4;
	p1 =	sgt.s32 s8, $0x3999A;
	s9 =	sshll.u32 s9, $0x6  }
0x1b9: {  	s17 =	simm.s32 @!p1 $0x0;
	s9 =	sshra.s32 s9, $0x2  }
.Ltmp8:
0x1ba: {  	p1 =	seq.s32 s17, $0x0;
	s7 =	sor.u32 s7, s17;
	(pc) =	sbr.rel @p0 .LBB2_18-.Ltmp8, $4  }
0x1bb: {  	s22 =	smov.u32 s5;
	v4 =	vld [tilespmem:s9+$0x4000];
	s9 =	smov.u32 s6  }
0x1bc: {  	s5 =	smov.u32 s8;
	s22 =	smov.u32 @p1 s15;
	s9 =	smov.u32 @p1 s16  }
0x1bd: {  	s6 =	smov.u32 s3;
	s3 =	smov.u32 s2;
	s2 =	smov.u32 s4  }
0x1be: {  	s12 =	sadd.s32 $0x1, s12;
	s10 =	sadd.s32 $0xFFFFFFFF, s10;
	s4 =	smov.u32 s19  }
0x1bf: {  	s12 =	sadd.s32 s1, s0  }
0x1c0: {  	p0 =	slt.u32 s12, $0x400;
	s12 =	sadd.s32 $0x3FFFC00, s12  }
0x1c1: {  	s12 =	smov.u32 @p0 s10  }
0x1c2: {  	s10 =	sshll.u32 s12, $0x6  }
0x1c3: {  	s10 =	sshra.s32 s10, $0x2  }
0x1c4: {  	v5 =	vld [tilespmem:s10+$0x4000];
	_ =	sdelay $0x1  }
0x1c5: {  	(xrf0) =	vadd.scan.msk.s32 $0xffff, v4;
	_ =	sdelay $0x2  }
0x1c6: {  	v4, _, _ =	vpop (xrf0);
	(xrf0) =	vadd.scan.msk.s32 $0xffff, v5  }
0x1c7: {  	(v2sf) =	vpush v4, $0xF;
	_ =	sdelay $0x1  }
0x1c8: {  	v4, _, _ =	vpop (xrf0)  }
0x1c9: {  	(v2sf) =	vpush v4, $0xF;
	_ =	sdelay $0x1  }
0x1ca: {  	v4, _, _ =	vpop (xrf0)  }
0x1cb: {  	(v2sf) =	vpush v4, $0xF;
	_ =	sdelay $0x2  }
0x1cc: {  	s24 =	spop (v2sf)  }
0x1cd: {  	s8 =	sadd.s32 s8, s24  }
0x1ce: {  	p0 =	sgt.s32 s8, $0x3999A;
	s10 =	sxor.u32 $0x1, s7  }
0x1cf: {  	s10 =	simm.s32 @!p0 $0x0;
	s25 =	spop (v2sf)  }
0x1d0: {  	s26 =	sor.u32 s7, s10;
	s12 =	sadd.s32 s8, s25  }
0x1d1: {  	s15 =	sxor.u32 $0x1, s26;
	p0 =	sgt.s32 s12, $0x3999A  }
0x1d2: {  	p1 =	seq.s32 s10, $0x0;
	s15 =	simm.s32 @!p0 $0x0;
	s28 =	spop (v2sf)  }
0x1d3: {  	s6 =	smov.u32 @p1 s9;
	s7 =	sor.u32 s26, s15;
	s9 =	sadd.s32 s12, s28  }
0x1d4: {  	s10 =	sxor.u32 $0x1, s7;
	p0 =	sgt.s32 s9, $0x3999A  }
0x1d5: {  	s5 =	smov.u32 @p1 s22;
	s10 =	simm.s32 @!p0 $0x0;
	s16 =	spop (v2sf)  }
0x1d6: {  	p0 =	seq.s32 s15, $0x0;
	s7 =	sor.u32 s7, s10;
	s16 =	sadd.s32 s9, s16  }
0x1d7: {  	s3 =	smov.u32 @p0 s6;
	s6 =	sxor.u32 $0x1, s7;
	p1 =	sgt.s32 s16, $0x3999A  }
0x1d8: {  	s6 =	simm.s32 @!p1 $0x0;
	s29 =	spop (v2sf)  }
0x1d9: {  	s8 =	smov.u32 @p0 s5;
	s30 =	sor.u32 s7, s6;
	s31 =	sadd.s32 s16, s29  }
0x1da: {  	p0 =	seq.s32 s10, $0x0;
	s5 =	sxor.u32 $0x1, s30;
	p1 =	sgt.s32 s31, $0x3999A  }
0x1db: {  	s12 =	smov.u32 @p0 s8;
	s5 =	simm.s32 @!p1 $0x0;
	p1 =	seq.s32 s6, $0x0  }
0x1dc: {  	s2 =	smov.u32 @p0 s3;
	p0 =	seq.s32 s5, $0x0;
	s9 =	smov.u32 @p1 s12  }
0x1dd: {  	s3 =	simm.s32 $0x200;
	s4 =	smov.u32 @p1 s2;
	s16 =	smov.u32 @p0 s9  }
0x1de: {  	s2 =	simm.s32 $0x0;
	s1 =	smov.u32 @p0 s4;
	[smem:$0x7E8] =	sst s16  }
.LBB2_20:
0x1df: {  	p0 =	sne.s32 s3, $0x1FE00;
	[tilespmem:s2+$0x4070] =	vst v0  }
0x1e0: {  	[tilespmem:s2+$0x4000] =	vst v0  }
0x1e1: {  	[tilespmem:s2+$0x4010] =	vst v0  }
.Ltmp9:
0x1e2: {  	[tilespmem:s2+$0x4020] =	vst v0;
	(pc) =	sbr.rel @p0 .LBB2_20-.Ltmp9, $4  }
0x1e3: {  	[tilespmem:s2+$0x4030] =	vst v0  }
0x1e4: {  	[tilespmem:s2+$0x4040] =	vst v0  }
0x1e5: {  	[tilespmem:s2+$0x4050] =	vst v0  }
0x1e6: {  	[tilespmem:s2+$0x4060] =	vst v0;
	s2 =	sshra.s32 s3, $0x2;
	s3 =	sadd.s32 $0x200, s3  }
0x1e7: {  	[tilespmem:s2+$0x4070] =	vst v0  }
0x1e8: {  	[tilespmem:s2+$0x4000] =	vst v0  }
0x1e9: {  	[tilespmem:s2+$0x4010] =	vst v0  }
0x1ea: {  	[tilespmem:s2+$0x4020] =	vst v0  }
0x1eb: {  	[tilespmem:s2+$0x4030] =	vst v0;
	s3 =	sadd.s32 s20, s21;
	s31 =	sld [smem:$0x7F8]  }
0x1ec: {  	[tilespmem:s2+$0x4040] =	vst v0;
	s0 =	sadd.s32 s0, s1;
	s22 =	simm.s32 $0x0;
	s4 =	sld [smem:$0x7FC]  }
0x1ed: {  	[tilespmem:s2+$0x4050] =	vst v0;
	p0 =	slt.u32 s3, $0x400;
	s1 =	sxor.u32 $0x7FF, s3;
	s9 =	sadd.s32 $0xFFFFFC00, s3  }
0x1ee: {  	[tilespmem:s2+$0x4060] =	vst v0;
	p1 =	slt.u32 s0, $0x400;
	s2 =	sxor.u32 $0x7FF, s0;
	s3 =	sadd.s32 $0xFFFFFC00, s0  }
0x1ef: {  	s23 =	simm.s32 $0x0;
	s5 =	sld [smem:$0x7FD];
	s3 =	smov.u32 @p1 s2  }
0x1f0: {  	[tilespmem:s22], [sflag:$0x1] =	stream.linear.gather [hbm4b:s31+s22], $0x2000, $0x38;
	[tilespmem:$0x1C010] =	vst v63  }
0x1f1: {  	s6 =	simm.s32 $0x2000;
	s9 =	smov.u32 @p0 s1;
	[smem:$0x7E7] =	sst s3  }
0x1f2: {  	s7 =	simm.s32 $0x1;
	s8 =	simm.s32 $0x2;
	v4 =	vmov s9;
	v5 =	vmov s3;
	s3 =	sld [smem:$0x7FB]  }
.LBB2_22:
0x1f3: {  	s0 =	sshll.u32 s23, $0xE  }
0x1f4: {  	s1 =	sor.u32 s0, s4  }
0x1f5: {  	s1 =	sshrl.u32 s1, $0x3  }
0x1f6: {  	s1 =	sadd.s32 s1, s3  }
0x1f7: {  	s1 =	sadd.s32 $0x400, s1  }
0x1f8: {  	[tilespmem:s6], [sflag:$0x2] =	stream.linear.gather [hbm4b:s1+s22], $0x2000, $0x38;
	[tilespmem:$0x1C010] =	vst v63  }
0x1f9: {  	_ =	swait.ge [sflag:s7], $0x2000  }
0x1fa: {  	[sflag:s7] =	ssyncset.done $0x0  }
0x1fb: {  	s31 =	simm.s32 $0x0;
	[sflag:s7] =	ssyncadd.s32 $0xFFFFE000  }
0x1fc: {  	v6 =	vld [tilespmem:s31+$0x0]  }
0x1fd: {  	v7 =	vld [tilespmem:s31+$0x10]  }
0x1fe: {  	v8 =	vld [tilespmem:s31+$0x20]  }
0x1ff: {  	v9 =	vld [tilespmem:s31+$0x30]  }
0x200: {  	v10 =	vld [tilespmem:s31+$0x40]  }
0x201: {  	v14 =	vld [tilespmem:s31+$0x50]  }
0x202: {  	v16 =	vld [tilespmem:s31+$0x60]  }
0x203: {  	v19 =	vld [tilespmem:s31+$0x70];
	_ =	sdelay $0x2  }
0x204: {  	v11 =	vshrl.u32 v6, $0x15;
	v6 =	vshrl.u32 v6, $0x6;
	v12 =	vshrl.u32 v7, $0x15  }
0x205: {  	v15 =	vshrl.u32 v8, $0x15;
	v18 =	vshrl.u32 v9, $0x15;
	v20 =	vshrl.u32 v10, $0x15  }
0x206: {  	v21 =	vshrl.u32 v14, $0x15;
	v22 =	vshrl.u32 v16, $0x15;
	v62 =	vshrl.u32 v19, $0x15  }
0x207: {  	v63 =	vshrl.u32 v19, $0x6;
	vm3 =	veq.s32 v11, v4;
	v6 =	vand.u32 $0x7FF0, v6  }
0x208: {  	vm2 =	veq.s32 v12, v4;
	vm4 =	veq.s32 v15, v4;
	vm5 =	veq.s32 v18, v4  }
0x209: {  	vm6 =	veq.s32 v20, v4;
	v13 =	vor.u32 v1, v6;
	v6 =	vshrl.u32 v7, $0x6  }
0x20a: {  	vm7 =	veq.s32 v21, v4;
	v7 =	vshrl.u32 v8, $0x6;
	v6 =	vand.u32 $0x7FF0, v6  }
0x20b: {  	v7 =	vand.u32 $0x7FF0, v7;
	v17 =	vor.u32 v1, v6;
	v6 =	vshrl.u32 v9, $0x6  }
0x20c: {  	v8 =	vshrl.u32 v10, $0x6;
	v7 =	vor.u32 v1, v7;
	v6 =	vand.u32 $0x7FF0, v6  }
0x20d: {  	v8 =	vand.u32 $0x7FF0, v8;
	v9 =	vshrl.u32 v14, $0x6;
	v6 =	vor.u32 v1, v6  }
0x20e: {  	v10 =	vshrl.u32 v16, $0x6;
	v8 =	vor.u32 v1, v8;
	v9 =	vand.u32 $0x7FF0, v9  }
0x20f: {  	vm8 =	veq.s32 v22, v4;
	v10 =	vand.u32 $0x7FF0, v10;
	v9 =	vor.u32 v1, v9;
	[tilespmem:v13+s13+$0x0] =	vst.idx.add.s32.msk vm3, v2  }
0x210: {  	v16 =	vand.u32 $0x7FF0, v63;
	v10 =	vor.u32 v1, v10;
	vm3 =	veq.s32 v62, v4;
	[tilespmem:v17+s13+$0x0] =	vst.idx.add.s32.msk vm2, v2  }
0x211: {  	vm9 =	veq.s32 v11, v5;
	v11 =	vor.u32 v1, v16;
	[tilespmem:v7+s13+$0x0] =	vst.idx.add.s32.msk vm4, v2  }
0x212: {  	[tilespmem:v6+s13+$0x0] =	vst.idx.add.s32.msk vm5, v2  }
0x213: {  	vm10 =	veq.s32 v12, v5;
	[tilespmem:v8+s13+$0x0] =	vst.idx.add.s32.msk vm6, v2  }
0x214: {  	vm5 =	veq.s32 v15, v5;
	[tilespmem:v9+s13+$0x0] =	vst.idx.add.s32.msk vm7, v2  }
0x215: {  	vm2 =	veq.s32 v18, v5;
	[tilespmem:v10+s13+$0x0] =	vst.idx.add.s32.msk vm8, v2  }
0x216: {  	[tilespmem:v11+s13+$0x0] =	vst.idx.add.s32.msk vm3, v2;
	vm3 =	veq.s32 v20, v5  }
0x217: {  	vm4 =	veq.s32 v21, v5  }
0x218: {  	vm7 =	veq.s32 v22, v5;
	[tilespmem:v13+s14+$0x0] =	vst.idx.add.s32.msk vm9, v2  }
0x219: {  	s1 =	simm.s32 $0x200;
	vm6 =	veq.s32 v62, v5;
	[tilespmem:v17+s14+$0x0] =	vst.idx.add.s32.msk vm10, v2  }
.LBB2_23:
0x21a: {  	p0 =	sne.s32 s1, $0x7E00;
	[tilespmem:v7+s14+$0x0] =	vst.idx.add.s32.msk vm5, v2;
	s2 =	smov.u32 s1;
	s1 =	sadd.s32 $0x200, s1  }
0x21b: {  	[tilespmem:v6+s14+$0x0] =	vst.idx.add.s32.msk vm2, v2  }
0x21c: {  	[tilespmem:v8+s14+$0x0] =	vst.idx.add.s32.msk vm3, v2  }
0x21d: {  	[tilespmem:v9+s14+$0x0] =	vst.idx.add.s32.msk vm4, v2  }
0x21e: {  	[tilespmem:v10+s14+$0x0] =	vst.idx.add.s32.msk vm7, v2  }
0x21f: {  	s2 =	sshra.s32 s2, $0x2;
	[tilespmem:v11+s14+$0x0] =	vst.idx.add.s32.msk vm6, v2  }
0x220: {  	v6 =	vld [tilespmem:s2+$0x0]  }
0x221: {  	v7 =	vld [tilespmem:s2+$0x10]  }
0x222: {  	v8 =	vld [tilespmem:s2+$0x20];
	_ =	sdelay $0x1  }
0x223: {  	v9 =	vld [tilespmem:s2+$0x30]  }
0x224: {  	v11 =	vshrl.u32 v6, $0x15;
	v6 =	vshrl.u32 v6, $0x6  }
0x225: {  	v10 =	vld [tilespmem:s2+$0x40];
	v12 =	vshrl.u32 v7, $0x15;
	vm3 =	veq.s32 v11, v4;
	v6 =	vand.u32 $0x7FF0, v6  }
0x226: {  	vm2 =	veq.s32 v12, v4;
	v13 =	vor.u32 v1, v6;
	v6 =	vshrl.u32 v7, $0x6  }
0x227: {  	v15 =	vshrl.u32 v8, $0x15;
	v7 =	vshrl.u32 v8, $0x6;
	v14 =	vld [tilespmem:s2+$0x50];
	v6 =	vand.u32 $0x7FF0, v6  }
0x228: {  	vm4 =	veq.s32 v15, v4;
	v16 =	vld [tilespmem:s2+$0x60];
	v17 =	vor.u32 v1, v6;
	v6 =	vshrl.u32 v9, $0x6  }
0x229: {  	v7 =	vand.u32 $0x7FF0, v7;
	v18 =	vshrl.u32 v9, $0x15;
	v6 =	vand.u32 $0x7FF0, v6  }
0x22a: {  	vm5 =	veq.s32 v18, v4;
	v19 =	vld [tilespmem:s2+$0x70];
	v6 =	vor.u32 v1, v6;
	v8 =	vshrl.u32 v10, $0x6  }
0x22b: {  	v7 =	vor.u32 v1, v7;
	v20 =	vshrl.u32 v10, $0x15;
	v8 =	vand.u32 $0x7FF0, v8  }
0x22c: {  	vm6 =	veq.s32 v20, v4;
	v21 =	vshrl.u32 v14, $0x15;
	v8 =	vor.u32 v1, v8  }
0x22d: {  	v9 =	vshrl.u32 v14, $0x6;
	v22 =	vshrl.u32 v16, $0x15;
	vm7 =	veq.s32 v21, v4;
	[tilespmem:v13+s13+$0x0] =	vst.idx.add.s32.msk vm3, v2  }
0x22e: {  	v9 =	vand.u32 $0x7FF0, v9;
	v10 =	vshrl.u32 v16, $0x6;
	vm8 =	veq.s32 v22, v4;
	[tilespmem:v17+s13+$0x0] =	vst.idx.add.s32.msk vm2, v2  }
0x22f: {  	v9 =	vor.u32 v1, v9;
	v10 =	vand.u32 $0x7FF0, v10;
	v14 =	vshrl.u32 v19, $0x15  }
0x230: {  	v10 =	vor.u32 v1, v10;
	v16 =	vshrl.u32 v19, $0x6;
	vm9 =	veq.s32 v14, v4;
	[tilespmem:v7+s13+$0x0] =	vst.idx.add.s32.msk vm4, v2  }
0x231: {  	vm10 =	veq.s32 v11, v5;
	v11 =	vand.u32 $0x7FF0, v16;
	[tilespmem:v6+s13+$0x0] =	vst.idx.add.s32.msk vm5, v2  }
0x232: {  	vm11 =	veq.s32 v12, v5;
	v11 =	vor.u32 v1, v11;
	[tilespmem:v8+s13+$0x0] =	vst.idx.add.s32.msk vm6, v2  }
0x233: {  	vm5 =	veq.s32 v15, v5  }
0x234: {  	vm3 =	veq.s32 v20, v5;
	vm2 =	veq.s32 v18, v5;
	[tilespmem:v9+s13+$0x0] =	vst.idx.add.s32.msk vm7, v2  }
.Ltmp10:
0x235: {  	vm4 =	veq.s32 v21, v5;
	[tilespmem:v10+s13+$0x0] =	vst.idx.add.s32.msk vm8, v2;
	(pc) =	sbr.rel @p0 .LBB2_23-.Ltmp10, $4  }
0x236: {  	_ = 	snop  }
0x237: {  	vm7 =	veq.s32 v22, v5;
	[tilespmem:v11+s13+$0x0] =	vst.idx.add.s32.msk vm9, v2  }
0x238: {  	vm6 =	veq.s32 v14, v5;
	[tilespmem:v13+s14+$0x0] =	vst.idx.add.s32.msk vm10, v2  }
0x239: {  	[tilespmem:v17+s14+$0x0] =	vst.idx.add.s32.msk vm11, v2  }
0x23a: {  	_ =	sdelay $0x4  }
0x23b: {  	[tilespmem:v7+s14+$0x0] =	vst.idx.add.s32.msk vm5, v2  }
0x23c: {  	[tilespmem:v6+s14+$0x0] =	vst.idx.add.s32.msk vm2, v2  }
0x23d: {  	p0 =	seq.s32 s23, $0xF;
	[tilespmem:v8+s14+$0x0] =	vst.idx.add.s32.msk vm3, v2  }
0x23e: {  	s0 =	sadd.s32 @!p0 s0, s5;
	[tilespmem:v9+s14+$0x0] =	vst.idx.add.s32.msk vm4, v2  }
0x23f: {  	s0 =	sshrl.u32 @!p0 s0, $0x3;
	[tilespmem:v10+s14+$0x0] =	vst.idx.add.s32.msk vm7, v2  }
0x240: {  	s1 =	simm.s32 @!p0 $0x0;
	s0 =	sadd.s32 @!p0 s3, s0;
	[tilespmem:v11+s14+$0x0] =	vst.idx.add.s32.msk vm6, v2  }
0x241: {  	[tilespmem:s1], [sflag:$0x1] =	stream.linear.gather @!p0 [hbm4b:s0+s1], $0x2000, $0x38;
	[tilespmem:$0x1C010] =	vst v63  }
0x242: {  	_ =	swait.ge [sflag:s8], $0x2000  }
0x243: {  	[sflag:s8] =	ssyncset.done $0x0  }
0x244: {  	s31 =	simm.s32 $0x0;
	[sflag:s8] =	ssyncadd.s32 $0xFFFFE000  }
0x245: {  	v6 =	vld [tilespmem:s31+$0x2000]  }
0x246: {  	v7 =	vld [tilespmem:s31+$0x2010]  }
0x247: {  	v8 =	vld [tilespmem:s31+$0x2020]  }
0x248: {  	v9 =	vld [tilespmem:s31+$0x2030]  }
0x249: {  	v10 =	vld [tilespmem:s31+$0x2040]  }
0x24a: {  	v14 =	vld [tilespmem:s31+$0x2050]  }
0x24b: {  	v16 =	vld [tilespmem:s31+$0x2060]  }
0x24c: {  	v19 =	vld [tilespmem:s31+$0x2070];
	_ =	sdelay $0x2  }
0x24d: {  	v11 =	vshrl.u32 v6, $0x15;
	v6 =	vshrl.u32 v6, $0x6;
	v12 =	vshrl.u32 v7, $0x15  }
0x24e: {  	v15 =	vshrl.u32 v8, $0x15;
	v18 =	vshrl.u32 v9, $0x15;
	v20 =	vshrl.u32 v10, $0x15  }
0x24f: {  	v21 =	vshrl.u32 v14, $0x15;
	v22 =	vshrl.u32 v16, $0x15;
	v62 =	vshrl.u32 v19, $0x15  }
0x250: {  	v63 =	vshrl.u32 v19, $0x6;
	vm3 =	veq.s32 v11, v4;
	v6 =	vand.u32 $0x7FF0, v6  }
0x251: {  	vm2 =	veq.s32 v12, v4;
	vm4 =	veq.s32 v15, v4;
	vm5 =	veq.s32 v18, v4  }
0x252: {  	vm6 =	veq.s32 v20, v4;
	v13 =	vor.u32 v1, v6;
	v6 =	vshrl.u32 v7, $0x6  }
0x253: {  	vm7 =	veq.s32 v21, v4;
	v7 =	vshrl.u32 v8, $0x6;
	v6 =	vand.u32 $0x7FF0, v6  }
0x254: {  	v7 =	vand.u32 $0x7FF0, v7;
	v17 =	vor.u32 v1, v6;
	v6 =	vshrl.u32 v9, $0x6  }
0x255: {  	v8 =	vshrl.u32 v10, $0x6;
	v7 =	vor.u32 v1, v7;
	v6 =	vand.u32 $0x7FF0, v6  }
0x256: {  	v8 =	vand.u32 $0x7FF0, v8;
	v9 =	vshrl.u32 v14, $0x6;
	v6 =	vor.u32 v1, v6  }
0x257: {  	v10 =	vshrl.u32 v16, $0x6;
	v8 =	vor.u32 v1, v8;
	v9 =	vand.u32 $0x7FF0, v9  }
0x258: {  	vm8 =	veq.s32 v22, v4;
	v10 =	vand.u32 $0x7FF0, v10;
	v9 =	vor.u32 v1, v9;
	[tilespmem:v13+s13+$0x0] =	vst.idx.add.s32.msk vm3, v2  }
0x259: {  	v16 =	vand.u32 $0x7FF0, v63;
	v10 =	vor.u32 v1, v10;
	vm3 =	veq.s32 v62, v4;
	[tilespmem:v17+s13+$0x0] =	vst.idx.add.s32.msk vm2, v2  }
0x25a: {  	vm9 =	veq.s32 v11, v5;
	v11 =	vor.u32 v1, v16;
	[tilespmem:v7+s13+$0x0] =	vst.idx.add.s32.msk vm4, v2  }
0x25b: {  	[tilespmem:v6+s13+$0x0] =	vst.idx.add.s32.msk vm5, v2  }
0x25c: {  	vm10 =	veq.s32 v12, v5;
	[tilespmem:v8+s13+$0x0] =	vst.idx.add.s32.msk vm6, v2  }
0x25d: {  	vm5 =	veq.s32 v15, v5;
	[tilespmem:v9+s13+$0x0] =	vst.idx.add.s32.msk vm7, v2  }
0x25e: {  	vm2 =	veq.s32 v18, v5;
	[tilespmem:v10+s13+$0x0] =	vst.idx.add.s32.msk vm8, v2  }
0x25f: {  	[tilespmem:v11+s13+$0x0] =	vst.idx.add.s32.msk vm3, v2;
	vm3 =	veq.s32 v20, v5  }
0x260: {  	vm4 =	veq.s32 v21, v5  }
0x261: {  	vm7 =	veq.s32 v22, v5;
	[tilespmem:v13+s14+$0x0] =	vst.idx.add.s32.msk vm9, v2  }
0x262: {  	s0 =	simm.s32 $0x200;
	vm6 =	veq.s32 v62, v5;
	[tilespmem:v17+s14+$0x0] =	vst.idx.add.s32.msk vm10, v2  }
.LBB2_25:
0x263: {  	p0 =	sne.s32 s0, $0x7E00;
	[tilespmem:v7+s14+$0x0] =	vst.idx.add.s32.msk vm5, v2;
	s1 =	smov.u32 s0;
	s0 =	sadd.s32 $0x200, s0  }
0x264: {  	[tilespmem:v6+s14+$0x0] =	vst.idx.add.s32.msk vm2, v2  }
0x265: {  	[tilespmem:v8+s14+$0x0] =	vst.idx.add.s32.msk vm3, v2  }
0x266: {  	[tilespmem:v9+s14+$0x0] =	vst.idx.add.s32.msk vm4, v2  }
0x267: {  	[tilespmem:v10+s14+$0x0] =	vst.idx.add.s32.msk vm7, v2  }
0x268: {  	s1 =	sshra.s32 s1, $0x2;
	[tilespmem:v11+s14+$0x0] =	vst.idx.add.s32.msk vm6, v2  }
0x269: {  	v6 =	vld [tilespmem:s1+$0x2000]  }
0x26a: {  	v7 =	vld [tilespmem:s1+$0x2010]  }
0x26b: {  	v8 =	vld [tilespmem:s1+$0x2020];
	_ =	sdelay $0x1  }
0x26c: {  	v9 =	vld [tilespmem:s1+$0x2030]  }
0x26d: {  	v11 =	vshrl.u32 v6, $0x15;
	v6 =	vshrl.u32 v6, $0x6  }
0x26e: {  	v10 =	vld [tilespmem:s1+$0x2040];
	v12 =	vshrl.u32 v7, $0x15;
	vm3 =	veq.s32 v11, v4;
	v6 =	vand.u32 $0x7FF0, v6  }
0x26f: {  	vm2 =	veq.s32 v12, v4;
	v13 =	vor.u32 v1, v6;
	v6 =	vshrl.u32 v7, $0x6  }
0x270: {  	v15 =	vshrl.u32 v8, $0x15;
	v7 =	vshrl.u32 v8, $0x6;
	v14 =	vld [tilespmem:s1+$0x2050];
	v6 =	vand.u32 $0x7FF0, v6  }
0x271: {  	vm4 =	veq.s32 v15, v4;
	v16 =	vld [tilespmem:s1+$0x2060];
	v17 =	vor.u32 v1, v6;
	v6 =	vshrl.u32 v9, $0x6  }
0x272: {  	v7 =	vand.u32 $0x7FF0, v7;
	v18 =	vshrl.u32 v9, $0x15;
	v6 =	vand.u32 $0x7FF0, v6  }
0x273: {  	vm5 =	veq.s32 v18, v4;
	v19 =	vld [tilespmem:s1+$0x2070];
	v6 =	vor.u32 v1, v6;
	v8 =	vshrl.u32 v10, $0x6  }
0x274: {  	v7 =	vor.u32 v1, v7;
	v20 =	vshrl.u32 v10, $0x15;
	v8 =	vand.u32 $0x7FF0, v8  }
0x275: {  	vm6 =	veq.s32 v20, v4;
	v21 =	vshrl.u32 v14, $0x15;
	v8 =	vor.u32 v1, v8  }
0x276: {  	v9 =	vshrl.u32 v14, $0x6;
	v22 =	vshrl.u32 v16, $0x15;
	vm7 =	veq.s32 v21, v4;
	[tilespmem:v13+s13+$0x0] =	vst.idx.add.s32.msk vm3, v2  }
0x277: {  	v9 =	vand.u32 $0x7FF0, v9;
	v10 =	vshrl.u32 v16, $0x6;
	vm8 =	veq.s32 v22, v4;
	[tilespmem:v17+s13+$0x0] =	vst.idx.add.s32.msk vm2, v2  }
0x278: {  	v9 =	vor.u32 v1, v9;
	v10 =	vand.u32 $0x7FF0, v10;
	v14 =	vshrl.u32 v19, $0x15  }
0x279: {  	v10 =	vor.u32 v1, v10;
	v16 =	vshrl.u32 v19, $0x6;
	vm9 =	veq.s32 v14, v4;
	[tilespmem:v7+s13+$0x0] =	vst.idx.add.s32.msk vm4, v2  }
0x27a: {  	vm10 =	veq.s32 v11, v5;
	v11 =	vand.u32 $0x7FF0, v16;
	[tilespmem:v6+s13+$0x0] =	vst.idx.add.s32.msk vm5, v2  }
0x27b: {  	vm11 =	veq.s32 v12, v5;
	v11 =	vor.u32 v1, v11;
	[tilespmem:v8+s13+$0x0] =	vst.idx.add.s32.msk vm6, v2  }
0x27c: {  	vm5 =	veq.s32 v15, v5  }
0x27d: {  	vm3 =	veq.s32 v20, v5;
	vm2 =	veq.s32 v18, v5;
	[tilespmem:v9+s13+$0x0] =	vst.idx.add.s32.msk vm7, v2  }
.Ltmp11:
0x27e: {  	vm4 =	veq.s32 v21, v5;
	[tilespmem:v10+s13+$0x0] =	vst.idx.add.s32.msk vm8, v2;
	(pc) =	sbr.rel @p0 .LBB2_25-.Ltmp11, $4  }
0x27f: {  	_ = 	snop  }
0x280: {  	vm7 =	veq.s32 v22, v5;
	[tilespmem:v11+s13+$0x0] =	vst.idx.add.s32.msk vm9, v2  }
0x281: {  	vm6 =	veq.s32 v14, v5;
	[tilespmem:v13+s14+$0x0] =	vst.idx.add.s32.msk vm10, v2  }
0x282: {  	[tilespmem:v17+s14+$0x0] =	vst.idx.add.s32.msk vm11, v2  }
0x283: {  	_ =	sdelay $0x3  }
0x284: {  	s23 =	sadd.s32 $0x1, s23  }
0x285: {  	[tilespmem:v7+s14+$0x0] =	vst.idx.add.s32.msk vm5, v2;
	p0 =	sne.s32 s23, $0x10  }
.Ltmp12:
0x286: {  	[tilespmem:v6+s14+$0x0] =	vst.idx.add.s32.msk vm2, v2;
	(pc) =	sbr.rel @p0 .LBB2_22-.Ltmp12, $4  }
0x287: {  	[tilespmem:v8+s14+$0x0] =	vst.idx.add.s32.msk vm3, v2  }
0x288: {  	[tilespmem:v9+s14+$0x0] =	vst.idx.add.s32.msk vm4, v2  }
0x289: {  	[tilespmem:v10+s14+$0x0] =	vst.idx.add.s32.msk vm7, v2  }
0x28a: {  	[tilespmem:v11+s14+$0x0] =	vst.idx.add.s32.msk vm6, v2  }
0x28b: {  	s31 =	ssub.s32 $0x6666, s18;
	s1 =	simm.s32 $0x7F0;
	s0 =	simm.s32 $0xF  }
0x28c: {  	[smem:$0x7E6] =	sst s9;
	p0 =	sgt.s32 s9, $0x3FF;
	s4 =	simm.s32 $0x7F3  }
0x28d: {  	s3 =	simm.s32 $0x7F2;
	s2 =	simm.s32 $0x7F1;
	s10 =	simm.s32 $0x7F6  }
0x28e: {  	s8 =	simm.s32 $0x7F5;
	s7 =	simm.s32 $0x7F4;
	s12 =	simm.s32 $0x7F9  }
0x28f: {  	s15 =	simm.s32 $0x7F8;
	s16 =	simm.s32 $0x7F7;
	s17 =	simm.s32 $0x7FC  }
0x290: {  	s18 =	simm.s32 $0x7FB;
	s19 =	simm.s32 $0x7FA;
	s20 =	simm.s32 $0x7FF  }
0x291: {  	s21 =	simm.s32 $0x7FE;
	s22 =	simm.s32 $0x7FD;
	s6 =	simm.s32 $0xD  }
0x292: {  	s5 =	simm.s32 $0xE;
	s23 =	simm.s32 $0xA;
	s24 =	simm.s32 $0xB  }
0x293: {  	s9 =	simm.s32 $0xC;
	s25 =	simm.s32 $0x7;
	s26 =	simm.s32 $0x8  }
0x294: {  	s28 =	simm.s32 $0x0;
	s29 =	simm.s32 $0x1;
	s30 =	simm.s32 $0x5  }
0x295: {  	s28 =	smov.u32 @p0 s20;
	s29 =	smov.u32 @p0 s21;
	s20 =	simm.s32 $0x2  }
0x296: {  	s21 =	simm.s32 $0x9;
	s30 =	smov.u32 @p0 s19;
	s25 =	smov.u32 @p0 s15  }
0x297: {  	s26 =	smov.u32 @p0 s16;
	s23 =	smov.u32 @p0 s8;
	s24 =	smov.u32 @p0 s7  }
0x298: {  	s9 =	smov.u32 @p0 s4;
	s6 =	smov.u32 @p0 s3;
	s5 =	smov.u32 @p0 s2  }
0x299: {  	s0 =	smov.u32 @p0 s1;
	s8 =	simm.s32 $0x7E0;
	s3 =	simm.s32 $0x7E3  }
0x29a: {  	s20 =	smov.u32 @p0 s22;
	s22 =	simm.s32 $0x3;
	s28 =	sshll.u32 s28, $0x4  }
0x29b: {  	s29 =	sshll.u32 s29, $0x4;
	s23 =	sshll.u32 s23, $0x4;
	s28 =	sand.u32 $0x3FFFFFF0, s28  }
0x29c: {  	s15 =	sshll.u32 s25, $0x4;
	s22 =	smov.u32 @p0 s17;
	s25 =	sand.u32 $0x3FFFFFF0, s23;
	v4 =	vld [tilespmem:s28+$0xC000]  }
0x29d: {  	s17 =	simm.s32 $0x4;
	s20 =	sshll.u32 s20, $0x4;
	s28 =	sand.u32 $0x3FFFFFF0, s29;
	v55 =	vld [tilespmem:s25+$0xC000]  }
0x29e: {  	s20 =	sand.u32 $0x3FFFFFF0, s20;
	s22 =	sshll.u32 s22, $0x4;
	s17 =	smov.u32 @p0 s18;
	v5 =	vld [tilespmem:s28+$0xC000]  }
0x29f: {  	s29 =	simm.s32 $0x6;
	v6 =	vld [tilespmem:s20+$0xC000];
	s22 =	sand.u32 $0x3FFFFFF0, s22;
	s17 =	sshll.u32 s17, $0x4  }
0x2a0: {  	s19 =	sshll.u32 s30, $0x4;
	s29 =	smov.u32 @p0 s12;
	v7 =	vld [tilespmem:s22+$0xC000];
	s17 =	sand.u32 $0x3FFFFFF0, s17  }
0x2a1: {  	s1 =	simm.s32 $0x7E1;
	s20 =	sand.u32 $0x3FFFFFF0, s19;
	s22 =	sshll.u32 s29, $0x4;
	v8 =	vld [tilespmem:s17+$0xC000]  }
0x2a2: {  	s7 =	simm.s32 $0x7E5;
	s4 =	simm.s32 $0x1D;
	v9 =	vld [tilespmem:s20+$0xC000];
	s17 =	sand.u32 $0x3FFFFFF0, s22  }
0x2a3: {  	s21 =	smov.u32 @p0 s10;
	s18 =	sand.u32 $0x3FFFFFF0, s15;
	s19 =	sshll.u32 s26, $0x4;
	v4 =	vadd.s32 v4, v5;
	v5 =	vld [tilespmem:s17+$0xC000]  }
0x2a4: {  	[dreg:$0x3] =	wrdreg s31;
	s21 =	sshll.u32 s21, $0x4;
	s20 =	sand.u32 $0x3FFFFFF0, s19;
	v4 =	vadd.s32 v4, v6;
	v6 =	vld [tilespmem:s18+$0xC000]  }
0x2a5: {  	s16 =	sshll.u32 s6, $0x4;
	s0 =	sshll.u32 s0, $0x4;
	s22 =	sand.u32 $0x3FFFFFF0, s21;
	v4 =	vadd.s32 v4, v7;
	v7 =	vld [tilespmem:s20+$0xC000]  }
0x2a6: {  	s2 =	sshll.u32 s5, $0x4;
	s0 =	sand.u32 $0x3FFFFFF0, s0;
	s26 =	sshll.u32 s24, $0x4;
	v54 =	vld [tilespmem:s22+$0xC000];
	v4 =	vadd.s32 v4, v8  }
0x2a7: {  	s6 =	simm.s32 $0x7E4;
	v57 =	vld [tilespmem:s0+$0xC000];
	s12 =	sshll.u32 s9, $0x4;
	s10 =	sand.u32 $0x3FFFFFF0, s26;
	v4 =	vadd.s32 v4, v9  }
0x2a8: {  	s5 =	simm.s32 $0x1E;
	s30 =	simm.s32 $0x16;
	s15 =	sand.u32 $0x3FFFFFF0, s12;
	v4 =	vadd.s32 v4, v5;
	v5 =	vld [tilespmem:s10+$0xC000]  }
0x2a9: {  	s23 =	simm.s32 $0x1B;
	s5 =	smov.u32 @p0 s1;
	s17 =	sand.u32 $0x3FFFFFF0, s16;
	v4 =	vadd.s32 v4, v6;
	v6 =	vld [tilespmem:s15+$0xC000]  }
0x2aa: {  	s0 =	simm.s32 $0x1F;
	s25 =	simm.s32 $0x18;
	s18 =	sand.u32 $0x3FFFFFF0, s2;
	v4 =	vadd.s32 v4, v7;
	v7 =	vld [tilespmem:s17+$0xC000]  }
0x2ab: {  	s23 =	smov.u32 @p0 s6;
	s6 =	simm.s32 $0x7D8;
	s9 =	simm.s32 $0x7E6;
	v56 =	vld [tilespmem:s18+$0xC000];
	v4 =	vadd.s32 v4, v54  }
0x2ac: {  	s0 =	smov.u32 @p0 s8;
	s8 =	simm.s32 $0x1C;
	s24 =	simm.s32 $0x17;
	v4 =	vadd.s32 v4, v55  }
0x2ad: {  	s28 =	simm.s32 $0x19;
	s23 =	sshll.u32 s23, $0x4;
	s12 =	simm.s32 $0x7E8;
	v4 =	vadd.s32 v4, v5  }
0x2ae: {  	s19 =	simm.s32 $0x7EF;
	s26 =	simm.s32 $0x10;
	s29 =	simm.s32 $0x14;
	v4 =	vadd.s32 v4, v6  }
0x2af: {  	s28 =	smov.u32 @p0 s9;
	s8 =	smov.u32 @p0 s3;
	s0 =	sshll.u32 s0, $0x4;
	v4 =	vadd.s32 v4, v7  }
0x2b0: {  	s3 =	simm.s32 $0x7DC;
	s21 =	simm.s32 $0x7ED;
	s26 =	smov.u32 @p0 s19;
	v4 =	vadd.s32 v4, v56  }
0x2b1: {  	s19 =	simm.s32 $0x11;
	s24 =	smov.u32 @p0 s12;
	s22 =	simm.s32 $0x1A;
	v4 =	vadd.s32 v4, v57  }
0x2b2: {  	s0 =	sand.u32 $0x3FFFFFF0, s0;
	s26 =	sshll.u32 s26, $0x4;
	s22 =	smov.u32 @p0 s7;
	(xrf0) =	vadd.scan.msk.s32 $0xffff, v4  }
0x2b3: {  	s12 =	sshll.u32 s24, $0x4;
	s26 =	sand.u32 $0x3FFFFFF0, s26;
	s22 =	sshll.u32 s22, $0x4  }
0x2b4: {  	s16 =	simm.s32 $0x7EC;
	s24 =	sand.u32 $0x3FFFFFF0, s22;
	s20 =	simm.s32 $0x7EE  }
0x2b5: {  	s18 =	simm.s32 $0x7EA;
	s19 =	smov.u32 @p0 s20;
	s20 =	simm.s32 $0x12  }
0x2b6: {  	v63 =	vld [tilespmem:s0+$0xC000];
	s20 =	smov.u32 @p0 s21;
	s21 =	simm.s32 $0x13;
	s19 =	sshll.u32 s19, $0x4  }
0x2b7: {  	v61 =	vld [tilespmem:s24+$0xC000];
	s10 =	simm.s32 $0x7E9;
	s21 =	smov.u32 @p0 s16;
	s19 =	sand.u32 $0x3FFFFFF0, s19  }
0x2b8: {  	s16 =	simm.s32 $0x15;
	s20 =	sshll.u32 s20, $0x4;
	s17 =	simm.s32 $0x7EB;
	v5 =	vld [tilespmem:s19+$0xC000];
	v4, _, _ =	vpop (xrf0)  }
0x2b9: {  	s20 =	sand.u32 $0x3FFFFFF0, s20;
	s21 =	sshll.u32 s21, $0x4;
	s29 =	smov.u32 @p0 s17;
	(v2sf) =	vpush v4, $0xF;
	v4 =	vld [tilespmem:s26+$0xC000]  }
0x2ba: {  	s16 =	smov.u32 @p0 s18;
	s19 =	sand.u32 $0x3FFFFFF0, s21;
	v6 =	vld [tilespmem:s20+$0xC000];
	s20 =	sshll.u32 s29, $0x4  }
0x2bb: {  	s30 =	smov.u32 @p0 s10;
	s16 =	sshll.u32 s16, $0x4;
	v7 =	vld [tilespmem:s19+$0xC000];
	s21 =	sand.u32 $0x3FFFFFF0, s20  }
0x2bc: {  	s15 =	simm.s32 $0x7E7;
	s16 =	sand.u32 $0x3FFFFFF0, s16;
	v58 =	vld [tilespmem:s21+$0xC000];
	s26 =	sshll.u32 s30, $0x4  }
0x2bd: {  	s0 =	simm.s32 $0x25;
	s25 =	smov.u32 @p0 s15;
	v59 =	vld [tilespmem:s16+$0xC000];
	s17 =	sand.u32 $0x3FFFFFF0, s26  }
0x2be: {  	s7 =	simm.s32 $0x2E;
	s18 =	sand.u32 $0x3FFFFFF0, s12;
	s15 =	sshll.u32 s25, $0x4;
	v4 =	vadd.s32 v4, v5;
	v5 =	vld [tilespmem:s17+$0xC000]  }
0x2bf: {  	s2 =	simm.s32 $0x7E2;
	s19 =	sand.u32 $0x3FFFFFF0, s15;
	s20 =	sshll.u32 s28, $0x4;
	v4 =	vadd.s32 v4, v6;
	v6 =	vld [tilespmem:s18+$0xC000]  }
0x2c0: {  	s22 =	simm.s32 $0x7D6;
	s4 =	smov.u32 @p0 s2;
	s21 =	sand.u32 $0x3FFFFFF0, s20;
	v4 =	vadd.s32 v4, v7;
	v7 =	vld [tilespmem:s19+$0xC000]  }
0x2c1: {  	s2 =	simm.s32 $0x0;
	[smem:$0x7E3] =	sst s22;
	s24 =	simm.s32 $0x7D4;
	v60 =	vld [tilespmem:s21+$0xC000];
	v4 =	vadd.s32 v4, v58  }
0x2c2: {  	s22 =	simm.s32 $0x7DB;
	s25 =	sand.u32 $0x3FFFFFF0, s23;
	s26 =	sshll.u32 s8, $0x4;
	v4 =	vadd.s32 v4, v59  }
0x2c3: {  	s9 =	sshll.u32 s4, $0x4;
	[smem:$0x7E5] =	sst s24;
	s8 =	sand.u32 $0x3FFFFFF0, s26;
	v4 =	vadd.s32 v4, v5;
	v5 =	vld [tilespmem:s25+$0xC000]  }
0x2c4: {  	s4 =	simm.s32 $0x7D7;
	s1 =	sand.u32 $0x3FFFFFF0, s9;
	s10 =	sshll.u32 s5, $0x4;
	v4 =	vadd.s32 v4, v6;
	v6 =	vld [tilespmem:s8+$0xC000]  }
0x2c5: {  	s24 =	simm.s32 $0x23;
	s9 =	simm.s32 $0x7D0;
	s15 =	sand.u32 $0x3FFFFFF0, s10;
	v4 =	vadd.s32 v4, v7;
	v7 =	vld [tilespmem:s1+$0xC000]  }
0x2c6: {  	s5 =	simm.s32 $0x7DF;
	s23 =	simm.s32 $0x7D5;
	s16 =	simm.s32 $0x0;
	v62 =	vld [tilespmem:s15+$0xC000];
	v4 =	vadd.s32 v4, v60  }
0x2c7: {  	[smem:$0x7E4] =	sst s23;
	s23 =	simm.s32 $0x27;
	s29 =	simm.s32 $0x0;
	v4 =	vadd.s32 v4, v61  }
0x2c8: {  	s10 =	simm.s32 $0x7D9;
	s28 =	simm.s32 $0x24;
	s20 =	simm.s32 $0x7D2;
	v4 =	vadd.s32 v4, v5  }
0x2c9: {  	s15 =	simm.s32 $0x2F;
	[dreg:$0x19] =	wrdreg s20;
	s21 =	simm.s32 $0x7D1;
	v4 =	vadd.s32 v4, v6  }
0x2ca: {  	s15 =	smov.u32 @p0 s9;
	s9 =	simm.s32 $0x2A;
	s20 =	simm.s32 $0x20;
	v4 =	vadd.s32 v4, v7  }
0x2cb: {  	[dreg:$0x15] =	wrdreg s21;
	s21 =	simm.s32 $0x2C;
	s17 =	simm.s32 $0x0;
	v4 =	vadd.s32 v4, v62  }
0x2cc: {  	s30 =	simm.s32 $0x2B;
	s26 =	simm.s32 $0x2F;
	[dreg:$0x5] =	wrdreg s17;
	v4 =	vadd.s32 v4, v63  }
0x2cd: {  	s17 =	simm.s32 $0x7C0;
	s19 =	simm.s32 $0x7D3;
	s12 =	spop (v2sf);
	(xrf0) =	vadd.scan.msk.s32 $0xffff, v4  }
0x2ce: {  	[dreg:$0x1d] =	wrdreg s19;
	s19 =	simm.s32 $0x7DA;
	s25 =	sadd.s32 $0x0, s12  }
0x2cf: {  	s8 =	simm.s32 $0x2D;
	s1 =	sxor.u32 $0x1, s16;
	p1 =	slt.s32 s25, s31  }
0x2d0: {  	s12 =	simm.s32 $0x29;
	s31 =	simm.s32 $0x28;
	s1 =	simm.s32 @p1 $0x0  }
0x2d1: {  	[dreg:$0x9] =	wrdreg s25;
	p1 =	seq.s32 s1, $0x0;
	s18 =	sor.u32 s16, s1  }
0x2d2: {  	s16 =	simm.s32 $0x7DE;
	s1 =	simm.s32 $0x7DD;
	[dreg:$0xd] =	wrdreg s18  }
0x2d3: {  	s2 =	smov.u32 @p1 s2;
	s29 =	smov.u32 @p1 s29;
	s18 =	simm.s32 $0x26;
	v4, _, _ =	vpop (xrf0)  }
.LBB2_28:
0x2d4: {  	[smem:$0x7E1] =	sst s2;
	s20 =	smov.u32 @p0 s5;
	s2 =	sadd.s32 $0xFFFFFFF2, s26;
	(v2sf) =	vpush v4, $0xF  }
0x2d5: {  	s5 =	sshll.u32 s20, $0x4;
	s2 =	smov.u32 @p0 s16  }
0x2d6: {  	s5 =	sand.u32 $0x3FFFFFF0, s5;
	s2 =	sshll.u32 s2, $0x4  }
0x2d7: {  	[smem:$0x7E2] =	sst s29;
	s16 =	sadd.s32 $0xFFFFFFF3, s26;
	v4 =	vld [tilespmem:s5+$0xC000];
	s5 =	sand.u32 $0x3FFFFFF0, s2  }
0x2d8: {  	p1 =	seq.s32 s17, $0x0;
	s24 =	smov.u32 @p0 s3;
	s16 =	smov.u32 @p0 s1;
	v5 =	vld [tilespmem:s5+$0xC000]  }
0x2d9: {  	s28 =	smov.u32 @p0 s22;
	s0 =	smov.u32 @p0 s19;
	s20 =	sshll.u32 s16, $0x4  }
0x2da: {  	s18 =	smov.u32 @p0 s10;
	s3 =	sand.u32 $0x3FFFFFF0, s20;
	s5 =	sshll.u32 s24, $0x4  }
0x2db: {  	s23 =	smov.u32 @p0 s6;
	s24 =	sshll.u32 s18, $0x4;
	v6 =	vld [tilespmem:s3+$0xC000];
	s16 =	sand.u32 $0x3FFFFFF0, s5  }
0x2dc: {  	s31 =	smov.u32 @p0 s4;
	s0 =	sshll.u32 s0, $0x4;
	s2 =	sand.u32 $0x3FFFFFF0, s24;
	v7 =	vld [tilespmem:s16+$0xC000]  }
0x2dd: {  	s6 =	sshll.u32 s31, $0x4;
	s26 =	sadd.s32 $0x10, s26;
	v4 =	vadd.s32 v4, v5;
	v5 =	vld [tilespmem:s2+$0xC000];
	s2 =	sld [smem:$0x7E3]  }
0x2de: {  	s0 =	sand.u32 $0x3FFFFFF0, s0;
	s10 =	sand.u32 $0x3FFFFFF0, s6;
	s31 =	sadd.s32 $0xFFFFFFF9, s26  }
0x2df: {  	v9 =	vld [tilespmem:s0+$0xC000];
	s0 =	sld [smem:$0x7E1];
	s20 =	sshll.u32 s28, $0x4;
	s28 =	sadd.s32 $0xFFFFFFF5, s26  }
0x2e0: {  	s22 =	sand.u32 $0x3FFFFFF0, s20;
	v4 =	vadd.s32 v4, v6;
	s12 =	smov.u32 @p0 s2;
	s2 =	sld [smem:$0x7E4]  }
0x2e1: {  	s3 =	sshll.u32 s23, $0x4;
	v4 =	vadd.s32 v4, v7;
	v7 =	vld [tilespmem:s10+$0xC000];
	s10 =	rddreg [dreg:$0xd];
	s16 =	sshll.u32 s12, $0x4  }
0x2e2: {  	s5 =	sand.u32 $0x3FFFFFF0, s3;
	s12 =	rddreg [dreg:$0x3];
	s18 =	sand.u32 $0x3FFFFFF0, s16  }
0x2e3: {  	v8 =	vld [tilespmem:s22+$0xC000];
	s9 =	smov.u32 @p0 s2;
	s2 =	sld [smem:$0x7E5];
	s6 =	spop (v2sf)  }
0x2e4: {  	v60 =	vld [tilespmem:s18+$0xC000];
	s18 =	rddreg [dreg:$0x5];
	s19 =	sshll.u32 s9, $0x4;
	s25 =	sadd.s32 s25, s6  }
0x2e5: {  	s6 =	sadd.s32 $0x8, s17;
	s20 =	sand.u32 $0x3FFFFFF0, s19;
	p2 =	slt.s32 s25, s12  }
0x2e6: {  	s19 =	sadd.s32 $0x3, s17;
	s30 =	smov.u32 @p0 s2;
	s2 =	rddreg [dreg:$0x1d]  }
0x2e7: {  	v6 =	vld [tilespmem:s5+$0xC000];
	s16 =	smov.u32 s25;
	s12 =	sadd.s32 $0xFFFFFFFA, s26;
	[dreg:$0x1d] =	wrdreg s19  }
0x2e8: {  	v61 =	vld [tilespmem:s20+$0xC000];
	s20 =	sadd.s32 $0x2, s17;
	s19 =	sadd.s32 $0xA, s17;
	s22 =	sshll.u32 s30, $0x4  }
0x2e9: {  	v4 =	vadd.s32 v4, v8;
	s21 =	smov.u32 @p0 s2;
	s2 =	rddreg [dreg:$0x19];
	s23 =	sand.u32 $0x3FFFFFF0, s22  }
0x2ea: {  	v4 =	vadd.s32 v4, v9;
	s24 =	sshll.u32 s21, $0x4;
	s8 =	smov.u32 @p0 s2;
	s2 =	rddreg [dreg:$0x15]  }
0x2eb: {  	v4 =	vadd.s32 v4, v5;
	v5 =	vld [tilespmem:s23+$0xC000];
	s1 =	sand.u32 $0x3FFFFFF0, s24;
	s3 =	sshll.u32 s8, $0x4;
	s7 =	smov.u32 @p0 s2  }
0x2ec: {  	v4 =	vadd.s32 v4, v6;
	[dreg:$0x19] =	wrdreg s20;
	v6 =	vld [tilespmem:s1+$0xC000];
	s4 =	sand.u32 $0x3FFFFFF0, s3;
	s5 =	sshll.u32 s7, $0x4  }
0x2ed: {  	v4 =	vadd.s32 v4, v7;
	s8 =	sshll.u32 s15, $0x4;
	s15 =	rddreg [dreg:$0x9];
	v7 =	vld [tilespmem:s4+$0xC000];
	s7 =	sand.u32 $0x3FFFFFF0, s5  }
0x2ee: {  	v4 =	vadd.s32 v4, v60;
	s21 =	sadd.s32 $0x1, s17;
	[dreg:$0x9] =	wrdreg s16;
	s9 =	sand.u32 $0x3FFFFFF0, s8;
	v62 =	vld [tilespmem:s7+$0xC000]  }
0x2ef: {  	s30 =	sadd.s32 $0xFFFFFFFC, s26;
	s22 =	sadd.s32 $0x6, s17;
	[dreg:$0x15] =	wrdreg s21;
	v4 =	vadd.s32 v4, v61;
	v63 =	vld [tilespmem:s9+$0xC000]  }
0x2f0: {  	s20 =	sadd.s32 $0xFFFFFFF1, s26;
	[smem:$0x7E3] =	sst s22;
	s23 =	sadd.s32 $0x5, s17;
	v4 =	vadd.s32 v4, v5  }
0x2f1: {  	s24 =	sadd.s32 $0x4, s17;
	s22 =	sadd.s32 $0xB, s17;
	s16 =	sadd.s32 $0xE, s17;
	v4 =	vadd.s32 v4, v6  }
0x2f2: {  	s21 =	sadd.s32 $0xFFFFFFFD, s26;
	s1 =	sxor.u32 $0x1, s10;
	[smem:$0x7E4] =	sst s23;
	v4 =	vadd.s32 v4, v7  }
0x2f3: {  	s29 =	smov.u32 s15;
	[smem:$0x7E5] =	sst s24;
	s3 =	sadd.s32 $0xC, s17;
	v4 =	vadd.s32 v4, v62  }
0x2f4: {  	s8 =	sadd.s32 $0xFFFFFFFE, s26;
	s15 =	smov.u32 s26;
	s1 =	simm.s32 @p2 $0x0;
	v4 =	vadd.s32 v4, v63  }
0x2f5: {  	s23 =	sadd.s32 $0xFFFFFFF8, s26;
	s24 =	sadd.s32 $0xFFFFFFF4, s26;
	s2 =	sor.u32 s10, s1;
	(xrf0) =	vadd.scan.msk.s32 $0xffff, v4  }
0x2f6: {  	s4 =	sadd.s32 $0x7, s17;
	[dreg:$0xd] =	wrdreg s2;
	s2 =	sadd.s32 $0x1, s18  }
.Ltmp13:
0x2f7: {  	p2 =	seq.s32 s1, $0x0;
	[dreg:$0x5] =	wrdreg s2;
	(pc) =	sbr.rel @!p1 .LBB2_28-.Ltmp13, $4  }
0x2f8: {  	s5 =	sadd.s32 $0xF, s17;
	s2 =	smov.u32 @p2 s0;
	s0 =	sld [smem:$0x7E2]  }
0x2f9: {  	s15 =	smov.u32 @p0 s17;
	s9 =	sadd.s32 $0xFFFFFFFB, s26;
	s10 =	sadd.s32 $0x9, s17  }
0x2fa: {  	s1 =	sadd.s32 $0xD, s17;
	s7 =	sadd.s32 $0xFFFFFFFF, s26;
	s17 =	sadd.s32 $0xFFFFFFF0, s17  }
0x2fb: {  	s18 =	sadd.s32 $0xFFFFFFF7, s26;
	s29 =	smov.u32 @p2 s0;
	s0 =	sadd.s32 $0xFFFFFFF6, s26;
	v4, _, _ =	vpop (xrf0)  }
0x2fc: {  	s20 =	smov.u32 @p0 s5;
	s0 =	smov.u32 @p0 s19  }
0x2fd: {  	s5 =	sadd.s32 $0xFFFFFFF2, s26;
	s17 =	sadd.s32 $0xFFFFFFF3, s26;
	s0 =	sshll.u32 s0, $0x4  }
0x2fe: {  	s24 =	smov.u32 @p0 s3;
	s5 =	smov.u32 @p0 s16;
	s0 =	sand.u32 $0x3FFFFFF0, s0  }
0x2ff: {  	s20 =	sshll.u32 s20, $0x4;
	s17 =	smov.u32 @p0 s1;
	v10 =	vld [tilespmem:s0+$0xC000];
	s0 =	sld [smem:$0x7E3]  }
0x300: {  	s16 =	sand.u32 $0x3FFFFFF0, s20;
	s5 =	sshll.u32 s5, $0x4;
	s26 =	sshll.u32 s17, $0x4  }
0x301: {  	s28 =	smov.u32 @p0 s22;
	v5 =	vld [tilespmem:s16+$0xC000];
	s20 =	sand.u32 $0x3FFFFFF0, s5;
	s5 =	sand.u32 $0x3FFFFFF0, s26  }
0x302: {  	s16 =	sshll.u32 s24, $0x4;
	v6 =	vld [tilespmem:s20+$0xC000];
	s12 =	smov.u32 @p0 s0;
	s0 =	sld [smem:$0x7E4]  }
0x303: {  	s18 =	smov.u32 @p0 s10;
	s19 =	sshll.u32 s28, $0x4;
	v7 =	vld [tilespmem:s5+$0xC000];
	s17 =	sand.u32 $0x3FFFFFF0, s16  }
0x304: {  	s23 =	smov.u32 @p0 s6;
	s31 =	smov.u32 @p0 s4;
	s20 =	sand.u32 $0x3FFFFFF0, s19;
	v8 =	vld [tilespmem:s17+$0xC000]  }
0x305: {  	s22 =	sshll.u32 s18, $0x4;
	v9 =	vld [tilespmem:s20+$0xC000];
	s9 =	smov.u32 @p0 s0;
	s0 =	sld [smem:$0x7E5]  }
0x306: {  	s31 =	sshll.u32 s31, $0x4;
	s24 =	sand.u32 $0x3FFFFFF0, s22;
	s26 =	sshll.u32 s23, $0x4  }
0x307: {  	s3 =	sand.u32 $0x3FFFFFF0, s31;
	v11 =	vld [tilespmem:s24+$0xC000];
	s28 =	sand.u32 $0x3FFFFFF0, s26;
	s4 =	sshll.u32 s12, $0x4;
	v5 =	vadd.s32 v5, v6  }
0x308: {  	s5 =	sand.u32 $0x3FFFFFF0, s4;
	v6 =	vld [tilespmem:s28+$0xC000];
	v5 =	vadd.s32 v5, v7;
	s30 =	smov.u32 @p0 s0;
	s0 =	rddreg [dreg:$0x1d]  }
0x309: {  	v7 =	vld [tilespmem:s3+$0xC000];
	s6 =	sshll.u32 s9, $0x4;
	v5 =	vadd.s32 v5, v8;
	s21 =	smov.u32 @p0 s0;
	s0 =	rddreg [dreg:$0x19]  }
0x30a: {  	v59 =	vld [tilespmem:s5+$0xC000];
	s9 =	sand.u32 $0x3FFFFFF0, s6;
	v5 =	vadd.s32 v5, v9;
	s10 =	sshll.u32 s30, $0x4;
	s8 =	smov.u32 @p0 s0  }
0x30b: {  	v60 =	vld [tilespmem:s9+$0xC000];
	v5 =	vadd.s32 v5, v10;
	s12 =	sand.u32 $0x3FFFFFF0, s10;
	s16 =	sshll.u32 s21, $0x4;
	s0 =	rddreg [dreg:$0x15]  }
0x30c: {  	v5 =	vadd.s32 v5, v11;
	v61 =	vld [tilespmem:s12+$0xC000];
	s7 =	smov.u32 @p0 s0;
	s17 =	sand.u32 $0x3FFFFFF0, s16;
	s18 =	sshll.u32 s8, $0x4  }
0x30d: {  	v5 =	vadd.s32 v5, v6;
	v62 =	vld [tilespmem:s17+$0xC000];
	s19 =	sand.u32 $0x3FFFFFF0, s18;
	s20 =	sshll.u32 s7, $0x4  }
0x30e: {  	s22 =	sshll.u32 s15, $0x4;
	v5 =	vadd.s32 v5, v7;
	v6 =	vld [tilespmem:s19+$0xC000];
	s21 =	sand.u32 $0x3FFFFFF0, s20  }
0x30f: {  	s23 =	sand.u32 $0x3FFFFFF0, s22;
	v5 =	vadd.s32 v5, v59;
	v7 =	vld [tilespmem:s21+$0xC000]  }
0x310: {  	v63 =	vld [tilespmem:s23+$0xC000];
	v5 =	vadd.s32 v5, v60  }
0x311: {  	v5 =	vadd.s32 v5, v61  }
0x312: {  	v5 =	vadd.s32 v5, v62  }
0x313: {  	v5 =	vadd.s32 v5, v6  }
0x314: {  	v5 =	vadd.s32 v5, v7  }
0x315: {  	v5 =	vadd.s32 v5, v63  }
0x316: {  	(xrf0) =	vadd.scan.msk.s32 $0xffff, v5;
	_ =	sdelay $0x2  }
0x317: {  	(v2sf) =	vpush v4, $0xF;
	_ =	sdelay $0x2  }
0x318: {  	v4, _, _ =	vpop (xrf0)  }
0x319: {  	(v2sf) =	vpush v4, $0xF;
	_ =	sdelay $0xa  }
0x31a: {  	s24 =	spop (v2sf)  }
0x31b: {  	s0 =	sadd.s32 s25, s24;
	s25 =	rddreg [dreg:$0xd]  }
0x31c: {  	s18 =	rddreg [dreg:$0x3]  }
0x31d: {  	s28 =	rddreg [dreg:$0x5];
	s1 =	sxor.u32 $0x1, s25;
	p1 =	slt.s32 s0, s18  }
0x31e: {  	s5 =	sadd.s32 $0x1, s28;
	s1 =	simm.s32 @p1 $0x0;
	s26 =	spop (v2sf)  }
0x31f: {  	s4 =	sor.u32 s25, s1;
	p1 =	seq.s32 s1, $0x0;
	s3 =	sadd.s32 s0, s26  }
0x320: {  	s1 =	sxor.u32 $0x1, s4;
	p2 =	slt.s32 s3, s18;
	s3 =	smov.u32 s5  }
0x321: {  	s3 =	smov.u32 @p1 s2;
	s1 =	simm.s32 @p2 $0x0;
	s2 =	rddreg [dreg:$0x9]  }
0x322: {  	s2 =	smov.u32 @p1 s29;
	p1 =	seq.s32 s1, $0x0;
	s1 =	sadd.s32 $0x1, s5  }
0x323: {  	s1 =	smov.u32 @p1 s3  }
0x324: {  	s19 =	sshll.u32 s1, $0x4  }
0x325: {  	s0 =	smov.u32 @p1 s2;
	s1 =	ssub.s32 $0x7FF, s19;
	s2 =	sadd.s32 $0x0, s19  }
0x326: {  	s2 =	smov.u32 @p0 s1  }
0x327: {  	s2 =	sshll.u32 s2, $0x4  }
0x328: {  	s2 =	sand.u32 $0x3FFFFFF0, s2  }
0x329: {  	v4 =	vld [tilespmem:s2+$0xC000];
	_ =	sdelay $0x4  }
0x32a: {  	(xrf0) =	vadd.scan.msk.s32 $0xffff, v4;
	_ =	sdelay $0x2  }
0x32b: {  	s1 =	sadd.s32 $0xFFFFFFFF, s1;
	s2 =	sadd.s32 $0x1, s19  }
0x32c: {  	s2 =	smov.u32 @p0 s1  }
0x32d: {  	s2 =	sshll.u32 s2, $0x4  }
0x32e: {  	s3 =	sadd.s32 $0x2, s19;
	s1 =	sadd.s32 $0xFFFFFFFF, s1;
	s2 =	sand.u32 $0x3FFFFFF0, s2;
	v4, _, _ =	vpop (xrf0)  }
0x32f: {  	s3 =	smov.u32 @p0 s1;
	(v2sf) =	vpush v4, $0xF;
	v4 =	vld [tilespmem:s2+$0xC000]  }
0x330: {  	s3 =	sshll.u32 s3, $0x4  }
0x331: {  	s29 =	sand.u32 $0x3FFFFFF0, s3  }
0x332: {  	v5 =	vld [tilespmem:s29+$0xC000];
	_ =	sdelay $0x1  }
0x333: {  	(xrf0) =	vadd.scan.msk.s32 $0xffff, v4;
	_ =	sdelay $0x2  }
0x334: {  	(xrf0) =	vadd.scan.msk.s32 $0xffff, v5;
	_ =	sdelay $0x1  }
0x335: {  	s1 =	sadd.s32 $0xFFFFFFFF, s1;
	s2 =	sadd.s32 $0x3, s19  }
0x336: {  	s2 =	smov.u32 @p0 s1;
	v5, _, _ =	vpop (xrf0)  }
0x337: {  	s2 =	sshll.u32 s2, $0x4;
	(v2sf) =	vpush v5, $0xF  }
0x338: {  	s2 =	sand.u32 $0x3FFFFFF0, s2  }
0x339: {  	s15 =	simm.s32 $0x6;
	s9 =	simm.s32 $0x0;
	s8 =	simm.s32 $0x0;
	v4 =	vld [tilespmem:s2+$0xC000];
	v5, _, _ =	vpop (xrf0)  }
0x33a: {  	s6 =	sadd.s32 $0x4, s19;
	s7 =	sadd.s32 $0xFFFFFFFF, s1;
	s30 =	spop (v2sf);
	(v2sf) =	vpush v5, $0xF  }
0x33b: {  	s20 =	simm.s32 $0x5;
	s5 =	simm.s32 $0x0;
	s6 =	smov.u32 @p0 s7  }
0x33c: {  	s4 =	simm.s32 $0x2;
	s10 =	sxor.u32 $0x1, s5;
	s6 =	sshll.u32 s6, $0x4  }
0x33d: {  	s3 =	simm.s32 $0x1;
	s31 =	sand.u32 $0x3FFFFFF0, s6;
	s6 =	sadd.s32 s0, s30  }
0x33e: {  	s12 =	sadd.s32 $0xFFFFFFFF, s7;
	s7 =	smov.u32 s0;
	(xrf0) =	vadd.scan.msk.s32 $0xffff, v4;
	p1 =	slt.s32 s6, s18  }
0x33f: {  	s1 =	simm.s32 $0x4;
	s2 =	simm.s32 $0x3;
	v4 =	vld [tilespmem:s31+$0xC000];
	s10 =	simm.s32 @p1 $0x0  }
.LBB2_30:
0x340: {  	s16 =	smov.u32 s0;
	s0 =	smov.u32 s5;
	p1 =	sne.s32 s15, $0xF  }
0x341: {  	s5 =	sadd.s32 s20, s19;
	s9 =	sor.u32 s9, s10;
	s17 =	smov.u32 s2  }
0x342: {  	s2 =	smov.u32 s1;
	s1 =	smov.u32 s20;
	s5 =	smov.u32 @p0 s12  }
0x343: {  	p2 =	seq.s32 s10, $0x0;
	s10 =	sshll.u32 s5, $0x4;
	s5 =	smov.u32 s8  }
0x344: {  	s20 =	smov.u32 s15;
	v5, _, _ =	vpop (xrf0);
	s5 =	smov.u32 @p2 s0;
	s0 =	smov.u32 s7  }
.Ltmp14:
0x345: {  	(xrf0) =	vadd.scan.msk.s32 $0xffff, v4;
	(v2sf) =	vpush v5, $0xF;
	s0 =	smov.u32 @p2 s16;
	(pc) =	sbr.rel @p1 .LBB2_30-.Ltmp14, $4  }
0x346: {  	s8 =	sand.u32 $0x3FFFFFF0, s10;
	s7 =	smov.u32 s6;
	s10 =	spop (v2sf)  }
0x347: {  	v4 =	vld [tilespmem:s8+$0xC000];
	s6 =	sadd.s32 s6, s10;
	s8 =	smov.u32 s3;
	s3 =	smov.u32 s4  }
0x348: {  	s10 =	sxor.u32 $0x1, s9;
	s4 =	smov.u32 s17;
	p2 =	slt.s32 s6, s18  }
0x349: {  	s15 =	sadd.s32 $0x1, s15;
	s12 =	sadd.s32 $0xFFFFFFFF, s12;
	s10 =	simm.s32 @p2 $0x0  }
0x34a: {  	s15 =	sadd.s32 s20, s19  }
0x34b: {  	s15 =	smov.u32 @p0 s12  }
0x34c: {  	s12 =	sshll.u32 s15, $0x4  }
0x34d: {  	s12 =	sand.u32 $0x3FFFFFF0, s12  }
0x34e: {  	v5 =	vld [tilespmem:s12+$0xC000]  }
0x34f: {  	(xrf0) =	vadd.scan.msk.s32 $0xffff, v4;
	v4, _, _ =	vpop (xrf0)  }
0x350: {  	(v2sf) =	vpush v4, $0xF;
	_ =	sdelay $0x2  }
0x351: {  	(xrf0) =	vadd.scan.msk.s32 $0xffff, v5;
	_ =	sdelay $0x1  }
0x352: {  	v4, _, _ =	vpop (xrf0)  }
0x353: {  	(v2sf) =	vpush v4, $0xF  }
0x354: {  	[smem:$0x7DE] =	sst s19  }
0x355: {  	s24 =	spop (v2sf);
	s9 =	sor.u32 s9, s10;
	p2 =	seq.s32 s10, $0x0  }
0x356: {  	s21 =	sld [smem:$0x7E7];
	s22 =	simm.s32 $0x7FD;
	s23 =	simm.s32 $0xA;
	v4, _, _ =	vpop (xrf0)  }
0x357: {  	s28 =	simm.s32 $0x0;
	s29 =	simm.s32 $0x1;
	s12 =	sadd.s32 s6, s24;
	(v2sf) =	vpush v4, $0xF  }
0x358: {  	s30 =	simm.s32 $0x5;
	s15 =	sxor.u32 $0x1, s9;
	p1 =	slt.s32 s12, s18  }
0x359: {  	s8 =	smov.u32 @p2 s5;
	s15 =	simm.s32 @p1 $0x0;
	s25 =	spop (v2sf)  }
0x35a: {  	s7 =	smov.u32 @p2 s0;
	s26 =	sor.u32 s9, s15;
	s9 =	sadd.s32 s12, s25  }
0x35b: {  	s24 =	simm.s32 $0xB;
	s0 =	sxor.u32 $0x1, s26;
	p1 =	slt.s32 s9, s18  }
0x35c: {  	p2 =	seq.s32 s15, $0x0;
	s0 =	simm.s32 @p1 $0x0;
	s15 =	spop (v2sf)  }
0x35d: {  	s3 =	smov.u32 @p2 s8;
	s5 =	sor.u32 s26, s0;
	s8 =	sadd.s32 s9, s15  }
0x35e: {  	s6 =	smov.u32 @p2 s7;
	s7 =	sxor.u32 $0x1, s5;
	p1 =	slt.s32 s8, s18  }
0x35f: {  	s25 =	simm.s32 $0x7;
	s26 =	simm.s32 $0x8;
	s7 =	simm.s32 @p1 $0x0  }
0x360: {  	s15 =	simm.s32 $0x7F8;
	p1 =	seq.s32 s0, $0x0;
	s17 =	sor.u32 s5, s7  }
0x361: {  	s4 =	smov.u32 @p1 s3;
	s12 =	smov.u32 @p1 s6;
	p1 =	seq.s32 s7, $0x0  }
0x362: {  	s7 =	simm.s32 $0x7F4;
	s6 =	simm.s32 $0xD;
	s16 =	spop (v2sf)  }
0x363: {  	s3 =	sxor.u32 $0x1, s17;
	s2 =	smov.u32 @p1 s4;
	s10 =	sadd.s32 s8, s16  }
0x364: {  	s9 =	smov.u32 @p1 s12;
	s4 =	simm.s32 $0x7F3;
	p2 =	slt.s32 s10, s18  }
0x365: {  	s12 =	simm.s32 $0x7F9;
	s16 =	simm.s32 $0x7F7;
	s3 =	simm.s32 @p2 $0x0  }
0x366: {  	s0 =	sor.u32 s17, s3;
	s17 =	simm.s32 $0x7FC;
	s19 =	spop (v2sf)  }
0x367: {  	s0 =	sxor.u32 $0x1, s0;
	s5 =	sadd.s32 s10, s19;
	s19 =	simm.s32 $0x7FA  }
0x368: {  	p2 =	slt.s32 s5, s18;
	s18 =	simm.s32 $0x7FB;
	s5 =	simm.s32 $0xE  }
0x369: {  	s0 =	simm.s32 @p2 $0x0;
	p2 =	seq.s32 s3, $0x0;
	s3 =	simm.s32 $0x7F2  }
0x36a: {  	s1 =	smov.u32 @p2 s2;
	p1 =	seq.s32 s0, $0x0;
	s8 =	smov.u32 @p2 s9  }
0x36b: {  	s0 =	simm.s32 $0xF;
	s2 =	simm.s32 $0x7F1;
	s20 =	smov.u32 @p1 s1  }
0x36c: {  	s9 =	simm.s32 $0xC;
	s10 =	smov.u32 @p1 s8;
	[smem:$0x7DF] =	sst s20  }
0x36d: {  	s1 =	simm.s32 $0x7F0;
	p1 =	sgt.s32 s21, $0x3FF;
	[smem:$0x7E0] =	sst s10  }
0x36e: {  	s8 =	simm.s32 $0x7F5;
	s21 =	simm.s32 $0x7FE;
	s20 =	sld [smem:$0x7E8]  }
0x36f: {  	s10 =	simm.s32 $0x7F6;
	s29 =	smov.u32 @p1 s21;
	s21 =	simm.s32 $0x9  }
0x370: {  	s30 =	smov.u32 @p1 s19;
	s25 =	smov.u32 @p1 s15;
	s26 =	smov.u32 @p1 s16  }
0x371: {  	s23 =	smov.u32 @p1 s8;
	s24 =	smov.u32 @p1 s7;
	s9 =	smov.u32 @p1 s4  }
0x372: {  	s6 =	smov.u32 @p1 s3;
	s5 =	smov.u32 @p1 s2;
	s0 =	smov.u32 @p1 s1  }
0x373: {  	s8 =	simm.s32 $0x7E0;
	s3 =	simm.s32 $0x7E3;
	s15 =	sshll.u32 s25, $0x4  }
0x374: {  	s23 =	sshll.u32 s23, $0x4;
	s31 =	ssub.s32 $0x3999B, s20;
	s20 =	simm.s32 $0x7FF  }
0x375: {  	s25 =	sand.u32 $0x3FFFFFF0, s23;
	s28 =	smov.u32 @p1 s20;
	s20 =	simm.s32 $0x2  }
0x376: {  	s20 =	smov.u32 @p1 s22;
	s22 =	simm.s32 $0x3;
	s28 =	sshll.u32 s28, $0x4  }
0x377: {  	s29 =	sshll.u32 s29, $0x4;
	v55 =	vld [tilespmem:s25+$0x14000];
	s22 =	smov.u32 @p1 s17;
	s28 =	sand.u32 $0x3FFFFFF0, s28  }
0x378: {  	s17 =	simm.s32 $0x4;
	s20 =	sshll.u32 s20, $0x4;
	v4 =	vld [tilespmem:s28+$0x14000];
	s28 =	sand.u32 $0x3FFFFFF0, s29  }
0x379: {  	s20 =	sand.u32 $0x3FFFFFF0, s20;
	s22 =	sshll.u32 s22, $0x4;
	s17 =	smov.u32 @p1 s18;
	v5 =	vld [tilespmem:s28+$0x14000]  }
0x37a: {  	s29 =	simm.s32 $0x6;
	v6 =	vld [tilespmem:s20+$0x14000];
	s22 =	sand.u32 $0x3FFFFFF0, s22;
	s17 =	sshll.u32 s17, $0x4  }
0x37b: {  	s19 =	sshll.u32 s30, $0x4;
	s29 =	smov.u32 @p1 s12;
	v7 =	vld [tilespmem:s22+$0x14000];
	s17 =	sand.u32 $0x3FFFFFF0, s17  }
0x37c: {  	s1 =	simm.s32 $0x7E1;
	s20 =	sand.u32 $0x3FFFFFF0, s19;
	s22 =	sshll.u32 s29, $0x4;
	v8 =	vld [tilespmem:s17+$0x14000]  }
0x37d: {  	s7 =	simm.s32 $0x7E5;
	s4 =	simm.s32 $0x1D;
	v9 =	vld [tilespmem:s20+$0x14000];
	s17 =	sand.u32 $0x3FFFFFF0, s22  }
0x37e: {  	s21 =	smov.u32 @p1 s10;
	s18 =	sand.u32 $0x3FFFFFF0, s15;
	s19 =	sshll.u32 s26, $0x4;
	v4 =	vadd.s32 v4, v5;
	v5 =	vld [tilespmem:s17+$0x14000]  }
0x37f: {  	s16 =	sshll.u32 s6, $0x4;
	s21 =	sshll.u32 s21, $0x4;
	s20 =	sand.u32 $0x3FFFFFF0, s19;
	v4 =	vadd.s32 v4, v6;
	v6 =	vld [tilespmem:s18+$0x14000]  }
0x380: {  	s2 =	sshll.u32 s5, $0x4;
	s0 =	sshll.u32 s0, $0x4;
	s22 =	sand.u32 $0x3FFFFFF0, s21;
	v4 =	vadd.s32 v4, v7;
	v7 =	vld [tilespmem:s20+$0x14000]  }
0x381: {  	s6 =	simm.s32 $0x7E4;
	s0 =	sand.u32 $0x3FFFFFF0, s0;
	s26 =	sshll.u32 s24, $0x4;
	v54 =	vld [tilespmem:s22+$0x14000];
	v4 =	vadd.s32 v4, v8  }
0x382: {  	s5 =	simm.s32 $0x1E;
	v57 =	vld [tilespmem:s0+$0x14000];
	s12 =	sshll.u32 s9, $0x4;
	s10 =	sand.u32 $0x3FFFFFF0, s26;
	v4 =	vadd.s32 v4, v9  }
0x383: {  	s30 =	simm.s32 $0x16;
	s23 =	simm.s32 $0x1B;
	s15 =	sand.u32 $0x3FFFFFF0, s12;
	v4 =	vadd.s32 v4, v5;
	v5 =	vld [tilespmem:s10+$0x14000]  }
0x384: {  	s5 =	smov.u32 @p1 s1;
	s0 =	simm.s32 $0x1F;
	s17 =	sand.u32 $0x3FFFFFF0, s16;
	v4 =	vadd.s32 v4, v6;
	v6 =	vld [tilespmem:s15+$0x14000]  }
0x385: {  	s25 =	simm.s32 $0x18;
	s23 =	smov.u32 @p1 s6;
	s18 =	sand.u32 $0x3FFFFFF0, s2;
	v4 =	vadd.s32 v4, v7;
	v7 =	vld [tilespmem:s17+$0x14000]  }
0x386: {  	s6 =	simm.s32 $0x7D7;
	s0 =	smov.u32 @p1 s8;
	s8 =	simm.s32 $0x1C;
	v56 =	vld [tilespmem:s18+$0x14000];
	v4 =	vadd.s32 v4, v54  }
0x387: {  	[dreg:$0x4] =	wrdreg s31;
	s8 =	smov.u32 @p1 s3;
	s0 =	sshll.u32 s0, $0x4;
	v4 =	vadd.s32 v4, v55  }
0x388: {  	s3 =	simm.s32 $0x7D0;
	s8 =	sshll.u32 s8, $0x4;
	s0 =	sand.u32 $0x3FFFFFF0, s0;
	v4 =	vadd.s32 v4, v5  }
0x389: {  	v63 =	vld [tilespmem:s0+$0x14000];
	s0 =	simm.s32 $0x25;
	s9 =	simm.s32 $0x7E6;
	s24 =	simm.s32 $0x17;
	v4 =	vadd.s32 v4, v6  }
0x38a: {  	s28 =	simm.s32 $0x19;
	s12 =	simm.s32 $0x7E8;
	s19 =	simm.s32 $0x7EF;
	v4 =	vadd.s32 v4, v7  }
0x38b: {  	s26 =	simm.s32 $0x10;
	s29 =	simm.s32 $0x14;
	s28 =	smov.u32 @p1 s9;
	v4 =	vadd.s32 v4, v56  }
0x38c: {  	s9 =	sand.u32 $0x3FFFFFF0, s8;
	s8 =	simm.s32 $0x2E;
	s21 =	simm.s32 $0x7ED;
	v4 =	vadd.s32 v4, v57  }
0x38d: {  	s26 =	smov.u32 @p1 s19;
	s19 =	simm.s32 $0x11;
	s24 =	smov.u32 @p1 s12;
	(xrf0) =	vadd.scan.msk.s32 $0xffff, v4  }
0x38e: {  	s22 =	simm.s32 $0x1A;
	s26 =	sshll.u32 s26, $0x4;
	s12 =	sshll.u32 s24, $0x4  }
0x38f: {  	s26 =	sand.u32 $0x3FFFFFF0, s26;
	s16 =	simm.s32 $0x7EC;
	s20 =	simm.s32 $0x7EE  }
0x390: {  	s18 =	simm.s32 $0x7EA;
	s19 =	smov.u32 @p1 s20;
	s20 =	simm.s32 $0x12  }
0x391: {  	s20 =	smov.u32 @p1 s21;
	s21 =	simm.s32 $0x13;
	s19 =	sshll.u32 s19, $0x4  }
0x392: {  	s10 =	simm.s32 $0x7E9;
	s21 =	smov.u32 @p1 s16;
	s19 =	sand.u32 $0x3FFFFFF0, s19  }
0x393: {  	s16 =	simm.s32 $0x15;
	s20 =	sshll.u32 s20, $0x4;
	s17 =	simm.s32 $0x7EB;
	v5 =	vld [tilespmem:s19+$0x14000];
	v4, _, _ =	vpop (xrf0)  }
0x394: {  	s20 =	sand.u32 $0x3FFFFFF0, s20;
	s21 =	sshll.u32 s21, $0x4;
	s29 =	smov.u32 @p1 s17;
	(v2sf) =	vpush v4, $0xF;
	v4 =	vld [tilespmem:s26+$0x14000]  }
0x395: {  	s16 =	smov.u32 @p1 s18;
	s19 =	sand.u32 $0x3FFFFFF0, s21;
	v6 =	vld [tilespmem:s20+$0x14000];
	s20 =	sshll.u32 s29, $0x4  }
0x396: {  	s30 =	smov.u32 @p1 s10;
	s16 =	sshll.u32 s16, $0x4;
	v7 =	vld [tilespmem:s19+$0x14000];
	s21 =	sand.u32 $0x3FFFFFF0, s20  }
0x397: {  	s15 =	simm.s32 $0x7E7;
	s16 =	sand.u32 $0x3FFFFFF0, s16;
	v58 =	vld [tilespmem:s21+$0x14000];
	s26 =	sshll.u32 s30, $0x4  }
0x398: {  	s24 =	sshll.u32 s23, $0x4;
	s25 =	smov.u32 @p1 s15;
	v59 =	vld [tilespmem:s16+$0x14000];
	s17 =	sand.u32 $0x3FFFFFF0, s26  }
0x399: {  	s23 =	simm.s32 $0x0;
	s18 =	sand.u32 $0x3FFFFFF0, s12;
	s15 =	sshll.u32 s25, $0x4;
	v4 =	vadd.s32 v4, v5;
	v5 =	vld [tilespmem:s17+$0x14000]  }
0x39a: {  	s22 =	smov.u32 @p1 s7;
	s19 =	sand.u32 $0x3FFFFFF0, s15;
	s20 =	sshll.u32 s28, $0x4;
	v4 =	vadd.s32 v4, v6;
	v6 =	vld [tilespmem:s18+$0x14000]  }
0x39b: {  	s22 =	sshll.u32 s22, $0x4;
	s2 =	simm.s32 $0x7E2;
	s21 =	sand.u32 $0x3FFFFFF0, s20;
	v4 =	vadd.s32 v4, v7;
	v7 =	vld [tilespmem:s19+$0x14000]  }
0x39c: {  	s4 =	smov.u32 @p1 s2;
	s2 =	simm.s32 $0x2F;
	s25 =	sand.u32 $0x3FFFFFF0, s22;
	v60 =	vld [tilespmem:s21+$0x14000];
	v4 =	vadd.s32 v4, v58  }
0x39d: {  	s7 =	simm.s32 $0x7DB;
	s2 =	smov.u32 @p1 s3;
	v61 =	vld [tilespmem:s25+$0x14000];
	s26 =	sand.u32 $0x3FFFFFF0, s24;
	v4 =	vadd.s32 v4, v59  }
0x39e: {  	s3 =	simm.s32 $0x29;
	s10 =	sshll.u32 s4, $0x4;
	s12 =	sshll.u32 s5, $0x4;
	v4 =	vadd.s32 v4, v5;
	v5 =	vld [tilespmem:s26+$0x14000]  }
0x39f: {  	s5 =	simm.s32 $0x7DE;
	s4 =	simm.s32 $0x2A;
	s1 =	sand.u32 $0x3FFFFFF0, s10;
	v4 =	vadd.s32 v4, v6;
	v6 =	vld [tilespmem:s9+$0x14000]  }
0x3a0: {  	s10 =	simm.s32 $0x7D8;
	s22 =	simm.s32 $0x7D1;
	s16 =	sand.u32 $0x3FFFFFF0, s12;
	v4 =	vadd.s32 v4, v7;
	v7 =	vld [tilespmem:s1+$0x14000]  }
0x3a1: {  	[dreg:$0x16] =	wrdreg s22;
	s25 =	simm.s32 $0x7D5;
	s12 =	simm.s32 $0x7D9;
	v62 =	vld [tilespmem:s16+$0x14000];
	v4 =	vadd.s32 v4, v60  }
0x3a2: {  	s22 =	simm.s32 $0x2C;
	[smem:$0x7DC] =	sst s25;
	s25 =	simm.s32 $0x7DA;
	v4 =	vadd.s32 v4, v61  }
0x3a3: {  	s16 =	simm.s32 $0x2D;
	s28 =	simm.s32 $0x23;
	s20 =	simm.s32 $0x7D3;
	v4 =	vadd.s32 v4, v5  }
0x3a4: {  	[dreg:$0x1e] =	wrdreg s20;
	s21 =	simm.s32 $0x7D2;
	s20 =	simm.s32 $0x7C0;
	v4 =	vadd.s32 v4, v6  }
0x3a5: {  	[dreg:$0x1a] =	wrdreg s21;
	s21 =	simm.s32 $0x20;
	s24 =	simm.s32 $0x7D6;
	v4 =	vadd.s32 v4, v7  }
0x3a6: {  	s30 =	simm.s32 $0x2F;
	[smem:$0x7DB] =	sst s24;
	s18 =	simm.s32 $0x0;
	v4 =	vadd.s32 v4, v62  }
0x3a7: {  	s24 =	simm.s32 $0x28;
	s17 =	simm.s32 $0x0;
	[dreg:$0x6] =	wrdreg s18;
	v4 =	vadd.s32 v4, v63  }
0x3a8: {  	s18 =	simm.s32 $0x7DC;
	s26 =	simm.s32 $0x7D4;
	s15 =	spop (v2sf);
	(xrf0) =	vadd.scan.msk.s32 $0xffff, v4  }
0x3a9: {  	[smem:$0x7DD] =	sst s26;
	s9 =	simm.s32 $0x2B;
	s29 =	sadd.s32 $0x0, s15  }
0x3aa: {  	s26 =	simm.s32 $0x27;
	s1 =	sxor.u32 $0x1, s17;
	p2 =	slt.s32 s29, s31  }
0x3ab: {  	s15 =	simm.s32 $0x7DD;
	s31 =	simm.s32 $0x24;
	s1 =	simm.s32 @p2 $0x0  }
0x3ac: {  	[dreg:$0xa] =	wrdreg s29;
	p2 =	seq.s32 s1, $0x0;
	s19 =	sor.u32 s17, s1  }
0x3ad: {  	s1 =	simm.s32 $0x0;
	s17 =	simm.s32 $0x7DF;
	[dreg:$0xe] =	wrdreg s19  }
0x3ae: {  	s23 =	smov.u32 @p2 s23;
	s1 =	smov.u32 @p2 s1;
	s19 =	simm.s32 $0x26;
	v4, _, _ =	vpop (xrf0)  }
.LBB2_32:
0x3af: {  	[smem:$0x7DA] =	sst s1  }
0x3b0: {  	[smem:$0x7D9] =	sst s23;
	p2 =	seq.s32 s20, $0x0;
	s21 =	smov.u32 @p1 s17  }
0x3b1: {  	s1 =	sadd.s32 $0xFFFFFFF2, s30;
	s28 =	smov.u32 @p1 s18;
	s31 =	smov.u32 @p1 s7  }
0x3b2: {  	(v2sf) =	vpush v4, $0xF;
	s0 =	smov.u32 @p1 s25;
	s1 =	smov.u32 @p1 s5;
	s5 =	sadd.s32 $0xFFFFFFF3, s30  }
0x3b3: {  	s19 =	smov.u32 @p1 s12;
	s17 =	sshll.u32 s21, $0x4;
	s5 =	smov.u32 @p1 s15  }
0x3b4: {  	s26 =	smov.u32 @p1 s10;
	s17 =	sand.u32 $0x3FFFFFF0, s17;
	s5 =	sshll.u32 s5, $0x4  }
0x3b5: {  	s24 =	smov.u32 @p1 s6;
	v4 =	vld [tilespmem:s17+$0x14000];
	s17 =	sand.u32 $0x3FFFFFF0, s5;
	s5 =	sshll.u32 s19, $0x4  }
0x3b6: {  	s1 =	sshll.u32 s1, $0x4;
	s7 =	sand.u32 $0x3FFFFFF0, s5;
	s5 =	sld [smem:$0x7DB]  }
0x3b7: {  	s18 =	sshll.u32 s28, $0x4;
	s23 =	sshll.u32 s31, $0x4;
	s1 =	sand.u32 $0x3FFFFFF0, s1  }
0x3b8: {  	s0 =	sshll.u32 s0, $0x4;
	s10 =	sshll.u32 s26, $0x4;
	s30 =	sadd.s32 $0x10, s30;
	v5 =	vld [tilespmem:s1+$0x14000]  }
0x3b9: {  	s21 =	sand.u32 $0x3FFFFFF0, s18;
	s25 =	sand.u32 $0x3FFFFFF0, s23;
	v6 =	vld [tilespmem:s17+$0x14000];
	s3 =	smov.u32 @p1 s5  }
0x3ba: {  	s0 =	sand.u32 $0x3FFFFFF0, s0;
	s18 =	sshll.u32 s3, $0x4;
	s3 =	sld [smem:$0x7DC]  }
0x3bb: {  	s12 =	sand.u32 $0x3FFFFFF0, s10;
	s15 =	sshll.u32 s24, $0x4;
	v9 =	vld [tilespmem:s0+$0x14000];
	s0 =	sld [smem:$0x7D9]  }
0x3bc: {  	s31 =	sadd.s32 $0xFFFFFFF5, s30;
	v7 =	vld [tilespmem:s21+$0x14000];
	s17 =	sand.u32 $0x3FFFFFF0, s15;
	s15 =	rddreg [dreg:$0x4]  }
0x3bd: {  	s28 =	sadd.s32 $0xFFFFFFF4, s30;
	v8 =	vld [tilespmem:s25+$0x14000];
	v4 =	vadd.s32 v4, v5;
	s4 =	smov.u32 @p1 s3;
	s3 =	sld [smem:$0x7DD]  }
0x3be: {  	v4 =	vadd.s32 v4, v6;
	v6 =	vld [tilespmem:s12+$0x14000];
	s19 =	sand.u32 $0x3FFFFFF0, s18;
	s12 =	rddreg [dreg:$0xe];
	s21 =	sshll.u32 s4, $0x4  }
0x3bf: {  	s18 =	rddreg [dreg:$0x6];
	v60 =	vld [tilespmem:s19+$0x14000];
	s19 =	sadd.s32 $0x3, s20;
	s23 =	sand.u32 $0x3FFFFFF0, s21  }
0x3c0: {  	v5 =	vld [tilespmem:s7+$0x14000];
	s21 =	sadd.s32 $0x2, s20;
	s9 =	smov.u32 @p1 s3;
	s3 =	rddreg [dreg:$0x1e]  }
0x3c1: {  	v61 =	vld [tilespmem:s23+$0x14000];
	s7 =	spop (v2sf);
	s23 =	sadd.s32 $0x1, s18;
	[dreg:$0x1e] =	wrdreg s19  }
0x3c2: {  	s18 =	sadd.s32 $0xC, s20;
	s19 =	sadd.s32 $0xFFFFFFF7, s30;
	s24 =	sshll.u32 s9, $0x4  }
0x3c3: {  	v4 =	vadd.s32 v4, v7;
	v7 =	vld [tilespmem:s17+$0x14000];
	s22 =	smov.u32 @p1 s3;
	s3 =	rddreg [dreg:$0x1a];
	s9 =	sshll.u32 s2, $0x4  }
0x3c4: {  	v4 =	vadd.s32 v4, v8;
	s29 =	sadd.s32 s29, s7;
	s2 =	sxor.u32 $0x1, s12;
	s25 =	sand.u32 $0x3FFFFFF0, s24  }
0x3c5: {  	v4 =	vadd.s32 v4, v9;
	s26 =	sshll.u32 s22, $0x4;
	s16 =	smov.u32 @p1 s3;
	s3 =	rddreg [dreg:$0x16]  }
0x3c6: {  	v4 =	vadd.s32 v4, v5;
	v5 =	vld [tilespmem:s25+$0x14000];
	s1 =	sand.u32 $0x3FFFFFF0, s26;
	s4 =	sshll.u32 s16, $0x4;
	s8 =	smov.u32 @p1 s3  }
0x3c7: {  	v4 =	vadd.s32 v4, v6;
	[dreg:$0x6] =	wrdreg s23;
	v6 =	vld [tilespmem:s1+$0x14000];
	s5 =	sand.u32 $0x3FFFFFF0, s4;
	s6 =	sshll.u32 s8, $0x4  }
0x3c8: {  	v4 =	vadd.s32 v4, v7;
	[dreg:$0x1a] =	wrdreg s21;
	s7 =	sadd.s32 $0xB, s20;
	v7 =	vld [tilespmem:s5+$0x14000];
	s8 =	sand.u32 $0x3FFFFFF0, s6  }
0x3c9: {  	s21 =	sadd.s32 $0xFFFFFFF1, s30;
	v4 =	vadd.s32 v4, v60;
	s10 =	sand.u32 $0x3FFFFFF0, s9;
	p3 =	slt.s32 s29, s15;
	v62 =	vld [tilespmem:s8+$0x14000]  }
0x3ca: {  	s17 =	smov.u32 s29;
	s22 =	sadd.s32 $0x1, s20;
	v63 =	vld [tilespmem:s10+$0x14000];
	s16 =	rddreg [dreg:$0xa];
	v4 =	vadd.s32 v4, v61  }
0x3cb: {  	s24 =	sadd.s32 $0x6, s20;
	s15 =	sadd.s32 $0xD, s20;
	[dreg:$0xa] =	wrdreg s17;
	v4 =	vadd.s32 v4, v5  }
0x3cc: {  	s9 =	sadd.s32 $0xFFFFFFFC, s30;
	s2 =	simm.s32 @p3 $0x0;
	[dreg:$0x16] =	wrdreg s22;
	v4 =	vadd.s32 v4, v6  }
0x3cd: {  	[smem:$0x7DB] =	sst s24;
	s25 =	sadd.s32 $0x5, s20;
	s26 =	sadd.s32 $0x4, s20;
	v4 =	vadd.s32 v4, v7  }
0x3ce: {  	s10 =	sadd.s32 $0x8, s20;
	s17 =	sadd.s32 $0xF, s20;
	s22 =	sadd.s32 $0xFFFFFFFD, s30;
	v4 =	vadd.s32 v4, v62  }
0x3cf: {  	s24 =	sadd.s32 $0xFFFFFFF9, s30;
	s1 =	smov.u32 s16;
	[smem:$0x7DC] =	sst s25;
	v4 =	vadd.s32 v4, v63  }
0x3d0: {  	p3 =	seq.s32 s2, $0x0;
	s3 =	sor.u32 s12, s2;
	[smem:$0x7DD] =	sst s26;
	(xrf0) =	vadd.scan.msk.s32 $0xffff, v4  }
0x3d1: {  	s12 =	sadd.s32 $0x9, s20;
	s25 =	sadd.s32 $0xA, s20;
	s16 =	sadd.s32 $0xFFFFFFFE, s30  }
.Ltmp15:
0x3d2: {  	s2 =	smov.u32 s30;
	s4 =	sadd.s32 $0xFFFFFFFB, s30;
	(pc) =	sbr.rel @!p2 .LBB2_32-.Ltmp15, $4  }
0x3d3: {  	s26 =	sadd.s32 $0xFFFFFFF8, s30;
	s23 =	smov.u32 @p3 s0;
	s0 =	sld [smem:$0x7DA]  }
0x3d4: {  	[dreg:$0xe] =	wrdreg s3;
	s6 =	sadd.s32 $0x7, s20;
	s5 =	sadd.s32 $0xE, s20  }
0x3d5: {  	s2 =	smov.u32 @p1 s20;
	s3 =	sadd.s32 $0xFFFFFFFA, s30;
	s20 =	sadd.s32 $0xFFFFFFF0, s20  }
0x3d6: {  	s8 =	sadd.s32 $0xFFFFFFFF, s30;
	s1 =	smov.u32 @p3 s0;
	s0 =	sadd.s32 $0xFFFFFFF6, s30;
	v4, _, _ =	vpop (xrf0)  }
0x3d7: {  	s21 =	smov.u32 @p1 s17;
	s0 =	smov.u32 @p1 s25  }
0x3d8: {  	s17 =	sadd.s32 $0xFFFFFFF2, s30;
	s20 =	sadd.s32 $0xFFFFFFF3, s30;
	s0 =	sshll.u32 s0, $0x4  }
0x3d9: {  	s28 =	smov.u32 @p1 s18;
	s31 =	smov.u32 @p1 s7;
	s0 =	sand.u32 $0x3FFFFFF0, s0  }
0x3da: {  	s17 =	smov.u32 @p1 s5;
	s21 =	sshll.u32 s21, $0x4;
	v10 =	vld [tilespmem:s0+$0x14000];
	s0 =	sld [smem:$0x7DB]  }
0x3db: {  	s20 =	smov.u32 @p1 s15;
	s5 =	sand.u32 $0x3FFFFFF0, s21;
	s17 =	sshll.u32 s17, $0x4  }
0x3dc: {  	s15 =	sshll.u32 s28, $0x4;
	s30 =	sshll.u32 s20, $0x4;
	v5 =	vld [tilespmem:s5+$0x14000];
	s21 =	sand.u32 $0x3FFFFFF0, s17  }
0x3dd: {  	s7 =	sand.u32 $0x3FFFFFF0, s30;
	v6 =	vld [tilespmem:s21+$0x14000];
	s3 =	smov.u32 @p1 s0;
	s0 =	sld [smem:$0x7DC]  }
0x3de: {  	s19 =	smov.u32 @p1 s12;
	s18 =	sshll.u32 s31, $0x4;
	s17 =	sand.u32 $0x3FFFFFF0, s15;
	v7 =	vld [tilespmem:s7+$0x14000]  }
0x3df: {  	s26 =	smov.u32 @p1 s10;
	s24 =	smov.u32 @p1 s6;
	s20 =	sand.u32 $0x3FFFFFF0, s18;
	v8 =	vld [tilespmem:s17+$0x14000]  }
0x3e0: {  	v9 =	vld [tilespmem:s20+$0x14000];
	s21 =	sshll.u32 s19, $0x4;
	s4 =	smov.u32 @p1 s0;
	s0 =	sld [smem:$0x7DD]  }
0x3e1: {  	s26 =	sshll.u32 s26, $0x4;
	s30 =	sshll.u32 s24, $0x4;
	s25 =	sand.u32 $0x3FFFFFF0, s21  }
0x3e2: {  	s28 =	sand.u32 $0x3FFFFFF0, s26;
	s31 =	sand.u32 $0x3FFFFFF0, s30;
	v11 =	vld [tilespmem:s25+$0x14000];
	s3 =	sshll.u32 s3, $0x4;
	v5 =	vadd.s32 v5, v6  }
0x3e3: {  	s5 =	sand.u32 $0x3FFFFFF0, s3;
	v6 =	vld [tilespmem:s28+$0x14000];
	v5 =	vadd.s32 v5, v7;
	s9 =	smov.u32 @p1 s0;
	s0 =	rddreg [dreg:$0x1e]  }
0x3e4: {  	v7 =	vld [tilespmem:s31+$0x14000];
	s6 =	sshll.u32 s4, $0x4;
	v5 =	vadd.s32 v5, v8;
	s22 =	smov.u32 @p1 s0;
	s0 =	rddreg [dreg:$0x1a]  }
0x3e5: {  	v59 =	vld [tilespmem:s5+$0x14000];
	s7 =	sand.u32 $0x3FFFFFF0, s6;
	v5 =	vadd.s32 v5, v9;
	s10 =	sshll.u32 s9, $0x4;
	s16 =	smov.u32 @p1 s0  }
0x3e6: {  	v60 =	vld [tilespmem:s7+$0x14000];
	v5 =	vadd.s32 v5, v10;
	s12 =	sand.u32 $0x3FFFFFF0, s10;
	s15 =	sshll.u32 s22, $0x4;
	s0 =	rddreg [dreg:$0x16]  }
0x3e7: {  	v5 =	vadd.s32 v5, v11;
	v61 =	vld [tilespmem:s12+$0x14000];
	s8 =	smov.u32 @p1 s0;
	s17 =	sand.u32 $0x3FFFFFF0, s15;
	s18 =	sshll.u32 s16, $0x4  }
0x3e8: {  	v5 =	vadd.s32 v5, v6;
	v62 =	vld [tilespmem:s17+$0x14000];
	s19 =	sand.u32 $0x3FFFFFF0, s18;
	s20 =	sshll.u32 s8, $0x4  }
0x3e9: {  	s2 =	sshll.u32 s2, $0x4;
	v5 =	vadd.s32 v5, v7;
	v6 =	vld [tilespmem:s19+$0x14000];
	s21 =	sand.u32 $0x3FFFFFF0, s20  }
0x3ea: {  	s22 =	sand.u32 $0x3FFFFFF0, s2;
	v5 =	vadd.s32 v5, v59;
	v7 =	vld [tilespmem:s21+$0x14000]  }
0x3eb: {  	v63 =	vld [tilespmem:s22+$0x14000];
	v5 =	vadd.s32 v5, v60  }
0x3ec: {  	v5 =	vadd.s32 v5, v61  }
0x3ed: {  	v5 =	vadd.s32 v5, v62  }
0x3ee: {  	v5 =	vadd.s32 v5, v6  }
0x3ef: {  	v5 =	vadd.s32 v5, v7  }
0x3f0: {  	v5 =	vadd.s32 v5, v63  }
0x3f1: {  	(xrf0) =	vadd.scan.msk.s32 $0xffff, v5;
	_ =	sdelay $0x3  }
0x3f2: {  	(v2sf) =	vpush v4, $0xF;
	_ =	sdelay $0x1  }
0x3f3: {  	v4, _, _ =	vpop (xrf0)  }
0x3f4: {  	(v2sf) =	vpush v4, $0xF;
	_ =	sdelay $0xb  }
0x3f5: {  	s25 =	rddreg [dreg:$0xe];
	s24 =	spop (v2sf)  }
0x3f6: {  	s22 =	rddreg [dreg:$0x4];
	s2 =	sadd.s32 s29, s24  }
0x3f7: {  	s28 =	rddreg [dreg:$0x6];
	s0 =	sxor.u32 $0x1, s25;
	p2 =	slt.s32 s2, s22  }
0x3f8: {  	s5 =	sadd.s32 $0x1, s28;
	s0 =	simm.s32 @p2 $0x0;
	s26 =	spop (v2sf)  }
0x3f9: {  	s4 =	sor.u32 s25, s0;
	p2 =	seq.s32 s0, $0x0;
	s3 =	sadd.s32 s2, s26  }
0x3fa: {  	s0 =	sxor.u32 $0x1, s4;
	s4 =	rddreg [dreg:$0xa];
	p3 =	slt.s32 s3, s22  }
0x3fb: {  	s4 =	smov.u32 @p2 s1;
	s3 =	smov.u32 s5;
	s0 =	simm.s32 @p3 $0x0  }
0x3fc: {  	s3 =	smov.u32 @p2 s23;
	p2 =	seq.s32 s0, $0x0;
	s0 =	sadd.s32 $0x1, s5  }
0x3fd: {  	s0 =	smov.u32 @p2 s3  }
0x3fe: {  	s0 =	sshll.u32 s0, $0x4  }
0x3ff: {  	s1 =	ssub.s32 $0x7FF, s0;
	s3 =	sadd.s32 $0x0, s0  }
0x400: {  	s3 =	smov.u32 @p1 s1  }
0x401: {  	s3 =	sshll.u32 s3, $0x4  }
0x402: {  	s3 =	sand.u32 $0x3FFFFFF0, s3  }
0x403: {  	v4 =	vld [tilespmem:s3+$0x14000];
	_ =	sdelay $0x4  }
0x404: {  	(xrf0) =	vadd.scan.msk.s32 $0xffff, v4;
	_ =	sdelay $0x2  }
0x405: {  	s1 =	sadd.s32 $0xFFFFFFFF, s1;
	s3 =	sadd.s32 $0x1, s0  }
0x406: {  	s3 =	smov.u32 @p1 s1  }
0x407: {  	s2 =	smov.u32 @p2 s4;
	s3 =	sshll.u32 s3, $0x4  }
0x408: {  	s4 =	sadd.s32 $0x2, s0;
	s1 =	sadd.s32 $0xFFFFFFFF, s1;
	s3 =	sand.u32 $0x3FFFFFF0, s3;
	v4, _, _ =	vpop (xrf0)  }
0x409: {  	s4 =	smov.u32 @p1 s1;
	(v2sf) =	vpush v4, $0xF;
	v4 =	vld [tilespmem:s3+$0x14000]  }
0x40a: {  	s4 =	sshll.u32 s4, $0x4  }
0x40b: {  	s29 =	sand.u32 $0x3FFFFFF0, s4  }
0x40c: {  	v5 =	vld [tilespmem:s29+$0x14000];
	_ =	sdelay $0x1  }
0x40d: {  	(xrf0) =	vadd.scan.msk.s32 $0xffff, v4;
	_ =	sdelay $0x2  }
0x40e: {  	(xrf0) =	vadd.scan.msk.s32 $0xffff, v5;
	_ =	sdelay $0x1  }
0x40f: {  	s1 =	sadd.s32 $0xFFFFFFFF, s1;
	s3 =	sadd.s32 $0x3, s0  }
0x410: {  	s3 =	smov.u32 @p1 s1;
	v5, _, _ =	vpop (xrf0)  }
0x411: {  	s3 =	sshll.u32 s3, $0x4;
	(v2sf) =	vpush v5, $0xF  }
0x412: {  	s7 =	simm.s32 $0x1;
	s3 =	sand.u32 $0x3FFFFFF0, s3  }
0x413: {  	s10 =	simm.s32 $0x0;
	s15 =	simm.s32 $0x0;
	s8 =	simm.s32 $0x0;
	v4 =	vld [tilespmem:s3+$0x14000];
	v5, _, _ =	vpop (xrf0)  }
0x414: {  	s6 =	sadd.s32 $0x4, s0;
	s9 =	sadd.s32 $0xFFFFFFFF, s1;
	s30 =	spop (v2sf);
	(v2sf) =	vpush v5, $0xF  }
0x415: {  	s17 =	simm.s32 $0x6;
	s12 =	sxor.u32 $0x1, s8;
	s6 =	smov.u32 @p1 s9  }
0x416: {  	s21 =	rddreg [dreg:$0x3];
	s5 =	simm.s32 $0x2;
	s6 =	sshll.u32 s6, $0x4  }
0x417: {  	s4 =	simm.s32 $0x3;
	s31 =	sand.u32 $0x3FFFFFF0, s6;
	s6 =	sadd.s32 s2, s30  }
0x418: {  	s16 =	sadd.s32 $0xFFFFFFFF, s9;
	s9 =	smov.u32 s2;
	(xrf0) =	vadd.scan.msk.s32 $0xffff, v4;
	p2 =	slt.s32 s6, s22  }
0x419: {  	s1 =	simm.s32 $0x4;
	s3 =	simm.s32 $0x5;
	v4 =	vld [tilespmem:s31+$0x14000];
	s12 =	simm.s32 @p2 $0x0  }
.LBB2_34:
0x41a: {  	s18 =	smov.u32 s2;
	s2 =	smov.u32 s8;
	p2 =	sne.s32 s17, $0xF  }
0x41b: {  	s8 =	sadd.s32 s3, s0;
	s15 =	sor.u32 s15, s12;
	s19 =	smov.u32 s4  }
0x41c: {  	s4 =	smov.u32 s1;
	s1 =	smov.u32 s3;
	s8 =	smov.u32 @p1 s16  }
0x41d: {  	p3 =	seq.s32 s12, $0x0;
	s12 =	sshll.u32 s8, $0x4;
	s8 =	smov.u32 s10  }
0x41e: {  	s3 =	smov.u32 s17;
	v5, _, _ =	vpop (xrf0);
	s8 =	smov.u32 @p3 s2;
	s2 =	smov.u32 s9  }
.Ltmp16:
0x41f: {  	(xrf0) =	vadd.scan.msk.s32 $0xffff, v4;
	(v2sf) =	vpush v5, $0xF;
	s2 =	smov.u32 @p3 s18;
	(pc) =	sbr.rel @p2 .LBB2_34-.Ltmp16, $4  }
0x420: {  	s10 =	sand.u32 $0x3FFFFFF0, s12;
	s9 =	smov.u32 s6;
	s12 =	spop (v2sf)  }
0x421: {  	v4 =	vld [tilespmem:s10+$0x14000];
	s6 =	sadd.s32 s6, s12;
	s10 =	smov.u32 s7;
	s7 =	smov.u32 s5  }
0x422: {  	s12 =	sxor.u32 $0x1, s15;
	s5 =	smov.u32 s19;
	p3 =	slt.s32 s6, s22  }
0x423: {  	s17 =	sadd.s32 $0x1, s17;
	s16 =	sadd.s32 $0xFFFFFFFF, s16;
	s12 =	simm.s32 @p3 $0x0  }
0x424: {  	s17 =	sadd.s32 s3, s0  }
0x425: {  	s17 =	smov.u32 @p1 s16  }
0x426: {  	s16 =	sshll.u32 s17, $0x4;
	(xrf0) =	vadd.scan.msk.s32 $0xffff, v4  }
0x427: {  	s16 =	sand.u32 $0x3FFFFFF0, s16  }
0x428: {  	v5 =	vld [tilespmem:s16+$0x14000]  }
0x429: {  	v4, _, _ =	vpop (xrf0)  }
0x42a: {  	(v2sf) =	vpush v4, $0xF;
	_ =	sdelay $0x1  }
0x42b: {  	v4, _, _ =	vpop (xrf0)  }
0x42c: {  	(xrf0) =	vadd.scan.msk.s32 $0xffff, v5;
	(v2sf) =	vpush v4, $0xF;
	_ =	sdelay $0x5  }
0x42d: {  	s29 =	spop (v2sf);
	v4, _, _ =	vpop (xrf0)  }
0x42e: {  	s15 =	sor.u32 s15, s12;
	s16 =	sadd.s32 s6, s29;
	(v2sf) =	vpush v4, $0xF  }
0x42f: {  	s17 =	sxor.u32 $0x1, s15;
	p2 =	slt.s32 s16, s22  }
0x430: {  	s17 =	simm.s32 @p2 $0x0;
	s18 =	spop (v2sf)  }
0x431: {  	s15 =	sor.u32 s15, s17;
	s18 =	sadd.s32 s16, s18  }
0x432: {  	s26 =	sld [smem:$0x7DE];
	s19 =	sxor.u32 $0x1, s15;
	p2 =	slt.s32 s18, s22  }
0x433: {  	s28 =	sld [smem:$0x7DF];
	s19 =	simm.s32 @p2 $0x0;
	s20 =	spop (v2sf)  }
0x434: {  	p2 =	seq.s32 s12, $0x0;
	s30 =	sor.u32 s15, s19;
	s15 =	sadd.s32 s18, s20  }
0x435: {  	s10 =	smov.u32 @p2 s8;
	s8 =	sxor.u32 $0x1, s30;
	p3 =	slt.s32 s15, s22  }
0x436: {  	s29 =	sld [smem:$0x7E6];
	s8 =	simm.s32 @p3 $0x0;
	s31 =	spop (v2sf)  }
0x437: {  	p3 =	seq.s32 s17, $0x0;
	s12 =	sor.u32 s30, s8;
	s20 =	sadd.s32 s15, s31  }
0x438: {  	s7 =	smov.u32 @p3 s10;
	s10 =	sxor.u32 $0x1, s12;
	p4 =	slt.s32 s20, s22  }
0x439: {  	s31 =	sld [smem:$0x7F8];
	s10 =	simm.s32 @p4 $0x0  }
0x43a: {  	p5 =	seq.s32 s19, $0x0;
	s9 =	smov.u32 @p2 s2;
	s24 =	sor.u32 s12, s10  }
0x43b: {  	s5 =	smov.u32 @p5 s7;
	s7 =	sxor.u32 $0x1, s24;
	s24 =	simm.s32 $0x0  }
0x43c: {  	[tilespmem:s24], [sflag:$0x1] =	stream.linear.gather [hbm4b:s31+s24], $0x2000, $0x38;
	[tilespmem:$0x1C010] =	vst v63  }
0x43d: {  	p6 =	seq.s32 s8, $0x0;
	s6 =	smov.u32 @p3 s9;
	s23 =	spop (v2sf)  }
0x43e: {  	s30 =	sld [smem:$0x7E7];
	s8 =	simm.s32 $0x2;
	s25 =	sadd.s32 s20, s23  }
0x43f: {  	s16 =	smov.u32 @p5 s6;
	s4 =	smov.u32 @p6 s5;
	p4 =	slt.s32 s25, s22  }
0x440: {  	s18 =	smov.u32 @p6 s16;
	s7 =	simm.s32 @p4 $0x0;
	p4 =	seq.s32 s10, $0x0  }
0x441: {  	s5 =	sld [smem:$0x7FD];
	s1 =	smov.u32 @p4 s4;
	p2 =	seq.s32 s7, $0x0  }
0x442: {  	s15 =	smov.u32 @p4 s18;
	s3 =	smov.u32 @p2 s1;
	s1 =	sadd.s32 s26, s28  }
0x443: {  	s4 =	sld [smem:$0x7FC];
	s20 =	smov.u32 @p2 s15;
	s2 =	sxor.u32 $0x7FF, s1  }
0x444: {  	s0 =	sadd.s32 s0, s3;
	s1 =	smov.u32 @p0 s2;
	s2 =	sshll.u32 s29, $0xB  }
0x445: {  	[smem:$0x7D6] =	sst s20;
	s3 =	sxor.u32 $0x7FF, s0;
	s1 =	sadd.s32 s2, s1  }
0x446: {  	s0 =	smov.u32 @p1 s3;
	s3 =	sshll.u32 s30, $0xB;
	[smem:$0x7D7] =	sst s1  }
0x447: {  	s6 =	simm.s32 $0x2000;
	s0 =	sadd.s32 s3, s0;
	s3 =	sld [smem:$0x7FB]  }
0x448: {  	s25 =	simm.s32 $0x0;
	s7 =	simm.s32 $0x1;
	v4 =	vmov s1;
	[smem:$0x7D8] =	sst s0;
	v5 =	vmov s0  }
.LBB2_36:
0x449: {  	s0 =	sshll.u32 s25, $0xE  }
0x44a: {  	s1 =	sor.u32 s0, s4  }
0x44b: {  	s1 =	sshrl.u32 s1, $0x3  }
0x44c: {  	s1 =	sadd.s32 s1, s3  }
0x44d: {  	s1 =	sadd.s32 $0x400, s1  }
0x44e: {  	[tilespmem:s6], [sflag:$0x2] =	stream.linear.gather [hbm4b:s1+s24], $0x2000, $0x38;
	[tilespmem:$0x1C010] =	vst v63  }
0x44f: {  	_ =	swait.ge [sflag:s7], $0x2000  }
0x450: {  	[sflag:s7] =	ssyncset.done $0x0  }
0x451: {  	s31 =	simm.s32 $0x0;
	[sflag:s7] =	ssyncadd.s32 $0xFFFFE000  }
0x452: {  	v6 =	vld [tilespmem:s31+$0x0]  }
0x453: {  	v7 =	vld [tilespmem:s31+$0x10]  }
0x454: {  	v8 =	vld [tilespmem:s31+$0x20]  }
0x455: {  	v9 =	vld [tilespmem:s31+$0x30]  }
0x456: {  	v12 =	vld [tilespmem:s31+$0x40]  }
0x457: {  	v14 =	vld [tilespmem:s31+$0x50]  }
0x458: {  	v16 =	vld [tilespmem:s31+$0x60]  }
0x459: {  	v19 =	vld [tilespmem:s31+$0x70];
	v10 =	vshrl.u32 v6, $0xA  }
0x45a: {  	v6 =	vshll.u32 v6, $0x4;
	v11 =	vshrl.u32 v7, $0xA;
	v7 =	vshll.u32 v7, $0x4  }
0x45b: {  	v15 =	vshrl.u32 v8, $0xA;
	v8 =	vshll.u32 v8, $0x4;
	v18 =	vshll.u32 v9, $0x4  }
0x45c: {  	v9 =	vshrl.u32 v9, $0xA;
	v21 =	vshll.u32 v12, $0x4;
	v12 =	vshrl.u32 v12, $0xA  }
0x45d: {  	v23 =	vshrl.u32 v14, $0xA;
	v25 =	vshrl.u32 v16, $0xA;
	v14 =	vshll.u32 v14, $0x4  }
0x45e: {  	v59 =	vshll.u32 v16, $0x4;
	v60 =	vshrl.u32 v19, $0xA;
	v19 =	vshll.u32 v19, $0x4  }
0x45f: {  	vm2 =	veq.s32 v10, v4;
	v6 =	vand.u32 $0x3FF0, v6;
	vm3 =	veq.s32 v11, v4  }
0x460: {  	v7 =	vand.u32 $0x3FF0, v7;
	vm4 =	veq.s32 v15, v4;
	v13 =	vor.u32 v1, v6  }
0x461: {  	v8 =	vand.u32 $0x3FF0, v8;
	v18 =	vand.u32 $0x3FF0, v18;
	v17 =	vor.u32 v1, v7  }
0x462: {  	vm5 =	veq.s32 v9, v4;
	v21 =	vand.u32 $0x3FF0, v21;
	v22 =	vor.u32 v1, v8  }
0x463: {  	vm6 =	veq.s32 v12, v4;
	vm7 =	veq.s32 v23, v4;
	v20 =	vor.u32 v1, v18  }
0x464: {  	vm8 =	veq.s32 v25, v4;
	v58 =	vand.u32 $0x3FF0, v14;
	v24 =	vor.u32 v1, v21  }
0x465: {  	v14 =	vand.u32 $0x3FF0, v59;
	vm9 =	veq.s32 v60, v4;
	v61 =	vor.u32 v1, v58;
	[tilespmem:v13+s11+$0x0] =	vst.idx.add.s32.msk vm2, v2  }
0x466: {  	v19 =	vand.u32 $0x3FF0, v19;
	vm10 =	veq.s32 v10, v5;
	v62 =	vor.u32 v1, v14;
	[tilespmem:v17+s11+$0x0] =	vst.idx.add.s32.msk vm3, v2  }
0x467: {  	vm11 =	veq.s32 v11, v5;
	v10 =	vor.u32 v1, v19;
	[tilespmem:v22+s11+$0x0] =	vst.idx.add.s32.msk vm4, v2  }
0x468: {  	v63 =	vor.u32 v3, v6;
	v11 =	vor.u32 v3, v7;
	[tilespmem:v20+s11+$0x0] =	vst.idx.add.s32.msk vm5, v2  }
0x469: {  	v6 =	vor.u32 v3, v8;
	vm3 =	veq.s32 v15, v5;
	[tilespmem:v24+s11+$0x0] =	vst.idx.add.s32.msk vm6, v2  }
0x46a: {  	v8 =	vor.u32 v3, v18;
	vm4 =	veq.s32 v9, v5;
	[tilespmem:v61+s11+$0x0] =	vst.idx.add.s32.msk vm7, v2  }
0x46b: {  	v7 =	vor.u32 v3, v58;
	vm2 =	veq.s32 v12, v5;
	[tilespmem:v62+s11+$0x0] =	vst.idx.add.s32.msk vm8, v2  }
0x46c: {  	v9 =	vor.u32 v3, v21;
	vm5 =	veq.s32 v23, v5;
	[tilespmem:v10+s11+$0x0] =	vst.idx.add.s32.msk vm9, v2  }
0x46d: {  	vm6 =	veq.s32 v60, v5;
	vm7 =	veq.s32 v25, v5;
	[tilespmem:v63+s11+$0x0] =	vst.idx.add.s32.msk vm10, v2  }
0x46e: {  	s1 =	simm.s32 $0x200;
	v10 =	vor.u32 v3, v14;
	[tilespmem:v11+s11+$0x0] =	vst.idx.add.s32.msk vm11, v2;
	v11 =	vor.u32 v3, v19  }
.LBB2_37:
0x46f: {  	p2 =	sne.s32 s1, $0x7E00;
	[tilespmem:v6+s11+$0x0] =	vst.idx.add.s32.msk vm3, v2;
	s2 =	smov.u32 s1;
	s1 =	sadd.s32 $0x200, s1  }
0x470: {  	[tilespmem:v8+s11+$0x0] =	vst.idx.add.s32.msk vm4, v2  }
0x471: {  	[tilespmem:v9+s11+$0x0] =	vst.idx.add.s32.msk vm2, v2  }
0x472: {  	[tilespmem:v7+s11+$0x0] =	vst.idx.add.s32.msk vm5, v2  }
0x473: {  	[tilespmem:v10+s11+$0x0] =	vst.idx.add.s32.msk vm7, v2  }
0x474: {  	s2 =	sshra.s32 s2, $0x2;
	[tilespmem:v11+s11+$0x0] =	vst.idx.add.s32.msk vm6, v2  }
0x475: {  	v6 =	vld [tilespmem:s2+$0x0]  }
0x476: {  	v7 =	vld [tilespmem:s2+$0x10]  }
0x477: {  	v8 =	vld [tilespmem:s2+$0x20];
	_ =	sdelay $0x1  }
0x478: {  	v9 =	vld [tilespmem:s2+$0x30]  }
0x479: {  	v10 =	vshrl.u32 v6, $0xA;
	v6 =	vshll.u32 v6, $0x4  }
0x47a: {  	v11 =	vld [tilespmem:s2+$0x40];
	v12 =	vshrl.u32 v7, $0xA;
	vm3 =	veq.s32 v10, v4;
	v6 =	vand.u32 $0x3FF0, v6  }
0x47b: {  	v7 =	vshll.u32 v7, $0x4;
	vm2 =	veq.s32 v12, v4;
	v13 =	vor.u32 v1, v6  }
0x47c: {  	v15 =	vshrl.u32 v8, $0xA;
	v7 =	vand.u32 $0x3FF0, v7;
	v8 =	vshll.u32 v8, $0x4;
	v14 =	vld [tilespmem:s2+$0x50]  }
0x47d: {  	vm4 =	veq.s32 v15, v4;
	v17 =	vor.u32 v1, v7;
	v16 =	vld [tilespmem:s2+$0x60];
	v18 =	vshll.u32 v9, $0x4  }
0x47e: {  	v8 =	vand.u32 $0x3FF0, v8;
	v9 =	vshrl.u32 v9, $0xA;
	v18 =	vand.u32 $0x3FF0, v18  }
0x47f: {  	vm5 =	veq.s32 v9, v4;
	v19 =	vld [tilespmem:s2+$0x70];
	v20 =	vor.u32 v1, v18;
	v21 =	vshll.u32 v11, $0x4  }
0x480: {  	v22 =	vor.u32 v1, v8;
	v11 =	vshrl.u32 v11, $0xA;
	v21 =	vand.u32 $0x3FF0, v21  }
0x481: {  	vm6 =	veq.s32 v11, v4;
	v23 =	vshrl.u32 v14, $0xA;
	v24 =	vor.u32 v1, v21  }
0x482: {  	v25 =	vshrl.u32 v16, $0xA;
	vm7 =	veq.s32 v23, v4;
	[tilespmem:v13+s11+$0x0] =	vst.idx.add.s32.msk vm3, v2;
	v13 =	vshll.u32 v14, $0x4  }
0x483: {  	v14 =	vshll.u32 v16, $0x4;
	vm8 =	veq.s32 v25, v4;
	[tilespmem:v17+s11+$0x0] =	vst.idx.add.s32.msk vm2, v2;
	v13 =	vand.u32 $0x3FF0, v13  }
0x484: {  	v14 =	vand.u32 $0x3FF0, v14;
	v16 =	vshrl.u32 v19, $0xA;
	v17 =	vor.u32 v1, v13  }
0x485: {  	v19 =	vshll.u32 v19, $0x4;
	vm9 =	veq.s32 v16, v4;
	[tilespmem:v22+s11+$0x0] =	vst.idx.add.s32.msk vm4, v2;
	v22 =	vor.u32 v1, v14  }
0x486: {  	vm10 =	veq.s32 v10, v5;
	v10 =	vor.u32 v3, v6;
	v19 =	vand.u32 $0x3FF0, v19;
	[tilespmem:v20+s11+$0x0] =	vst.idx.add.s32.msk vm5, v2  }
0x487: {  	vm11 =	veq.s32 v12, v5;
	v12 =	vor.u32 v1, v19;
	[tilespmem:v24+s11+$0x0] =	vst.idx.add.s32.msk vm6, v2  }
0x488: {  	vm3 =	veq.s32 v15, v5;
	vm2 =	veq.s32 v11, v5;
	v11 =	vor.u32 v3, v7  }
0x489: {  	v6 =	vor.u32 v3, v8;
	vm4 =	veq.s32 v9, v5;
	[tilespmem:v17+s11+$0x0] =	vst.idx.add.s32.msk vm7, v2  }
.Ltmp17:
0x48a: {  	v8 =	vor.u32 v3, v18;
	vm5 =	veq.s32 v23, v5;
	[tilespmem:v22+s11+$0x0] =	vst.idx.add.s32.msk vm8, v2;
	(pc) =	sbr.rel @p2 .LBB2_37-.Ltmp17, $4  }
0x48b: {  	v7 =	vor.u32 v3, v13;
	v9 =	vor.u32 v3, v21  }
0x48c: {  	vm7 =	veq.s32 v25, v5;
	[tilespmem:v12+s11+$0x0] =	vst.idx.add.s32.msk vm9, v2  }
0x48d: {  	vm6 =	veq.s32 v16, v5;
	[tilespmem:v10+s11+$0x0] =	vst.idx.add.s32.msk vm10, v2;
	v10 =	vor.u32 v3, v14  }
0x48e: {  	[tilespmem:v11+s11+$0x0] =	vst.idx.add.s32.msk vm11, v2;
	v11 =	vor.u32 v3, v19  }
0x48f: {  	_ =	sdelay $0x4  }
0x490: {  	[tilespmem:v6+s11+$0x0] =	vst.idx.add.s32.msk vm3, v2  }
0x491: {  	[tilespmem:v8+s11+$0x0] =	vst.idx.add.s32.msk vm4, v2  }
0x492: {  	p2 =	seq.s32 s25, $0xF;
	[tilespmem:v9+s11+$0x0] =	vst.idx.add.s32.msk vm2, v2  }
0x493: {  	s0 =	sadd.s32 @!p2 s0, s5;
	[tilespmem:v7+s11+$0x0] =	vst.idx.add.s32.msk vm5, v2  }
0x494: {  	s0 =	sshrl.u32 @!p2 s0, $0x3;
	[tilespmem:v10+s11+$0x0] =	vst.idx.add.s32.msk vm7, v2  }
0x495: {  	s1 =	simm.s32 @!p2 $0x0;
	s0 =	sadd.s32 @!p2 s3, s0;
	[tilespmem:v11+s11+$0x0] =	vst.idx.add.s32.msk vm6, v2  }
0x496: {  	[tilespmem:s1], [sflag:$0x1] =	stream.linear.gather @!p2 [hbm4b:s0+s1], $0x2000, $0x38;
	[tilespmem:$0x1C010] =	vst v63  }
0x497: {  	_ =	swait.ge [sflag:s8], $0x2000  }
0x498: {  	[sflag:s8] =	ssyncset.done $0x0  }
0x499: {  	s31 =	simm.s32 $0x0;
	[sflag:s8] =	ssyncadd.s32 $0xFFFFE000  }
0x49a: {  	v6 =	vld [tilespmem:s31+$0x2000]  }
0x49b: {  	v7 =	vld [tilespmem:s31+$0x2010]  }
0x49c: {  	v8 =	vld [tilespmem:s31+$0x2020]  }
0x49d: {  	v9 =	vld [tilespmem:s31+$0x2030]  }
0x49e: {  	v12 =	vld [tilespmem:s31+$0x2040]  }
0x49f: {  	v14 =	vld [tilespmem:s31+$0x2050]  }
0x4a0: {  	v16 =	vld [tilespmem:s31+$0x2060]  }
0x4a1: {  	v19 =	vld [tilespmem:s31+$0x2070];
	v10 =	vshrl.u32 v6, $0xA  }
0x4a2: {  	v6 =	vshll.u32 v6, $0x4;
	v11 =	vshrl.u32 v7, $0xA;
	v7 =	vshll.u32 v7, $0x4  }
0x4a3: {  	v15 =	vshrl.u32 v8, $0xA;
	v8 =	vshll.u32 v8, $0x4;
	v18 =	vshll.u32 v9, $0x4  }
0x4a4: {  	v9 =	vshrl.u32 v9, $0xA;
	v21 =	vshll.u32 v12, $0x4;
	v12 =	vshrl.u32 v12, $0xA  }
0x4a5: {  	v23 =	vshrl.u32 v14, $0xA;
	v25 =	vshrl.u32 v16, $0xA;
	v14 =	vshll.u32 v14, $0x4  }
0x4a6: {  	v59 =	vshll.u32 v16, $0x4;
	v60 =	vshrl.u32 v19, $0xA;
	v19 =	vshll.u32 v19, $0x4  }
0x4a7: {  	vm2 =	veq.s32 v10, v4;
	v6 =	vand.u32 $0x3FF0, v6;
	vm3 =	veq.s32 v11, v4  }
0x4a8: {  	v7 =	vand.u32 $0x3FF0, v7;
	vm4 =	veq.s32 v15, v4;
	v13 =	vor.u32 v1, v6  }
0x4a9: {  	v8 =	vand.u32 $0x3FF0, v8;
	v18 =	vand.u32 $0x3FF0, v18;
	v17 =	vor.u32 v1, v7  }
0x4aa: {  	vm5 =	veq.s32 v9, v4;
	v21 =	vand.u32 $0x3FF0, v21;
	v22 =	vor.u32 v1, v8  }
0x4ab: {  	vm6 =	veq.s32 v12, v4;
	vm7 =	veq.s32 v23, v4;
	v20 =	vor.u32 v1, v18  }
0x4ac: {  	vm8 =	veq.s32 v25, v4;
	v58 =	vand.u32 $0x3FF0, v14;
	v24 =	vor.u32 v1, v21  }
0x4ad: {  	v14 =	vand.u32 $0x3FF0, v59;
	vm9 =	veq.s32 v60, v4;
	v61 =	vor.u32 v1, v58;
	[tilespmem:v13+s11+$0x0] =	vst.idx.add.s32.msk vm2, v2  }
0x4ae: {  	v19 =	vand.u32 $0x3FF0, v19;
	vm10 =	veq.s32 v10, v5;
	v62 =	vor.u32 v1, v14;
	[tilespmem:v17+s11+$0x0] =	vst.idx.add.s32.msk vm3, v2  }
0x4af: {  	vm11 =	veq.s32 v11, v5;
	v10 =	vor.u32 v1, v19;
	[tilespmem:v22+s11+$0x0] =	vst.idx.add.s32.msk vm4, v2  }
0x4b0: {  	v63 =	vor.u32 v3, v6;
	v11 =	vor.u32 v3, v7;
	[tilespmem:v20+s11+$0x0] =	vst.idx.add.s32.msk vm5, v2  }
0x4b1: {  	v6 =	vor.u32 v3, v8;
	vm3 =	veq.s32 v15, v5;
	[tilespmem:v24+s11+$0x0] =	vst.idx.add.s32.msk vm6, v2  }
0x4b2: {  	v8 =	vor.u32 v3, v18;
	vm4 =	veq.s32 v9, v5;
	[tilespmem:v61+s11+$0x0] =	vst.idx.add.s32.msk vm7, v2  }
0x4b3: {  	v7 =	vor.u32 v3, v58;
	vm2 =	veq.s32 v12, v5;
	[tilespmem:v62+s11+$0x0] =	vst.idx.add.s32.msk vm8, v2  }
0x4b4: {  	v9 =	vor.u32 v3, v21;
	vm5 =	veq.s32 v23, v5;
	[tilespmem:v10+s11+$0x0] =	vst.idx.add.s32.msk vm9, v2  }
0x4b5: {  	vm6 =	veq.s32 v60, v5;
	vm7 =	veq.s32 v25, v5;
	[tilespmem:v63+s11+$0x0] =	vst.idx.add.s32.msk vm10, v2  }
0x4b6: {  	s0 =	simm.s32 $0x200;
	v10 =	vor.u32 v3, v14;
	[tilespmem:v11+s11+$0x0] =	vst.idx.add.s32.msk vm11, v2;
	v11 =	vor.u32 v3, v19  }
.LBB2_39:
0x4b7: {  	p2 =	sne.s32 s0, $0x7E00;
	[tilespmem:v6+s11+$0x0] =	vst.idx.add.s32.msk vm3, v2;
	s1 =	smov.u32 s0;
	s0 =	sadd.s32 $0x200, s0  }
0x4b8: {  	[tilespmem:v8+s11+$0x0] =	vst.idx.add.s32.msk vm4, v2  }
0x4b9: {  	[tilespmem:v9+s11+$0x0] =	vst.idx.add.s32.msk vm2, v2  }
0x4ba: {  	[tilespmem:v7+s11+$0x0] =	vst.idx.add.s32.msk vm5, v2  }
0x4bb: {  	[tilespmem:v10+s11+$0x0] =	vst.idx.add.s32.msk vm7, v2  }
0x4bc: {  	s1 =	sshra.s32 s1, $0x2;
	[tilespmem:v11+s11+$0x0] =	vst.idx.add.s32.msk vm6, v2  }
0x4bd: {  	v6 =	vld [tilespmem:s1+$0x2000]  }
0x4be: {  	v7 =	vld [tilespmem:s1+$0x2010]  }
0x4bf: {  	v8 =	vld [tilespmem:s1+$0x2020];
	_ =	sdelay $0x1  }
0x4c0: {  	v9 =	vld [tilespmem:s1+$0x2030]  }
0x4c1: {  	v10 =	vshrl.u32 v6, $0xA;
	v6 =	vshll.u32 v6, $0x4  }
0x4c2: {  	v11 =	vld [tilespmem:s1+$0x2040];
	v12 =	vshrl.u32 v7, $0xA;
	vm3 =	veq.s32 v10, v4;
	v6 =	vand.u32 $0x3FF0, v6  }
0x4c3: {  	v7 =	vshll.u32 v7, $0x4;
	vm2 =	veq.s32 v12, v4;
	v13 =	vor.u32 v1, v6  }
0x4c4: {  	v15 =	vshrl.u32 v8, $0xA;
	v7 =	vand.u32 $0x3FF0, v7;
	v8 =	vshll.u32 v8, $0x4;
	v14 =	vld [tilespmem:s1+$0x2050]  }
0x4c5: {  	vm4 =	veq.s32 v15, v4;
	v17 =	vor.u32 v1, v7;
	v16 =	vld [tilespmem:s1+$0x2060];
	v18 =	vshll.u32 v9, $0x4  }
0x4c6: {  	v8 =	vand.u32 $0x3FF0, v8;
	v9 =	vshrl.u32 v9, $0xA;
	v18 =	vand.u32 $0x3FF0, v18  }
0x4c7: {  	vm5 =	veq.s32 v9, v4;
	v19 =	vld [tilespmem:s1+$0x2070];
	v20 =	vor.u32 v1, v18;
	v21 =	vshll.u32 v11, $0x4  }
0x4c8: {  	v22 =	vor.u32 v1, v8;
	v11 =	vshrl.u32 v11, $0xA;
	v21 =	vand.u32 $0x3FF0, v21  }
0x4c9: {  	vm6 =	veq.s32 v11, v4;
	v23 =	vshrl.u32 v14, $0xA;
	v24 =	vor.u32 v1, v21  }
0x4ca: {  	v25 =	vshrl.u32 v16, $0xA;
	vm7 =	veq.s32 v23, v4;
	[tilespmem:v13+s11+$0x0] =	vst.idx.add.s32.msk vm3, v2;
	v13 =	vshll.u32 v14, $0x4  }
0x4cb: {  	v14 =	vshll.u32 v16, $0x4;
	vm8 =	veq.s32 v25, v4;
	[tilespmem:v17+s11+$0x0] =	vst.idx.add.s32.msk vm2, v2;
	v13 =	vand.u32 $0x3FF0, v13  }
0x4cc: {  	v14 =	vand.u32 $0x3FF0, v14;
	v16 =	vshrl.u32 v19, $0xA;
	v17 =	vor.u32 v1, v13  }
0x4cd: {  	v19 =	vshll.u32 v19, $0x4;
	vm9 =	veq.s32 v16, v4;
	[tilespmem:v22+s11+$0x0] =	vst.idx.add.s32.msk vm4, v2;
	v22 =	vor.u32 v1, v14  }
0x4ce: {  	vm10 =	veq.s32 v10, v5;
	v10 =	vor.u32 v3, v6;
	v19 =	vand.u32 $0x3FF0, v19;
	[tilespmem:v20+s11+$0x0] =	vst.idx.add.s32.msk vm5, v2  }
0x4cf: {  	vm11 =	veq.s32 v12, v5;
	v12 =	vor.u32 v1, v19;
	[tilespmem:v24+s11+$0x0] =	vst.idx.add.s32.msk vm6, v2  }
0x4d0: {  	vm3 =	veq.s32 v15, v5;
	vm2 =	veq.s32 v11, v5;
	v11 =	vor.u32 v3, v7  }
0x4d1: {  	v6 =	vor.u32 v3, v8;
	vm4 =	veq.s32 v9, v5;
	[tilespmem:v17+s11+$0x0] =	vst.idx.add.s32.msk vm7, v2  }
.Ltmp18:
0x4d2: {  	v8 =	vor.u32 v3, v18;
	vm5 =	veq.s32 v23, v5;
	[tilespmem:v22+s11+$0x0] =	vst.idx.add.s32.msk vm8, v2;
	(pc) =	sbr.rel @p2 .LBB2_39-.Ltmp18, $4  }
0x4d3: {  	v7 =	vor.u32 v3, v13;
	v9 =	vor.u32 v3, v21  }
0x4d4: {  	vm7 =	veq.s32 v25, v5;
	[tilespmem:v12+s11+$0x0] =	vst.idx.add.s32.msk vm9, v2  }
0x4d5: {  	vm6 =	veq.s32 v16, v5;
	[tilespmem:v10+s11+$0x0] =	vst.idx.add.s32.msk vm10, v2;
	v10 =	vor.u32 v3, v14  }
0x4d6: {  	[tilespmem:v11+s11+$0x0] =	vst.idx.add.s32.msk vm11, v2;
	v11 =	vor.u32 v3, v19  }
0x4d7: {  	_ =	sdelay $0x3  }
0x4d8: {  	s25 =	sadd.s32 $0x1, s25  }
0x4d9: {  	[tilespmem:v6+s11+$0x0] =	vst.idx.add.s32.msk vm3, v2;
	p2 =	sne.s32 s25, $0x10  }
.Ltmp19:
0x4da: {  	[tilespmem:v8+s11+$0x0] =	vst.idx.add.s32.msk vm4, v2;
	(pc) =	sbr.rel @p2 .LBB2_36-.Ltmp19, $4  }
0x4db: {  	[tilespmem:v9+s11+$0x0] =	vst.idx.add.s32.msk vm2, v2  }
0x4dc: {  	[tilespmem:v7+s11+$0x0] =	vst.idx.add.s32.msk vm5, v2  }
0x4dd: {  	[tilespmem:v10+s11+$0x0] =	vst.idx.add.s32.msk vm7, v2  }
0x4de: {  	[tilespmem:v11+s11+$0x0] =	vst.idx.add.s32.msk vm6, v2  }
0x4df: {  	s0 =	sld [smem:$0x7E0];
	s1 =	simm.s32 $0x3F0  }
0x4e0: {  	s4 =	simm.s32 $0x3F3;
	s3 =	simm.s32 $0x3F2;
	s2 =	simm.s32 $0x3F1  }
0x4e1: {  	s10 =	simm.s32 $0x3F6;
	s8 =	simm.s32 $0x3F5;
	s7 =	simm.s32 $0x3F4  }
0x4e2: {  	s12 =	simm.s32 $0x3F9;
	s15 =	simm.s32 $0x3F8;
	s16 =	simm.s32 $0x3F7  }
0x4e3: {  	s17 =	simm.s32 $0x3FC;
	s18 =	simm.s32 $0x3FB;
	s19 =	simm.s32 $0x3FA  }
0x4e4: {  	s20 =	simm.s32 $0x3FF;
	s22 =	simm.s32 $0x3FD;
	s6 =	simm.s32 $0xD  }
0x4e5: {  	s5 =	simm.s32 $0xE;
	s23 =	simm.s32 $0xA;
	s24 =	simm.s32 $0xB  }
0x4e6: {  	s9 =	simm.s32 $0xC;
	s25 =	simm.s32 $0x7;
	s26 =	simm.s32 $0x8  }
0x4e7: {  	s28 =	simm.s32 $0x0;
	s29 =	simm.s32 $0x1;
	s30 =	simm.s32 $0x5  }
0x4e8: {  	s28 =	smov.u32 @p0 s20;
	s20 =	simm.s32 $0x2;
	s30 =	smov.u32 @p0 s19  }
0x4e9: {  	s25 =	smov.u32 @p0 s15;
	s26 =	smov.u32 @p0 s16;
	s23 =	smov.u32 @p0 s8  }
0x4ea: {  	s24 =	smov.u32 @p0 s7;
	s9 =	smov.u32 @p0 s4;
	s6 =	smov.u32 @p0 s3  }
0x4eb: {  	s5 =	smov.u32 @p0 s2;
	s8 =	simm.s32 $0x3E0;
	s3 =	simm.s32 $0x3E3  }
0x4ec: {  	s7 =	simm.s32 $0x3E5;
	s4 =	simm.s32 $0x1D;
	s20 =	smov.u32 @p0 s22  }
0x4ed: {  	s22 =	simm.s32 $0x3;
	s28 =	sshll.u32 s28, $0x4;
	s19 =	sshll.u32 s30, $0x4  }
0x4ee: {  	s15 =	sshll.u32 s25, $0x4;
	s31 =	ssub.s32 s21, s0;
	s21 =	simm.s32 $0x3FE  }
0x4ef: {  	s23 =	sshll.u32 s23, $0x4;
	s16 =	sshll.u32 s6, $0x4;
	s29 =	smov.u32 @p0 s21  }
0x4f0: {  	s22 =	smov.u32 @p0 s17;
	s28 =	sand.u32 $0x3FFFFFF0, s28;
	s29 =	sshll.u32 s29, $0x4  }
0x4f1: {  	s17 =	simm.s32 $0x4;
	s20 =	sshll.u32 s20, $0x4;
	v4 =	vld [tilespmem:s28+$0x4000];
	s28 =	sand.u32 $0x3FFFFFF0, s29  }
0x4f2: {  	s20 =	sand.u32 $0x3FFFFFF0, s20;
	s22 =	sshll.u32 s22, $0x4;
	s17 =	smov.u32 @p0 s18;
	v5 =	vld [tilespmem:s28+$0x4000]  }
0x4f3: {  	v6 =	vld [tilespmem:s20+$0x4000];
	s22 =	sand.u32 $0x3FFFFFF0, s22;
	s17 =	sshll.u32 s17, $0x4;
	s29 =	simm.s32 $0x6  }
0x4f4: {  	s2 =	sshll.u32 s5, $0x4;
	v7 =	vld [tilespmem:s22+$0x4000];
	s17 =	sand.u32 $0x3FFFFFF0, s17;
	s29 =	smov.u32 @p0 s12  }
0x4f5: {  	s6 =	simm.s32 $0x3E4;
	s20 =	sand.u32 $0x3FFFFFF0, s19;
	v8 =	vld [tilespmem:s17+$0x4000];
	s22 =	sshll.u32 s29, $0x4  }
0x4f6: {  	s5 =	simm.s32 $0x1E;
	s21 =	simm.s32 $0x9;
	v9 =	vld [tilespmem:s20+$0x4000];
	s17 =	sand.u32 $0x3FFFFFF0, s22  }
0x4f7: {  	s18 =	sand.u32 $0x3FFFFFF0, s15;
	s19 =	sshll.u32 s26, $0x4;
	s21 =	smov.u32 @p0 s10;
	v4 =	vadd.s32 v4, v5;
	v5 =	vld [tilespmem:s17+$0x4000]  }
0x4f8: {  	s30 =	simm.s32 $0x16;
	s20 =	sand.u32 $0x3FFFFFF0, s19;
	s21 =	sshll.u32 s21, $0x4;
	v4 =	vadd.s32 v4, v6;
	v6 =	vld [tilespmem:s18+$0x4000]  }
0x4f9: {  	s0 =	simm.s32 $0xF;
	s25 =	sand.u32 $0x3FFFFFF0, s23;
	s22 =	sand.u32 $0x3FFFFFF0, s21;
	v4 =	vadd.s32 v4, v7;
	v7 =	vld [tilespmem:s20+$0x4000]  }
0x4fa: {  	s23 =	simm.s32 $0x1B;
	s0 =	smov.u32 @p0 s1;
	s26 =	sshll.u32 s24, $0x4;
	v54 =	vld [tilespmem:s22+$0x4000];
	v4 =	vadd.s32 v4, v8  }
0x4fb: {  	v55 =	vld [tilespmem:s25+$0x4000];
	s1 =	simm.s32 $0x3E1;
	s10 =	sand.u32 $0x3FFFFFF0, s26;
	s12 =	sshll.u32 s9, $0x4;
	v4 =	vadd.s32 v4, v9  }
0x4fc: {  	s25 =	simm.s32 $0x18;
	s23 =	smov.u32 @p0 s6;
	s15 =	sand.u32 $0x3FFFFFF0, s12;
	v4 =	vadd.s32 v4, v5;
	v5 =	vld [tilespmem:s10+$0x4000]  }
0x4fd: {  	s6 =	simm.s32 $0x3D7;
	[dreg:$0x11] =	wrdreg s31;
	s17 =	sand.u32 $0x3FFFFFF0, s16;
	v4 =	vadd.s32 v4, v6;
	v6 =	vld [tilespmem:s15+$0x4000]  }
0x4fe: {  	s0 =	sshll.u32 s0, $0x4;
	s24 =	simm.s32 $0x17;
	s18 =	sand.u32 $0x3FFFFFF0, s2;
	v4 =	vadd.s32 v4, v7;
	v7 =	vld [tilespmem:s17+$0x4000]  }
0x4ff: {  	s5 =	smov.u32 @p0 s1;
	s0 =	sand.u32 $0x3FFFFFF0, s0;
	s19 =	simm.s32 $0x3EF;
	v56 =	vld [tilespmem:s18+$0x4000];
	v4 =	vadd.s32 v4, v54  }
0x500: {  	s26 =	simm.s32 $0x10;
	v57 =	vld [tilespmem:s0+$0x4000];
	s0 =	simm.s32 $0x1F;
	s9 =	simm.s32 $0x3E6;
	v4 =	vadd.s32 v4, v55  }
0x501: {  	s28 =	simm.s32 $0x19;
	s26 =	smov.u32 @p0 s19;
	s19 =	simm.s32 $0x11;
	v4 =	vadd.s32 v4, v5  }
0x502: {  	s12 =	simm.s32 $0x3E8;
	s0 =	smov.u32 @p0 s8;
	s8 =	simm.s32 $0x1C;
	v4 =	vadd.s32 v4, v6  }
0x503: {  	s29 =	simm.s32 $0x14;
	s26 =	sshll.u32 s26, $0x4;
	s28 =	smov.u32 @p0 s9;
	v4 =	vadd.s32 v4, v7  }
0x504: {  	s21 =	simm.s32 $0x3ED;
	s26 =	sand.u32 $0x3FFFFFF0, s26;
	s24 =	smov.u32 @p0 s12;
	v4 =	vadd.s32 v4, v56  }
0x505: {  	s8 =	smov.u32 @p0 s3;
	s0 =	sshll.u32 s0, $0x4;
	s3 =	simm.s32 $0x3D0;
	v4 =	vadd.s32 v4, v57  }
0x506: {  	s22 =	simm.s32 $0x1A;
	s12 =	sshll.u32 s24, $0x4;
	s24 =	sshll.u32 s23, $0x4;
	(xrf0) =	vadd.scan.msk.s32 $0xffff, v4  }
0x507: {  	s8 =	sshll.u32 s8, $0x4;
	s0 =	sand.u32 $0x3FFFFFF0, s0;
	s23 =	simm.s32 $0x3D6  }
0x508: {  	s22 =	smov.u32 @p0 s7;
	s16 =	simm.s32 $0x3EC;
	s20 =	simm.s32 $0x3EE  }
0x509: {  	s18 =	simm.s32 $0x3EA;
	s19 =	smov.u32 @p0 s20;
	s20 =	simm.s32 $0x12  }
0x50a: {  	s20 =	smov.u32 @p0 s21;
	s21 =	simm.s32 $0x13;
	s19 =	sshll.u32 s19, $0x4  }
0x50b: {  	v63 =	vld [tilespmem:s0+$0x4000];
	s10 =	simm.s32 $0x3E9;
	s21 =	smov.u32 @p0 s16;
	s19 =	sand.u32 $0x3FFFFFF0, s19  }
0x50c: {  	s16 =	simm.s32 $0x15;
	s20 =	sshll.u32 s20, $0x4;
	s17 =	simm.s32 $0x3EB;
	v5 =	vld [tilespmem:s19+$0x4000];
	v4, _, _ =	vpop (xrf0)  }
0x50d: {  	s20 =	sand.u32 $0x3FFFFFF0, s20;
	s21 =	sshll.u32 s21, $0x4;
	s29 =	smov.u32 @p0 s17;
	(v2sf) =	vpush v4, $0xF;
	v4 =	vld [tilespmem:s26+$0x4000]  }
0x50e: {  	s16 =	smov.u32 @p0 s18;
	s19 =	sand.u32 $0x3FFFFFF0, s21;
	v6 =	vld [tilespmem:s20+$0x4000];
	s20 =	sshll.u32 s29, $0x4  }
0x50f: {  	s30 =	smov.u32 @p0 s10;
	s16 =	sshll.u32 s16, $0x4;
	v7 =	vld [tilespmem:s19+$0x4000];
	s21 =	sand.u32 $0x3FFFFFF0, s20  }
0x510: {  	s15 =	simm.s32 $0x3E7;
	s16 =	sand.u32 $0x3FFFFFF0, s16;
	v58 =	vld [tilespmem:s21+$0x4000];
	s26 =	sshll.u32 s30, $0x4  }
0x511: {  	s9 =	sand.u32 $0x3FFFFFF0, s8;
	s25 =	smov.u32 @p0 s15;
	v59 =	vld [tilespmem:s16+$0x4000];
	s17 =	sand.u32 $0x3FFFFFF0, s26  }
0x512: {  	s7 =	simm.s32 $0x0;
	s18 =	sand.u32 $0x3FFFFFF0, s12;
	s15 =	sshll.u32 s25, $0x4;
	v4 =	vadd.s32 v4, v5;
	v5 =	vld [tilespmem:s17+$0x4000]  }
0x513: {  	[smem:$0x7D3] =	sst s23;
	s19 =	sand.u32 $0x3FFFFFF0, s15;
	s20 =	sshll.u32 s28, $0x4;
	v4 =	vadd.s32 v4, v6;
	v6 =	vld [tilespmem:s18+$0x4000]  }
0x514: {  	s8 =	simm.s32 $0x2E;
	s22 =	sshll.u32 s22, $0x4;
	s21 =	sand.u32 $0x3FFFFFF0, s20;
	v4 =	vadd.s32 v4, v7;
	v7 =	vld [tilespmem:s19+$0x4000]  }
0x515: {  	s23 =	simm.s32 $0x28;
	s2 =	simm.s32 $0x3E2;
	s25 =	sand.u32 $0x3FFFFFF0, s22;
	v60 =	vld [tilespmem:s21+$0x4000];
	v4 =	vadd.s32 v4, v58  }
0x516: {  	s4 =	smov.u32 @p0 s2;
	s2 =	simm.s32 $0x2F;
	v61 =	vld [tilespmem:s25+$0x4000];
	s26 =	sand.u32 $0x3FFFFFF0, s24;
	v4 =	vadd.s32 v4, v59  }
0x517: {  	s0 =	simm.s32 $0x25;
	s2 =	smov.u32 @p0 s3;
	s10 =	sshll.u32 s4, $0x4;
	v4 =	vadd.s32 v4, v5;
	v5 =	vld [tilespmem:s26+$0x4000]  }
0x518: {  	s3 =	simm.s32 $0x29;
	s12 =	sshll.u32 s5, $0x4;
	s1 =	sand.u32 $0x3FFFFFF0, s10;
	v4 =	vadd.s32 v4, v6;
	v6 =	vld [tilespmem:s9+$0x4000]  }
0x519: {  	s5 =	simm.s32 $0x3DE;
	s22 =	simm.s32 $0x3D1;
	s16 =	sand.u32 $0x3FFFFFF0, s12;
	v4 =	vadd.s32 v4, v7;
	v7 =	vld [tilespmem:s1+$0x4000]  }
0x51a: {  	s4 =	simm.s32 $0x2A;
	s10 =	simm.s32 $0x3D8;
	[dreg:$0x17] =	wrdreg s22;
	v62 =	vld [tilespmem:s16+$0x4000];
	v4 =	vadd.s32 v4, v60  }
0x51b: {  	s25 =	simm.s32 $0x3D4;
	s12 =	simm.s32 $0x3D9;
	s22 =	simm.s32 $0x27;
	v4 =	vadd.s32 v4, v61  }
0x51c: {  	[smem:$0x7D5] =	sst s25;
	s16 =	simm.s32 $0x2D;
	s25 =	simm.s32 $0x23;
	v4 =	vadd.s32 v4, v5  }
0x51d: {  	s29 =	simm.s32 $0x24;
	s28 =	simm.s32 $0x2F;
	s20 =	simm.s32 $0x3D3;
	v4 =	vadd.s32 v4, v6  }
0x51e: {  	[dreg:$0x1f] =	wrdreg s20;
	s21 =	simm.s32 $0x3D2;
	s20 =	simm.s32 $0x2C;
	v4 =	vadd.s32 v4, v7  }
0x51f: {  	[dreg:$0x1b] =	wrdreg s21;
	s21 =	simm.s32 $0x3DC;
	s24 =	simm.s32 $0x3D5;
	v4 =	vadd.s32 v4, v62  }
0x520: {  	s30 =	simm.s32 $0x3C0;
	[smem:$0x7D4] =	sst s24;
	s24 =	simm.s32 $0x3DA;
	v4 =	vadd.s32 v4, v63  }
0x521: {  	s17 =	simm.s32 $0x0;
	s18 =	simm.s32 $0x0;
	s15 =	spop (v2sf);
	(xrf0) =	vadd.scan.msk.s32 $0xffff, v4  }
0x522: {  	[dreg:$0x7] =	wrdreg s18;
	s18 =	simm.s32 $0x3DB;
	s26 =	sadd.s32 $0x0, s15  }
0x523: {  	s9 =	simm.s32 $0x2B;
	s1 =	sxor.u32 $0x1, s17;
	p2 =	slt.s32 s26, s31  }
0x524: {  	s15 =	simm.s32 $0x3DD;
	s31 =	simm.s32 $0x20;
	s1 =	simm.s32 @p2 $0x0  }
0x525: {  	[dreg:$0xb] =	wrdreg s26;
	p2 =	seq.s32 s1, $0x0;
	s19 =	sor.u32 s17, s1  }
0x526: {  	s1 =	simm.s32 $0x0;
	s17 =	simm.s32 $0x3DF;
	[dreg:$0xf] =	wrdreg s19  }
0x527: {  	s7 =	smov.u32 @p2 s7;
	s1 =	smov.u32 @p2 s1;
	s19 =	simm.s32 $0x26;
	v4, _, _ =	vpop (xrf0)  }
.LBB2_42:
0x528: {  	[smem:$0x7D2] =	sst s1  }
0x529: {  	[smem:$0x7D1] =	sst s7;
	p2 =	seq.s32 s30, $0x0;
	s31 =	smov.u32 @p0 s17  }
0x52a: {  	s1 =	sadd.s32 $0xFFFFFFF2, s28;
	s25 =	smov.u32 @p0 s21;
	s29 =	smov.u32 @p0 s18  }
0x52b: {  	s0 =	smov.u32 @p0 s24;
	s19 =	smov.u32 @p0 s12;
	s22 =	smov.u32 @p0 s10  }
0x52c: {  	s23 =	smov.u32 @p0 s6;
	s17 =	sshll.u32 s31, $0x4;
	s1 =	smov.u32 @p0 s5  }
0x52d: {  	s5 =	sadd.s32 $0xFFFFFFF3, s28;
	s21 =	sshll.u32 s29, $0x4;
	s0 =	sshll.u32 s0, $0x4  }
0x52e: {  	s7 =	sand.u32 $0x3FFFFFF0, s17;
	s1 =	sshll.u32 s1, $0x4;
	s5 =	smov.u32 @p0 s15  }
0x52f: {  	(v2sf) =	vpush v4, $0xF;
	s10 =	sshll.u32 s22, $0x4;
	v4 =	vld [tilespmem:s7+$0x4000];
	s1 =	sand.u32 $0x3FFFFFF0, s1;
	s5 =	sshll.u32 s5, $0x4  }
0x530: {  	s17 =	sshll.u32 s25, $0x4;
	v5 =	vld [tilespmem:s1+$0x4000];
	s15 =	sand.u32 $0x3FFFFFF0, s5;
	s5 =	sshll.u32 s19, $0x4  }
0x531: {  	s18 =	sand.u32 $0x3FFFFFF0, s17;
	v6 =	vld [tilespmem:s15+$0x4000];
	s7 =	sand.u32 $0x3FFFFFF0, s5;
	s5 =	sld [smem:$0x7D3]  }
0x532: {  	s28 =	sadd.s32 $0x10, s28;
	s25 =	sand.u32 $0x3FFFFFF0, s21;
	s0 =	sand.u32 $0x3FFFFFF0, s0;
	v7 =	vld [tilespmem:s18+$0x4000]  }
0x533: {  	s12 =	sand.u32 $0x3FFFFFF0, s10;
	s10 =	sshll.u32 s2, $0x4;
	s15 =	sshll.u32 s23, $0x4  }
0x534: {  	v8 =	vld [tilespmem:s25+$0x4000];
	s17 =	sand.u32 $0x3FFFFFF0, s15;
	s15 =	rddreg [dreg:$0xf];
	s3 =	smov.u32 @p0 s5  }
0x535: {  	s29 =	sadd.s32 $0xFFFFFFF5, s28;
	v9 =	vld [tilespmem:s0+$0x4000];
	v4 =	vadd.s32 v4, v5;
	s18 =	sshll.u32 s3, $0x4;
	s3 =	sld [smem:$0x7D4]  }
0x536: {  	s31 =	sadd.s32 $0xFFFFFFF1, s28;
	s0 =	sld [smem:$0x7D1];
	s2 =	sxor.u32 $0x1, s15;
	v4 =	vadd.s32 v4, v6;
	v6 =	vld [tilespmem:s12+$0x4000]  }
0x537: {  	s19 =	sand.u32 $0x3FFFFFF0, s18;
	s12 =	sand.u32 $0x3FFFFFF0, s10;
	v4 =	vadd.s32 v4, v7;
	v7 =	vld [tilespmem:s17+$0x4000];
	s17 =	rddreg [dreg:$0xb]  }
0x538: {  	s10 =	sadd.s32 $0x8, s30;
	v60 =	vld [tilespmem:s19+$0x4000];
	s4 =	smov.u32 @p0 s3;
	s3 =	sld [smem:$0x7D5]  }
0x539: {  	v63 =	vld [tilespmem:s12+$0x4000];
	s19 =	rddreg [dreg:$0x7];
	s12 =	sadd.s32 $0x9, s30;
	s21 =	sshll.u32 s4, $0x4  }
0x53a: {  	v5 =	vld [tilespmem:s7+$0x4000];
	s1 =	smov.u32 s17;
	s17 =	sadd.s32 $0xF, s30;
	s22 =	sand.u32 $0x3FFFFFF0, s21  }
0x53b: {  	s21 =	sadd.s32 $0x2, s30;
	s9 =	smov.u32 @p0 s3;
	s3 =	rddreg [dreg:$0x1f]  }
0x53c: {  	s23 =	sshll.u32 s9, $0x4;
	s20 =	smov.u32 @p0 s3;
	s3 =	rddreg [dreg:$0x1b]  }
0x53d: {  	v4 =	vadd.s32 v4, v8;
	v61 =	vld [tilespmem:s22+$0x4000];
	s22 =	sadd.s32 $0x1, s30;
	[dreg:$0x1b] =	wrdreg s21;
	s24 =	sand.u32 $0x3FFFFFF0, s23  }
0x53e: {  	v4 =	vadd.s32 v4, v9;
	s25 =	sshll.u32 s20, $0x4;
	s16 =	smov.u32 @p0 s3;
	s3 =	rddreg [dreg:$0x17]  }
0x53f: {  	v4 =	vadd.s32 v4, v5;
	v5 =	vld [tilespmem:s24+$0x4000];
	s4 =	sand.u32 $0x3FFFFFF0, s25;
	s5 =	sshll.u32 s16, $0x4;
	s8 =	smov.u32 @p0 s3  }
0x540: {  	v4 =	vadd.s32 v4, v6;
	[dreg:$0x17] =	wrdreg s22;
	v6 =	vld [tilespmem:s4+$0x4000];
	s6 =	sand.u32 $0x3FFFFFF0, s5;
	s7 =	sshll.u32 s8, $0x4  }
0x541: {  	v4 =	vadd.s32 v4, v7;
	s20 =	sadd.s32 $0x3, s30;
	s16 =	rddreg [dreg:$0x11];
	v7 =	vld [tilespmem:s6+$0x4000];
	s9 =	sand.u32 $0x3FFFFFF0, s7  }
0x542: {  	s21 =	sadd.s32 $0xC, s30;
	v4 =	vadd.s32 v4, v60;
	s23 =	sadd.s32 $0x6, s30;
	[dreg:$0x1f] =	wrdreg s20;
	v62 =	vld [tilespmem:s9+$0x4000]  }
0x543: {  	s22 =	sadd.s32 $0xFFFFFFF8, s28;
	[smem:$0x7D3] =	sst s23;
	s24 =	sadd.s32 $0x5, s30;
	v4 =	vadd.s32 v4, v61  }
0x544: {  	s25 =	sadd.s32 $0x4, s30;
	s20 =	sadd.s32 $0xFFFFFFFD, s28;
	[smem:$0x7D4] =	sst s24;
	v4 =	vadd.s32 v4, v5  }
0x545: {  	s23 =	sadd.s32 $0xFFFFFFF9, s28;
	s8 =	spop (v2sf);
	[smem:$0x7D5] =	sst s25;
	v4 =	vadd.s32 v4, v6  }
0x546: {  	s24 =	sadd.s32 $0xA, s30;
	s5 =	sadd.s32 $0xE, s30;
	s4 =	sadd.s32 $0xFFFFFFFB, s28;
	v4 =	vadd.s32 v4, v7  }
0x547: {  	s25 =	sadd.s32 $0xFFFFFFF4, s28;
	s26 =	sadd.s32 s26, s8;
	s7 =	sadd.s32 $0x1, s19;
	v4 =	vadd.s32 v4, v62  }
0x548: {  	s6 =	sadd.s32 $0x7, s30;
	s8 =	sadd.s32 $0xFFFFFFFF, s28;
	s19 =	sadd.s32 $0xFFFFFFF7, s28;
	v4 =	vadd.s32 v4, v63  }
0x549: {  	p3 =	slt.s32 s26, s16;
	s18 =	smov.u32 s26;
	[dreg:$0x7] =	wrdreg s7;
	(xrf0) =	vadd.scan.msk.s32 $0xffff, v4  }
0x54a: {  	s16 =	sadd.s32 $0xFFFFFFFE, s28;
	s9 =	sadd.s32 $0xFFFFFFFC, s28;
	s2 =	simm.s32 @p3 $0x0  }
.Ltmp20:
0x54b: {  	[dreg:$0xb] =	wrdreg s18;
	p3 =	seq.s32 s2, $0x0;
	(pc) =	sbr.rel @!p2 .LBB2_42-.Ltmp20, $4  }
0x54c: {  	s18 =	sadd.s32 $0xB, s30;
	s7 =	smov.u32 @p3 s0;
	s0 =	sld [smem:$0x7D2]  }
0x54d: {  	s3 =	sor.u32 s15, s2;
	s15 =	sadd.s32 $0xD, s30;
	s2 =	smov.u32 s28  }
0x54e: {  	[dreg:$0xf] =	wrdreg s3;
	s2 =	smov.u32 @p0 s30;
	s3 =	sadd.s32 $0xFFFFFFFA, s28  }
0x54f: {  	s30 =	sadd.s32 $0xFFFFFFF0, s30;
	s1 =	smov.u32 @p3 s0;
	s0 =	sadd.s32 $0xFFFFFFF6, s28;
	v4, _, _ =	vpop (xrf0)  }
0x550: {  	s31 =	smov.u32 @p0 s17;
	s0 =	smov.u32 @p0 s24  }
0x551: {  	s17 =	sadd.s32 $0xFFFFFFF2, s28;
	s28 =	sadd.s32 $0xFFFFFFF3, s28;
	s0 =	sshll.u32 s0, $0x4  }
0x552: {  	s25 =	smov.u32 @p0 s21;
	s29 =	smov.u32 @p0 s18;
	s0 =	sand.u32 $0x3FFFFFF0, s0  }
0x553: {  	s17 =	smov.u32 @p0 s5;
	s31 =	sshll.u32 s31, $0x4;
	v10 =	vld [tilespmem:s0+$0x4000];
	s0 =	sld [smem:$0x7D3]  }
0x554: {  	s28 =	smov.u32 @p0 s15;
	s5 =	sand.u32 $0x3FFFFFF0, s31;
	s17 =	sshll.u32 s17, $0x4  }
0x555: {  	s28 =	sshll.u32 s28, $0x4;
	s31 =	sshll.u32 s25, $0x4;
	v5 =	vld [tilespmem:s5+$0x4000];
	s21 =	sand.u32 $0x3FFFFFF0, s17  }
0x556: {  	s30 =	sand.u32 $0x3FFFFFF0, s28;
	v6 =	vld [tilespmem:s21+$0x4000];
	s3 =	smov.u32 @p0 s0;
	s0 =	sld [smem:$0x7D4]  }
0x557: {  	s19 =	smov.u32 @p0 s12;
	s18 =	sshll.u32 s29, $0x4;
	s17 =	sand.u32 $0x3FFFFFF0, s31;
	v7 =	vld [tilespmem:s30+$0x4000]  }
0x558: {  	s22 =	smov.u32 @p0 s10;
	s23 =	smov.u32 @p0 s6;
	v8 =	vld [tilespmem:s17+$0x4000];
	s21 =	sand.u32 $0x3FFFFFF0, s18  }
0x559: {  	s24 =	sshll.u32 s19, $0x4;
	v9 =	vld [tilespmem:s21+$0x4000];
	s4 =	smov.u32 @p0 s0;
	s0 =	sld [smem:$0x7D5]  }
0x55a: {  	s25 =	sand.u32 $0x3FFFFFF0, s24;
	s28 =	sshll.u32 s22, $0x4;
	s30 =	sshll.u32 s23, $0x4  }
0x55b: {  	v11 =	vld [tilespmem:s25+$0x4000];
	s29 =	sand.u32 $0x3FFFFFF0, s28;
	s31 =	sand.u32 $0x3FFFFFF0, s30;
	s3 =	sshll.u32 s3, $0x4;
	v5 =	vadd.s32 v5, v6  }
0x55c: {  	s3 =	sand.u32 $0x3FFFFFF0, s3;
	v6 =	vld [tilespmem:s29+$0x4000];
	v5 =	vadd.s32 v5, v7;
	s9 =	smov.u32 @p0 s0;
	s0 =	rddreg [dreg:$0x1f]  }
0x55d: {  	v7 =	vld [tilespmem:s31+$0x4000];
	s5 =	sshll.u32 s4, $0x4;
	v5 =	vadd.s32 v5, v8;
	s20 =	smov.u32 @p0 s0;
	s0 =	rddreg [dreg:$0x1b]  }
0x55e: {  	v59 =	vld [tilespmem:s3+$0x4000];
	s6 =	sand.u32 $0x3FFFFFF0, s5;
	v5 =	vadd.s32 v5, v9;
	s10 =	sshll.u32 s9, $0x4;
	s16 =	smov.u32 @p0 s0  }
0x55f: {  	v60 =	vld [tilespmem:s6+$0x4000];
	v5 =	vadd.s32 v5, v10;
	s12 =	sand.u32 $0x3FFFFFF0, s10;
	s15 =	sshll.u32 s20, $0x4;
	s0 =	rddreg [dreg:$0x17]  }
0x560: {  	v5 =	vadd.s32 v5, v11;
	v61 =	vld [tilespmem:s12+$0x4000];
	s8 =	smov.u32 @p0 s0;
	s17 =	sand.u32 $0x3FFFFFF0, s15;
	s18 =	sshll.u32 s16, $0x4  }
0x561: {  	v5 =	vadd.s32 v5, v6;
	v62 =	vld [tilespmem:s17+$0x4000];
	s19 =	sand.u32 $0x3FFFFFF0, s18;
	s20 =	sshll.u32 s8, $0x4  }
0x562: {  	s2 =	sshll.u32 s2, $0x4;
	v5 =	vadd.s32 v5, v7;
	v6 =	vld [tilespmem:s19+$0x4000];
	s21 =	sand.u32 $0x3FFFFFF0, s20  }
0x563: {  	s22 =	sand.u32 $0x3FFFFFF0, s2;
	v5 =	vadd.s32 v5, v59;
	v7 =	vld [tilespmem:s21+$0x4000]  }
0x564: {  	v63 =	vld [tilespmem:s22+$0x4000];
	v5 =	vadd.s32 v5, v60  }
0x565: {  	v5 =	vadd.s32 v5, v61  }
0x566: {  	v5 =	vadd.s32 v5, v62  }
0x567: {  	v5 =	vadd.s32 v5, v6  }
0x568: {  	v5 =	vadd.s32 v5, v7  }
0x569: {  	v5 =	vadd.s32 v5, v63  }
0x56a: {  	(xrf0) =	vadd.scan.msk.s32 $0xffff, v5;
	_ =	sdelay $0x3  }
0x56b: {  	(v2sf) =	vpush v4, $0xF;
	_ =	sdelay $0x1  }
0x56c: {  	v4, _, _ =	vpop (xrf0)  }
0x56d: {  	(v2sf) =	vpush v4, $0xF;
	_ =	sdelay $0xb  }
0x56e: {  	s24 =	rddreg [dreg:$0xf];
	s23 =	spop (v2sf)  }
0x56f: {  	s5 =	sadd.s32 s26, s23;
	s19 =	rddreg [dreg:$0x11]  }
0x570: {  	s0 =	sxor.u32 $0x1, s24;
	s26 =	rddreg [dreg:$0x7];
	p2 =	slt.s32 s5, s19  }
0x571: {  	s4 =	sadd.s32 $0x1, s26;
	s0 =	simm.s32 @p2 $0x0;
	s25 =	spop (v2sf)  }
0x572: {  	s3 =	sor.u32 s24, s0;
	p2 =	seq.s32 s0, $0x0;
	s2 =	sadd.s32 s5, s25  }
0x573: {  	s0 =	sxor.u32 $0x1, s3;
	s3 =	rddreg [dreg:$0xb];
	p3 =	slt.s32 s2, s19  }
0x574: {  	s3 =	smov.u32 @p2 s1;
	s2 =	smov.u32 s4;
	s0 =	simm.s32 @p3 $0x0  }
0x575: {  	s2 =	smov.u32 @p2 s7;
	p2 =	seq.s32 s0, $0x0;
	s0 =	sadd.s32 $0x1, s4  }
0x576: {  	s0 =	smov.u32 @p2 s2  }
0x577: {  	s17 =	sshll.u32 s0, $0x4  }
0x578: {  	s0 =	ssub.s32 $0x3FF, s17;
	s1 =	sadd.s32 $0x0, s17  }
0x579: {  	s1 =	smov.u32 @p0 s0  }
0x57a: {  	s1 =	sshll.u32 s1, $0x4  }
0x57b: {  	s1 =	sand.u32 $0x3FFFFFF0, s1  }
0x57c: {  	v4 =	vld [tilespmem:s1+$0x4000];
	_ =	sdelay $0x4  }
0x57d: {  	(xrf0) =	vadd.scan.msk.s32 $0xffff, v4;
	_ =	sdelay $0x2  }
0x57e: {  	s0 =	sadd.s32 $0xFFFFFFFF, s0;
	s1 =	sadd.s32 $0x1, s17  }
0x57f: {  	s1 =	smov.u32 @p0 s0  }
0x580: {  	s1 =	sshll.u32 s1, $0x4  }
0x581: {  	s2 =	sadd.s32 $0x2, s17;
	s0 =	sadd.s32 $0xFFFFFFFF, s0;
	s1 =	sand.u32 $0x3FFFFFF0, s1;
	v4, _, _ =	vpop (xrf0)  }
0x582: {  	s2 =	smov.u32 @p0 s0;
	(v2sf) =	vpush v4, $0xF;
	v4 =	vld [tilespmem:s1+$0x4000]  }
0x583: {  	s2 =	sshll.u32 s2, $0x4  }
0x584: {  	s28 =	sand.u32 $0x3FFFFFF0, s2  }
0x585: {  	v5 =	vld [tilespmem:s28+$0x4000];
	_ =	sdelay $0x1  }
0x586: {  	(xrf0) =	vadd.scan.msk.s32 $0xffff, v4;
	_ =	sdelay $0x2  }
0x587: {  	(xrf0) =	vadd.scan.msk.s32 $0xffff, v5;
	_ =	sdelay $0x1  }
0x588: {  	s0 =	sadd.s32 $0xFFFFFFFF, s0;
	s1 =	sadd.s32 $0x3, s17  }
0x589: {  	s1 =	smov.u32 @p0 s0;
	v5, _, _ =	vpop (xrf0)  }
0x58a: {  	s1 =	sshll.u32 s1, $0x4;
	(v2sf) =	vpush v5, $0xF  }
0x58b: {  	s29 =	sand.u32 $0x3FFFFFF0, s1  }
0x58c: {  	s10 =	simm.s32 $0x6;
	v4 =	vld [tilespmem:s29+$0x4000];
	v5, _, _ =	vpop (xrf0)  }
0x58d: {  	s16 =	rddreg [dreg:$0x4];
	s18 =	simm.s32 $0x5;
	s30 =	spop (v2sf);
	(v2sf) =	vpush v5, $0xF  }
0x58e: {  	s4 =	simm.s32 $0x1;
	s6 =	sadd.s32 $0x4, s17;
	s8 =	sadd.s32 $0xFFFFFFFF, s0  }
0x58f: {  	s5 =	smov.u32 @p2 s3;
	s3 =	simm.s32 $0x0;
	s6 =	smov.u32 @p0 s8  }
0x590: {  	s7 =	sxor.u32 $0x1, s3;
	s2 =	simm.s32 $0x3;
	s6 =	sshll.u32 s6, $0x4  }
0x591: {  	s9 =	sadd.s32 $0xFFFFFFFF, s8;
	s31 =	sand.u32 $0x3FFFFFF0, s6;
	(xrf0) =	vadd.scan.msk.s32 $0xffff, v4;
	s6 =	sadd.s32 s5, s30  }
0x592: {  	s8 =	simm.s32 $0x0;
	s0 =	simm.s32 $0x4;
	p2 =	slt.s32 s6, s19  }
0x593: {  	s1 =	simm.s32 $0x2;
	v4 =	vld [tilespmem:s31+$0x4000];
	s5 =	simm.s32 $0x0;
	s7 =	simm.s32 @p2 $0x0  }
.LBB2_44:
0x594: {  	s12 =	smov.u32 s3;
	p2 =	sne.s32 s10, $0xF  }
0x595: {  	s3 =	sadd.s32 s18, s17;
	s8 =	sor.u32 s8, s7;
	s15 =	smov.u32 s0  }
0x596: {  	s0 =	smov.u32 s18;
	s18 =	smov.u32 s10;
	s3 =	smov.u32 @p0 s9  }
0x597: {  	p3 =	seq.s32 s7, $0x0;
	v5, _, _ =	vpop (xrf0);
	s7 =	sshll.u32 s3, $0x4;
	s3 =	smov.u32 s5  }
.Ltmp21:
0x598: {  	(xrf0) =	vadd.scan.msk.s32 $0xffff, v4;
	(v2sf) =	vpush v5, $0xF;
	s3 =	smov.u32 @p3 s12;
	(pc) =	sbr.rel @p2 .LBB2_44-.Ltmp21, $4  }
0x599: {  	s5 =	smov.u32 s4;
	s7 =	sand.u32 $0x3FFFFFF0, s7;
	s12 =	spop (v2sf)  }
0x59a: {  	s4 =	smov.u32 s1;
	s1 =	smov.u32 s2;
	v4 =	vld [tilespmem:s7+$0x4000];
	s6 =	sadd.s32 s6, s12  }
0x59b: {  	s2 =	smov.u32 s15;
	s7 =	sxor.u32 $0x1, s8;
	p3 =	slt.s32 s6, s19  }
0x59c: {  	s10 =	sadd.s32 $0x1, s10;
	s9 =	sadd.s32 $0xFFFFFFFF, s9;
	s7 =	simm.s32 @p3 $0x0  }
0x59d: {  	_ =	sdelay $0x1  }
0x59e: {  	(xrf0) =	vadd.scan.msk.s32 $0xffff, v4;
	v4, _, _ =	vpop (xrf0)  }
0x59f: {  	s10 =	sadd.s32 s18, s17;
	(v2sf) =	vpush v4, $0xF  }
0x5a0: {  	s10 =	smov.u32 @p0 s9  }
0x5a1: {  	s9 =	sshll.u32 s10, $0x4  }
0x5a2: {  	s9 =	sand.u32 $0x3FFFFFF0, s9  }
0x5a3: {  	[smem:$0x7CF] =	sst s17;
	v5 =	vld [tilespmem:s9+$0x4000]  }
0x5a4: {  	s25 =	spop (v2sf);
	s8 =	sor.u32 s8, s7;
	s21 =	sld [smem:$0x7D6]  }
0x5a5: {  	s22 =	simm.s32 $0x3FD;
	s23 =	simm.s32 $0xA;
	s24 =	simm.s32 $0xB;
	v4, _, _ =	vpop (xrf0)  }
0x5a6: {  	s28 =	simm.s32 $0x0;
	s29 =	simm.s32 $0x1;
	s6 =	sadd.s32 s6, s25;
	(v2sf) =	vpush v4, $0xF  }
0x5a7: {  	s30 =	simm.s32 $0x5;
	s25 =	simm.s32 $0x7;
	p2 =	slt.s32 s6, s19  }
0x5a8: {  	s31 =	ssub.s32 s16, s21;
	s16 =	simm.s32 $0x3F7;
	s21 =	simm.s32 $0x3FE;
	(xrf0) =	vadd.scan.msk.s32 $0xffff, v5  }
0x5a9: {  	s9 =	sxor.u32 $0x1, s8;
	s29 =	smov.u32 @p1 s21;
	s21 =	simm.s32 $0x9  }
0x5aa: {  	[dreg:$0x12] =	wrdreg s31;
	s9 =	simm.s32 @p2 $0x0;
	s26 =	spop (v2sf)  }
0x5ab: {  	s29 =	sshll.u32 s29, $0x4;
	s8 =	sor.u32 s8, s9;
	s6 =	sadd.s32 s6, s26  }
0x5ac: {  	s10 =	sxor.u32 $0x1, s8;
	s26 =	simm.s32 $0x8;
	p2 =	slt.s32 s6, s19  }
0x5ad: {  	s26 =	smov.u32 @p1 s16;
	s10 =	simm.s32 @p2 $0x0;
	p2 =	seq.s32 s7, $0x0  }
0x5ae: {  	s8 =	sor.u32 s8, s10;
	s5 =	smov.u32 @p2 s3;
	v4, _, _ =	vpop (xrf0);
	s12 =	spop (v2sf)  }
0x5af: {  	p3 =	seq.s32 s10, $0x0;
	s10 =	simm.s32 $0x3F6;
	(v2sf) =	vpush v4, $0xF;
	s6 =	sadd.s32 s6, s12  }
0x5b0: {  	s3 =	sxor.u32 $0x1, s8;
	s21 =	smov.u32 @p1 s10;
	p2 =	slt.s32 s6, s19  }
0x5b1: {  	s21 =	sshll.u32 s21, $0x4;
	s12 =	simm.s32 $0x3F9;
	s3 =	simm.s32 @p2 $0x0  }
0x5b2: {  	p2 =	seq.s32 s9, $0x0;
	s9 =	simm.s32 $0xC;
	s7 =	sor.u32 s8, s3  }
0x5b3: {  	s4 =	smov.u32 @p2 s5;
	s8 =	simm.s32 $0x3F5;
	s5 =	sxor.u32 $0x1, s7  }
0x5b4: {  	s1 =	smov.u32 @p3 s4;
	s4 =	simm.s32 $0x3F3;
	s23 =	smov.u32 @p1 s8  }
0x5b5: {  	s8 =	simm.s32 $0x3E0;
	s15 =	spop (v2sf);
	s23 =	sshll.u32 s23, $0x4  }
0x5b6: {  	s9 =	smov.u32 @p1 s4;
	s6 =	sadd.s32 s6, s15;
	s15 =	simm.s32 $0x3F8  }
0x5b7: {  	s4 =	simm.s32 $0x1D;
	p2 =	slt.s32 s6, s19;
	s25 =	smov.u32 @p1 s15  }
0x5b8: {  	s5 =	simm.s32 @p2 $0x0;
	p2 =	seq.s32 s3, $0x0;
	s15 =	sshll.u32 s25, $0x4  }
0x5b9: {  	s25 =	sand.u32 $0x3FFFFFF0, s23;
	s23 =	simm.s32 $0x1B;
	s20 =	sor.u32 s7, s5  }
0x5ba: {  	s2 =	smov.u32 @p2 s1;
	p2 =	seq.s32 s5, $0x0;
	s1 =	simm.s32 $0x3F0  }
0x5bb: {  	s7 =	simm.s32 $0x3F4;
	s5 =	simm.s32 $0xE;
	v55 =	vld [tilespmem:s25+$0x8000];
	s25 =	simm.s32 $0x18  }
0x5bc: {  	s3 =	sxor.u32 $0x1, s20;
	s0 =	smov.u32 @p2 s2;
	s2 =	simm.s32 $0x3F1  }
0x5bd: {  	s20 =	simm.s32 $0x3FF;
	s24 =	smov.u32 @p1 s7;
	s7 =	simm.s32 $0x3E5  }
0x5be: {  	s28 =	smov.u32 @p1 s20;
	s20 =	simm.s32 $0x2;
	s17 =	spop (v2sf)  }
0x5bf: {  	s20 =	smov.u32 @p1 s22;
	s22 =	simm.s32 $0x3;
	s6 =	sadd.s32 s6, s17  }
0x5c0: {  	s28 =	sshll.u32 s28, $0x4;
	s17 =	simm.s32 $0x3FC;
	p3 =	slt.s32 s6, s19  }
0x5c1: {  	s28 =	sand.u32 $0x3FFFFFF0, s28;
	s20 =	sshll.u32 s20, $0x4;
	s3 =	simm.s32 @p3 $0x0  }
0x5c2: {  	s19 =	simm.s32 $0x3FA;
	s22 =	smov.u32 @p1 s17;
	p2 =	seq.s32 s3, $0x0  }
0x5c3: {  	s17 =	simm.s32 $0x4;
	v4 =	vld [tilespmem:s28+$0x8000];
	s28 =	sand.u32 $0x3FFFFFF0, s29;
	s18 =	smov.u32 @p2 s0  }
0x5c4: {  	s29 =	simm.s32 $0x6;
	[smem:$0x7D0] =	sst s18;
	s18 =	simm.s32 $0x3FB  }
0x5c5: {  	s20 =	sand.u32 $0x3FFFFFF0, s20;
	v5 =	vld [tilespmem:s28+$0x8000];
	s22 =	sshll.u32 s22, $0x4;
	s17 =	smov.u32 @p1 s18  }
0x5c6: {  	v6 =	vld [tilespmem:s20+$0x8000];
	s30 =	smov.u32 @p1 s19;
	s22 =	sand.u32 $0x3FFFFFF0, s22;
	s17 =	sshll.u32 s17, $0x4  }
0x5c7: {  	s29 =	smov.u32 @p1 s12;
	s19 =	sshll.u32 s30, $0x4;
	v7 =	vld [tilespmem:s22+$0x8000];
	s17 =	sand.u32 $0x3FFFFFF0, s17  }
0x5c8: {  	s5 =	smov.u32 @p1 s2;
	s20 =	sand.u32 $0x3FFFFFF0, s19;
	s22 =	sshll.u32 s29, $0x4;
	v8 =	vld [tilespmem:s17+$0x8000]  }
0x5c9: {  	s2 =	sshll.u32 s5, $0x4;
	s5 =	simm.s32 $0x1E;
	v9 =	vld [tilespmem:s20+$0x8000];
	s17 =	sand.u32 $0x3FFFFFF0, s22  }
0x5ca: {  	s6 =	simm.s32 $0xD;
	s19 =	sshll.u32 s26, $0x4;
	s18 =	sand.u32 $0x3FFFFFF0, s15;
	v4 =	vadd.s32 v4, v5;
	v5 =	vld [tilespmem:s17+$0x8000]  }
0x5cb: {  	s12 =	sshll.u32 s9, $0x4;
	s9 =	simm.s32 $0x3E6;
	s20 =	sand.u32 $0x3FFFFFF0, s19;
	v4 =	vadd.s32 v4, v6;
	v6 =	vld [tilespmem:s18+$0x8000]  }
0x5cc: {  	s28 =	simm.s32 $0x19;
	s3 =	simm.s32 $0x3F2;
	v4 =	vadd.s32 v4, v7;
	v7 =	vld [tilespmem:s20+$0x8000];
	s22 =	sand.u32 $0x3FFFFFF0, s21  }
0x5cd: {  	s30 =	simm.s32 $0x16;
	s28 =	smov.u32 @p1 s9;
	s26 =	sshll.u32 s24, $0x4;
	v54 =	vld [tilespmem:s22+$0x8000];
	v4 =	vadd.s32 v4, v8  }
0x5ce: {  	s0 =	simm.s32 $0xF;
	s6 =	smov.u32 @p1 s3;
	s10 =	sand.u32 $0x3FFFFFF0, s26;
	v4 =	vadd.s32 v4, v9  }
0x5cf: {  	s3 =	simm.s32 $0x3E3;
	s16 =	sshll.u32 s6, $0x4;
	s15 =	sand.u32 $0x3FFFFFF0, s12;
	v4 =	vadd.s32 v4, v5;
	v5 =	vld [tilespmem:s10+$0x8000]  }
0x5d0: {  	s24 =	simm.s32 $0x17;
	s0 =	smov.u32 @p1 s1;
	s17 =	sand.u32 $0x3FFFFFF0, s16;
	v4 =	vadd.s32 v4, v6;
	v6 =	vld [tilespmem:s15+$0x8000]  }
0x5d1: {  	s29 =	simm.s32 $0x14;
	s0 =	sshll.u32 s0, $0x4;
	s18 =	sand.u32 $0x3FFFFFF0, s2;
	v4 =	vadd.s32 v4, v7;
	v7 =	vld [tilespmem:s17+$0x8000]  }
0x5d2: {  	s1 =	simm.s32 $0x3E1;
	s6 =	simm.s32 $0x3E4;
	s0 =	sand.u32 $0x3FFFFFF0, s0;
	v56 =	vld [tilespmem:s18+$0x8000];
	v4 =	vadd.s32 v4, v54  }
0x5d3: {  	s19 =	simm.s32 $0x3EF;
	s26 =	simm.s32 $0x10;
	s12 =	simm.s32 $0x3E8;
	v57 =	vld [tilespmem:s0+$0x8000];
	v4 =	vadd.s32 v4, v55  }
0x5d4: {  	s26 =	smov.u32 @p1 s19;
	s19 =	simm.s32 $0x11;
	s23 =	smov.u32 @p1 s6;
	v4 =	vadd.s32 v4, v5  }
0x5d5: {  	s5 =	smov.u32 @p1 s1;
	s6 =	simm.s32 $0x3D7;
	s26 =	sshll.u32 s26, $0x4;
	v4 =	vadd.s32 v4, v6  }
0x5d6: {  	s24 =	smov.u32 @p1 s12;
	s0 =	simm.s32 $0x1F;
	s2 =	simm.s32 $0x3E2;
	v4 =	vadd.s32 v4, v7  }
0x5d7: {  	s26 =	sand.u32 $0x3FFFFFF0, s26;
	s12 =	sshll.u32 s24, $0x4;
	s24 =	sshll.u32 s23, $0x4;
	v4 =	vadd.s32 v4, v56  }
0x5d8: {  	s23 =	simm.s32 $0x3D6;
	s18 =	simm.s32 $0x3EA;
	s20 =	simm.s32 $0x3EE;
	v4 =	vadd.s32 v4, v57  }
0x5d9: {  	s21 =	simm.s32 $0x3ED;
	s0 =	smov.u32 @p1 s8;
	s8 =	simm.s32 $0x1C;
	(xrf0) =	vadd.scan.msk.s32 $0xffff, v4  }
0x5da: {  	s4 =	smov.u32 @p1 s2;
	[smem:$0x7CC] =	sst s23;
	s23 =	simm.s32 $0x3DB  }
0x5db: {  	s2 =	simm.s32 $0x2F;
	s19 =	smov.u32 @p1 s20;
	s20 =	simm.s32 $0x12  }
0x5dc: {  	s16 =	simm.s32 $0x3EC;
	s0 =	sshll.u32 s0, $0x4;
	s20 =	smov.u32 @p1 s21  }
0x5dd: {  	s21 =	simm.s32 $0x13;
	s19 =	sshll.u32 s19, $0x4;
	s0 =	sand.u32 $0x3FFFFFF0, s0  }
0x5de: {  	s21 =	smov.u32 @p1 s16;
	s20 =	sshll.u32 s20, $0x4;
	s19 =	sand.u32 $0x3FFFFFF0, s19;
	v63 =	vld [tilespmem:s0+$0x8000]  }
0x5df: {  	s16 =	simm.s32 $0x15;
	s20 =	sand.u32 $0x3FFFFFF0, s20;
	s17 =	simm.s32 $0x3EB;
	v5 =	vld [tilespmem:s19+$0x8000];
	v4, _, _ =	vpop (xrf0)  }
0x5e0: {  	s21 =	sshll.u32 s21, $0x4;
	s16 =	smov.u32 @p1 s18;
	s29 =	smov.u32 @p1 s17;
	(v2sf) =	vpush v4, $0xF;
	v4 =	vld [tilespmem:s26+$0x8000]  }
0x5e1: {  	s10 =	simm.s32 $0x3E9;
	s19 =	sand.u32 $0x3FFFFFF0, s21;
	v6 =	vld [tilespmem:s20+$0x8000];
	s20 =	sshll.u32 s29, $0x4  }
0x5e2: {  	s16 =	sshll.u32 s16, $0x4;
	s30 =	smov.u32 @p1 s10;
	v7 =	vld [tilespmem:s19+$0x8000];
	s21 =	sand.u32 $0x3FFFFFF0, s20  }
0x5e3: {  	s16 =	sand.u32 $0x3FFFFFF0, s16;
	s15 =	simm.s32 $0x3E7;
	v58 =	vld [tilespmem:s21+$0x8000];
	s26 =	sshll.u32 s30, $0x4  }
0x5e4: {  	s22 =	simm.s32 $0x1A;
	v59 =	vld [tilespmem:s16+$0x8000];
	s25 =	smov.u32 @p1 s15;
	s17 =	sand.u32 $0x3FFFFFF0, s26  }
0x5e5: {  	s8 =	smov.u32 @p1 s3;
	s18 =	sand.u32 $0x3FFFFFF0, s12;
	s15 =	sshll.u32 s25, $0x4;
	v4 =	vadd.s32 v4, v5;
	v5 =	vld [tilespmem:s17+$0x8000]  }
0x5e6: {  	s22 =	smov.u32 @p1 s7;
	s19 =	sand.u32 $0x3FFFFFF0, s15;
	s20 =	sshll.u32 s28, $0x4;
	v4 =	vadd.s32 v4, v6;
	v6 =	vld [tilespmem:s18+$0x8000]  }
0x5e7: {  	s3 =	simm.s32 $0x3D0;
	s22 =	sshll.u32 s22, $0x4;
	s21 =	sand.u32 $0x3FFFFFF0, s20;
	v4 =	vadd.s32 v4, v7;
	v7 =	vld [tilespmem:s19+$0x8000]  }
0x5e8: {  	s8 =	sshll.u32 s8, $0x4;
	s7 =	simm.s32 $0x0;
	s25 =	sand.u32 $0x3FFFFFF0, s22;
	v60 =	vld [tilespmem:s21+$0x8000];
	v4 =	vadd.s32 v4, v58  }
0x5e9: {  	s2 =	smov.u32 @p1 s3;
	s3 =	simm.s32 $0x29;
	v61 =	vld [tilespmem:s25+$0x8000];
	s26 =	sand.u32 $0x3FFFFFF0, s24;
	v4 =	vadd.s32 v4, v59  }
0x5ea: {  	s9 =	sand.u32 $0x3FFFFFF0, s8;
	s8 =	simm.s32 $0x2E;
	s10 =	sshll.u32 s4, $0x4;
	v4 =	vadd.s32 v4, v5;
	v5 =	vld [tilespmem:s26+$0x8000]  }
0x5eb: {  	s0 =	simm.s32 $0x25;
	s12 =	sshll.u32 s5, $0x4;
	s1 =	sand.u32 $0x3FFFFFF0, s10;
	v4 =	vadd.s32 v4, v6;
	v6 =	vld [tilespmem:s9+$0x8000]  }
0x5ec: {  	s5 =	simm.s32 $0x3DE;
	s16 =	sand.u32 $0x3FFFFFF0, s12;
	s12 =	simm.s32 $0x3D9;
	v4 =	vadd.s32 v4, v7;
	v7 =	vld [tilespmem:s1+$0x8000]  }
0x5ed: {  	v62 =	vld [tilespmem:s16+$0x8000];
	s16 =	simm.s32 $0x2D;
	s4 =	simm.s32 $0x2A;
	s22 =	simm.s32 $0x3D1;
	v4 =	vadd.s32 v4, v60  }
0x5ee: {  	s10 =	simm.s32 $0x3D8;
	[dreg:$0x18] =	wrdreg s22;
	s25 =	simm.s32 $0x3D4;
	v4 =	vadd.s32 v4, v61  }
0x5ef: {  	s22 =	simm.s32 $0x3DA;
	[smem:$0x7CE] =	sst s25;
	s25 =	simm.s32 $0x23;
	v4 =	vadd.s32 v4, v5  }
0x5f0: {  	s29 =	simm.s32 $0x24;
	s28 =	simm.s32 $0x2F;
	s20 =	simm.s32 $0x3D3;
	v4 =	vadd.s32 v4, v6  }
0x5f1: {  	[smem:$0x7CB] =	sst s20;
	s21 =	simm.s32 $0x3D2;
	s20 =	simm.s32 $0x2C;
	v4 =	vadd.s32 v4, v7  }
0x5f2: {  	[dreg:$0x1c] =	wrdreg s21;
	s21 =	simm.s32 $0x3DC;
	s24 =	simm.s32 $0x3D5;
	v4 =	vadd.s32 v4, v62  }
0x5f3: {  	s30 =	simm.s32 $0x3C0;
	[smem:$0x7CD] =	sst s24;
	s24 =	simm.s32 $0x27;
	v4 =	vadd.s32 v4, v63  }
0x5f4: {  	s17 =	simm.s32 $0x0;
	s18 =	simm.s32 $0x0;
	s15 =	spop (v2sf);
	(xrf0) =	vadd.scan.msk.s32 $0xffff, v4  }
0x5f5: {  	[dreg:$0x8] =	wrdreg s18;
	s18 =	simm.s32 $0x26;
	s26 =	sadd.s32 $0x0, s15  }
0x5f6: {  	s9 =	simm.s32 $0x2B;
	s1 =	sxor.u32 $0x1, s17;
	p2 =	slt.s32 s26, s31  }
0x5f7: {  	s15 =	simm.s32 $0x3DD;
	s31 =	simm.s32 $0x20;
	s1 =	simm.s32 @p2 $0x0  }
0x5f8: {  	[dreg:$0xc] =	wrdreg s26;
	p2 =	seq.s32 s1, $0x0;
	s19 =	sor.u32 s17, s1  }
0x5f9: {  	s1 =	simm.s32 $0x0;
	s17 =	simm.s32 $0x3DF;
	[dreg:$0x10] =	wrdreg s19  }
0x5fa: {  	s7 =	smov.u32 @p2 s7;
	s1 =	smov.u32 @p2 s1;
	s19 =	simm.s32 $0x28;
	v4, _, _ =	vpop (xrf0)  }
.LBB2_46:
0x5fb: {  	[smem:$0x7CA] =	sst s1  }
0x5fc: {  	[smem:$0x7C9] =	sst s7;
	p2 =	seq.s32 s30, $0x0;
	s31 =	smov.u32 @p1 s17  }
0x5fd: {  	s1 =	sadd.s32 $0xFFFFFFF2, s28;
	s25 =	smov.u32 @p1 s21;
	s29 =	smov.u32 @p1 s23  }
0x5fe: {  	s0 =	smov.u32 @p1 s22;
	s1 =	smov.u32 @p1 s5;
	s5 =	sadd.s32 $0xFFFFFFF3, s28  }
0x5ff: {  	s18 =	smov.u32 @p1 s12;
	s24 =	smov.u32 @p1 s10;
	s5 =	smov.u32 @p1 s15  }
0x600: {  	s19 =	smov.u32 @p1 s6;
	s17 =	sshll.u32 s31, $0x4;
	s5 =	sshll.u32 s5, $0x4  }
0x601: {  	s7 =	sand.u32 $0x3FFFFFF0, s17;
	s15 =	sand.u32 $0x3FFFFFF0, s5;
	s5 =	sshll.u32 s18, $0x4  }
0x602: {  	(v2sf) =	vpush v4, $0xF;
	s1 =	sshll.u32 s1, $0x4;
	v4 =	vld [tilespmem:s7+$0x8000];
	s7 =	sand.u32 $0x3FFFFFF0, s5;
	s5 =	sld [smem:$0x7CC]  }
0x603: {  	s23 =	sshll.u32 s29, $0x4;
	s0 =	sshll.u32 s0, $0x4;
	s1 =	sand.u32 $0x3FFFFFF0, s1  }
0x604: {  	s10 =	sshll.u32 s24, $0x4;
	s28 =	sadd.s32 $0x10, s28;
	s17 =	sshll.u32 s25, $0x4;
	v5 =	vld [tilespmem:s1+$0x8000]  }
0x605: {  	s25 =	sand.u32 $0x3FFFFFF0, s23;
	s21 =	sand.u32 $0x3FFFFFF0, s17;
	v6 =	vld [tilespmem:s15+$0x8000];
	s3 =	smov.u32 @p1 s5  }
0x606: {  	s0 =	sand.u32 $0x3FFFFFF0, s0;
	v7 =	vld [tilespmem:s21+$0x8000];
	s18 =	sshll.u32 s3, $0x4;
	s3 =	sld [smem:$0x7CD]  }
0x607: {  	s12 =	sand.u32 $0x3FFFFFF0, s10;
	s10 =	sshll.u32 s2, $0x4;
	v8 =	vld [tilespmem:s25+$0x8000];
	s15 =	sshll.u32 s19, $0x4  }
0x608: {  	s29 =	sadd.s32 $0xFFFFFFF5, s28;
	v9 =	vld [tilespmem:s0+$0x8000];
	s17 =	sand.u32 $0x3FFFFFF0, s15;
	s15 =	rddreg [dreg:$0x10]  }
0x609: {  	s31 =	sadd.s32 $0xFFFFFFF1, s28;
	v4 =	vadd.s32 v4, v5;
	v5 =	vld [tilespmem:s7+$0x8000];
	s4 =	smov.u32 @p1 s3;
	s3 =	sld [smem:$0x7CE]  }
0x60a: {  	s0 =	sld [smem:$0x7C9];
	s2 =	sxor.u32 $0x1, s15;
	v4 =	vadd.s32 v4, v6;
	v6 =	vld [tilespmem:s12+$0x8000];
	s19 =	sand.u32 $0x3FFFFFF0, s18  }
0x60b: {  	s12 =	sand.u32 $0x3FFFFFF0, s10;
	s10 =	sadd.s32 $0x8, s30;
	v4 =	vadd.s32 v4, v7;
	v7 =	vld [tilespmem:s17+$0x8000];
	s17 =	rddreg [dreg:$0xc]  }
0x60c: {  	v60 =	vld [tilespmem:s19+$0x8000];
	s21 =	sshll.u32 s4, $0x4;
	s9 =	smov.u32 @p1 s3;
	s3 =	sld [smem:$0x7CB]  }
0x60d: {  	v63 =	vld [tilespmem:s12+$0x8000];
	s19 =	rddreg [dreg:$0x8];
	s12 =	sadd.s32 $0x9, s30;
	s22 =	sand.u32 $0x3FFFFFF0, s21  }
0x60e: {  	s1 =	smov.u32 s17;
	s21 =	sadd.s32 $0x2, s30;
	v61 =	vld [tilespmem:s22+$0x8000];
	s22 =	sadd.s32 $0x1, s30  }
0x60f: {  	s23 =	sshll.u32 s9, $0x4;
	s20 =	smov.u32 @p1 s3;
	s3 =	rddreg [dreg:$0x1c]  }
0x610: {  	v4 =	vadd.s32 v4, v8;
	s24 =	sand.u32 $0x3FFFFFF0, s23;
	s23 =	sadd.s32 $0x6, s30;
	[dreg:$0x1c] =	wrdreg s21  }
0x611: {  	v4 =	vadd.s32 v4, v9;
	s25 =	sshll.u32 s20, $0x4;
	s16 =	smov.u32 @p1 s3;
	s3 =	rddreg [dreg:$0x18]  }
0x612: {  	v4 =	vadd.s32 v4, v5;
	v5 =	vld [tilespmem:s24+$0x8000];
	s4 =	sand.u32 $0x3FFFFFF0, s25;
	s5 =	sshll.u32 s16, $0x4;
	s8 =	smov.u32 @p1 s3  }
0x613: {  	v4 =	vadd.s32 v4, v6;
	[smem:$0x7CC] =	sst s23;
	v6 =	vld [tilespmem:s4+$0x8000];
	s6 =	sand.u32 $0x3FFFFFF0, s5;
	s7 =	sshll.u32 s8, $0x4  }
0x614: {  	v4 =	vadd.s32 v4, v7;
	s24 =	sadd.s32 $0x5, s30;
	[dreg:$0x18] =	wrdreg s22;
	v7 =	vld [tilespmem:s6+$0x8000];
	s9 =	sand.u32 $0x3FFFFFF0, s7  }
0x615: {  	s17 =	sadd.s32 $0xF, s30;
	v4 =	vadd.s32 v4, v60;
	s21 =	sadd.s32 $0xC, s30;
	[smem:$0x7CD] =	sst s24;
	v62 =	vld [tilespmem:s9+$0x8000]  }
0x616: {  	s23 =	sadd.s32 $0xB, s30;
	s20 =	sadd.s32 $0x3, s30;
	s16 =	rddreg [dreg:$0x12];
	v4 =	vadd.s32 v4, v61  }
0x617: {  	s22 =	sadd.s32 $0xA, s30;
	s24 =	sadd.s32 $0xFFFFFFF8, s28;
	[smem:$0x7CB] =	sst s20;
	v4 =	vadd.s32 v4, v5  }
0x618: {  	s25 =	sadd.s32 $0x4, s30;
	s20 =	sadd.s32 $0xFFFFFFFD, s28;
	s8 =	spop (v2sf);
	v4 =	vadd.s32 v4, v6  }
0x619: {  	[smem:$0x7CE] =	sst s25;
	s5 =	sadd.s32 $0xE, s30;
	s4 =	sadd.s32 $0xFFFFFFFB, s28;
	v4 =	vadd.s32 v4, v7  }
0x61a: {  	s25 =	sadd.s32 $0xFFFFFFF4, s28;
	s26 =	sadd.s32 s26, s8;
	s7 =	sadd.s32 $0x1, s19;
	v4 =	vadd.s32 v4, v62  }
0x61b: {  	s6 =	sadd.s32 $0x7, s30;
	s8 =	sadd.s32 $0xFFFFFFFF, s28;
	s19 =	sadd.s32 $0xFFFFFFF9, s28;
	v4 =	vadd.s32 v4, v63  }
0x61c: {  	p3 =	slt.s32 s26, s16;
	s18 =	smov.u32 s26;
	[dreg:$0x8] =	wrdreg s7;
	(xrf0) =	vadd.scan.msk.s32 $0xffff, v4  }
0x61d: {  	s16 =	sadd.s32 $0xFFFFFFFE, s28;
	s9 =	sadd.s32 $0xFFFFFFFC, s28;
	s2 =	simm.s32 @p3 $0x0  }
.Ltmp22:
0x61e: {  	[dreg:$0xc] =	wrdreg s18;
	p3 =	seq.s32 s2, $0x0;
	(pc) =	sbr.rel @!p2 .LBB2_46-.Ltmp22, $4  }
0x61f: {  	s18 =	sadd.s32 $0xFFFFFFF7, s28;
	s7 =	smov.u32 @p3 s0;
	s0 =	sld [smem:$0x7CA]  }
0x620: {  	s3 =	sor.u32 s15, s2;
	s15 =	sadd.s32 $0xD, s30;
	s2 =	smov.u32 s28  }
0x621: {  	[dreg:$0x10] =	wrdreg s3;
	s2 =	smov.u32 @p1 s30;
	s3 =	sadd.s32 $0xFFFFFFFA, s28  }
0x622: {  	s30 =	sadd.s32 $0xFFFFFFF0, s30;
	s1 =	smov.u32 @p3 s0;
	s0 =	sadd.s32 $0xFFFFFFF6, s28;
	v4, _, _ =	vpop (xrf0)  }
0x623: {  	s0 =	smov.u32 @p1 s22  }
0x624: {  	s31 =	smov.u32 @p1 s17;
	s0 =	sshll.u32 s0, $0x4  }
0x625: {  	s17 =	sadd.s32 $0xFFFFFFF2, s28;
	s28 =	sadd.s32 $0xFFFFFFF3, s28;
	s0 =	sand.u32 $0x3FFFFFF0, s0  }
0x626: {  	s25 =	smov.u32 @p1 s21;
	s29 =	smov.u32 @p1 s23;
	v10 =	vld [tilespmem:s0+$0x8000];
	s0 =	sld [smem:$0x7CC]  }
0x627: {  	s17 =	smov.u32 @p1 s5;
	s31 =	sshll.u32 s31, $0x4;
	s28 =	smov.u32 @p1 s15  }
0x628: {  	s5 =	sand.u32 $0x3FFFFFF0, s31;
	s17 =	sshll.u32 s17, $0x4;
	s28 =	sshll.u32 s28, $0x4  }
0x629: {  	v5 =	vld [tilespmem:s5+$0x8000];
	s21 =	sand.u32 $0x3FFFFFF0, s17;
	s3 =	smov.u32 @p1 s0;
	s0 =	sld [smem:$0x7CD]  }
0x62a: {  	s18 =	smov.u32 @p1 s12;
	s31 =	sshll.u32 s25, $0x4;
	s30 =	sand.u32 $0x3FFFFFF0, s28;
	v6 =	vld [tilespmem:s21+$0x8000]  }
0x62b: {  	s24 =	smov.u32 @p1 s10;
	s17 =	sand.u32 $0x3FFFFFF0, s31;
	v7 =	vld [tilespmem:s30+$0x8000];
	s21 =	sshll.u32 s29, $0x4  }
0x62c: {  	v8 =	vld [tilespmem:s17+$0x8000];
	s22 =	sand.u32 $0x3FFFFFF0, s21;
	s4 =	smov.u32 @p1 s0;
	s0 =	sld [smem:$0x7CE]  }
0x62d: {  	s23 =	sshll.u32 s18, $0x4;
	s28 =	sshll.u32 s24, $0x4;
	v9 =	vld [tilespmem:s22+$0x8000]  }
0x62e: {  	s19 =	smov.u32 @p1 s6;
	s25 =	sand.u32 $0x3FFFFFF0, s23;
	s29 =	sand.u32 $0x3FFFFFF0, s28  }
0x62f: {  	v11 =	vld [tilespmem:s25+$0x8000];
	s30 =	sshll.u32 s19, $0x4;
	v5 =	vadd.s32 v5, v6;
	s9 =	smov.u32 @p1 s0;
	s0 =	sld [smem:$0x7CB]  }
0x630: {  	s31 =	sand.u32 $0x3FFFFFF0, s30;
	s3 =	sshll.u32 s3, $0x4;
	v6 =	vld [tilespmem:s29+$0x8000];
	v5 =	vadd.s32 v5, v7;
	s6 =	sshll.u32 s4, $0x4  }
0x631: {  	s5 =	sand.u32 $0x3FFFFFF0, s3;
	v7 =	vld [tilespmem:s31+$0x8000];
	v5 =	vadd.s32 v5, v8;
	s10 =	sand.u32 $0x3FFFFFF0, s6;
	s12 =	sshll.u32 s9, $0x4  }
0x632: {  	v59 =	vld [tilespmem:s5+$0x8000];
	v5 =	vadd.s32 v5, v9;
	s15 =	sand.u32 $0x3FFFFFF0, s12;
	s20 =	smov.u32 @p1 s0;
	s0 =	rddreg [dreg:$0x1c]  }
0x633: {  	v60 =	vld [tilespmem:s10+$0x8000];
	v5 =	vadd.s32 v5, v10;
	s16 =	smov.u32 @p1 s0;
	s17 =	sshll.u32 s20, $0x4;
	s0 =	rddreg [dreg:$0x18]  }
0x634: {  	v5 =	vadd.s32 v5, v11;
	v61 =	vld [tilespmem:s15+$0x8000];
	s8 =	smov.u32 @p1 s0;
	s18 =	sand.u32 $0x3FFFFFF0, s17;
	s19 =	sshll.u32 s16, $0x4  }
0x635: {  	v5 =	vadd.s32 v5, v6;
	v62 =	vld [tilespmem:s18+$0x8000];
	s20 =	sand.u32 $0x3FFFFFF0, s19;
	s21 =	sshll.u32 s8, $0x4  }
0x636: {  	s2 =	sshll.u32 s2, $0x4;
	v5 =	vadd.s32 v5, v7;
	v6 =	vld [tilespmem:s20+$0x8000];
	s22 =	sand.u32 $0x3FFFFFF0, s21  }
0x637: {  	s23 =	sand.u32 $0x3FFFFFF0, s2;
	v5 =	vadd.s32 v5, v59;
	v7 =	vld [tilespmem:s22+$0x8000]  }
0x638: {  	v63 =	vld [tilespmem:s23+$0x8000];
	v5 =	vadd.s32 v5, v60  }
0x639: {  	v5 =	vadd.s32 v5, v61  }
0x63a: {  	v5 =	vadd.s32 v5, v62  }
0x63b: {  	v5 =	vadd.s32 v5, v6  }
0x63c: {  	v5 =	vadd.s32 v5, v7  }
0x63d: {  	v5 =	vadd.s32 v5, v63  }
0x63e: {  	(xrf0) =	vadd.scan.msk.s32 $0xffff, v5;
	_ =	sdelay $0x3  }
0x63f: {  	(v2sf) =	vpush v4, $0xF;
	_ =	sdelay $0x1  }
0x640: {  	v4, _, _ =	vpop (xrf0)  }
0x641: {  	(v2sf) =	vpush v4, $0xF;
	_ =	sdelay $0xb  }
0x642: {  	s25 =	rddreg [dreg:$0x10];
	s24 =	spop (v2sf)  }
0x643: {  	s8 =	sadd.s32 s26, s24;
	s19 =	rddreg [dreg:$0x12]  }
0x644: {  	s28 =	rddreg [dreg:$0x8];
	s0 =	sxor.u32 $0x1, s25;
	p2 =	slt.s32 s8, s19  }
0x645: {  	s4 =	sadd.s32 $0x1, s28;
	s0 =	simm.s32 @p2 $0x0;
	s26 =	spop (v2sf)  }
0x646: {  	s3 =	sor.u32 s25, s0;
	p2 =	seq.s32 s0, $0x0;
	s2 =	sadd.s32 s8, s26  }
0x647: {  	s0 =	sxor.u32 $0x1, s3;
	s3 =	rddreg [dreg:$0xc];
	p3 =	slt.s32 s2, s19  }
0x648: {  	s3 =	smov.u32 @p2 s1;
	s2 =	smov.u32 s4;
	s0 =	simm.s32 @p3 $0x0  }
0x649: {  	s2 =	smov.u32 @p2 s7;
	p2 =	seq.s32 s0, $0x0;
	s0 =	sadd.s32 $0x1, s4  }
0x64a: {  	s0 =	smov.u32 @p2 s2  }
0x64b: {  	s0 =	sshll.u32 s0, $0x4  }
0x64c: {  	s1 =	ssub.s32 $0x3FF, s0;
	s2 =	sadd.s32 $0x0, s0  }
0x64d: {  	s2 =	smov.u32 @p1 s1  }
0x64e: {  	s2 =	sshll.u32 s2, $0x4  }
0x64f: {  	s2 =	sand.u32 $0x3FFFFFF0, s2  }
0x650: {  	v4 =	vld [tilespmem:s2+$0x8000];
	_ =	sdelay $0x4  }
0x651: {  	(xrf0) =	vadd.scan.msk.s32 $0xffff, v4;
	_ =	sdelay $0x2  }
0x652: {  	s1 =	sadd.s32 $0xFFFFFFFF, s1;
	s2 =	sadd.s32 $0x1, s0  }
0x653: {  	s2 =	smov.u32 @p1 s1  }
0x654: {  	s8 =	smov.u32 @p2 s3;
	s2 =	sshll.u32 s2, $0x4  }
0x655: {  	s3 =	sadd.s32 $0x2, s0;
	s1 =	sadd.s32 $0xFFFFFFFF, s1;
	s2 =	sand.u32 $0x3FFFFFF0, s2;
	v4, _, _ =	vpop (xrf0)  }
0x656: {  	s3 =	smov.u32 @p1 s1;
	(v2sf) =	vpush v4, $0xF;
	v4 =	vld [tilespmem:s2+$0x8000]  }
0x657: {  	s3 =	sshll.u32 s3, $0x4  }
0x658: {  	s29 =	sand.u32 $0x3FFFFFF0, s3  }
0x659: {  	v5 =	vld [tilespmem:s29+$0x8000];
	_ =	sdelay $0x1  }
0x65a: {  	(xrf0) =	vadd.scan.msk.s32 $0xffff, v4;
	_ =	sdelay $0x2  }
0x65b: {  	(xrf0) =	vadd.scan.msk.s32 $0xffff, v5;
	_ =	sdelay $0x1  }
0x65c: {  	s1 =	sadd.s32 $0xFFFFFFFF, s1;
	s2 =	sadd.s32 $0x3, s0  }
0x65d: {  	s2 =	smov.u32 @p1 s1;
	v5, _, _ =	vpop (xrf0)  }
0x65e: {  	s2 =	sshll.u32 s2, $0x4;
	(v2sf) =	vpush v5, $0xF  }
0x65f: {  	s2 =	sand.u32 $0x3FFFFFF0, s2  }
0x660: {  	v4 =	vld [tilespmem:s2+$0x8000];
	v5, _, _ =	vpop (xrf0)  }
0x661: {  	s5 =	simm.s32 $0x0;
	s6 =	simm.s32 $0x1;
	s30 =	spop (v2sf);
	(v2sf) =	vpush v5, $0xF  }
0x662: {  	s10 =	simm.s32 $0x0;
	s15 =	simm.s32 $0x6;
	s18 =	sld [smem:$0x7D0]  }
0x663: {  	s4 =	simm.s32 $0x3;
	s9 =	sadd.s32 $0x4, s0;
	s7 =	sadd.s32 $0xFFFFFFFF, s1  }
0x664: {  	s3 =	simm.s32 $0x2;
	s9 =	smov.u32 @p1 s7;
	s12 =	sadd.s32 $0xFFFFFFFF, s7  }
0x665: {  	s7 =	simm.s32 $0x0;
	s9 =	sshll.u32 s9, $0x4;
	(xrf0) =	vadd.scan.msk.s32 $0xffff, v4;
	s8 =	sadd.s32 s8, s30  }
0x666: {  	s31 =	sand.u32 $0x3FFFFFF0, s9;
	s9 =	sxor.u32 $0x1, s5;
	p2 =	slt.s32 s8, s19  }
0x667: {  	s1 =	simm.s32 $0x5;
	s2 =	simm.s32 $0x4;
	v4 =	vld [tilespmem:s31+$0x8000];
	s9 =	simm.s32 @p2 $0x0  }
.LBB2_48:
0x668: {  	s16 =	smov.u32 s5;
	p2 =	sne.s32 s15, $0xF  }
0x669: {  	s5 =	sadd.s32 s1, s0;
	s10 =	sor.u32 s10, s9;
	s17 =	smov.u32 s2  }
0x66a: {  	s2 =	smov.u32 s1;
	s1 =	smov.u32 s15;
	s5 =	smov.u32 @p1 s12  }
0x66b: {  	p3 =	seq.s32 s9, $0x0;
	v5, _, _ =	vpop (xrf0);
	s9 =	sshll.u32 s5, $0x4;
	s5 =	smov.u32 s7  }
.Ltmp23:
0x66c: {  	(xrf0) =	vadd.scan.msk.s32 $0xffff, v4;
	(v2sf) =	vpush v5, $0xF;
	s5 =	smov.u32 @p3 s16;
	(pc) =	sbr.rel @p2 .LBB2_48-.Ltmp23, $4  }
0x66d: {  	s7 =	smov.u32 s6;
	s9 =	sand.u32 $0x3FFFFFF0, s9;
	s16 =	spop (v2sf)  }
0x66e: {  	s6 =	smov.u32 s3;
	s3 =	smov.u32 s4;
	v4 =	vld [tilespmem:s9+$0x8000];
	s8 =	sadd.s32 s8, s16  }
0x66f: {  	s4 =	smov.u32 s17;
	s9 =	sxor.u32 $0x1, s10;
	p3 =	slt.s32 s8, s19  }
0x670: {  	s15 =	sadd.s32 $0x1, s15;
	s12 =	sadd.s32 $0xFFFFFFFF, s12;
	s9 =	simm.s32 @p3 $0x0  }
0x671: {  	s15 =	sadd.s32 s1, s0  }
0x672: {  	s15 =	smov.u32 @p1 s12  }
0x673: {  	s12 =	sshll.u32 s15, $0x4  }
0x674: {  	s12 =	sand.u32 $0x3FFFFFF0, s12  }
0x675: {  	v5 =	vld [tilespmem:s12+$0x8000];
	_ =	sdelay $0x1  }
0x676: {  	(xrf0) =	vadd.scan.msk.s32 $0xffff, v4;
	_ =	sdelay $0x2  }
0x677: {  	v4, _, _ =	vpop (xrf0);
	(xrf0) =	vadd.scan.msk.s32 $0xffff, v5  }
0x678: {  	(v2sf) =	vpush v4, $0xF;
	_ =	sdelay $0x1  }
0x679: {  	v4, _, _ =	vpop (xrf0)  }
0x67a: {  	(v2sf) =	vpush v4, $0xF;
	_ =	sdelay $0x1  }
0x67b: {  	v4, _, _ =	vpop (xrf0)  }
0x67c: {  	(v2sf) =	vpush v4, $0xF;
	_ =	sdelay $0x2  }
0x67d: {  	s30 =	spop (v2sf)  }
0x67e: {  	s10 =	sor.u32 s10, s9;
	s8 =	sadd.s32 s8, s30  }
0x67f: {  	p2 =	slt.s32 s8, s19;
	s12 =	sxor.u32 $0x1, s10  }
0x680: {  	s12 =	simm.s32 @p2 $0x0;
	s31 =	spop (v2sf)  }
0x681: {  	s10 =	sor.u32 s10, s12;
	s8 =	sadd.s32 s8, s31  }
0x682: {  	s15 =	sxor.u32 $0x1, s10;
	p2 =	slt.s32 s8, s19  }
0x683: {  	s15 =	simm.s32 @p2 $0x0;
	s16 =	spop (v2sf)  }
0x684: {  	p2 =	seq.s32 s9, $0x0;
	s10 =	sor.u32 s10, s15;
	s8 =	sadd.s32 s8, s16  }
0x685: {  	s7 =	smov.u32 @p2 s5;
	s5 =	sxor.u32 $0x1, s10;
	p2 =	slt.s32 s8, s19  }
0x686: {  	s22 =	sld [smem:$0x7CF];
	s5 =	simm.s32 @p2 $0x0;
	s17 =	spop (v2sf)  }
0x687: {  	p2 =	seq.s32 s12, $0x0;
	s9 =	sor.u32 s10, s5;
	s8 =	sadd.s32 s8, s17  }
0x688: {  	s6 =	smov.u32 @p2 s7;
	s7 =	sxor.u32 $0x1, s9;
	p2 =	slt.s32 s8, s19  }
0x689: {  	p3 =	seq.s32 s15, $0x0;
	s7 =	simm.s32 @p2 $0x0;
	s20 =	spop (v2sf)  }
0x68a: {  	s3 =	smov.u32 @p3 s6;
	s21 =	sor.u32 s9, s7;
	s8 =	sadd.s32 s8, s20  }
0x68b: {  	p2 =	seq.s32 s5, $0x0;
	s5 =	sxor.u32 $0x1, s21;
	p3 =	slt.s32 s8, s19  }
0x68c: {  	s4 =	smov.u32 @p2 s3;
	p2 =	seq.s32 s7, $0x0;
	s5 =	simm.s32 @p3 $0x0  }
0x68d: {  	s23 =	sld [smem:$0x7D7];
	s2 =	smov.u32 @p2 s4;
	p2 =	seq.s32 s5, $0x0  }
0x68e: {  	s1 =	smov.u32 @p2 s2;
	s2 =	sadd.s32 s22, s18  }
0x68f: {  	s24 =	sld [smem:$0x7D8];
	s3 =	sxor.u32 $0x3FF, s2;
	s0 =	sadd.s32 s0, s1  }
0x690: {  	s2 =	smov.u32 @p0 s3;
	s1 =	sxor.u32 $0x3FF, s0;
	s3 =	sshll.u32 s23, $0xA  }
0x691: {  	s0 =	smov.u32 @p1 s1;
	s1 =	sor.u32 s3, s2  }
0x692: {  	s2 =	sshll.u32 s24, $0xA;
	p0 =	slt.s32 s3, $0x0;
	s4 =	sxor.u32 $0x7FFFFFFF, s1  }
0x693: {  	s0 =	sor.u32 s2, s0;
	s1 =	smov.u32 @p0 s4  }
0x694: {  	s3 =	sxor.u32 $0x7FFFFFFF, s0;
	p0 =	slt.s32 s2, $0x0;
	v4 =	vmov s1  }
0x695: {  	s26 =	sld [smem:$0x7F9];
	s0 =	smov.u32 @p0 s3;
	v4 =	vnsel vm0, $0x0, v4  }
0x696: {  	v4 =	vsel vm1, s0, v4  }
0x697: {  	s25 =	simm.s32 $0x0;
	s28 =	simm.s32 $0x1C000;
	s29 =	simm.s32 $0x3;
	[tilespmem:$0x1C000] =	vst v4  }
0x698: {  	[hbm4b:s26+s25] =	stream.linear.scatter [tilespmem:s28], [sflag:$0x3], $0x10, $0x38;
	[tilespmem:$0x1C010] =	vst v63  }
0x699: {  	_ =	swait.ge [sflag:s29], $0x10  }
0x69a: {  	s30 =	sld [smem:$0x7F7]  }
0x69b: {  	s31 =	sld [smem:$0x7FA];
	_ =	sdelay $0x1  }
0x69c: {  	s2 =	sadd.s32 $0x1, s30  }
0x69d: {  	p0 =	sne.s32 s2, s31  }
.Ltmp24:
0x69e: {  	_ = 	snop;
	(pc) =	sbr.rel @p0 .LBB2_1-.Ltmp24, $4  }
0x69f: {  	_ = 	snop  }
0x6a0: {  	s6 =	simm.s32 $0x2000;
	s4 =	sld [smem:$0x7FB]  }
0x6a1: {  	s7 =	simm.s32 $0x1;
	[sflag:s29] =	ssyncset.done $0x0;
	s5 =	sld [smem:$0x7FC]  }
0x6a2: {  	s8 =	simm.s32 $0x2;
	s3 =	sld [smem:$0x7FD];
	[sflag:s29] =	ssyncadd.s32 $0xFFFFFFF0  }
0x6a3: {  	_ =	sfence.sel $0x180000  }
0x6a4: {  	[bflag:$0x0] =	sbarrier.arrive $0xFFFF  }
0x6a5: {  	_ =	strace $0x9000004A  }
0x6a6: {  	s0 =	stileid.u32;
	[bflag:$0x2] =	sbarrier.arrive $0xFFFF  }
0x6a7: {  	p0 =	sne.s32 s0, $0x0;
	s0 =	rddreg [dreg:$0x2]  }
0x6a8: {  	s0 =	sadd.s32 @!p0 $0x100000, s0  }
0x6a9: {  	[sflag:s0] =	ssyncadd.tile.s32 @!p0 $0x1;
	_ =	shalt  }
.Lfunc_end2:
_tile_overlayer_lowered:
.L_overlay_start_2:
0x6aa: {  	(tag) =	ssettag $0x2  }
0x6ab: {  	s0 =	rddreg [dreg:$0x0];
	s2 =	stileid.u32  }
0x6ac: {  	s1 =	rddreg [dreg:$0x1];
	p0 =	sne.s32 s2, $0x0  }
0x6ad: {  	s3 =	rddreg [dreg:$0x2];
	[bflag:$0x3] =	sbarrier.arrive $0xFFFF;
	s2 =	simm.s32 @!p0 $0x1C03  }
0x6ae: {  	[timem:s3], [sflag:s2] =	dma.local @!p0 [hbm:s0], s1  }
0x6af: {  	s0 =	simm.s32 @!p0 $0x3  }
0x6b0: {  	_ =	swait.ge @!p0 [sflag:s0], s1  }
0x6b1: {  	s1 =	ssub.s32 @!p0 $0x0, s1;
	[sflag:s0] =	ssyncset.done @!p0 $0x0  }
0x6b2: {  	[sflag:s0] =	ssyncadd.s32 @!p0 s1  }
0x6b3: {  	[bflag:$0x3] =	sbarrier.arrive $0xFFFF  }
0x6b4: {  	_ =	shalt  }

// kernel: sparse-core-data-format-call.cloned.1.call-start
scs
called_computation_lowered:
.L_overlay_start_0:
0x0: {  	s2 =	sld [smem:$0x3FD9]  }
0x1: {  	s3 =	sld [smem:$0x3FFE];
	_ =	sdelay $0x1  }
0x2: {  	s1 =	srdreg.scid  }
0x3: {  	s0 =	sand.u32 $0x1, s1  }
0x4: {  	s18 =	sshll.u32 s0, $0xA;
	s2 =	sadd.s32 s3, s2  }
0x5: {  	s2 =	sadd.s32 s2, s18  }
0x6: {  	[smem:$0x3FC7] =	sst s2  }
0x7: {  	_ = 	snop  }
0x8: {  	s2 =	sld [smem:$0x3FD0];
	(tm) =	ssettm $0x1  }
0x9: {  	s19 =	sld [smem:$0x3FFB];
	_ =	sdelay $0x3  }
0xa: {  	_ =	strace s19  }
0xb: {  	s3 =	sld [smem:$0x3FFC];
	_ =	sdelay $0x3  }
0xc: {  	_ =	strace s3  }
0xd: {  	s3 =	sld [smem:$0x3FFD];
	_ =	sdelay $0x3  }
0xe: {  	_ =	strace s3  }
0xf: {  	_ =	strace $0x8FFFFFFF  }
0x10: {  	s20 =	sld [smem:$0x3FDB];
	_ =	sdelay $0x1  }
0x11: {  	s4 =	simm.s32 $_scs_section_size  }
0x12: {  	s5 =	simm.s32 $_size__tile_overlayer_lowered;
	s6 =	simm.s32 $_tile_overlayer_lowered  }
0x13: {  	s23 =	simm.s32 $0x1BFF;
	s22 =	sshll.u32 s6, $0x1;
	s3 =	sadd.s32 s4, s20  }
0x14: {  	s7 =	simm.s32 $0x0;
	s21 =	sshll.u32 s5, $0x1;
	s5 =	sadd.s32 s22, s3  }
0x15: {  	[timem:s7], [sflag:s23] =	dma.local [hbm:s5], s21  }
0x16: {  	_ =	swait.ge [sflag:s23], s21  }
0x17: {  	s4 =	ssub.s32 $0x0, s21;
	[sflag:s23] =	ssyncset.done $0x0  }
0x18: {  	[sflag:s23] =	ssyncadd.s32 s4;
	_ =	sdelay $0x1  }
0x19: {  	s24 =	simm.s32 $0x1B8B  }
0x1a: {  	_ =	swait.ge [sflag:s24], $0x1  }
0x1b: {  	[sflag:s24] =	ssyncset.done $0x0  }
0x1c: {  	s26 =	simm.s32 $0x1B8E;
	s25 =	sld [smem:$0x3FFE];
	[sflag:s24] =	ssyncadd.s32 $0xFFFFFFFF  }
0x1d: {  	s27 =	simm.s32 $execute0_lowered;
	[smem:$0x3FD2] =	sst s26  }
0x1e: {  	s5 =	sshll.u32 s27, $0x1;
	_ =	strace $0x80000046;
	[dreg:$0x1] =	wrdreg $0xFFFFFFFF  }
0x1f: {  	s28 =	simm.s32 $_size_execute0_lowered;
	s3 =	sadd.s32 s3, s5;
	[dreg:$0x0] =	wrdreg $0x0  }
0x20: {  	s5 =	sshll.u32 s28, $0x1;
	[dreg:$0x2] =	wrdreg s3  }
0x21: {  	[dreg:$0x3] =	wrdreg s5  }
0x22: {  	[dreg:$0x4] =	wrdreg $0xC0  }
0x23: {  	_ =	task [dreg:s7], $0x5FFFF  }
0x24: {  	[dreg:$0x1] =	wrdreg $0xFFFFFFFF  }
0x25: {  	[dreg:$0x0] =	wrdreg $0x60  }
0x26: {  	[dreg:$0x2] =	wrdreg s2  }
0x27: {  	[dreg:$0x3] =	wrdreg s25  }
0x28: {  	[dreg:$0x4] =	wrdreg $0x9  }
0x29: {  	_ =	task.clear_ibuf [dreg:s7], $0x5FFFF;
	_ =	strace $0x90000046  }
0x2a: {  	s29 =	simm.s32 $0x9;
	_ =	strace $0x80000048  }
0x2b: {  	_ =	swait.ge [sflag:s29], $0x1  }
0x2c: {  	[sflag:s29] =	ssyncadd.s32 $0xFFFFFFFF  }
0x2d: {  	_ =	strace $0x90000048  }
0x2e: {  	_ =	sfence  }
0x2f: {  	s30 =	sld [smem:$0x0];
	_ =	sdelay $0x2  }
0x30: {  	s31 =	sshll.u32 s1, $0xD;
	s1 =	sshrl.u32 s1, $0x2  }
0x31: {  	s3 =	sand.u32 $0x4000, s31;
	s1 =	sadd.s32 s1, s30  }
0x32: {  	s0 =	sor.u32 s3, s0;
	s1 =	sshll.u32 s1, $0x11  }
0x33: {  	s0 =	sor.u32 s1, s0  }
0x34: {  	s0 =	sadd.s32 $0x8F2B, s0  }
0x35: {  	[sflag:s0] =	ssyncadd.remote.s32 $0x1  }
0x36: {  	_ =	sfence.sel $0xFFFF  }
0x37: {  	[dreg:$0x0] =	wrdreg $0xFFFFFFFF;
	(pc) =	sbr.abs _section_cstart, $3  }
0x38: {  	[dreg:$0x1] =	wrdreg $0xFFFFFFFF  }
0x39: {  	_ =	task.clear_ibuf [dreg:s7], $0x2FFFF;
	_ =	strace $0x9FFFFFFF  }
0x3a: {  	(tm) =	ssettm $0x7FFFFFFF  }
0x3b: {  	_ =	shalt  }
tec
execute0_lowered:
.L_overlay_start_1:
0x0: {  	(tag) =	ssettag $0x1  }
0x1: {  	s0 =	srdreg.scid  }
0x2: {  	s1 =	sshll.u32 s0, $0x4  }
0x3: {  	s2 =	rddreg [dreg:$0x0];
	s0 =	stileid.u32;
	s1 =	sand.u32 $0x10, s1  }
0x4: {  	s4 =	rddreg [dreg:$0x1];
	s7 =	simm.s32 $0x1;
	s1 =	sor.u32 s0, s1  }
0x5: {  	s8 =	simm.s32 $0x2;
	s9 =	simm.s32 $0x0;
	s3 =	sshll.u32 s1, $0x2  }
0x6: {  	s12 =	simm.s32 $0x0;
	s11 =	simm.s32 $0x0;
	s6 =	ssub.s32 $0x800, s3  }
.Ltmp0:
0x7: {  	s4 =	sadd.s32 $0x800, s4;
	s5 =	sand.u32 $0x7C, s6;
	(pc) =	sbr.rel .LBB1_1-.Ltmp0, $4  }
0x8: {  	s1 =	rddreg [dreg:$0x2];
	_ =	strace $0x80000047;
	p0 =	sne.s32 s5, $0x0  }
0x9: {  	s6 =	sshrl.u32 s6, $0x7;
	s5 =	simm.s32 $0x1;
	s7 =	simm.s32 @!p0 $0x0  }
0xa: {  	s10 =	smov.u32 s3;
	[sflag:s5] =	ssyncpa.u1 $0x0;
	s6 =	sadd.s32 s7, s6  }
0xb: {  	[sflag:s8] =	ssyncpa.u1 $0x0;
	s8 =	simm.s32 $0x0;
	s7 =	sadd.s32 $0x1, s6  }
.LBB1_9:
0xc: {  	s14 =	sadd.s32 $0x80, s10  }
0xd: {  	p1 =	sgt.s32 s14, $0x7FF  }
0xe: {  	s14 =	smov.u32 @p1 s3;
	p1 =	sne.s32 s11, s7  }
.Ltmp1:
0xf: {  	p0 =	slt.u32 s11, $0x2;
	(pc) =	sbr.rel @!p1 .LBB1_10-.Ltmp1, $4  }
0x10: {  	s13 =	simm.s32 @!p0 $0x2  }
0x11: {  	s15 =	sadd.s32 $0x1, s11;
	_ =	swait.ge @!p0 [sflag:s13], $0x4000  }
0x12: {  	s12 =	smov.u32 s10;
	s9 =	sadd.s32 $0x4000, s9;
	[sflag:s13] =	ssyncset.done @!p0 $0x0  }
0x13: {  	s11 =	smov.u32 s15;
	s10 =	smov.u32 s14;
	[sflag:s13] =	ssyncadd.s32 @!p0 $0xFFFFC000  }
.LBB1_1:
0x14: {  	p0 =	sge.u32 s11, s6  }
0x15: {  	s13 =	sxor.u32 @!p0 $0xFFFFFFFF, s11  }
0x16: {  	s31 =	sadd.s32 $0xFFFFFFFF, s11;
	s14 =	sshll.u32 @!p0 s10, $0x9;
	s13 =	sshll.u32 @!p0 s13, $0xE  }
0x17: {  	s15 =	simm.s32 @!p0 $0x0;
	s14 =	sadd.s32 @!p0 s2, s14;
	s13 =	sand.u32 @!p0 $0x4000, s13  }
0x18: {  	[tilespmem:s13], [sflag:$0x1] =	stream.linear.gather @!p0 [hbm4b:s14+s15], $0x4000, $0x38;
	[tilespmem:$0x10000] =	vst v63  }
0x19: {  	p0 =	sge.u32 s31, s6  }
.Ltmp2:
0x1a: {  	_ = 	snop;
	(pc) =	sbr.rel @p0 .LBB1_9-.Ltmp2, $1  }
0x1b: {  	_ =	sdelay $0x3  }
0x1c: {  	s14 =	sand.u32 $0x4000, s9  }
0x1d: {  	_ =	swait.ge [sflag:s5], $0x4000;
	s15 =	sshll.u32 s11, $0xE;
	s16 =	simm.s32 $0x0  }
0x1e: {  	s13 =	sor.u32 $0x40, s14;
	[sflag:s5] =	ssyncset.done $0x0;
	s15 =	sand.u32 $0x4000, s15  }
0x1f: {  	s14 =	sor.u32 $0x8040, s14;
	[sflag:s5] =	ssyncadd.s32 $0xFFFFC000;
	s15 =	sor.u32 $0x8000, s15  }
.LBB1_3:
0x20: {  	s17 =	smov.u32 s14;
	s18 =	smov.u32 s13;
	s19 =	simm.s32 $0x0  }
.LBB1_4:
0x21: {  	v0 =	vmov s17;
	v2 =	vld [tilespmem:s18+$0x30]  }
0x22: {  	v4 =	vld [tilespmem:s18+$0xFFFFFFD0]  }
0x23: {  	v6 =	vld [tilespmem:s18+$0xFFFFFFE0]  }
0x24: {  	v7 =	vld [tilespmem:s18+$0xFFFFFFF0]  }
0x25: {  	s20 =	simm.s32 $0x0;
	v1 =	vld [tilespmem:s18+$0x0]  }
0x26: {  	v3 =	vld [tilespmem:s18+$0x10];
	[tilespmem:v0+s20+$0x30 ss:$0x1] =	vst.idx.msk $0xffff, v2  }
0x27: {  	v5 =	vld [tilespmem:s18+$0x20];
	[tilespmem:v0+s20+$0xFFFFFFD0 ss:$0x1] =	vst.idx.msk $0xffff, v4  }
0x28: {  	s21 =	sadd.s32 $0x80, s18;
	v2 =	vld [tilespmem:s18+$0xFFFFFFC0];
	[tilespmem:v0+s20+$0xFFFFFFE0 ss:$0x1] =	vst.idx.msk $0xffff, v6  }
0x29: {  	s22 =	simm.s32 $0x800;
	s23 =	simm.s32 $0x1000;
	v4 =	vld [tilespmem:s21+$0x30];
	[tilespmem:v0+s20+$0xFFFFFFF0 ss:$0x1] =	vst.idx.msk $0xffff, v7  }
.LBB1_5:
0x2a: {  	p0 =	sne.s32 s23, $0x3800;
	v6 =	vld [tilespmem:s21+$0xFFFFFFD0];
	[tilespmem:v0+s20+$0x0 ss:$0x1] =	vst.idx.msk $0xffff, v1  }
0x2b: {  	v7 =	vld [tilespmem:s21+$0xFFFFFFE0];
	[tilespmem:v0+s20+$0x10 ss:$0x1] =	vst.idx.msk $0xffff, v3  }
0x2c: {  	v8 =	vld [tilespmem:s21+$0xFFFFFFF0];
	[tilespmem:v0+s20+$0x20 ss:$0x1] =	vst.idx.msk $0xffff, v5  }
.Ltmp3:
0x2d: {  	v1 =	vld [tilespmem:s21+$0x0];
	[tilespmem:v0+s20+$0xFFFFFFC0 ss:$0x1] =	vst.idx.msk $0xffff, v2;
	s20 =	sshra.s32 s22, $0x2;
	s22 =	smov.u32 s23;
	(pc) =	sbr.rel @p0 .LBB1_5-.Ltmp3, $4  }
0x2e: {  	v3 =	vld [tilespmem:s21+$0x10];
	[tilespmem:v0+s20+$0x30 ss:$0x1] =	vst.idx.msk $0xffff, v4  }
0x2f: {  	[tilespmem:v0+s20+$0xFFFFFFD0 ss:$0x1] =	vst.idx.msk $0xffff, v6;
	v5 =	vld [tilespmem:s21+$0x20]  }
0x30: {  	v2 =	vld [tilespmem:s21+$0xFFFFFFC0];
	[tilespmem:v0+s20+$0xFFFFFFE0 ss:$0x1] =	vst.idx.msk $0xffff, v7;
	s21 =	sadd.s32 $0x80, s21  }
0x31: {  	s23 =	sadd.s32 $0x800, s23;
	v4 =	vld [tilespmem:s21+$0x30];
	[tilespmem:v0+s20+$0xFFFFFFF0 ss:$0x1] =	vst.idx.msk $0xffff, v8  }
0x32: {  	_ =	sdelay $0x3  }
0x33: {  	v6 =	vld [tilespmem:s21+$0xFFFFFFD0];
	[tilespmem:v0+s20+$0x0 ss:$0x1] =	vst.idx.msk $0xffff, v1  }
0x34: {  	v58 =	vld [tilespmem:s21+$0xFFFFFFE0];
	[tilespmem:v0+s20+$0x10 ss:$0x1] =	vst.idx.msk $0xffff, v3  }
0x35: {  	v59 =	vld [tilespmem:s21+$0xFFFFFFF0];
	[tilespmem:v0+s20+$0x20 ss:$0x1] =	vst.idx.msk $0xffff, v5  }
0x36: {  	s22 =	sshra.s32 s22, $0x2;
	v60 =	vld [tilespmem:s21+$0x0];
	[tilespmem:v0+s20+$0xFFFFFFC0 ss:$0x1] =	vst.idx.msk $0xffff, v2  }
0x37: {  	v61 =	vld [tilespmem:s21+$0x10];
	[tilespmem:v0+s22+$0x30 ss:$0x1] =	vst.idx.msk $0xffff, v4  }
0x38: {  	v62 =	vld [tilespmem:s21+$0x20];
	s19 =	sadd.s32 $0x1, s19;
	[tilespmem:v0+s22+$0xFFFFFFD0 ss:$0x1] =	vst.idx.msk $0xffff, v6  }
0x39: {  	v63 =	vld [tilespmem:s21+$0xFFFFFFC0];
	p0 =	sne.s32 s19, $0x4;
	[tilespmem:v0+s22+$0xFFFFFFE0 ss:$0x1] =	vst.idx.msk $0xffff, v58  }
.Ltmp4:
0x3a: {  	[tilespmem:v0+s22+$0xFFFFFFF0 ss:$0x1] =	vst.idx.msk $0xffff, v59;
	(pc) =	sbr.rel @p0 .LBB1_4-.Ltmp4, $4  }
0x3b: {  	[tilespmem:v0+s22+$0x0 ss:$0x1] =	vst.idx.msk $0xffff, v60  }
0x3c: {  	[tilespmem:v0+s22+$0x10 ss:$0x1] =	vst.idx.msk $0xffff, v61  }
0x3d: {  	[tilespmem:v0+s22+$0x20 ss:$0x1] =	vst.idx.msk $0xffff, v62  }
0x3e: {  	s18 =	sadd.s32 $0x400, s18;
	s17 =	sadd.s32 $0x80, s17;
	[tilespmem:v0+s22+$0xFFFFFFC0 ss:$0x1] =	vst.idx.msk $0xffff, v63  }
0x3f: {  	s16 =	sadd.s32 $0x1, s16  }
0x40: {  	p0 =	sne.s32 s16, $0x4  }
.Ltmp5:
0x41: {  	_ = 	snop;
	(pc) =	sbr.rel @p0 .LBB1_3-.Ltmp5, $2  }
0x42: {  	_ =	sdelay $0x2  }
0x43: {  	s13 =	sadd.s32 $0x1000, s13;
	s14 =	sadd.s32 $0x1000, s14  }
.Ltmp6:
0x44: {  	(pc) =	sbr.rel .LBB1_9-.Ltmp6, $4  }
0x45: {  	_ = 	snop  }
0x46: {  	s12 =	sshll.u32 s12, $0x9  }
0x47: {  	s12 =	sadd.s32 s4, s12  }
0x48: {  	[hbm4b:s12+s8] =	stream.linear.scatter [tilespmem:s15], [sflag:$0x2], $0x4000, $0x38;
	[tilespmem:$0x10000] =	vst v63  }
.LBB1_10:
0x49: {  	_ =	sfence.sel $0x180000  }
0x4a: {  	s2 =	simm.s32 $0x1;
	[bflag:$0x0] =	sbarrier.arrive $0xFFFF  }
0x4b: {  	s31 =	simm.s32 $0x2;
	[sflag:s2] =	ssyncpa.u1 $0x1  }
0x4c: {  	[sflag:s31] =	ssyncpa.u1 $0x1  }
0x4d: {  	p0 =	sne.s32 s0, $0x0;
	_ =	strace $0x90000047  }
0x4e: {  	s0 =	sadd.s32 @!p0 $0x100000, s1;
	[bflag:$0x2] =	sbarrier.arrive $0xFFFF  }
0x4f: {  	[sflag:s0] =	ssyncadd.tile.s32 @!p0 $0x1;
	_ =	shalt  }
.Lfunc_end1:
_tile_overlayer_lowered:
.L_overlay_start_2:
0x50: {  	(tag) =	ssettag $0x2  }
0x51: {  	s0 =	rddreg [dreg:$0x0];
	s2 =	stileid.u32  }
0x52: {  	s1 =	rddreg [dreg:$0x1];
	p0 =	sne.s32 s2, $0x0  }
0x53: {  	s3 =	rddreg [dreg:$0x2];
	[bflag:$0x3] =	sbarrier.arrive $0xFFFF;
	s2 =	simm.s32 @!p0 $0x1C01  }
0x54: {  	[timem:s3], [sflag:s2] =	dma.local @!p0 [hbm:s0], s1  }
0x55: {  	s0 =	simm.s32 @!p0 $0x1  }
0x56: {  	_ =	swait.ge @!p0 [sflag:s0], s1  }
0x57: {  	s1 =	ssub.s32 @!p0 $0x0, s1;
	[sflag:s0] =	ssyncset.done @!p0 $0x0  }
0x58: {  	[sflag:s0] =	ssyncadd.s32 @!p0 s1  }
0x59: {  	[bflag:$0x3] =	sbarrier.arrive $0xFFFF  }
0x5a: {  	_ =	shalt  }

</sc_bundles>
